<compile_context>
chip_gen: v7x
topology: tpu7x:2x2x1
jax: 0.10.2.dev20260603
libtpu: 0.0.44.dev20260713+nightly
codegen_flags: <defaults>
</compile_context>

<pallas_src>
import jax
import jax.numpy as jnp
from jax import lax
from jax.experimental import pallas as pl
from jax.experimental.pallas import tpu as pltpu
from jax.experimental.pallas import tpu_sc as plsc

N = 50000
E = 800000
VOCAB = 100000
D_EMB = 64
D_HID = 128
D_OUT = 64

NC = 2
NS = 16
NW = NC * NS

NPAD = 53248
PT_N = NPAD // NW
HALF = NPAD // NC
ACC_ROWS = HALF + 16
STRIPE = ACC_ROWS // NS

EPAD = 802816
PT_E_DEG = EPAD // NW
PT_E = EPAD // NS

_MESH = dict(core_axis_name="c", subcore_axis_name="s", num_cores=NC,
             num_subcores=NS)


DEG_ROWS = NPAD + 128
DEG_STRIPE = DEG_ROWS // NS


def _sc_gather_deg(xp_hbm, table_hbm, dst_hbm, h_out, deg_out,
                   xidxb, rows_v, dstrows, idxrows, ones_v, zb_v, deg_sh,
                   semg0, semg1, semw0, semw1, sems):
  semg = (semg0, semg1)
  semw = (semw0, semw1)
  c = lax.axis_index("c")
  s = lax.axis_index("s")
  wid = s * NC + c

  zeros16 = jnp.zeros((16,), jnp.float32)
  ones16 = jnp.ones((16,), jnp.float32)
  def _zero(i, _):
    zb_v[pl.ds(i * 16, 16)] = zeros16
    return 0
  lax.fori_loop(0, 1024 // 16, _zero, 0)
  for j in range(8):
    ones_v[pl.ds(j * 16, 16)] = ones16
  for off, sz in ((0, 1024), (1024, 1024), (2048, 1024), (3072, 264)):
    pltpu.sync_copy(zb_v.at[pl.ds(0, sz)],
                    deg_sh.at[pl.ds(s * DEG_STRIPE + off, sz)])
  plsc.subcore_barrier()

  base_n = wid * PT_N
  NCH = PT_N // 128
  pltpu.sync_copy(xp_hbm.at[pl.ds(wid * NCH, NCH)], xidxb)
  gd = {0: pltpu.async_copy(table_hbm.at[xidxb.at[0]], rows_v.at[0], semg[0])}
  wd = {}
  for j in range(NCH):
    gd[j].wait()
    if j >= 1:
      wd[j - 1].wait()
    if j + 1 < NCH:
      gd[j + 1] = pltpu.async_copy(table_hbm.at[xidxb.at[j + 1]],
                                   rows_v.at[(j + 1) % 2], semg[(j + 1) % 2])
    wd[j] = pltpu.async_copy(rows_v.at[j % 2],
                             h_out.at[pl.ds(base_n + j * 128, 128)],
                             semw[j % 2])
  wd[NCH - 1].wait()

  NR = PT_E_DEG // 128
  pltpu.sync_copy(dst_hbm.at[pl.ds(wid * NR, NR)], dstrows)
  def _idx(i, _):
    r = i // 8
    k = i % 8
    d = dstrows[r, pl.ds(k * 16, 16)]
    idxrows[r, pl.ds(k * 16, 16)] = jnp.where(d >= 0, d, NPAD)
    return 0
  lax.fori_loop(0, NR * 8, _idx, 0)
  def _fire(b, _):
    ds_ = [pltpu.async_copy(ones_v, deg_sh.at[idxrows.at[b * 14 + j]],
                            sems, add=True) for j in range(14)]
    for dsc in ds_:
      dsc.wait()
    return 0
  lax.fori_loop(0, NR // 14, _fire, 0)
  plsc.subcore_barrier()

  dbase = s * (NPAD // NS)
  for off in (0, 1024, 2048):
    sz = 1024 if off < 2048 else NPAD // NS - 2048
    pltpu.sync_copy(deg_sh.at[pl.ds(dbase + off, sz)], zb_v.at[pl.ds(0, sz)])
    pltpu.sync_copy(zb_v.at[pl.ds(0, sz)],
                    deg_out.at[c].at[pl.ds(dbase + off, sz)])


_gather_deg = pl.kernel(
    _sc_gather_deg,
    out_type=(jax.ShapeDtypeStruct((NPAD, D_EMB), jnp.float32),
              jax.ShapeDtypeStruct((NC, NPAD), jnp.float32)),
    mesh=plsc.VectorSubcoreMesh(**_MESH),
    scratch_types=[
        pltpu.VMEM((13, 128), jnp.int32),
        pltpu.VMEM((2, 128, D_EMB), jnp.float32),
        pltpu.VMEM((196, 128), jnp.int32),
        pltpu.VMEM((196, 128), jnp.int32),
        pltpu.VMEM((128,), jnp.float32),
        pltpu.VMEM((1024,), jnp.float32),
        pltpu.VMEM_SHARED((DEG_ROWS,), jnp.float32),
        pltpu.SemaphoreType.DMA,
        pltpu.SemaphoreType.DMA,
        pltpu.SemaphoreType.DMA,
        pltpu.SemaphoreType.DMA,
        pltpu.SemaphoreType.DMA,
    ],
    compiler_params=pltpu.CompilerParams(use_tc_tiling_on_sc=False),
)


_BK = 4096
_GB = NPAD // _BK


def _tc_prep(degT_ref, h_ref, dinv_ref, ht_ref):
  deg = jnp.sum(degT_ref[...], axis=1, keepdims=True) + 1.0
  dinv = lax.rsqrt(deg)
  dinv_ref[...] = dinv
  ht_ref[...] = h_ref[...] * dinv


_prep = pl.pallas_call(
    _tc_prep,
    grid=(_GB,),
    in_specs=[
        pl.BlockSpec((_BK, NC), lambda g: (g, 0)),
        pl.BlockSpec((_BK, D_EMB), lambda g: (g, 0)),
    ],
    out_specs=[
        pl.BlockSpec((_BK, 1), lambda g: (g, 0)),
        pl.BlockSpec((_BK, D_EMB), lambda g: (g, 0)),
    ],
    out_shape=[
        jax.ShapeDtypeStruct((NPAD, 1), jnp.float32),
        jax.ShapeDtypeStruct((NPAD, D_EMB), jnp.float32),
    ],
)


def _sc_edges(ht_hbm, src_hbm, dst_hbm, acc_out,
              srcb, dstb, idxb, rows_v, acc_sh,
              semg0, semg1, sems0, sems1):
  semg = (semg0, semg1)
  sems = (sems0, sems1)
  c = lax.axis_index("c")
  s = lax.axis_index("s")
  base_node = c * HALF

  zeros16 = jnp.zeros((16,), jnp.float32)
  def _zero(i, _):
    r = i // 4
    col = i % 4
    rows_v[0, r, pl.ds(col * 16, 16)] = zeros16
    return 0
  lax.fori_loop(0, 128 * 4, _zero, 0)
  def _zcopy(k, _):
    pltpu.sync_copy(rows_v.at[0],
                    acc_sh.at[pl.ds(s * STRIPE + k * 128, 128)])
    return 0
  lax.fori_loop(0, 13, _zcopy, 0)
  pltpu.sync_copy(rows_v.at[0].at[pl.ds(0, 1)],
                  acc_sh.at[pl.ds(s * STRIPE + 1664, 1)])
  plsc.subcore_barrier()

  BLK = 14
  base_row = s * (PT_E // 128)
  def _edge(b, _):
    row0 = base_row + b * BLK
    pltpu.sync_copy(src_hbm.at[pl.ds(row0, BLK)], srcb)
    gd = {0: pltpu.async_copy(ht_hbm.at[srcb.at[0]], rows_v.at[0], semg[0])}
    pltpu.sync_copy(dst_hbm.at[pl.ds(row0, BLK)], dstb)
    def _idx(i, _):
      r = i // 8
      k = i % 8
      d = dstb[r, pl.ds(k * 16, 16)]
      loc = d - base_node
      ok = (loc >= 0) & (loc < HALF)
      idxb[r, pl.ds(k * 16, 16)] = jnp.where(ok, loc, HALF)
      return 0
    lax.fori_loop(0, BLK * 8, _idx, 0)
    sd = {}
    for j in range(BLK):
      gd[j].wait()
      if j >= 1:
        sd[j - 1].wait()
      if j + 1 < BLK:
        gd[j + 1] = pltpu.async_copy(ht_hbm.at[srcb.at[j + 1]],
                                     rows_v.at[(j + 1) % 2],
                                     semg[(j + 1) % 2])
      sd[j] = pltpu.async_copy(rows_v.at[j % 2], acc_sh.at[idxb.at[j]],
                               sems[j % 2], add=True)
    sd[BLK - 1].wait()
    return 0
  lax.fori_loop(0, PT_E // 128 // BLK, _edge, 0)
  plsc.subcore_barrier()

  out_base = c * HALF + s * (HALF // NS)
  sp_base = s * (HALF // NS)
  def _wb(k, _):
    pltpu.sync_copy(acc_sh.at[pl.ds(sp_base + k * 128, 128)], rows_v.at[0])
    pltpu.sync_copy(rows_v.at[0],
                    acc_out.at[pl.ds(out_base + k * 128, 128)])
    return 0
  lax.fori_loop(0, 13, _wb, 0)


_edges = pl.kernel(
    _sc_edges,
    out_type=jax.ShapeDtypeStruct((NPAD, D_EMB), jnp.float32),
    mesh=plsc.VectorSubcoreMesh(**_MESH),
    scratch_types=[
        pltpu.VMEM((14, 128), jnp.int32),
        pltpu.VMEM((14, 128), jnp.int32),
        pltpu.VMEM((14, 128), jnp.int32),
        pltpu.VMEM((2, 128, D_EMB), jnp.float32),
        pltpu.VMEM_SHARED((ACC_ROWS, D_EMB), jnp.float32),
        pltpu.SemaphoreType.DMA,
        pltpu.SemaphoreType.DMA,
        pltpu.SemaphoreType.DMA,
        pltpu.SemaphoreType.DMA,
    ],
    compiler_params=pltpu.CompilerParams(use_tc_tiling_on_sc=False),
)


def _tc_final(acc_ref, ht_ref, dinv_ref, wg_ref, bg_ref, wl_ref, bl_ref,
              out_ref, s_scr):
  g = pl.program_id(0)

  @pl.when(g == 0)
  def _():
    s_scr[...] = jnp.zeros_like(s_scr)

  agg = (acc_ref[...] + ht_ref[...]) * dinv_ref[...]
  aggh = jnp.dot(agg, wg_ref[...], preferred_element_type=jnp.float32)
  r = jnp.maximum(aggh + bg_ref[...], 0.0)
  rows = lax.broadcasted_iota(jnp.int32, (_BK, 1), 0) + g * _BK
  r = jnp.where(rows < N, r, 0.0)
  s_scr[...] += jnp.sum(r, axis=0, keepdims=True)

  @pl.when(g == _GB - 1)
  def _():
    out_ref[...] = (
        jnp.dot(s_scr[...], wl_ref[...], preferred_element_type=jnp.float32)
        + jnp.float32(N) * bl_ref[...])


_final = pl.pallas_call(
    _tc_final,
    grid=(_GB,),
    in_specs=[
        pl.BlockSpec((_BK, D_EMB), lambda g: (g, 0)),
        pl.BlockSpec((_BK, D_EMB), lambda g: (g, 0)),
        pl.BlockSpec((_BK, 1), lambda g: (g, 0)),
        pl.BlockSpec((D_EMB, D_HID), lambda g: (0, 0)),
        pl.BlockSpec((1, D_HID), lambda g: (0, 0)),
        pl.BlockSpec((D_HID, D_OUT), lambda g: (0, 0)),
        pl.BlockSpec((1, D_OUT), lambda g: (0, 0)),
    ],
    out_specs=pl.BlockSpec((1, D_OUT), lambda g: (0, 0)),
    out_shape=jax.ShapeDtypeStruct((1, D_OUT), jnp.float32),
    scratch_shapes=[pltpu.VMEM((1, D_HID), jnp.float32)],
)


@jax.jit
def kernel(x, edge_index, table, W_gcn, b_gcn, W_lin, b_lin):
  xp = jnp.concatenate([x[:, 0], jnp.zeros((NPAD - N,), jnp.int32)])
  src = jnp.concatenate([edge_index[0], jnp.zeros((EPAD - E,), jnp.int32)])
  dst = jnp.concatenate(
      [edge_index[1], jnp.full((EPAD - E,), -1, jnp.int32)])

  src2 = src.reshape(EPAD // 128, 128)
  dst2 = dst.reshape(EPAD // 128, 128)
  h, deg_part = _gather_deg(xp.reshape(NPAD // 128, 128), table, dst2)
  dinv, ht = _prep(deg_part.T, h)
  acc = _edges(ht, src2, dst2)
  out = _final(acc, ht, dinv, W_gcn, b_gcn.reshape(1, D_HID),
               W_lin, b_lin.reshape(1, D_OUT))
  return out.reshape(1, 1, D_OUT)

# --- scband reference (transcript-rebuilt; emitter-appended) ---
"""Pipeline reference for scband-graph-net-55559696941202 (READ-ONLY COPY).

The authoritative reference and input builder live on the scoring server;
editing this copy changes nothing except your own understanding.
"""

import jax, jax.numpy as jnp
import numpy as np

N = 50000
E = 800000
VOCAB = 100000
D_EMB = 64
D_HID = 128
D_OUT = 64


def setup_inputs(seed: int = 0) -> dict:
    key = jax.random.key(seed)
    k1, k2, k3, k4, k5 = jax.random.split(key, 5)
    x = jax.random.randint(k1, (N, 1), 0, VOCAB, dtype=jnp.int32)
    edge_index = jax.random.randint(k2, (2, E), 0, N, dtype=jnp.int32)
    table = jax.random.normal(k3, (VOCAB, D_EMB), dtype=jnp.float32) * 0.05
    W_gcn = jax.random.normal(k4, (D_EMB, D_HID), dtype=jnp.float32) * (1.0 / np.sqrt(D_EMB))
    b_gcn = jnp.zeros((D_HID,), dtype=jnp.float32)
    W_lin = jax.random.normal(k5, (D_HID, D_OUT), dtype=jnp.float32) * (1.0 / np.sqrt(D_HID))
    b_lin = jnp.zeros((D_OUT,), dtype=jnp.float32)
    return {"x": x, "edge_index": edge_index, "table": table, "W_gcn": W_gcn,
            "b_gcn": b_gcn, "W_lin": W_lin, "b_lin": b_lin}


def reference(x, edge_index, table, W_gcn, b_gcn, W_lin, b_lin):
    # item_embedding lookup + squeeze(1)
    h = jnp.take(table, x[:, 0], axis=0)  # [N, 64]
    # GCNConv(64,128): add self-loops, symmetric deg^-1/2 normalization, linear, scatter-add, bias
    loops = jnp.arange(N, dtype=edge_index.dtype)
    src = jnp.concatenate([edge_index[0], loops])
    dst = jnp.concatenate([edge_index[1], loops])
    deg = jnp.zeros((N,), dtype=jnp.float32).at[dst].add(1.0)
    dinv = jnp.where(deg > 0, 1.0 / jnp.sqrt(deg), 0.0)
    norm = dinv[src] * dinv[dst]
    hw = h @ W_gcn  # [N, 128]
    msgs = jnp.take(hw, src, axis=0) * norm[:, None]
    agg = jnp.zeros((N, D_HID), dtype=jnp.float32).at[dst].add(msgs) + b_gcn
    out = jax.nn.relu(agg)
    out = out @ W_lin + b_lin  # [N, 64]
    return out.sum(axis=0)[None, None, :]  # [1, 1, 64]

if __name__ == "__main__":
    import jax
    _d = setup_inputs()
    print(jax.jit(kernel)(*tuple(_d.values())))

</pallas_src>

<mosaic_0001>
#map = affine_map<(d0, d1) -> (0, 0)>
module attributes {stable_mosaic.version = 14 : i64} {
  func.func @_sc_edges(%arg0: i32, %arg1: i32, %arg2: memref<53248x64xf32, #tpu.memory_space<hbm>>, %arg3: memref<6272x128xi32, #tpu.memory_space<hbm>>, %arg4: memref<6272x128xi32, #tpu.memory_space<hbm>>, %arg5: memref<53248x64xf32, #tpu.memory_space<hbm>>, %arg6: memref<14x128xi32, #tpu.memory_space<vmem>>, %arg7: memref<14x128xi32, #tpu.memory_space<vmem>>, %arg8: memref<14x128xi32, #tpu.memory_space<vmem>>, %arg9: memref<2x128x64xf32, #tpu.memory_space<vmem>>, %arg10: memref<26640x64xf32, #tpu.memory_space<vmem_shared>>, %arg11: memref<!tpu.dma_semaphore, #tpu.memory_space<semaphore_mem>>, %arg12: memref<!tpu.dma_semaphore, #tpu.memory_space<semaphore_mem>>, %arg13: memref<!tpu.dma_semaphore, #tpu.memory_space<semaphore_mem>>, %arg14: memref<!tpu.dma_semaphore, #tpu.memory_space<semaphore_mem>>) attributes {dimension_semantics = [#tpu.dimension_semantics<core_parallel>, #tpu.dimension_semantics<subcore_parallel>], iteration_bounds = array<i64: 2, 16>, scalar_prefetch = 0 : i64, scratch_operands = 9 : i64, tpu.core_type = #tpu.core_type<sc_vector_subcore>, window_params = [{transform_indices = #map}, {transform_indices = #map}, {transform_indices = #map}, {transform_indices = #map}]} {
    %mul3A = arith.constant 26624 : i32
    %mul3A_0 = arith.muli %arg0, %mul3A : i32
    %broadcast_in_dim3A = arith.constant 0.000000e+00 : f32
    %broadcast_in_dim3A_1 = vector.broadcast %broadcast_in_dim3A : f32 to vector<16xf32>
    %scan3A = arith.constant 0 : i32
    %scan3A_2 = arith.constant 0 : i32
    %scan3A_3 = arith.constant 512 : i32
    %scan3A_4 = arith.addi %scan3A_2, %scan3A_3 : i32
    %scan3A_5 = arith.constant 1 : i32
    %scan3A_6 = scf.for %scan3A_42 = %scan3A_2 to %scan3A_4 step %scan3A_5 iter_args(%scan3A_43 = %scan3A) -> (i32)  : i32 {
      %jit3A = arith.constant 4 : i32
      %div3A = arith.divsi %scan3A_42, %jit3A : i32
      %sign3A = arith.constant 0 : i32
      %sign3A_44 = arith.cmpi sgt, %scan3A_42, %sign3A : i32
      %sign3A_45 = arith.extui %sign3A_44 : i1 to i32
      %sign3A_46 = arith.constant 0 : i32
      %sign3A_47 = arith.cmpi slt, %scan3A_42, %sign3A_46 : i32
      %sign3A_48 = arith.extui %sign3A_47 : i1 to i32
      %sign3A_49 = arith.subi %sign3A_45, %sign3A_48 : i32
      %sign3A_50 = arith.constant 0 : i32
      %sign3A_51 = arith.cmpi sgt, %jit3A, %sign3A_50 : i32
      %sign3A_52 = arith.extui %sign3A_51 : i1 to i32
      %sign3A_53 = arith.constant 0 : i32
      %sign3A_54 = arith.cmpi slt, %jit3A, %sign3A_53 : i32
      %sign3A_55 = arith.extui %sign3A_54 : i1 to i32
      %sign3A_56 = arith.subi %sign3A_52, %sign3A_55 : i32
      %ne3A = arith.cmpi ne, %sign3A_49, %sign3A_56 : i32
      %rem3A = arith.remsi %scan3A_42, %jit3A : i32
      %ne3A_57 = arith.constant 0 : i32
      %ne3A_58 = arith.cmpi ne, %rem3A, %ne3A_57 : i32
      %and3A = arith.andi %ne3A, %ne3A_58 : i1
      %sub3A = arith.constant 1 : i32
      %sub3A_59 = arith.subi %div3A, %sub3A : i32
      %select_n3A = arith.select %and3A, %sub3A_59, %div3A : i32
      %jit3A_60 = arith.constant 4 : i32
      %eq3A = arith.constant 0 : i32
      %eq3A_61 = arith.cmpi eq, %jit3A_60, %eq3A : i32
      %jit3A_62 = arith.constant 1 : i32
      %select_n3A_63 = arith.select %eq3A_61, %jit3A_62, %jit3A_60 : i32
      %rem3A_64 = arith.remsi %scan3A_42, %select_n3A_63 : i32
      %ne3A_65 = arith.constant 0 : i32
      %ne3A_66 = arith.cmpi ne, %rem3A_64, %ne3A_65 : i32
      %lt3A = arith.constant 0 : i32
      %lt3A_67 = arith.cmpi slt, %rem3A_64, %lt3A : i32
      %lt3A_68 = arith.constant 0 : i32
      %lt3A_69 = arith.cmpi slt, %select_n3A_63, %lt3A_68 : i32
      %ne3A_70 = arith.xori %lt3A_67, %lt3A_69 : i1
      %and3A_71 = arith.andi %ne3A_70, %ne3A_66 : i1
      %add3A_72 = arith.addi %rem3A_64, %select_n3A_63 : i32
      %select_n3A_73 = arith.select %and3A_71, %add3A_72, %rem3A_64 : i32
      %mul3A_74 = arith.constant 16 : i32
      %mul3A_75 = arith.muli %select_n3A_73, %mul3A_74 : i32
      %swap3A = arith.constant 0 : i32
      %swap3A_76 = arith.index_cast %swap3A : i32 to index
      %swap3A_77 = arith.index_cast %select_n3A : i32 to index
      %swap3A_78 = arith.index_cast %mul3A_75 : i32 to index
      %swap3A_79 = tpu.vector_load %arg9[%swap3A_76, %swap3A_77, %swap3A_78] {strides = array<i32>} : memref<2x128x64xf32, #tpu.memory_space<vmem>>, vector<1x1x16xf32>,
      %swap3A_80 = vector.shape_cast %swap3A_79 : vector<1x1x16xf32> to vector<16xf32>
      %swap3A_81 = vector.shape_cast %broadcast_in_dim3A_1 : vector<16xf32> to vector<1x1x16xf32>
      tpu.vector_store %arg9[%swap3A_76, %swap3A_77, %swap3A_78], %swap3A_81 {strides = array<i32>} : memref<2x128x64xf32, #tpu.memory_space<vmem>>, vector<1x1x16xf32>,
      %scan3A_82 = arith.constant 0 : i32
      scf.yield %scan3A_82 : i32
    }
    %scan3A_7 = arith.constant 512 : i32
    %scan3A_8 = arith.constant 0 : i32
    %scan3A_9 = arith.constant 0 : i32
    %scan3A_10 = arith.constant 13 : i32
    %scan3A_11 = arith.addi %scan3A_9, %scan3A_10 : i32
    %scan3A_12 = arith.constant 1 : i32
    %scan3A_13 = scf.for %scan3A_42 = %scan3A_9 to %scan3A_11 step %scan3A_12 iter_args(%scan3A_43 = %scan3A_8) -> (i32)  : i32 {
      %mul3A_44 = arith.constant 1665 : i32
      %mul3A_45 = arith.muli %arg1, %mul3A_44 : i32
      %mul3A_46 = arith.constant 128 : i32
      %mul3A_47 = arith.muli %scan3A_42, %mul3A_46 : i32
      %add3A_48 = arith.addi %mul3A_45, %mul3A_47 : i32
      %run_scoped3A_49 = arith.constant 0 : i32
      "tpu.region"() ({
        %run_scoped3A_51 = tpu.sem_alloc : memref<!tpu.dma_semaphore, #tpu.memory_space<semaphore_mem>>
        %dma_start3A = arith.constant 0 : i32
        %dma_start3A_52 = arith.constant 0 : i32
        %dma_start3A_53 = tpu.memref_slice %arg9[%run_scoped3A_49, %dma_start3A, %dma_start3A_52] : memref<2x128x64xf32, #tpu.memory_space<vmem>> -> memref<1x128x64xf32, #tpu.memory_space<vmem>>
        %dma_start3A_54 = tpu.memref_squeeze %dma_start3A_53 : memref<1x128x64xf32, #tpu.memory_space<vmem>> -> memref<128x64xf32, #tpu.memory_space<vmem>>
        %dma_start3A_55 = arith.constant 0 : i32
        %dma_start3A_56 = tpu.memref_slice %arg10[%add3A_48, %dma_start3A_55] : memref<26640x64xf32, #tpu.memory_space<vmem_shared>> -> memref<128x64xf32, #tpu.memory_space<vmem_shared>>
        %dma_start3A_57 = arith.constant 0 : i32
        %dma_start3A_58 = tpu.memref_slice %arg10[%add3A_48, %dma_start3A_57] : memref<26640x64xf32, #tpu.memory_space<vmem_shared>> -> memref<128x64xf32, #tpu.memory_space<vmem_shared>>
        %dma_start3A_59 = arith.constant 0 : i32
        %dma_start3A_60 = arith.constant 0 : i32
        %dma_start3A_61 = tpu.memref_slice %arg9[%run_scoped3A_49, %dma_start3A_59, %dma_start3A_60] : memref<2x128x64xf32, #tpu.memory_space<vmem>> -> memref<1x128x64xf32, #tpu.memory_space<vmem>>
        %dma_start3A_62 = tpu.memref_squeeze %dma_start3A_61 : memref<1x128x64xf32, #tpu.memory_space<vmem>> -> memref<128x64xf32, #tpu.memory_space<vmem>>
        tpu.enqueue_dma source(%dma_start3A_62 : memref<128x64xf32, #tpu.memory_space<vmem>>) target(%dma_start3A_58 : memref<128x64xf32, #tpu.memory_space<vmem_shared>>) target_semaphore(%run_scoped3A_51 : memref<!tpu.dma_semaphore, #tpu.memory_space<semaphore_mem>>)
        %dma_wait3A = arith.constant 0 : i32
        %dma_wait3A_63 = arith.constant 0 : i32
        %dma_wait3A_64 = tpu.memref_slice %arg9[%run_scoped3A_49, %dma_wait3A, %dma_wait3A_63] : memref<2x128x64xf32, #tpu.memory_space<vmem>> -> memref<1x128x64xf32, #tpu.memory_space<vmem>>
        %dma_wait3A_65 = tpu.memref_squeeze %dma_wait3A_64 : memref<1x128x64xf32, #tpu.memory_space<vmem>> -> memref<128x64xf32, #tpu.memory_space<vmem>>
        %dma_wait3A_66 = arith.constant 0 : i32
        %dma_wait3A_67 = tpu.memref_slice %arg10[%add3A_48, %dma_wait3A_66] : memref<26640x64xf32, #tpu.memory_space<vmem_shared>> -> memref<128x64xf32, #tpu.memory_space<vmem_shared>>
        %dma_wait3A_68 = arith.constant 0 : i32
        %dma_wait3A_69 = tpu.memref_slice %arg10[%add3A_48, %dma_wait3A_68] : memref<26640x64xf32, #tpu.memory_space<vmem_shared>> -> memref<128x64xf32, #tpu.memory_space<vmem_shared>>
        %dma_wait3A_70 = arith.constant 0 : i32
        %dma_wait3A_71 = arith.constant 0 : i32
        %dma_wait3A_72 = tpu.memref_slice %arg9[%run_scoped3A_49, %dma_wait3A_70, %dma_wait3A_71] : memref<2x128x64xf32, #tpu.memory_space<vmem>> -> memref<1x128x64xf32, #tpu.memory_space<vmem>>
        %dma_wait3A_73 = tpu.memref_squeeze %dma_wait3A_72 : memref<1x128x64xf32, #tpu.memory_space<vmem>> -> memref<128x64xf32, #tpu.memory_space<vmem>>
        tpu.wait_dma2 semaphore(%run_scoped3A_51 : memref<!tpu.dma_semaphore, #tpu.memory_space<semaphore_mem>>) src(%dma_wait3A_73 : memref<128x64xf32, #tpu.memory_space<vmem>>) dst(%dma_wait3A_69 : memref<128x64xf32, #tpu.memory_space<vmem_shared>>)
        tpu.yield
      }) : () -> ()
      %scan3A_50 = arith.constant 0 : i32
      scf.yield %scan3A_50 : i32
    }
    %scan3A_14 = arith.constant 13 : i32
    %mul3A_15 = arith.constant 1665 : i32
    %mul3A_16 = arith.muli %arg1, %mul3A_15 : i32
    %add3A = arith.constant 1664 : i32
    %add3A_17 = arith.addi %mul3A_16, %add3A : i32
    %run_scoped3A = arith.constant 0 : i32
    "tpu.region"() ({
      %run_scoped3A_42 = tpu.sem_alloc : memref<!tpu.dma_semaphore, #tpu.memory_space<semaphore_mem>>
      %dma_start3A = arith.constant 0 : i32
      %dma_start3A_43 = arith.constant 0 : i32
      %dma_start3A_44 = tpu.memref_slice %arg9[%run_scoped3A, %dma_start3A, %dma_start3A_43] : memref<2x128x64xf32, #tpu.memory_space<vmem>> -> memref<1x128x64xf32, #tpu.memory_space<vmem>>
      %dma_start3A_45 = tpu.memref_squeeze %dma_start3A_44 : memref<1x128x64xf32, #tpu.memory_space<vmem>> -> memref<128x64xf32, #tpu.memory_space<vmem>>
      %dma_start3A_46 = arith.constant 0 : i32
      %dma_start3A_47 = arith.constant 0 : i32
      %dma_start3A_48 = tpu.memref_slice %dma_start3A_45[%dma_start3A_46, %dma_start3A_47] : memref<128x64xf32, #tpu.memory_space<vmem>> -> memref<1x64xf32, #tpu.memory_space<vmem>>
      %dma_start3A_49 = arith.constant 0 : i32
      %dma_start3A_50 = tpu.memref_slice %arg10[%add3A_17, %dma_start3A_49] : memref<26640x64xf32, #tpu.memory_space<vmem_shared>> -> memref<1x64xf32, #tpu.memory_space<vmem_shared>>
      %dma_start3A_51 = arith.constant 0 : i32
      %dma_start3A_52 = tpu.memref_slice %arg10[%add3A_17, %dma_start3A_51] : memref<26640x64xf32, #tpu.memory_space<vmem_shared>> -> memref<1x64xf32, #tpu.memory_space<vmem_shared>>
      %dma_start3A_53 = arith.constant 0 : i32
      %dma_start3A_54 = arith.constant 0 : i32
      %dma_start3A_55 = tpu.memref_slice %arg9[%run_scoped3A, %dma_start3A_53, %dma_start3A_54] : memref<2x128x64xf32, #tpu.memory_space<vmem>> -> memref<1x128x64xf32, #tpu.memory_space<vmem>>
      %dma_start3A_56 = tpu.memref_squeeze %dma_start3A_55 : memref<1x128x64xf32, #tpu.memory_space<vmem>> -> memref<128x64xf32, #tpu.memory_space<vmem>>
      %dma_start3A_57 = arith.constant 0 : i32
      %dma_start3A_58 = arith.constant 0 : i32
      %dma_start3A_59 = tpu.memref_slice %dma_start3A_56[%dma_start3A_57, %dma_start3A_58] : memref<128x64xf32, #tpu.memory_space<vmem>> -> memref<1x64xf32, #tpu.memory_space<vmem>>
      tpu.enqueue_dma source(%dma_start3A_59 : memref<1x64xf32, #tpu.memory_space<vmem>>) target(%dma_start3A_52 : memref<1x64xf32, #tpu.memory_space<vmem_shared>>) target_semaphore(%run_scoped3A_42 : memref<!tpu.dma_semaphore, #tpu.memory_space<semaphore_mem>>)
      %dma_wait3A = arith.constant 0 : i32
      %dma_wait3A_60 = arith.constant 0 : i32
      %dma_wait3A_61 = tpu.memref_slice %arg9[%run_scoped3A, %dma_wait3A, %dma_wait3A_60] : memref<2x128x64xf32, #tpu.memory_space<vmem>> -> memref<1x128x64xf32, #tpu.memory_space<vmem>>
      %dma_wait3A_62 = tpu.memref_squeeze %dma_wait3A_61 : memref<1x128x64xf32, #tpu.memory_space<vmem>> -> memref<128x64xf32, #tpu.memory_space<vmem>>
      %dma_wait3A_63 = arith.constant 0 : i32
      %dma_wait3A_64 = arith.constant 0 : i32
      %dma_wait3A_65 = tpu.memref_slice %dma_wait3A_62[%dma_wait3A_63, %dma_wait3A_64] : memref<128x64xf32, #tpu.memory_space<vmem>> -> memref<1x64xf32, #tpu.memory_space<vmem>>
      %dma_wait3A_66 = arith.constant 0 : i32
      %dma_wait3A_67 = tpu.memref_slice %arg10[%add3A_17, %dma_wait3A_66] : memref<26640x64xf32, #tpu.memory_space<vmem_shared>> -> memref<1x64xf32, #tpu.memory_space<vmem_shared>>
      %dma_wait3A_68 = arith.constant 0 : i32
      %dma_wait3A_69 = tpu.memref_slice %arg10[%add3A_17, %dma_wait3A_68] : memref<26640x64xf32, #tpu.memory_space<vmem_shared>> -> memref<1x64xf32, #tpu.memory_space<vmem_shared>>
      %dma_wait3A_70 = arith.constant 0 : i32
      %dma_wait3A_71 = arith.constant 0 : i32
      %dma_wait3A_72 = tpu.memref_slice %arg9[%run_scoped3A, %dma_wait3A_70, %dma_wait3A_71] : memref<2x128x64xf32, #tpu.memory_space<vmem>> -> memref<1x128x64xf32, #tpu.memory_space<vmem>>
      %dma_wait3A_73 = tpu.memref_squeeze %dma_wait3A_72 : memref<1x128x64xf32, #tpu.memory_space<vmem>> -> memref<128x64xf32, #tpu.memory_space<vmem>>
      %dma_wait3A_74 = arith.constant 0 : i32
      %dma_wait3A_75 = arith.constant 0 : i32
      %dma_wait3A_76 = tpu.memref_slice %dma_wait3A_73[%dma_wait3A_74, %dma_wait3A_75] : memref<128x64xf32, #tpu.memory_space<vmem>> -> memref<1x64xf32, #tpu.memory_space<vmem>>
      tpu.wait_dma2 semaphore(%run_scoped3A_42 : memref<!tpu.dma_semaphore, #tpu.memory_space<semaphore_mem>>) src(%dma_wait3A_76 : memref<1x64xf32, #tpu.memory_space<vmem>>) dst(%dma_wait3A_69 : memref<1x64xf32, #tpu.memory_space<vmem_shared>>)
      tpu.yield
    }) : () -> ()
    %barrier3A = arith.constant 0 : index
    tpu.barrier barrier_id(%barrier3A)
    %mul3A_18 = arith.constant 392 : i32
    %mul3A_19 = arith.muli %arg1, %mul3A_18 : i32
    %scan3A_20 = arith.constant 0 : i32
    %scan3A_21 = arith.constant 0 : i32
    %scan3A_22 = arith.constant 28 : i32
    %scan3A_23 = arith.addi %scan3A_21, %scan3A_22 : i32
    %scan3A_24 = arith.constant 1 : i32
    %scan3A_25 = scf.for %scan3A_42 = %scan3A_21 to %scan3A_23 step %scan3A_24 iter_args(%scan3A_43 = %scan3A_20) -> (i32)  : i32 {
      %mul3A_44 = arith.constant 14 : i32
      %mul3A_45 = arith.muli %scan3A_42, %mul3A_44 : i32
      %add3A_46 = arith.addi %mul3A_19, %mul3A_45 : i32
      "tpu.region"() ({
        %run_scoped3A_725 = tpu.sem_alloc : memref<!tpu.dma_semaphore, #tpu.memory_space<semaphore_mem>>
        %dma_start3A_726 = arith.constant 0 : i32
        %dma_start3A_727 = tpu.memref_slice %arg3[%add3A_46, %dma_start3A_726] : memref<6272x128xi32, #tpu.memory_space<hbm>> -> memref<14x128xi32, #tpu.memory_space<hbm>>
        %dma_start3A_728 = arith.constant 0 : i32
        %dma_start3A_729 = tpu.memref_slice %arg3[%add3A_46, %dma_start3A_728] : memref<6272x128xi32, #tpu.memory_space<hbm>> -> memref<14x128xi32, #tpu.memory_space<hbm>>
        tpu.enqueue_dma source(%dma_start3A_729 : memref<14x128xi32, #tpu.memory_space<hbm>>) target(%arg6 : memref<14x128xi32, #tpu.memory_space<vmem>>) target_semaphore(%run_scoped3A_725 : memref<!tpu.dma_semaphore, #tpu.memory_space<semaphore_mem>>)
        %dma_wait3A_730 = arith.constant 0 : i32
        %dma_wait3A_731 = tpu.memref_slice %arg3[%add3A_46, %dma_wait3A_730] : memref<6272x128xi32, #tpu.memory_space<hbm>> -> memref<14x128xi32, #tpu.memory_space<hbm>>
        %dma_wait3A_732 = arith.constant 0 : i32
        %dma_wait3A_733 = tpu.memref_slice %arg3[%add3A_46, %dma_wait3A_732] : memref<6272x128xi32, #tpu.memory_space<hbm>> -> memref<14x128xi32, #tpu.memory_space<hbm>>
        tpu.wait_dma2 semaphore(%run_scoped3A_725 : memref<!tpu.dma_semaphore, #tpu.memory_space<semaphore_mem>>) src(%dma_wait3A_733 : memref<14x128xi32, #tpu.memory_space<hbm>>) dst(%arg6 : memref<14x128xi32, #tpu.memory_space<vmem>>)
        tpu.yield
      }) : () -> ()
      %dma_start3A = arith.constant 0 : i32
      %dma_start3A_47 = arith.constant 0 : i32
      %dma_start3A_48 = arith.constant 0 : i32
      %dma_start3A_49 = arith.constant 0 : i32
      %dma_start3A_50 = tpu.memref_slice %arg9[%dma_start3A_47, %dma_start3A_48, %dma_start3A_49] : memref<2x128x64xf32, #tpu.memory_space<vmem>> -> memref<1x128x64xf32, #tpu.memory_space<vmem>>
      %dma_start3A_51 = tpu.memref_squeeze %dma_start3A_50 : memref<1x128x64xf32, #tpu.memory_space<vmem>> -> memref<128x64xf32, #tpu.memory_space<vmem>>
      %dma_start3A_52 = arith.constant 0 : i32
      %dma_start3A_53 = tpu.memref_slice %arg6[%dma_start3A, %dma_start3A_52] : memref<14x128xi32, #tpu.memory_space<vmem>> -> memref<1x128xi32, #tpu.memory_space<vmem>>
      %dma_start3A_54 = tpu.memref_squeeze %dma_start3A_53 : memref<1x128xi32, #tpu.memory_space<vmem>> -> memref<128xi32, #tpu.memory_space<vmem>>
      %dma_start3A_55 = arith.constant 0 : i32
      %dma_start3A_56 = arith.constant 0 : i32
      %dma_start3A_57 = tpu.memref_slice %arg2[%dma_start3A_55, %dma_start3A_56] : memref<53248x64xf32, #tpu.memory_space<hbm>> -> memref<53248x64xf32, #tpu.memory_space<hbm>>
      tpu.enqueue_indirect_dma source(%dma_start3A_57 : memref<53248x64xf32, #tpu.memory_space<hbm>>) target(%dma_start3A_51 : memref<128x64xf32, #tpu.memory_space<vmem>>) offsets(%dma_start3A_54 : memref<128xi32, #tpu.memory_space<vmem>>) semaphore(%arg11 : memref<!tpu.dma_semaphore, #tpu.memory_space<semaphore_mem>>)
      "tpu.region"() ({
        %run_scoped3A_725 = tpu.sem_alloc : memref<!tpu.dma_semaphore, #tpu.memory_space<semaphore_mem>>
        %dma_start3A_726 = arith.constant 0 : i32
        %dma_start3A_727 = tpu.memref_slice %arg4[%add3A_46, %dma_start3A_726] : memref<6272x128xi32, #tpu.memory_space<hbm>> -> memref<14x128xi32, #tpu.memory_space<hbm>>
        %dma_start3A_728 = arith.constant 0 : i32
        %dma_start3A_729 = tpu.memref_slice %arg4[%add3A_46, %dma_start3A_728] : memref<6272x128xi32, #tpu.memory_space<hbm>> -> memref<14x128xi32, #tpu.memory_space<hbm>>
        tpu.enqueue_dma source(%dma_start3A_729 : memref<14x128xi32, #tpu.memory_space<hbm>>) target(%arg7 : memref<14x128xi32, #tpu.memory_space<vmem>>) target_semaphore(%run_scoped3A_725 : memref<!tpu.dma_semaphore, #tpu.memory_space<semaphore_mem>>)
        %dma_wait3A_730 = arith.constant 0 : i32
        %dma_wait3A_731 = tpu.memref_slice %arg4[%add3A_46, %dma_wait3A_730] : memref<6272x128xi32, #tpu.memory_space<hbm>> -> memref<14x128xi32, #tpu.memory_space<hbm>>
        %dma_wait3A_732 = arith.constant 0 : i32
        %dma_wait3A_733 = tpu.memref_slice %arg4[%add3A_46, %dma_wait3A_732] : memref<6272x128xi32, #tpu.memory_space<hbm>> -> memref<14x128xi32, #tpu.memory_space<hbm>>
        tpu.wait_dma2 semaphore(%run_scoped3A_725 : memref<!tpu.dma_semaphore, #tpu.memory_space<semaphore_mem>>) src(%dma_wait3A_733 : memref<14x128xi32, #tpu.memory_space<hbm>>) dst(%arg7 : memref<14x128xi32, #tpu.memory_space<vmem>>)
        tpu.yield
      }) : () -> ()
      %scan3A_58 = arith.constant 0 : i32
      %scan3A_59 = arith.constant 0 : i32
      %scan3A_60 = arith.constant 112 : i32
      %scan3A_61 = arith.addi %scan3A_59, %scan3A_60 : i32
      %scan3A_62 = arith.constant 1 : i32
      %scan3A_63 = scf.for %scan3A_725 = %scan3A_59 to %scan3A_61 step %scan3A_62 iter_args(%scan3A_726 = %scan3A_58) -> (i32)  : i32 {
        %jit3A = arith.constant 8 : i32
        %div3A = arith.divsi %scan3A_725, %jit3A : i32
        %sign3A = arith.constant 0 : i32
        %sign3A_727 = arith.cmpi sgt, %scan3A_725, %sign3A : i32
        %sign3A_728 = arith.extui %sign3A_727 : i1 to i32
        %sign3A_729 = arith.constant 0 : i32
        %sign3A_730 = arith.cmpi slt, %scan3A_725, %sign3A_729 : i32
        %sign3A_731 = arith.extui %sign3A_730 : i1 to i32
        %sign3A_732 = arith.subi %sign3A_728, %sign3A_731 : i32
        %sign3A_733 = arith.constant 0 : i32
        %sign3A_734 = arith.cmpi sgt, %jit3A, %sign3A_733 : i32
        %sign3A_735 = arith.extui %sign3A_734 : i1 to i32
        %sign3A_736 = arith.constant 0 : i32
        %sign3A_737 = arith.cmpi slt, %jit3A, %sign3A_736 : i32
        %sign3A_738 = arith.extui %sign3A_737 : i1 to i32
        %sign3A_739 = arith.subi %sign3A_735, %sign3A_738 : i32
        %ne3A = arith.cmpi ne, %sign3A_732, %sign3A_739 : i32
        %rem3A = arith.remsi %scan3A_725, %jit3A : i32
        %ne3A_740 = arith.constant 0 : i32
        %ne3A_741 = arith.cmpi ne, %rem3A, %ne3A_740 : i32
        %and3A = arith.andi %ne3A, %ne3A_741 : i1
        %sub3A = arith.constant 1 : i32
        %sub3A_742 = arith.subi %div3A, %sub3A : i32
        %select_n3A = arith.select %and3A, %sub3A_742, %div3A : i32
        %jit3A_743 = arith.constant 8 : i32
        %eq3A = arith.constant 0 : i32
        %eq3A_744 = arith.cmpi eq, %jit3A_743, %eq3A : i32
        %jit3A_745 = arith.constant 1 : i32
        %select_n3A_746 = arith.select %eq3A_744, %jit3A_745, %jit3A_743 : i32
        %rem3A_747 = arith.remsi %scan3A_725, %select_n3A_746 : i32
        %ne3A_748 = arith.constant 0 : i32
        %ne3A_749 = arith.cmpi ne, %rem3A_747, %ne3A_748 : i32
        %lt3A = arith.constant 0 : i32
        %lt3A_750 = arith.cmpi slt, %rem3A_747, %lt3A : i32
        %lt3A_751 = arith.constant 0 : i32
        %lt3A_752 = arith.cmpi slt, %select_n3A_746, %lt3A_751 : i32
        %ne3A_753 = arith.xori %lt3A_750, %lt3A_752 : i1
        %and3A_754 = arith.andi %ne3A_753, %ne3A_749 : i1
        %add3A_755 = arith.addi %rem3A_747, %select_n3A_746 : i32
        %select_n3A_756 = arith.select %and3A_754, %add3A_755, %rem3A_747 : i32
        %mul3A_757 = arith.constant 16 : i32
        %mul3A_758 = arith.muli %select_n3A_756, %mul3A_757 : i32
        %get3A = arith.index_cast %select_n3A : i32 to index
        %get3A_759 = arith.index_cast %mul3A_758 : i32 to index
        %get3A_760 = tpu.vector_load %arg7[%get3A, %get3A_759] {strides = array<i32>} : memref<14x128xi32, #tpu.memory_space<vmem>>, vector<1x16xi32>,
        %get3A_761 = vector.shape_cast %get3A_760 : vector<1x16xi32> to vector<16xi32>
        %sub3A_762 = vector.broadcast %mul3A_0 : i32 to vector<16xi32>
        %sub3A_763 = arith.subi %get3A_761, %sub3A_762 : vector<16xi32>
        %ge3A = arith.constant 0 : i32
        %ge3A_764 = vector.broadcast %ge3A : i32 to vector<16xi32>
        %ge3A_765 = arith.cmpi sge, %sub3A_763, %ge3A_764 : vector<16xi32>
        %lt3A_766 = arith.constant 26624 : i32
        %lt3A_767 = vector.broadcast %lt3A_766 : i32 to vector<16xi32>
        %lt3A_768 = arith.cmpi slt, %sub3A_763, %lt3A_767 : vector<16xi32>
        %and3A_769 = arith.andi %ge3A_765, %lt3A_768 : vector<16xi1>
        %jit3A_770 = arith.constant 26624 : i32
        %broadcast_in_dim3A_771 = vector.broadcast %jit3A_770 : i32 to vector<16xi32>
        %select_n3A_772 = arith.select %and3A_769, %sub3A_763, %broadcast_in_dim3A_771 : vector<16xi1>, vector<16xi32>
        %mul3A_773 = arith.constant 16 : i32
        %mul3A_774 = arith.muli %select_n3A_756, %mul3A_773 : i32
        %swap3A = arith.index_cast %select_n3A : i32 to index
        %swap3A_775 = arith.index_cast %mul3A_774 : i32 to index
        %swap3A_776 = tpu.vector_load %arg8[%swap3A, %swap3A_775] {strides = array<i32>} : memref<14x128xi32, #tpu.memory_space<vmem>>, vector<1x16xi32>,
        %swap3A_777 = vector.shape_cast %swap3A_776 : vector<1x16xi32> to vector<16xi32>
        %swap3A_778 = vector.shape_cast %select_n3A_772 : vector<16xi32> to vector<1x16xi32>
        tpu.vector_store %arg8[%swap3A, %swap3A_775], %swap3A_778 {strides = array<i32>} : memref<14x128xi32, #tpu.memory_space<vmem>>, vector<1x16xi32>,
        %scan3A_779 = arith.constant 0 : i32
        scf.yield %scan3A_779 : i32
      }
      %scan3A_64 = arith.constant 112 : i32
      %dma_wait3A = arith.constant 0 : i32
      %dma_wait3A_65 = arith.constant 0 : i32
      %dma_wait3A_66 = arith.constant 0 : i32
      %dma_wait3A_67 = arith.constant 0 : i32
      %dma_wait3A_68 = tpu.memref_slice %arg9[%dma_wait3A_65, %dma_wait3A_66, %dma_wait3A_67] : memref<2x128x64xf32, #tpu.memory_space<vmem>> -> memref<1x128x64xf32, #tpu.memory_space<vmem>>
      %dma_wait3A_69 = tpu.memref_squeeze %dma_wait3A_68 : memref<1x128x64xf32, #tpu.memory_space<vmem>> -> memref<128x64xf32, #tpu.memory_space<vmem>>
      %dma_wait3A_70 = arith.constant 0 : i32
      %dma_wait3A_71 = tpu.memref_slice %arg6[%dma_wait3A, %dma_wait3A_70] : memref<14x128xi32, #tpu.memory_space<vmem>> -> memref<1x128xi32, #tpu.memory_space<vmem>>
      %dma_wait3A_72 = tpu.memref_squeeze %dma_wait3A_71 : memref<1x128xi32, #tpu.memory_space<vmem>> -> memref<128xi32, #tpu.memory_space<vmem>>
      %dma_wait3A_73 = arith.constant 0 : i32
      %dma_wait3A_74 = arith.constant 0 : i32
      %dma_wait3A_75 = tpu.memref_slice %arg2[%dma_wait3A_73, %dma_wait3A_74] : memref<53248x64xf32, #tpu.memory_space<hbm>> -> memref<53248x64xf32, #tpu.memory_space<hbm>>
      tpu.wait_indirect_dma semaphore(%arg11 : memref<!tpu.dma_semaphore, #tpu.memory_space<semaphore_mem>>) src(%dma_wait3A_75 : memref<53248x64xf32, #tpu.memory_space<hbm>>) dst(%dma_wait3A_69 : memref<128x64xf32, #tpu.memory_space<vmem>>)
      %dma_start3A_76 = arith.constant 1 : i32
      %dma_start3A_77 = arith.constant 1 : i32
      %dma_start3A_78 = arith.constant 0 : i32
      %dma_start3A_79 = arith.constant 0 : i32
      %dma_start3A_80 = tpu.memref_slice %arg9[%dma_start3A_77, %dma_start3A_78, %dma_start3A_79] : memref<2x128x64xf32, #tpu.memory_space<vmem>> -> memref<1x128x64xf32, #tpu.memory_space<vmem>>
      %dma_start3A_81 = tpu.memref_squeeze %dma_start3A_80 : memref<1x128x64xf32, #tpu.memory_space<vmem>> -> memref<128x64xf32, #tpu.memory_space<vmem>>
      %dma_start3A_82 = arith.constant 0 : i32
      %dma_start3A_83 = tpu.memref_slice %arg6[%dma_start3A_76, %dma_start3A_82] : memref<14x128xi32, #tpu.memory_space<vmem>> -> memref<1x128xi32, #tpu.memory_space<vmem>>
      %dma_start3A_84 = tpu.memref_squeeze %dma_start3A_83 : memref<1x128xi32, #tpu.memory_space<vmem>> -> memref<128xi32, #tpu.memory_space<vmem>>
      %dma_start3A_85 = arith.constant 0 : i32
      %dma_start3A_86 = arith.constant 0 : i32
      %dma_start3A_87 = tpu.memref_slice %arg2[%dma_start3A_85, %dma_start3A_86] : memref<53248x64xf32, #tpu.memory_space<hbm>> -> memref<53248x64xf32, #tpu.memory_space<hbm>>
      tpu.enqueue_indirect_dma source(%dma_start3A_87 : memref<53248x64xf32, #tpu.memory_space<hbm>>) target(%dma_start3A_81 : memref<128x64xf32, #tpu.memory_space<vmem>>) offsets(%dma_start3A_84 : memref<128xi32, #tpu.memory_space<vmem>>) semaphore(%arg12 : memref<!tpu.dma_semaphore, #tpu.memory_space<semaphore_mem>>)
      %dma_start3A_88 = arith.constant 0 : i32
      %dma_start3A_89 = arith.constant 0 : i32
      %dma_start3A_90 = arith.constant 0 : i32
      %dma_start3A_91 = arith.constant 0 : i32
      %dma_start3A_92 = tpu.memref_slice %arg9[%dma_start3A_88, %dma_start3A_90, %dma_start3A_91] : memref<2x128x64xf32, #tpu.memory_space<vmem>> -> memref<1x128x64xf32, #tpu.memory_space<vmem>>
      %dma_start3A_93 = tpu.memref_squeeze %dma_start3A_92 : memref<1x128x64xf32, #tpu.memory_space<vmem>> -> memref<128x64xf32, #tpu.memory_space<vmem>>
      %dma_start3A_94 = arith.constant 0 : i32
      %dma_start3A_95 = tpu.memref_slice %arg8[%dma_start3A_89, %dma_start3A_94] : memref<14x128xi32, #tpu.memory_space<vmem>> -> memref<1x128xi32, #tpu.memory_space<vmem>>
      %dma_start3A_96 = tpu.memref_squeeze %dma_start3A_95 : memref<1x128xi32, #tpu.memory_space<vmem>> -> memref<128xi32, #tpu.memory_space<vmem>>
      %dma_start3A_97 = arith.constant 0 : i32
      %dma_start3A_98 = arith.constant 0 : i32
      %dma_start3A_99 = tpu.memref_slice %arg10[%dma_start3A_97, %dma_start3A_98] : memref<26640x64xf32, #tpu.memory_space<vmem_shared>> -> memref<26640x64xf32, #tpu.memory_space<vmem_shared>>
      tpu.enqueue_indirect_dma source(%dma_start3A_93 : memref<128x64xf32, #tpu.memory_space<vmem>>) target(%dma_start3A_99 : memref<26640x64xf32, #tpu.memory_space<vmem_shared>>) offsets(%dma_start3A_96 : memref<128xi32, #tpu.memory_space<vmem>>) semaphore(%arg13 : memref<!tpu.dma_semaphore, #tpu.memory_space<semaphore_mem>>) {add = true}
      %dma_wait3A_100 = arith.constant 1 : i32
      %dma_wait3A_101 = arith.constant 1 : i32
      %dma_wait3A_102 = arith.constant 0 : i32
      %dma_wait3A_103 = arith.constant 0 : i32
      %dma_wait3A_104 = tpu.memref_slice %arg9[%dma_wait3A_101, %dma_wait3A_102, %dma_wait3A_103] : memref<2x128x64xf32, #tpu.memory_space<vmem>> -> memref<1x128x64xf32, #tpu.memory_space<vmem>>
      %dma_wait3A_105 = tpu.memref_squeeze %dma_wait3A_104 : memref<1x128x64xf32, #tpu.memory_space<vmem>> -> memref<128x64xf32, #tpu.memory_space<vmem>>
      %dma_wait3A_106 = arith.constant 0 : i32
      %dma_wait3A_107 = tpu.memref_slice %arg6[%dma_wait3A_100, %dma_wait3A_106] : memref<14x128xi32, #tpu.memory_space<vmem>> -> memref<1x128xi32, #tpu.memory_space<vmem>>
      %dma_wait3A_108 = tpu.memref_squeeze %dma_wait3A_107 : memref<1x128xi32, #tpu.memory_space<vmem>> -> memref<128xi32, #tpu.memory_space<vmem>>
      %dma_wait3A_109 = arith.constant 0 : i32
      %dma_wait3A_110 = arith.constant 0 : i32
      %dma_wait3A_111 = tpu.memref_slice %arg2[%dma_wait3A_109, %dma_wait3A_110] : memref<53248x64xf32, #tpu.memory_space<hbm>> -> memref<53248x64xf32, #tpu.memory_space<hbm>>
      tpu.wait_indirect_dma semaphore(%arg12 : memref<!tpu.dma_semaphore, #tpu.memory_space<semaphore_mem>>) src(%dma_wait3A_111 : memref<53248x64xf32, #tpu.memory_space<hbm>>) dst(%dma_wait3A_105 : memref<128x64xf32, #tpu.memory_space<vmem>>)
      %dma_wait3A_112 = arith.constant 0 : i32
      %dma_wait3A_113 = arith.constant 0 : i32
      %dma_wait3A_114 = arith.constant 0 : i32
      %dma_wait3A_115 = arith.constant 0 : i32
      %dma_wait3A_116 = tpu.memref_slice %arg9[%dma_wait3A_112, %dma_wait3A_114, %dma_wait3A_115] : memref<2x128x64xf32, #tpu.memory_space<vmem>> -> memref<1x128x64xf32, #tpu.memory_space<vmem>>
      %dma_wait3A_117 = tpu.memref_squeeze %dma_wait3A_116 : memref<1x128x64xf32, #tpu.memory_space<vmem>> -> memref<128x64xf32, #tpu.memory_space<vmem>>
      %dma_wait3A_118 = arith.constant 0 : i32
      %dma_wait3A_119 = tpu.memref_slice %arg8[%dma_wait3A_113, %dma_wait3A_118] : memref<14x128xi32, #tpu.memory_space<vmem>> -> memref<1x128xi32, #tpu.memory_space<vmem>>
      %dma_wait3A_120 = tpu.memref_squeeze %dma_wait3A_119 : memref<1x128xi32, #tpu.memory_space<vmem>> -> memref<128xi32, #tpu.memory_space<vmem>>
      %dma_wait3A_121 = arith.constant 0 : i32
      %dma_wait3A_122 = arith.constant 0 : i32
      %dma_wait3A_123 = tpu.memref_slice %arg10[%dma_wait3A_121, %dma_wait3A_122] : memref<26640x64xf32, #tpu.memory_space<vmem_shared>> -> memref<26640x64xf32, #tpu.memory_space<vmem_shared>>
      tpu.wait_indirect_dma semaphore(%arg13 : memref<!tpu.dma_semaphore, #tpu.memory_space<semaphore_mem>>) src(%dma_wait3A_117 : memref<128x64xf32, #tpu.memory_space<vmem>>) dst(%dma_wait3A_123 : memref<26640x64xf32, #tpu.memory_space<vmem_shared>>)
      %dma_start3A_124 = arith.constant 2 : i32
      %dma_start3A_125 = arith.constant 0 : i32
      %dma_start3A_126 = arith.constant 0 : i32
      %dma_start3A_127 = arith.constant 0 : i32
      %dma_start3A_128 = tpu.memref_slice %arg9[%dma_start3A_125, %dma_start3A_126, %dma_start3A_127] : memref<2x128x64xf32, #tpu.memory_space<vmem>> -> memref<1x128x64xf32, #tpu.memory_space<vmem>>
      %dma_start3A_129 = tpu.memref_squeeze %dma_start3A_128 : memref<1x128x64xf32, #tpu.memory_space<vmem>> -> memref<128x64xf32, #tpu.memory_space<vmem>>
      %dma_start3A_130 = arith.constant 0 : i32
      %dma_start3A_131 = tpu.memref_slice %arg6[%dma_start3A_124, %dma_start3A_130] : memref<14x128xi32, #tpu.memory_space<vmem>> -> memref<1x128xi32, #tpu.memory_space<vmem>>
      %dma_start3A_132 = tpu.memref_squeeze %dma_start3A_131 : memref<1x128xi32, #tpu.memory_space<vmem>> -> memref<128xi32, #tpu.memory_space<vmem>>
      %dma_start3A_133 = arith.constant 0 : i32
      %dma_start3A_134 = arith.constant 0 : i32
      %dma_start3A_135 = tpu.memref_slice %arg2[%dma_start3A_133, %dma_start3A_134] : memref<53248x64xf32, #tpu.memory_space<hbm>> -> memref<53248x64xf32, #tpu.memory_space<hbm>>
      tpu.enqueue_indirect_dma source(%dma_start3A_135 : memref<53248x64xf32, #tpu.memory_space<hbm>>) target(%dma_start3A_129 : memref<128x64xf32, #tpu.memory_space<vmem>>) offsets(%dma_start3A_132 : memref<128xi32, #tpu.memory_space<vmem>>) semaphore(%arg11 : memref<!tpu.dma_semaphore, #tpu.memory_space<semaphore_mem>>)
      %dma_start3A_136 = arith.constant 1 : i32
      %dma_start3A_137 = arith.constant 1 : i32
      %dma_start3A_138 = arith.constant 0 : i32
      %dma_start3A_139 = arith.constant 0 : i32
      %dma_start3A_140 = tpu.memref_slice %arg9[%dma_start3A_136, %dma_start3A_138, %dma_start3A_139] : memref<2x128x64xf32, #tpu.memory_space<vmem>> -> memref<1x128x64xf32, #tpu.memory_space<vmem>>
      %dma_start3A_141 = tpu.memref_squeeze %dma_start3A_140 : memref<1x128x64xf32, #tpu.memory_space<vmem>> -> memref<128x64xf32, #tpu.memory_space<vmem>>
      %dma_start3A_142 = arith.constant 0 : i32
      %dma_start3A_143 = tpu.memref_slice %arg8[%dma_start3A_137, %dma_start3A_142] : memref<14x128xi32, #tpu.memory_space<vmem>> -> memref<1x128xi32, #tpu.memory_space<vmem>>
      %dma_start3A_144 = tpu.memref_squeeze %dma_start3A_143 : memref<1x128xi32, #tpu.memory_space<vmem>> -> memref<128xi32, #tpu.memory_space<vmem>>
      %dma_start3A_145 = arith.constant 0 : i32
      %dma_start3A_146 = arith.constant 0 : i32
      %dma_start3A_147 = tpu.memref_slice %arg10[%dma_start3A_145, %dma_start3A_146] : memref<26640x64xf32, #tpu.memory_space<vmem_shared>> -> memref<26640x64xf32, #tpu.memory_space<vmem_shared>>
      tpu.enqueue_indirect_dma source(%dma_start3A_141 : memref<128x64xf32, #tpu.memory_space<vmem>>) target(%dma_start3A_147 : memref<26640x64xf32, #tpu.memory_space<vmem_shared>>) offsets(%dma_start3A_144 : memref<128xi32, #tpu.memory_space<vmem>>) semaphore(%arg14 : memref<!tpu.dma_semaphore, #tpu.memory_space<semaphore_mem>>) {add = true}
      %dma_wait3A_148 = arith.constant 2 : i32
      %dma_wait3A_149 = arith.constant 0 : i32
      %dma_wait3A_150 = arith.constant 0 : i32
      %dma_wait3A_151 = arith.constant 0 : i32
      %dma_wait3A_152 = tpu.memref_slice %arg9[%dma_wait3A_149, %dma_wait3A_150, %dma_wait3A_151] : memref<2x128x64xf32, #tpu.memory_space<vmem>> -> memref<1x128x64xf32, #tpu.memory_space<vmem>>
      %dma_wait3A_153 = tpu.memref_squeeze %dma_wait3A_152 : memref<1x128x64xf32, #tpu.memory_space<vmem>> -> memref<128x64xf32, #tpu.memory_space<vmem>>
      %dma_wait3A_154 = arith.constant 0 : i32
      %dma_wait3A_155 = tpu.memref_slice %arg6[%dma_wait3A_148, %dma_wait3A_154] : memref<14x128xi32, #tpu.memory_space<vmem>> -> memref<1x128xi32, #tpu.memory_space<vmem>>
      %dma_wait3A_156 = tpu.memref_squeeze %dma_wait3A_155 : memref<1x128xi32, #tpu.memory_space<vmem>> -> memref<128xi32, #tpu.memory_space<vmem>>
      %dma_wait3A_157 = arith.constant 0 : i32
      %dma_wait3A_158 = arith.constant 0 : i32
      %dma_wait3A_159 = tpu.memref_slice %arg2[%dma_wait3A_157, %dma_wait3A_158] : memref<53248x64xf32, #tpu.memory_space<hbm>> -> memref<53248x64xf32, #tpu.memory_space<hbm>>
      tpu.wait_indirect_dma semaphore(%arg11 : memref<!tpu.dma_semaphore, #tpu.memory_space<semaphore_mem>>) src(%dma_wait3A_159 : memref<53248x64xf32, #tpu.memory_space<hbm>>) dst(%dma_wait3A_153 : memref<128x64xf32, #tpu.memory_space<vmem>>)
      %dma_wait3A_160 = arith.constant 1 : i32
      %dma_wait3A_161 = arith.constant 1 : i32
      %dma_wait3A_162 = arith.constant 0 : i32
      %dma_wait3A_163 = arith.constant 0 : i32
      %dma_wait3A_164 = tpu.memref_slice %arg9[%dma_wait3A_160, %dma_wait3A_162, %dma_wait3A_163] : memref<2x128x64xf32, #tpu.memory_space<vmem>> -> memref<1x128x64xf32, #tpu.memory_space<vmem>>
      %dma_wait3A_165 = tpu.memref_squeeze %dma_wait3A_164 : memref<1x128x64xf32, #tpu.memory_space<vmem>> -> memref<128x64xf32, #tpu.memory_space<vmem>>
      %dma_wait3A_166 = arith.constant 0 : i32
      %dma_wait3A_167 = tpu.memref_slice %arg8[%dma_wait3A_161, %dma_wait3A_166] : memref<14x128xi32, #tpu.memory_space<vmem>> -> memref<1x128xi32, #tpu.memory_space<vmem>>
      %dma_wait3A_168 = tpu.memref_squeeze %dma_wait3A_167 : memref<1x128xi32, #tpu.memory_space<vmem>> -> memref<128xi32, #tpu.memory_space<vmem>>
      %dma_wait3A_169 = arith.constant 0 : i32
      %dma_wait3A_170 = arith.constant 0 : i32
      %dma_wait3A_171 = tpu.memref_slice %arg10[%dma_wait3A_169, %dma_wait3A_170] : memref<26640x64xf32, #tpu.memory_space<vmem_shared>> -> memref<26640x64xf32, #tpu.memory_space<vmem_shared>>
      tpu.wait_indirect_dma semaphore(%arg14 : memref<!tpu.dma_semaphore, #tpu.memory_space<semaphore_mem>>) src(%dma_wait3A_165 : memref<128x64xf32, #tpu.memory_space<vmem>>) dst(%dma_wait3A_171 : memref<26640x64xf32, #tpu.memory_space<vmem_shared>>)
      %dma_start3A_172 = arith.constant 3 : i32
      %dma_start3A_173 = arith.constant 1 : i32
      %dma_start3A_174 = arith.constant 0 : i32
      %dma_start3A_175 = arith.constant 0 : i32
      %dma_start3A_176 = tpu.memref_slice %arg9[%dma_start3A_173, %dma_start3A_174, %dma_start3A_175] : memref<2x128x64xf32, #tpu.memory_space<vmem>> -> memref<1x128x64xf32, #tpu.memory_space<vmem>>
      %dma_start3A_177 = tpu.memref_squeeze %dma_start3A_176 : memref<1x128x64xf32, #tpu.memory_space<vmem>> -> memref<128x64xf32, #tpu.memory_space<vmem>>
      %dma_start3A_178 = arith.constant 0 : i32
      %dma_start3A_179 = tpu.memref_slice %arg6[%dma_start3A_172, %dma_start3A_178] : memref<14x128xi32, #tpu.memory_space<vmem>> -> memref<1x128xi32, #tpu.memory_space<vmem>>
      %dma_start3A_180 = tpu.memref_squeeze %dma_start3A_179 : memref<1x128xi32, #tpu.memory_space<vmem>> -> memref<128xi32, #tpu.memory_space<vmem>>
      %dma_start3A_181 = arith.constant 0 : i32
      %dma_start3A_182 = arith.constant 0 : i32
      %dma_start3A_183 = tpu.memref_slice %arg2[%dma_start3A_181, %dma_start3A_182] : memref<53248x64xf32, #tpu.memory_space<hbm>> -> memref<53248x64xf32, #tpu.memory_space<hbm>>
      tpu.enqueue_indirect_dma source(%dma_start3A_183 : memref<53248x64xf32, #tpu.memory_space<hbm>>) target(%dma_start3A_177 : memref<128x64xf32, #tpu.memory_space<vmem>>) offsets(%dma_start3A_180 : memref<128xi32, #tpu.memory_space<vmem>>) semaphore(%arg12 : memref<!tpu.dma_semaphore, #tpu.memory_space<semaphore_mem>>)
      %dma_start3A_184 = arith.constant 0 : i32
      %dma_start3A_185 = arith.constant 2 : i32
      %dma_start3A_186 = arith.constant 0 : i32
      %dma_start3A_187 = arith.constant 0 : i32
      %dma_start3A_188 = tpu.memref_slice %arg9[%dma_start3A_184, %dma_start3A_186, %dma_start3A_187] : memref<2x128x64xf32, #tpu.memory_space<vmem>> -> memref<1x128x64xf32, #tpu.memory_space<vmem>>
      %dma_start3A_189 = tpu.memref_squeeze %dma_start3A_188 : memref<1x128x64xf32, #tpu.memory_space<vmem>> -> memref<128x64xf32, #tpu.memory_space<vmem>>
      %dma_start3A_190 = arith.constant 0 : i32
      %dma_start3A_191 = tpu.memref_slice %arg8[%dma_start3A_185, %dma_start3A_190] : memref<14x128xi32, #tpu.memory_space<vmem>> -> memref<1x128xi32, #tpu.memory_space<vmem>>
      %dma_start3A_192 = tpu.memref_squeeze %dma_start3A_191 : memref<1x128xi32, #tpu.memory_space<vmem>> -> memref<128xi32, #tpu.memory_space<vmem>>
      %dma_start3A_193 = arith.constant 0 : i32
      %dma_start3A_194 = arith.constant 0 : i32
      %dma_start3A_195 = tpu.memref_slice %arg10[%dma_start3A_193, %dma_start3A_194] : memref<26640x64xf32, #tpu.memory_space<vmem_shared>> -> memref<26640x64xf32, #tpu.memory_space<vmem_shared>>
      tpu.enqueue_indirect_dma source(%dma_start3A_189 : memref<128x64xf32, #tpu.memory_space<vmem>>) target(%dma_start3A_195 : memref<26640x64xf32, #tpu.memory_space<vmem_shared>>) offsets(%dma_start3A_192 : memref<128xi32, #tpu.memory_space<vmem>>) semaphore(%arg13 : memref<!tpu.dma_semaphore, #tpu.memory_space<semaphore_mem>>) {add = true}
      %dma_wait3A_196 = arith.constant 3 : i32
      %dma_wait3A_197 = arith.constant 1 : i32
      %dma_wait3A_198 = arith.constant 0 : i32
      %dma_wait3A_199 = arith.constant 0 : i32
      %dma_wait3A_200 = tpu.memref_slice %arg9[%dma_wait3A_197, %dma_wait3A_198, %dma_wait3A_199] : memref<2x128x64xf32, #tpu.memory_space<vmem>> -> memref<1x128x64xf32, #tpu.memory_space<vmem>>
      %dma_wait3A_201 = tpu.memref_squeeze %dma_wait3A_200 : memref<1x128x64xf32, #tpu.memory_space<vmem>> -> memref<128x64xf32, #tpu.memory_space<vmem>>
      %dma_wait3A_202 = arith.constant 0 : i32
      %dma_wait3A_203 = tpu.memref_slice %arg6[%dma_wait3A_196, %dma_wait3A_202] : memref<14x128xi32, #tpu.memory_space<vmem>> -> memref<1x128xi32, #tpu.memory_space<vmem>>
      %dma_wait3A_204 = tpu.memref_squeeze %dma_wait3A_203 : memref<1x128xi32, #tpu.memory_space<vmem>> -> memref<128xi32, #tpu.memory_space<vmem>>
      %dma_wait3A_205 = arith.constant 0 : i32
      %dma_wait3A_206 = arith.constant 0 : i32
      %dma_wait3A_207 = tpu.memref_slice %arg2[%dma_wait3A_205, %dma_wait3A_206] : memref<53248x64xf32, #tpu.memory_space<hbm>> -> memref<53248x64xf32, #tpu.memory_space<hbm>>
      tpu.wait_indirect_dma semaphore(%arg12 : memref<!tpu.dma_semaphore, #tpu.memory_space<semaphore_mem>>) src(%dma_wait3A_207 : memref<53248x64xf32, #tpu.memory_space<hbm>>) dst(%dma_wait3A_201 : memref<128x64xf32, #tpu.memory_space<vmem>>)
      %dma_wait3A_208 = arith.constant 0 : i32
      %dma_wait3A_209 = arith.constant 2 : i32
      %dma_wait3A_210 = arith.constant 0 : i32
      %dma_wait3A_211 = arith.constant 0 : i32
      %dma_wait3A_212 = tpu.memref_slice %arg9[%dma_wait3A_208, %dma_wait3A_210, %dma_wait3A_211] : memref<2x128x64xf32, #tpu.memory_space<vmem>> -> memref<1x128x64xf32, #tpu.memory_space<vmem>>
      %dma_wait3A_213 = tpu.memref_squeeze %dma_wait3A_212 : memref<1x128x64xf32, #tpu.memory_space<vmem>> -> memref<128x64xf32, #tpu.memory_space<vmem>>
      %dma_wait3A_214 = arith.constant 0 : i32
      %dma_wait3A_215 = tpu.memref_slice %arg8[%dma_wait3A_209, %dma_wait3A_214] : memref<14x128xi32, #tpu.memory_space<vmem>> -> memref<1x128xi32, #tpu.memory_space<vmem>>
      %dma_wait3A_216 = tpu.memref_squeeze %dma_wait3A_215 : memref<1x128xi32, #tpu.memory_space<vmem>> -> memref<128xi32, #tpu.memory_space<vmem>>
      %dma_wait3A_217 = arith.constant 0 : i32
      %dma_wait3A_218 = arith.constant 0 : i32
      %dma_wait3A_219 = tpu.memref_slice %arg10[%dma_wait3A_217, %dma_wait3A_218] : memref<26640x64xf32, #tpu.memory_space<vmem_shared>> -> memref<26640x64xf32, #tpu.memory_space<vmem_shared>>
      tpu.wait_indirect_dma semaphore(%arg13 : memref<!tpu.dma_semaphore, #tpu.memory_space<semaphore_mem>>) src(%dma_wait3A_213 : memref<128x64xf32, #tpu.memory_space<vmem>>) dst(%dma_wait3A_219 : memref<26640x64xf32, #tpu.memory_space<vmem_shared>>)
      %dma_start3A_220 = arith.constant 4 : i32
      %dma_start3A_221 = arith.constant 0 : i32
      %dma_start3A_222 = arith.constant 0 : i32
      %dma_start3A_223 = arith.constant 0 : i32
      %dma_start3A_224 = tpu.memref_slice %arg9[%dma_start3A_221, %dma_start3A_222, %dma_start3A_223] : memref<2x128x64xf32, #tpu.memory_space<vmem>> -> memref<1x128x64xf32, #tpu.memory_space<vmem>>
      %dma_start3A_225 = tpu.memref_squeeze %dma_start3A_224 : memref<1x128x64xf32, #tpu.memory_space<vmem>> -> memref<128x64xf32, #tpu.memory_space<vmem>>
      %dma_start3A_226 = arith.constant 0 : i32
      %dma_start3A_227 = tpu.memref_slice %arg6[%dma_start3A_220, %dma_start3A_226] : memref<14x128xi32, #tpu.memory_space<vmem>> -> memref<1x128xi32, #tpu.memory_space<vmem>>
      %dma_start3A_228 = tpu.memref_squeeze %dma_start3A_227 : memref<1x128xi32, #tpu.memory_space<vmem>> -> memref<128xi32, #tpu.memory_space<vmem>>
      %dma_start3A_229 = arith.constant 0 : i32
      %dma_start3A_230 = arith.constant 0 : i32
      %dma_start3A_231 = tpu.memref_slice %arg2[%dma_start3A_229, %dma_start3A_230] : memref<53248x64xf32, #tpu.memory_space<hbm>> -> memref<53248x64xf32, #tpu.memory_space<hbm>>
      tpu.enqueue_indirect_dma source(%dma_start3A_231 : memref<53248x64xf32, #tpu.memory_space<hbm>>) target(%dma_start3A_225 : memref<128x64xf32, #tpu.memory_space<vmem>>) offsets(%dma_start3A_228 : memref<128xi32, #tpu.memory_space<vmem>>) semaphore(%arg11 : memref<!tpu.dma_semaphore, #tpu.memory_space<semaphore_mem>>)
      %dma_start3A_232 = arith.constant 1 : i32
      %dma_start3A_233 = arith.constant 3 : i32
      %dma_start3A_234 = arith.constant 0 : i32
      %dma_start3A_235 = arith.constant 0 : i32
      %dma_start3A_236 = tpu.memref_slice %arg9[%dma_start3A_232, %dma_start3A_234, %dma_start3A_235] : memref<2x128x64xf32, #tpu.memory_space<vmem>> -> memref<1x128x64xf32, #tpu.memory_space<vmem>>
      %dma_start3A_237 = tpu.memref_squeeze %dma_start3A_236 : memref<1x128x64xf32, #tpu.memory_space<vmem>> -> memref<128x64xf32, #tpu.memory_space<vmem>>
      %dma_start3A_238 = arith.constant 0 : i32
      %dma_start3A_239 = tpu.memref_slice %arg8[%dma_start3A_233, %dma_start3A_238] : memref<14x128xi32, #tpu.memory_space<vmem>> -> memref<1x128xi32, #tpu.memory_space<vmem>>
      %dma_start3A_240 = tpu.memref_squeeze %dma_start3A_239 : memref<1x128xi32, #tpu.memory_space<vmem>> -> memref<128xi32, #tpu.memory_space<vmem>>
      %dma_start3A_241 = arith.constant 0 : i32
      %dma_start3A_242 = arith.constant 0 : i32
      %dma_start3A_243 = tpu.memref_slice %arg10[%dma_start3A_241, %dma_start3A_242] : memref<26640x64xf32, #tpu.memory_space<vmem_shared>> -> memref<26640x64xf32, #tpu.memory_space<vmem_shared>>
      tpu.enqueue_indirect_dma source(%dma_start3A_237 : memref<128x64xf32, #tpu.memory_space<vmem>>) target(%dma_start3A_243 : memref<26640x64xf32, #tpu.memory_space<vmem_shared>>) offsets(%dma_start3A_240 : memref<128xi32, #tpu.memory_space<vmem>>) semaphore(%arg14 : memref<!tpu.dma_semaphore, #tpu.memory_space<semaphore_mem>>) {add = true}
      %dma_wait3A_244 = arith.constant 4 : i32
      %dma_wait3A_245 = arith.constant 0 : i32
      %dma_wait3A_246 = arith.constant 0 : i32
      %dma_wait3A_247 = arith.constant 0 : i32
      %dma_wait3A_248 = tpu.memref_slice %arg9[%dma_wait3A_245, %dma_wait3A_246, %dma_wait3A_247] : memref<2x128x64xf32, #tpu.memory_space<vmem>> -> memref<1x128x64xf32, #tpu.memory_space<vmem>>
      %dma_wait3A_249 = tpu.memref_squeeze %dma_wait3A_248 : memref<1x128x64xf32, #tpu.memory_space<vmem>> -> memref<128x64xf32, #tpu.memory_space<vmem>>
      %dma_wait3A_250 = arith.constant 0 : i32
      %dma_wait3A_251 = tpu.memref_slice %arg6[%dma_wait3A_244, %dma_wait3A_250] : memref<14x128xi32, #tpu.memory_space<vmem>> -> memref<1x128xi32, #tpu.memory_space<vmem>>
      %dma_wait3A_252 = tpu.memref_squeeze %dma_wait3A_251 : memref<1x128xi32, #tpu.memory_space<vmem>> -> memref<128xi32, #tpu.memory_space<vmem>>
      %dma_wait3A_253 = arith.constant 0 : i32
      %dma_wait3A_254 = arith.constant 0 : i32
      %dma_wait3A_255 = tpu.memref_slice %arg2[%dma_wait3A_253, %dma_wait3A_254] : memref<53248x64xf32, #tpu.memory_space<hbm>> -> memref<53248x64xf32, #tpu.memory_space<hbm>>
      tpu.wait_indirect_dma semaphore(%arg11 : memref<!tpu.dma_semaphore, #tpu.memory_space<semaphore_mem>>) src(%dma_wait3A_255 : memref<53248x64xf32, #tpu.memory_space<hbm>>) dst(%dma_wait3A_249 : memref<128x64xf32, #tpu.memory_space<vmem>>)
      %dma_wait3A_256 = arith.constant 1 : i32
      %dma_wait3A_257 = arith.constant 3 : i32
      %dma_wait3A_258 = arith.constant 0 : i32
      %dma_wait3A_259 = arith.constant 0 : i32
      %dma_wait3A_260 = tpu.memref_slice %arg9[%dma_wait3A_256, %dma_wait3A_258, %dma_wait3A_259] : memref<2x128x64xf32, #tpu.memory_space<vmem>> -> memref<1x128x64xf32, #tpu.memory_space<vmem>>
      %dma_wait3A_261 = tpu.memref_squeeze %dma_wait3A_260 : memref<1x128x64xf32, #tpu.memory_space<vmem>> -> memref<128x64xf32, #tpu.memory_space<vmem>>
      %dma_wait3A_262 = arith.constant 0 : i32
      %dma_wait3A_263 = tpu.memref_slice %arg8[%dma_wait3A_257, %dma_wait3A_262] : memref<14x128xi32, #tpu.memory_space<vmem>> -> memref<1x128xi32, #tpu.memory_space<vmem>>
      %dma_wait3A_264 = tpu.memref_squeeze %dma_wait3A_263 : memref<1x128xi32, #tpu.memory_space<vmem>> -> memref<128xi32, #tpu.memory_space<vmem>>
      %dma_wait3A_265 = arith.constant 0 : i32
      %dma_wait3A_266 = arith.constant 0 : i32
      %dma_wait3A_267 = tpu.memref_slice %arg10[%dma_wait3A_265, %dma_wait3A_266] : memref<26640x64xf32, #tpu.memory_space<vmem_shared>> -> memref<26640x64xf32, #tpu.memory_space<vmem_shared>>
      tpu.wait_indirect_dma semaphore(%arg14 : memref<!tpu.dma_semaphore, #tpu.memory_space<semaphore_mem>>) src(%dma_wait3A_261 : memref<128x64xf32, #tpu.memory_space<vmem>>) dst(%dma_wait3A_267 : memref<26640x64xf32, #tpu.memory_space<vmem_shared>>)
      %dma_start3A_268 = arith.constant 5 : i32
      %dma_start3A_269 = arith.constant 1 : i32
      %dma_start3A_270 = arith.constant 0 : i32
      %dma_start3A_271 = arith.constant 0 : i32
      %dma_start3A_272 = tpu.memref_slice %arg9[%dma_start3A_269, %dma_start3A_270, %dma_start3A_271] : memref<2x128x64xf32, #tpu.memory_space<vmem>> -> memref<1x128x64xf32, #tpu.memory_space<vmem>>
      %dma_start3A_273 = tpu.memref_squeeze %dma_start3A_272 : memref<1x128x64xf32, #tpu.memory_space<vmem>> -> memref<128x64xf32, #tpu.memory_space<vmem>>
      %dma_start3A_274 = arith.constant 0 : i32
      %dma_start3A_275 = tpu.memref_slice %arg6[%dma_start3A_268, %dma_start3A_274] : memref<14x128xi32, #tpu.memory_space<vmem>> -> memref<1x128xi32, #tpu.memory_space<vmem>>
      %dma_start3A_276 = tpu.memref_squeeze %dma_start3A_275 : memref<1x128xi32, #tpu.memory_space<vmem>> -> memref<128xi32, #tpu.memory_space<vmem>>
      %dma_start3A_277 = arith.constant 0 : i32
      %dma_start3A_278 = arith.constant 0 : i32
      %dma_start3A_279 = tpu.memref_slice %arg2[%dma_start3A_277, %dma_start3A_278] : memref<53248x64xf32, #tpu.memory_space<hbm>> -> memref<53248x64xf32, #tpu.memory_space<hbm>>
      tpu.enqueue_indirect_dma source(%dma_start3A_279 : memref<53248x64xf32, #tpu.memory_space<hbm>>) target(%dma_start3A_273 : memref<128x64xf32, #tpu.memory_space<vmem>>) offsets(%dma_start3A_276 : memref<128xi32, #tpu.memory_space<vmem>>) semaphore(%arg12 : memref<!tpu.dma_semaphore, #tpu.memory_space<semaphore_mem>>)
      %dma_start3A_280 = arith.constant 0 : i32
      %dma_start3A_281 = arith.constant 4 : i32
      %dma_start3A_282 = arith.constant 0 : i32
      %dma_start3A_283 = arith.constant 0 : i32
      %dma_start3A_284 = tpu.memref_slice %arg9[%dma_start3A_280, %dma_start3A_282, %dma_start3A_283] : memref<2x128x64xf32, #tpu.memory_space<vmem>> -> memref<1x128x64xf32, #tpu.memory_space<vmem>>
      %dma_start3A_285 = tpu.memref_squeeze %dma_start3A_284 : memref<1x128x64xf32, #tpu.memory_space<vmem>> -> memref<128x64xf32, #tpu.memory_space<vmem>>
      %dma_start3A_286 = arith.constant 0 : i32
      %dma_start3A_287 = tpu.memref_slice %arg8[%dma_start3A_281, %dma_start3A_286] : memref<14x128xi32, #tpu.memory_space<vmem>> -> memref<1x128xi32, #tpu.memory_space<vmem>>
      %dma_start3A_288 = tpu.memref_squeeze %dma_start3A_287 : memref<1x128xi32, #tpu.memory_space<vmem>> -> memref<128xi32, #tpu.memory_space<vmem>>
      %dma_start3A_289 = arith.constant 0 : i32
      %dma_start3A_290 = arith.constant 0 : i32
      %dma_start3A_291 = tpu.memref_slice %arg10[%dma_start3A_289, %dma_start3A_290] : memref<26640x64xf32, #tpu.memory_space<vmem_shared>> -> memref<26640x64xf32, #tpu.memory_space<vmem_shared>>
      tpu.enqueue_indirect_dma source(%dma_start3A_285 : memref<128x64xf32, #tpu.memory_space<vmem>>) target(%dma_start3A_291 : memref<26640x64xf32, #tpu.memory_space<vmem_shared>>) offsets(%dma_start3A_288 : memref<128xi32, #tpu.memory_space<vmem>>) semaphore(%arg13 : memref<!tpu.dma_semaphore, #tpu.memory_space<semaphore_mem>>) {add = true}
      %dma_wait3A_292 = arith.constant 5 : i32
      %dma_wait3A_293 = arith.constant 1 : i32
      %dma_wait3A_294 = arith.constant 0 : i32
      %dma_wait3A_295 = arith.constant 0 : i32
      %dma_wait3A_296 = tpu.memref_slice %arg9[%dma_wait3A_293, %dma_wait3A_294, %dma_wait3A_295] : memref<2x128x64xf32, #tpu.memory_space<vmem>> -> memref<1x128x64xf32, #tpu.memory_space<vmem>>
      %dma_wait3A_297 = tpu.memref_squeeze %dma_wait3A_296 : memref<1x128x64xf32, #tpu.memory_space<vmem>> -> memref<128x64xf32, #tpu.memory_space<vmem>>
      %dma_wait3A_298 = arith.constant 0 : i32
      %dma_wait3A_299 = tpu.memref_slice %arg6[%dma_wait3A_292, %dma_wait3A_298] : memref<14x128xi32, #tpu.memory_space<vmem>> -> memref<1x128xi32, #tpu.memory_space<vmem>>
      %dma_wait3A_300 = tpu.memref_squeeze %dma_wait3A_299 : memref<1x128xi32, #tpu.memory_space<vmem>> -> memref<128xi32, #tpu.memory_space<vmem>>
      %dma_wait3A_301 = arith.constant 0 : i32
      %dma_wait3A_302 = arith.constant 0 : i32
      %dma_wait3A_303 = tpu.memref_slice %arg2[%dma_wait3A_301, %dma_wait3A_302] : memref<53248x64xf32, #tpu.memory_space<hbm>> -> memref<53248x64xf32, #tpu.memory_space<hbm>>
      tpu.wait_indirect_dma semaphore(%arg12 : memref<!tpu.dma_semaphore, #tpu.memory_space<semaphore_mem>>) src(%dma_wait3A_303 : memref<53248x64xf32, #tpu.memory_space<hbm>>) dst(%dma_wait3A_297 : memref<128x64xf32, #tpu.memory_space<vmem>>)
      %dma_wait3A_304 = arith.constant 0 : i32
      %dma_wait3A_305 = arith.constant 4 : i32
      %dma_wait3A_306 = arith.constant 0 : i32
      %dma_wait3A_307 = arith.constant 0 : i32
      %dma_wait3A_308 = tpu.memref_slice %arg9[%dma_wait3A_304, %dma_wait3A_306, %dma_wait3A_307] : memref<2x128x64xf32, #tpu.memory_space<vmem>> -> memref<1x128x64xf32, #tpu.memory_space<vmem>>
      %dma_wait3A_309 = tpu.memref_squeeze %dma_wait3A_308 : memref<1x128x64xf32, #tpu.memory_space<vmem>> -> memref<128x64xf32, #tpu.memory_space<vmem>>
      %dma_wait3A_310 = arith.constant 0 : i32
      %dma_wait3A_311 = tpu.memref_slice %arg8[%dma_wait3A_305, %dma_wait3A_310] : memref<14x128xi32, #tpu.memory_space<vmem>> -> memref<1x128xi32, #tpu.memory_space<vmem>>
      %dma_wait3A_312 = tpu.memref_squeeze %dma_wait3A_311 : memref<1x128xi32, #tpu.memory_space<vmem>> -> memref<128xi32, #tpu.memory_space<vmem>>
      %dma_wait3A_313 = arith.constant 0 : i32
      %dma_wait3A_314 = arith.constant 0 : i32
      %dma_wait3A_315 = tpu.memref_slice %arg10[%dma_wait3A_313, %dma_wait3A_314] : memref<26640x64xf32, #tpu.memory_space<vmem_shared>> -> memref<26640x64xf32, #tpu.memory_space<vmem_shared>>
      tpu.wait_indirect_dma semaphore(%arg13 : memref<!tpu.dma_semaphore, #tpu.memory_space<semaphore_mem>>) src(%dma_wait3A_309 : memref<128x64xf32, #tpu.memory_space<vmem>>) dst(%dma_wait3A_315 : memref<26640x64xf32, #tpu.memory_space<vmem_shared>>)
      %dma_start3A_316 = arith.constant 6 : i32
      %dma_start3A_317 = arith.constant 0 : i32
      %dma_start3A_318 = arith.constant 0 : i32
      %dma_start3A_319 = arith.constant 0 : i32
      %dma_start3A_320 = tpu.memref_slice %arg9[%dma_start3A_317, %dma_start3A_318, %dma_start3A_319] : memref<2x128x64xf32, #tpu.memory_space<vmem>> -> memref<1x128x64xf32, #tpu.memory_space<vmem>>
      %dma_start3A_321 = tpu.memref_squeeze %dma_start3A_320 : memref<1x128x64xf32, #tpu.memory_space<vmem>> -> memref<128x64xf32, #tpu.memory_space<vmem>>
      %dma_start3A_322 = arith.constant 0 : i32
      %dma_start3A_323 = tpu.memref_slice %arg6[%dma_start3A_316, %dma_start3A_322] : memref<14x128xi32, #tpu.memory_space<vmem>> -> memref<1x128xi32, #tpu.memory_space<vmem>>
      %dma_start3A_324 = tpu.memref_squeeze %dma_start3A_323 : memref<1x128xi32, #tpu.memory_space<vmem>> -> memref<128xi32, #tpu.memory_space<vmem>>
      %dma_start3A_325 = arith.constant 0 : i32
      %dma_start3A_326 = arith.constant 0 : i32
      %dma_start3A_327 = tpu.memref_slice %arg2[%dma_start3A_325, %dma_start3A_326] : memref<53248x64xf32, #tpu.memory_space<hbm>> -> memref<53248x64xf32, #tpu.memory_space<hbm>>
      tpu.enqueue_indirect_dma source(%dma_start3A_327 : memref<53248x64xf32, #tpu.memory_space<hbm>>) target(%dma_start3A_321 : memref<128x64xf32, #tpu.memory_space<vmem>>) offsets(%dma_start3A_324 : memref<128xi32, #tpu.memory_space<vmem>>) semaphore(%arg11 : memref<!tpu.dma_semaphore, #tpu.memory_space<semaphore_mem>>)
      %dma_start3A_328 = arith.constant 1 : i32
      %dma_start3A_329 = arith.constant 5 : i32
      %dma_start3A_330 = arith.constant 0 : i32
      %dma_start3A_331 = arith.constant 0 : i32
      %dma_start3A_332 = tpu.memref_slice %arg9[%dma_start3A_328, %dma_start3A_330, %dma_start3A_331] : memref<2x128x64xf32, #tpu.memory_space<vmem>> -> memref<1x128x64xf32, #tpu.memory_space<vmem>>
      %dma_start3A_333 = tpu.memref_squeeze %dma_start3A_332 : memref<1x128x64xf32, #tpu.memory_space<vmem>> -> memref<128x64xf32, #tpu.memory_space<vmem>>
      %dma_start3A_334 = arith.constant 0 : i32
      %dma_start3A_335 = tpu.memref_slice %arg8[%dma_start3A_329, %dma_start3A_334] : memref<14x128xi32, #tpu.memory_space<vmem>> -> memref<1x128xi32, #tpu.memory_space<vmem>>
      %dma_start3A_336 = tpu.memref_squeeze %dma_start3A_335 : memref<1x128xi32, #tpu.memory_space<vmem>> -> memref<128xi32, #tpu.memory_space<vmem>>
      %dma_start3A_337 = arith.constant 0 : i32
      %dma_start3A_338 = arith.constant 0 : i32
      %dma_start3A_339 = tpu.memref_slice %arg10[%dma_start3A_337, %dma_start3A_338] : memref<26640x64xf32, #tpu.memory_space<vmem_shared>> -> memref<26640x64xf32, #tpu.memory_space<vmem_shared>>
      tpu.enqueue_indirect_dma source(%dma_start3A_333 : memref<128x64xf32, #tpu.memory_space<vmem>>) target(%dma_start3A_339 : memref<26640x64xf32, #tpu.memory_space<vmem_shared>>) offsets(%dma_start3A_336 : memref<128xi32, #tpu.memory_space<vmem>>) semaphore(%arg14 : memref<!tpu.dma_semaphore, #tpu.memory_space<semaphore_mem>>) {add = true}
      %dma_wait3A_340 = arith.constant 6 : i32
      %dma_wait3A_341 = arith.constant 0 : i32
      %dma_wait3A_342 = arith.constant 0 : i32
      %dma_wait3A_343 = arith.constant 0 : i32
      %dma_wait3A_344 = tpu.memref_slice %arg9[%dma_wait3A_341, %dma_wait3A_342, %dma_wait3A_343] : memref<2x128x64xf32, #tpu.memory_space<vmem>> -> memref<1x128x64xf32, #tpu.memory_space<vmem>>
      %dma_wait3A_345 = tpu.memref_squeeze %dma_wait3A_344 : memref<1x128x64xf32, #tpu.memory_space<vmem>> -> memref<128x64xf32, #tpu.memory_space<vmem>>
      %dma_wait3A_346 = arith.constant 0 : i32
      %dma_wait3A_347 = tpu.memref_slice %arg6[%dma_wait3A_340, %dma_wait3A_346] : memref<14x128xi32, #tpu.memory_space<vmem>> -> memref<1x128xi32, #tpu.memory_space<vmem>>
      %dma_wait3A_348 = tpu.memref_squeeze %dma_wait3A_347 : memref<1x128xi32, #tpu.memory_space<vmem>> -> memref<128xi32, #tpu.memory_space<vmem>>
      %dma_wait3A_349 = arith.constant 0 : i32
      %dma_wait3A_350 = arith.constant 0 : i32
      %dma_wait3A_351 = tpu.memref_slice %arg2[%dma_wait3A_349, %dma_wait3A_350] : memref<53248x64xf32, #tpu.memory_space<hbm>> -> memref<53248x64xf32, #tpu.memory_space<hbm>>
      tpu.wait_indirect_dma semaphore(%arg11 : memref<!tpu.dma_semaphore, #tpu.memory_space<semaphore_mem>>) src(%dma_wait3A_351 : memref<53248x64xf32, #tpu.memory_space<hbm>>) dst(%dma_wait3A_345 : memref<128x64xf32, #tpu.memory_space<vmem>>)
      %dma_wait3A_352 = arith.constant 1 : i32
      %dma_wait3A_353 = arith.constant 5 : i32
      %dma_wait3A_354 = arith.constant 0 : i32
      %dma_wait3A_355 = arith.constant 0 : i32
      %dma_wait3A_356 = tpu.memref_slice %arg9[%dma_wait3A_352, %dma_wait3A_354, %dma_wait3A_355] : memref<2x128x64xf32, #tpu.memory_space<vmem>> -> memref<1x128x64xf32, #tpu.memory_space<vmem>>
      %dma_wait3A_357 = tpu.memref_squeeze %dma_wait3A_356 : memref<1x128x64xf32, #tpu.memory_space<vmem>> -> memref<128x64xf32, #tpu.memory_space<vmem>>
      %dma_wait3A_358 = arith.constant 0 : i32
      %dma_wait3A_359 = tpu.memref_slice %arg8[%dma_wait3A_353, %dma_wait3A_358] : memref<14x128xi32, #tpu.memory_space<vmem>> -> memref<1x128xi32, #tpu.memory_space<vmem>>
      %dma_wait3A_360 = tpu.memref_squeeze %dma_wait3A_359 : memref<1x128xi32, #tpu.memory_space<vmem>> -> memref<128xi32, #tpu.memory_space<vmem>>
      %dma_wait3A_361 = arith.constant 0 : i32
      %dma_wait3A_362 = arith.constant 0 : i32
      %dma_wait3A_363 = tpu.memref_slice %arg10[%dma_wait3A_361, %dma_wait3A_362] : memref<26640x64xf32, #tpu.memory_space<vmem_shared>> -> memref<26640x64xf32, #tpu.memory_space<vmem_shared>>
      tpu.wait_indirect_dma semaphore(%arg14 : memref<!tpu.dma_semaphore, #tpu.memory_space<semaphore_mem>>) src(%dma_wait3A_357 : memref<128x64xf32, #tpu.memory_space<vmem>>) dst(%dma_wait3A_363 : memref<26640x64xf32, #tpu.memory_space<vmem_shared>>)
      %dma_start3A_364 = arith.constant 7 : i32
      %dma_start3A_365 = arith.constant 1 : i32
      %dma_start3A_366 = arith.constant 0 : i32
      %dma_start3A_367 = arith.constant 0 : i32
      %dma_start3A_368 = tpu.memref_slice %arg9[%dma_start3A_365, %dma_start3A_366, %dma_start3A_367] : memref<2x128x64xf32, #tpu.memory_space<vmem>> -> memref<1x128x64xf32, #tpu.memory_space<vmem>>
      %dma_start3A_369 = tpu.memref_squeeze %dma_start3A_368 : memref<1x128x64xf32, #tpu.memory_space<vmem>> -> memref<128x64xf32, #tpu.memory_space<vmem>>
      %dma_start3A_370 = arith.constant 0 : i32
      %dma_start3A_371 = tpu.memref_slice %arg6[%dma_start3A_364, %dma_start3A_370] : memref<14x128xi32, #tpu.memory_space<vmem>> -> memref<1x128xi32, #tpu.memory_space<vmem>>
      %dma_start3A_372 = tpu.memref_squeeze %dma_start3A_371 : memref<1x128xi32, #tpu.memory_space<vmem>> -> memref<128xi32, #tpu.memory_space<vmem>>
      %dma_start3A_373 = arith.constant 0 : i32
      %dma_start3A_374 = arith.constant 0 : i32
      %dma_start3A_375 = tpu.memref_slice %arg2[%dma_start3A_373, %dma_start3A_374] : memref<53248x64xf32, #tpu.memory_space<hbm>> -> memref<53248x64xf32, #tpu.memory_space<hbm>>
      tpu.enqueue_indirect_dma source(%dma_start3A_375 : memref<53248x64xf32, #tpu.memory_space<hbm>>) target(%dma_start3A_369 : memref<128x64xf32, #tpu.memory_space<vmem>>) offsets(%dma_start3A_372 : memref<128xi32, #tpu.memory_space<vmem>>) semaphore(%arg12 : memref<!tpu.dma_semaphore, #tpu.memory_space<semaphore_mem>>)
      %dma_start3A_376 = arith.constant 0 : i32
      %dma_start3A_377 = arith.constant 6 : i32
      %dma_start3A_378 = arith.constant 0 : i32
      %dma_start3A_379 = arith.constant 0 : i32
      %dma_start3A_380 = tpu.memref_slice %arg9[%dma_start3A_376, %dma_start3A_378, %dma_start3A_379] : memref<2x128x64xf32, #tpu.memory_space<vmem>> -> memref<1x128x64xf32, #tpu.memory_space<vmem>>
      %dma_start3A_381 = tpu.memref_squeeze %dma_start3A_380 : memref<1x128x64xf32, #tpu.memory_space<vmem>> -> memref<128x64xf32, #tpu.memory_space<vmem>>
      %dma_start3A_382 = arith.constant 0 : i32
      %dma_start3A_383 = tpu.memref_slice %arg8[%dma_start3A_377, %dma_start3A_382] : memref<14x128xi32, #tpu.memory_space<vmem>> -> memref<1x128xi32, #tpu.memory_space<vmem>>
      %dma_start3A_384 = tpu.memref_squeeze %dma_start3A_383 : memref<1x128xi32, #tpu.memory_space<vmem>> -> memref<128xi32, #tpu.memory_space<vmem>>
      %dma_start3A_385 = arith.constant 0 : i32
      %dma_start3A_386 = arith.constant 0 : i32
      %dma_start3A_387 = tpu.memref_slice %arg10[%dma_start3A_385, %dma_start3A_386] : memref<26640x64xf32, #tpu.memory_space<vmem_shared>> -> memref<26640x64xf32, #tpu.memory_space<vmem_shared>>
      tpu.enqueue_indirect_dma source(%dma_start3A_381 : memref<128x64xf32, #tpu.memory_space<vmem>>) target(%dma_start3A_387 : memref<26640x64xf32, #tpu.memory_space<vmem_shared>>) offsets(%dma_start3A_384 : memref<128xi32, #tpu.memory_space<vmem>>) semaphore(%arg13 : memref<!tpu.dma_semaphore, #tpu.memory_space<semaphore_mem>>) {add = true}
      %dma_wait3A_388 = arith.constant 7 : i32
      %dma_wait3A_389 = arith.constant 1 : i32
      %dma_wait3A_390 = arith.constant 0 : i32
      %dma_wait3A_391 = arith.constant 0 : i32
      %dma_wait3A_392 = tpu.memref_slice %arg9[%dma_wait3A_389, %dma_wait3A_390, %dma_wait3A_391] : memref<2x128x64xf32, #tpu.memory_space<vmem>> -> memref<1x128x64xf32, #tpu.memory_space<vmem>>
      %dma_wait3A_393 = tpu.memref_squeeze %dma_wait3A_392 : memref<1x128x64xf32, #tpu.memory_space<vmem>> -> memref<128x64xf32, #tpu.memory_space<vmem>>
      %dma_wait3A_394 = arith.constant 0 : i32
      %dma_wait3A_395 = tpu.memref_slice %arg6[%dma_wait3A_388, %dma_wait3A_394] : memref<14x128xi32, #tpu.memory_space<vmem>> -> memref<1x128xi32, #tpu.memory_space<vmem>>
      %dma_wait3A_396 = tpu.memref_squeeze %dma_wait3A_395 : memref<1x128xi32, #tpu.memory_space<vmem>> -> memref<128xi32, #tpu.memory_space<vmem>>
      %dma_wait3A_397 = arith.constant 0 : i32
      %dma_wait3A_398 = arith.constant 0 : i32
      %dma_wait3A_399 = tpu.memref_slice %arg2[%dma_wait3A_397, %dma_wait3A_398] : memref<53248x64xf32, #tpu.memory_space<hbm>> -> memref<53248x64xf32, #tpu.memory_space<hbm>>
      tpu.wait_indirect_dma semaphore(%arg12 : memref<!tpu.dma_semaphore, #tpu.memory_space<semaphore_mem>>) src(%dma_wait3A_399 : memref<53248x64xf32, #tpu.memory_space<hbm>>) dst(%dma_wait3A_393 : memref<128x64xf32, #tpu.memory_space<vmem>>)
      %dma_wait3A_400 = arith.constant 0 : i32
      %dma_wait3A_401 = arith.constant 6 : i32
      %dma_wait3A_402 = arith.constant 0 : i32
      %dma_wait3A_403 = arith.constant 0 : i32
      %dma_wait3A_404 = tpu.memref_slice %arg9[%dma_wait3A_400, %dma_wait3A_402, %dma_wait3A_403] : memref<2x128x64xf32, #tpu.memory_space<vmem>> -> memref<1x128x64xf32, #tpu.memory_space<vmem>>
      %dma_wait3A_405 = tpu.memref_squeeze %dma_wait3A_404 : memref<1x128x64xf32, #tpu.memory_space<vmem>> -> memref<128x64xf32, #tpu.memory_space<vmem>>
      %dma_wait3A_406 = arith.constant 0 : i32
      %dma_wait3A_407 = tpu.memref_slice %arg8[%dma_wait3A_401, %dma_wait3A_406] : memref<14x128xi32, #tpu.memory_space<vmem>> -> memref<1x128xi32, #tpu.memory_space<vmem>>
      %dma_wait3A_408 = tpu.memref_squeeze %dma_wait3A_407 : memref<1x128xi32, #tpu.memory_space<vmem>> -> memref<128xi32, #tpu.memory_space<vmem>>
      %dma_wait3A_409 = arith.constant 0 : i32
      %dma_wait3A_410 = arith.constant 0 : i32
      %dma_wait3A_411 = tpu.memref_slice %arg10[%dma_wait3A_409, %dma_wait3A_410] : memref<26640x64xf32, #tpu.memory_space<vmem_shared>> -> memref<26640x64xf32, #tpu.memory_space<vmem_shared>>
      tpu.wait_indirect_dma semaphore(%arg13 : memref<!tpu.dma_semaphore, #tpu.memory_space<semaphore_mem>>) src(%dma_wait3A_405 : memref<128x64xf32, #tpu.memory_space<vmem>>) dst(%dma_wait3A_411 : memref<26640x64xf32, #tpu.memory_space<vmem_shared>>)
      %dma_start3A_412 = arith.constant 8 : i32
      %dma_start3A_413 = arith.constant 0 : i32
      %dma_start3A_414 = arith.constant 0 : i32
      %dma_start3A_415 = arith.constant 0 : i32
      %dma_start3A_416 = tpu.memref_slice %arg9[%dma_start3A_413, %dma_start3A_414, %dma_start3A_415] : memref<2x128x64xf32, #tpu.memory_space<vmem>> -> memref<1x128x64xf32, #tpu.memory_space<vmem>>
      %dma_start3A_417 = tpu.memref_squeeze %dma_start3A_416 : memref<1x128x64xf32, #tpu.memory_space<vmem>> -> memref<128x64xf32, #tpu.memory_space<vmem>>
      %dma_start3A_418 = arith.constant 0 : i32
      %dma_start3A_419 = tpu.memref_slice %arg6[%dma_start3A_412, %dma_start3A_418] : memref<14x128xi32, #tpu.memory_space<vmem>> -> memref<1x128xi32, #tpu.memory_space<vmem>>
      %dma_start3A_420 = tpu.memref_squeeze %dma_start3A_419 : memref<1x128xi32, #tpu.memory_space<vmem>> -> memref<128xi32, #tpu.memory_space<vmem>>
      %dma_start3A_421 = arith.constant 0 : i32
      %dma_start3A_422 = arith.constant 0 : i32
      %dma_start3A_423 = tpu.memref_slice %arg2[%dma_start3A_421, %dma_start3A_422] : memref<53248x64xf32, #tpu.memory_space<hbm>> -> memref<53248x64xf32, #tpu.memory_space<hbm>>
      tpu.enqueue_indirect_dma source(%dma_start3A_423 : memref<53248x64xf32, #tpu.memory_space<hbm>>) target(%dma_start3A_417 : memref<128x64xf32, #tpu.memory_space<vmem>>) offsets(%dma_start3A_420 : memref<128xi32, #tpu.memory_space<vmem>>) semaphore(%arg11 : memref<!tpu.dma_semaphore, #tpu.memory_space<semaphore_mem>>)
      %dma_start3A_424 = arith.constant 1 : i32
      %dma_start3A_425 = arith.constant 7 : i32
      %dma_start3A_426 = arith.constant 0 : i32
      %dma_start3A_427 = arith.constant 0 : i32
      %dma_start3A_428 = tpu.memref_slice %arg9[%dma_start3A_424, %dma_start3A_426, %dma_start3A_427] : memref<2x128x64xf32, #tpu.memory_space<vmem>> -> memref<1x128x64xf32, #tpu.memory_space<vmem>>
      %dma_start3A_429 = tpu.memref_squeeze %dma_start3A_428 : memref<1x128x64xf32, #tpu.memory_space<vmem>> -> memref<128x64xf32, #tpu.memory_space<vmem>>
      %dma_start3A_430 = arith.constant 0 : i32
      %dma_start3A_431 = tpu.memref_slice %arg8[%dma_start3A_425, %dma_start3A_430] : memref<14x128xi32, #tpu.memory_space<vmem>> -> memref<1x128xi32, #tpu.memory_space<vmem>>
      %dma_start3A_432 = tpu.memref_squeeze %dma_start3A_431 : memref<1x128xi32, #tpu.memory_space<vmem>> -> memref<128xi32, #tpu.memory_space<vmem>>
      %dma_start3A_433 = arith.constant 0 : i32
      %dma_start3A_434 = arith.constant 0 : i32
      %dma_start3A_435 = tpu.memref_slice %arg10[%dma_start3A_433, %dma_start3A_434] : memref<26640x64xf32, #tpu.memory_space<vmem_shared>> -> memref<26640x64xf32, #tpu.memory_space<vmem_shared>>
      tpu.enqueue_indirect_dma source(%dma_start3A_429 : memref<128x64xf32, #tpu.memory_space<vmem>>) target(%dma_start3A_435 : memref<26640x64xf32, #tpu.memory_space<vmem_shared>>) offsets(%dma_start3A_432 : memref<128xi32, #tpu.memory_space<vmem>>) semaphore(%arg14 : memref<!tpu.dma_semaphore, #tpu.memory_space<semaphore_mem>>) {add = true}
      %dma_wait3A_436 = arith.constant 8 : i32
      %dma_wait3A_437 = arith.constant 0 : i32
      %dma_wait3A_438 = arith.constant 0 : i32
      %dma_wait3A_439 = arith.constant 0 : i32
      %dma_wait3A_440 = tpu.memref_slice %arg9[%dma_wait3A_437, %dma_wait3A_438, %dma_wait3A_439] : memref<2x128x64xf32, #tpu.memory_space<vmem>> -> memref<1x128x64xf32, #tpu.memory_space<vmem>>
      %dma_wait3A_441 = tpu.memref_squeeze %dma_wait3A_440 : memref<1x128x64xf32, #tpu.memory_space<vmem>> -> memref<128x64xf32, #tpu.memory_space<vmem>>
      %dma_wait3A_442 = arith.constant 0 : i32
      %dma_wait3A_443 = tpu.memref_slice %arg6[%dma_wait3A_436, %dma_wait3A_442] : memref<14x128xi32, #tpu.memory_space<vmem>> -> memref<1x128xi32, #tpu.memory_space<vmem>>
      %dma_wait3A_444 = tpu.memref_squeeze %dma_wait3A_443 : memref<1x128xi32, #tpu.memory_space<vmem>> -> memref<128xi32, #tpu.memory_space<vmem>>
      %dma_wait3A_445 = arith.constant 0 : i32
      %dma_wait3A_446 = arith.constant 0 : i32
      %dma_wait3A_447 = tpu.memref_slice %arg2[%dma_wait3A_445, %dma_wait3A_446] : memref<53248x64xf32, #tpu.memory_space<hbm>> -> memref<53248x64xf32, #tpu.memory_space<hbm>>
      tpu.wait_indirect_dma semaphore(%arg11 : memref<!tpu.dma_semaphore, #tpu.memory_space<semaphore_mem>>) src(%dma_wait3A_447 : memref<53248x64xf32, #tpu.memory_space<hbm>>) dst(%dma_wait3A_441 : memref<128x64xf32, #tpu.memory_space<vmem>>)
      %dma_wait3A_448 = arith.constant 1 : i32
      %dma_wait3A_449 = arith.constant 7 : i32
      %dma_wait3A_450 = arith.constant 0 : i32
      %dma_wait3A_451 = arith.constant 0 : i32
      %dma_wait3A_452 = tpu.memref_slice %arg9[%dma_wait3A_448, %dma_wait3A_450, %dma_wait3A_451] : memref<2x128x64xf32, #tpu.memory_space<vmem>> -> memref<1x128x64xf32, #tpu.memory_space<vmem>>
      %dma_wait3A_453 = tpu.memref_squeeze %dma_wait3A_452 : memref<1x128x64xf32, #tpu.memory_space<vmem>> -> memref<128x64xf32, #tpu.memory_space<vmem>>
      %dma_wait3A_454 = arith.constant 0 : i32
      %dma_wait3A_455 = tpu.memref_slice %arg8[%dma_wait3A_449, %dma_wait3A_454] : memref<14x128xi32, #tpu.memory_space<vmem>> -> memref<1x128xi32, #tpu.memory_space<vmem>>
      %dma_wait3A_456 = tpu.memref_squeeze %dma_wait3A_455 : memref<1x128xi32, #tpu.memory_space<vmem>> -> memref<128xi32, #tpu.memory_space<vmem>>
      %dma_wait3A_457 = arith.constant 0 : i32
      %dma_wait3A_458 = arith.constant 0 : i32
      %dma_wait3A_459 = tpu.memref_slice %arg10[%dma_wait3A_457, %dma_wait3A_458] : memref<26640x64xf32, #tpu.memory_space<vmem_shared>> -> memref<26640x64xf32, #tpu.memory_space<vmem_shared>>
      tpu.wait_indirect_dma semaphore(%arg14 : memref<!tpu.dma_semaphore, #tpu.memory_space<semaphore_mem>>) src(%dma_wait3A_453 : memref<128x64xf32, #tpu.memory_space<vmem>>) dst(%dma_wait3A_459 : memref<26640x64xf32, #tpu.memory_space<vmem_shared>>)
      %dma_start3A_460 = arith.constant 9 : i32
      %dma_start3A_461 = arith.constant 1 : i32
      %dma_start3A_462 = arith.constant 0 : i32
      %dma_start3A_463 = arith.constant 0 : i32
      %dma_start3A_464 = tpu.memref_slice %arg9[%dma_start3A_461, %dma_start3A_462, %dma_start3A_463] : memref<2x128x64xf32, #tpu.memory_space<vmem>> -> memref<1x128x64xf32, #tpu.memory_space<vmem>>
      %dma_start3A_465 = tpu.memref_squeeze %dma_start3A_464 : memref<1x128x64xf32, #tpu.memory_space<vmem>> -> memref<128x64xf32, #tpu.memory_space<vmem>>
      %dma_start3A_466 = arith.constant 0 : i32
      %dma_start3A_467 = tpu.memref_slice %arg6[%dma_start3A_460, %dma_start3A_466] : memref<14x128xi32, #tpu.memory_space<vmem>> -> memref<1x128xi32, #tpu.memory_space<vmem>>
      %dma_start3A_468 = tpu.memref_squeeze %dma_start3A_467 : memref<1x128xi32, #tpu.memory_space<vmem>> -> memref<128xi32, #tpu.memory_space<vmem>>
      %dma_start3A_469 = arith.constant 0 : i32
      %dma_start3A_470 = arith.constant 0 : i32
      %dma_start3A_471 = tpu.memref_slice %arg2[%dma_start3A_469, %dma_start3A_470] : memref<53248x64xf32, #tpu.memory_space<hbm>> -> memref<53248x64xf32, #tpu.memory_space<hbm>>
      tpu.enqueue_indirect_dma source(%dma_start3A_471 : memref<53248x64xf32, #tpu.memory_space<hbm>>) target(%dma_start3A_465 : memref<128x64xf32, #tpu.memory_space<vmem>>) offsets(%dma_start3A_468 : memref<128xi32, #tpu.memory_space<vmem>>) semaphore(%arg12 : memref<!tpu.dma_semaphore, #tpu.memory_space<semaphore_mem>>)
      %dma_start3A_472 = arith.constant 0 : i32
      %dma_start3A_473 = arith.constant 8 : i32
      %dma_start3A_474 = arith.constant 0 : i32
      %dma_start3A_475 = arith.constant 0 : i32
      %dma_start3A_476 = tpu.memref_slice %arg9[%dma_start3A_472, %dma_start3A_474, %dma_start3A_475] : memref<2x128x64xf32, #tpu.memory_space<vmem>> -> memref<1x128x64xf32, #tpu.memory_space<vmem>>
      %dma_start3A_477 = tpu.memref_squeeze %dma_start3A_476 : memref<1x128x64xf32, #tpu.memory_space<vmem>> -> memref<128x64xf32, #tpu.memory_space<vmem>>
      %dma_start3A_478 = arith.constant 0 : i32
      %dma_start3A_479 = tpu.memref_slice %arg8[%dma_start3A_473, %dma_start3A_478] : memref<14x128xi32, #tpu.memory_space<vmem>> -> memref<1x128xi32, #tpu.memory_space<vmem>>
      %dma_start3A_480 = tpu.memref_squeeze %dma_start3A_479 : memref<1x128xi32, #tpu.memory_space<vmem>> -> memref<128xi32, #tpu.memory_space<vmem>>
      %dma_start3A_481 = arith.constant 0 : i32
      %dma_start3A_482 = arith.constant 0 : i32
      %dma_start3A_483 = tpu.memref_slice %arg10[%dma_start3A_481, %dma_start3A_482] : memref<26640x64xf32, #tpu.memory_space<vmem_shared>> -> memref<26640x64xf32, #tpu.memory_space<vmem_shared>>
      tpu.enqueue_indirect_dma source(%dma_start3A_477 : memref<128x64xf32, #tpu.memory_space<vmem>>) target(%dma_start3A_483 : memref<26640x64xf32, #tpu.memory_space<vmem_shared>>) offsets(%dma_start3A_480 : memref<128xi32, #tpu.memory_space<vmem>>) semaphore(%arg13 : memref<!tpu.dma_semaphore, #tpu.memory_space<semaphore_mem>>) {add = true}
      %dma_wait3A_484 = arith.constant 9 : i32
      %dma_wait3A_485 = arith.constant 1 : i32
      %dma_wait3A_486 = arith.constant 0 : i32
      %dma_wait3A_487 = arith.constant 0 : i32
      %dma_wait3A_488 = tpu.memref_slice %arg9[%dma_wait3A_485, %dma_wait3A_486, %dma_wait3A_487] : memref<2x128x64xf32, #tpu.memory_space<vmem>> -> memref<1x128x64xf32, #tpu.memory_space<vmem>>
      %dma_wait3A_489 = tpu.memref_squeeze %dma_wait3A_488 : memref<1x128x64xf32, #tpu.memory_space<vmem>> -> memref<128x64xf32, #tpu.memory_space<vmem>>
      %dma_wait3A_490 = arith.constant 0 : i32
      %dma_wait3A_491 = tpu.memref_slice %arg6[%dma_wait3A_484, %dma_wait3A_490] : memref<14x128xi32, #tpu.memory_space<vmem>> -> memref<1x128xi32, #tpu.memory_space<vmem>>
      %dma_wait3A_492 = tpu.memref_squeeze %dma_wait3A_491 : memref<1x128xi32, #tpu.memory_space<vmem>> -> memref<128xi32, #tpu.memory_space<vmem>>
      %dma_wait3A_493 = arith.constant 0 : i32
      %dma_wait3A_494 = arith.constant 0 : i32
      %dma_wait3A_495 = tpu.memref_slice %arg2[%dma_wait3A_493, %dma_wait3A_494] : memref<53248x64xf32, #tpu.memory_space<hbm>> -> memref<53248x64xf32, #tpu.memory_space<hbm>>
      tpu.wait_indirect_dma semaphore(%arg12 : memref<!tpu.dma_semaphore, #tpu.memory_space<semaphore_mem>>) src(%dma_wait3A_495 : memref<53248x64xf32, #tpu.memory_space<hbm>>) dst(%dma_wait3A_489 : memref<128x64xf32, #tpu.memory_space<vmem>>)
      %dma_wait3A_496 = arith.constant 0 : i32
      %dma_wait3A_497 = arith.constant 8 : i32
      %dma_wait3A_498 = arith.constant 0 : i32
      %dma_wait3A_499 = arith.constant 0 : i32
      %dma_wait3A_500 = tpu.memref_slice %arg9[%dma_wait3A_496, %dma_wait3A_498, %dma_wait3A_499] : memref<2x128x64xf32, #tpu.memory_space<vmem>> -> memref<1x128x64xf32, #tpu.memory_space<vmem>>
      %dma_wait3A_501 = tpu.memref_squeeze %dma_wait3A_500 : memref<1x128x64xf32, #tpu.memory_space<vmem>> -> memref<128x64xf32, #tpu.memory_space<vmem>>
      %dma_wait3A_502 = arith.constant 0 : i32
      %dma_wait3A_503 = tpu.memref_slice %arg8[%dma_wait3A_497, %dma_wait3A_502] : memref<14x128xi32, #tpu.memory_space<vmem>> -> memref<1x128xi32, #tpu.memory_space<vmem>>
      %dma_wait3A_504 = tpu.memref_squeeze %dma_wait3A_503 : memref<1x128xi32, #tpu.memory_space<vmem>> -> memref<128xi32, #tpu.memory_space<vmem>>
      %dma_wait3A_505 = arith.constant 0 : i32
      %dma_wait3A_506 = arith.constant 0 : i32
      %dma_wait3A_507 = tpu.memref_slice %arg10[%dma_wait3A_505, %dma_wait3A_506] : memref<26640x64xf32, #tpu.memory_space<vmem_shared>> -> memref<26640x64xf32, #tpu.memory_space<vmem_shared>>
      tpu.wait_indirect_dma semaphore(%arg13 : memref<!tpu.dma_semaphore, #tpu.memory_space<semaphore_mem>>) src(%dma_wait3A_501 : memref<128x64xf32, #tpu.memory_space<vmem>>) dst(%dma_wait3A_507 : memref<26640x64xf32, #tpu.memory_space<vmem_shared>>)
      %dma_start3A_508 = arith.constant 10 : i32
      %dma_start3A_509 = arith.constant 0 : i32
      %dma_start3A_510 = arith.constant 0 : i32
      %dma_start3A_511 = arith.constant 0 : i32
      %dma_start3A_512 = tpu.memref_slice %arg9[%dma_start3A_509, %dma_start3A_510, %dma_start3A_511] : memref<2x128x64xf32, #tpu.memory_space<vmem>> -> memref<1x128x64xf32, #tpu.memory_space<vmem>>
      %dma_start3A_513 = tpu.memref_squeeze %dma_start3A_512 : memref<1x128x64xf32, #tpu.memory_space<vmem>> -> memref<128x64xf32, #tpu.memory_space<vmem>>
      %dma_start3A_514 = arith.constant 0 : i32
      %dma_start3A_515 = tpu.memref_slice %arg6[%dma_start3A_508, %dma_start3A_514] : memref<14x128xi32, #tpu.memory_space<vmem>> -> memref<1x128xi32, #tpu.memory_space<vmem>>
      %dma_start3A_516 = tpu.memref_squeeze %dma_start3A_515 : memref<1x128xi32, #tpu.memory_space<vmem>> -> memref<128xi32, #tpu.memory_space<vmem>>
      %dma_start3A_517 = arith.constant 0 : i32
      %dma_start3A_518 = arith.constant 0 : i32
      %dma_start3A_519 = tpu.memref_slice %arg2[%dma_start3A_517, %dma_start3A_518] : memref<53248x64xf32, #tpu.memory_space<hbm>> -> memref<53248x64xf32, #tpu.memory_space<hbm>>
      tpu.enqueue_indirect_dma source(%dma_start3A_519 : memref<53248x64xf32, #tpu.memory_space<hbm>>) target(%dma_start3A_513 : memref<128x64xf32, #tpu.memory_space<vmem>>) offsets(%dma_start3A_516 : memref<128xi32, #tpu.memory_space<vmem>>) semaphore(%arg11 : memref<!tpu.dma_semaphore, #tpu.memory_space<semaphore_mem>>)
      %dma_start3A_520 = arith.constant 1 : i32
      %dma_start3A_521 = arith.constant 9 : i32
      %dma_start3A_522 = arith.constant 0 : i32
      %dma_start3A_523 = arith.constant 0 : i32
      %dma_start3A_524 = tpu.memref_slice %arg9[%dma_start3A_520, %dma_start3A_522, %dma_start3A_523] : memref<2x128x64xf32, #tpu.memory_space<vmem>> -> memref<1x128x64xf32, #tpu.memory_space<vmem>>
      %dma_start3A_525 = tpu.memref_squeeze %dma_start3A_524 : memref<1x128x64xf32, #tpu.memory_space<vmem>> -> memref<128x64xf32, #tpu.memory_space<vmem>>
      %dma_start3A_526 = arith.constant 0 : i32
      %dma_start3A_527 = tpu.memref_slice %arg8[%dma_start3A_521, %dma_start3A_526] : memref<14x128xi32, #tpu.memory_space<vmem>> -> memref<1x128xi32, #tpu.memory_space<vmem>>
      %dma_start3A_528 = tpu.memref_squeeze %dma_start3A_527 : memref<1x128xi32, #tpu.memory_space<vmem>> -> memref<128xi32, #tpu.memory_space<vmem>>
      %dma_start3A_529 = arith.constant 0 : i32
      %dma_start3A_530 = arith.constant 0 : i32
      %dma_start3A_531 = tpu.memref_slice %arg10[%dma_start3A_529, %dma_start3A_530] : memref<26640x64xf32, #tpu.memory_space<vmem_shared>> -> memref<26640x64xf32, #tpu.memory_space<vmem_shared>>
      tpu.enqueue_indirect_dma source(%dma_start3A_525 : memref<128x64xf32, #tpu.memory_space<vmem>>) target(%dma_start3A_531 : memref<26640x64xf32, #tpu.memory_space<vmem_shared>>) offsets(%dma_start3A_528 : memref<128xi32, #tpu.memory_space<vmem>>) semaphore(%arg14 : memref<!tpu.dma_semaphore, #tpu.memory_space<semaphore_mem>>) {add = true}
      %dma_wait3A_532 = arith.constant 10 : i32
      %dma_wait3A_533 = arith.constant 0 : i32
      %dma_wait3A_534 = arith.constant 0 : i32
      %dma_wait3A_535 = arith.constant 0 : i32
      %dma_wait3A_536 = tpu.memref_slice %arg9[%dma_wait3A_533, %dma_wait3A_534, %dma_wait3A_535] : memref<2x128x64xf32, #tpu.memory_space<vmem>> -> memref<1x128x64xf32, #tpu.memory_space<vmem>>
      %dma_wait3A_537 = tpu.memref_squeeze %dma_wait3A_536 : memref<1x128x64xf32, #tpu.memory_space<vmem>> -> memref<128x64xf32, #tpu.memory_space<vmem>>
      %dma_wait3A_538 = arith.constant 0 : i32
      %dma_wait3A_539 = tpu.memref_slice %arg6[%dma_wait3A_532, %dma_wait3A_538] : memref<14x128xi32, #tpu.memory_space<vmem>> -> memref<1x128xi32, #tpu.memory_space<vmem>>
      %dma_wait3A_540 = tpu.memref_squeeze %dma_wait3A_539 : memref<1x128xi32, #tpu.memory_space<vmem>> -> memref<128xi32, #tpu.memory_space<vmem>>
      %dma_wait3A_541 = arith.constant 0 : i32
      %dma_wait3A_542 = arith.constant 0 : i32
      %dma_wait3A_543 = tpu.memref_slice %arg2[%dma_wait3A_541, %dma_wait3A_542] : memref<53248x64xf32, #tpu.memory_space<hbm>> -> memref<53248x64xf32, #tpu.memory_space<hbm>>
      tpu.wait_indirect_dma semaphore(%arg11 : memref<!tpu.dma_semaphore, #tpu.memory_space<semaphore_mem>>) src(%dma_wait3A_543 : memref<53248x64xf32, #tpu.memory_space<hbm>>) dst(%dma_wait3A_537 : memref<128x64xf32, #tpu.memory_space<vmem>>)
      %dma_wait3A_544 = arith.constant 1 : i32
      %dma_wait3A_545 = arith.constant 9 : i32
      %dma_wait3A_546 = arith.constant 0 : i32
      %dma_wait3A_547 = arith.constant 0 : i32
      %dma_wait3A_548 = tpu.memref_slice %arg9[%dma_wait3A_544, %dma_wait3A_546, %dma_wait3A_547] : memref<2x128x64xf32, #tpu.memory_space<vmem>> -> memref<1x128x64xf32, #tpu.memory_space<vmem>>
      %dma_wait3A_549 = tpu.memref_squeeze %dma_wait3A_548 : memref<1x128x64xf32, #tpu.memory_space<vmem>> -> memref<128x64xf32, #tpu.memory_space<vmem>>
      %dma_wait3A_550 = arith.constant 0 : i32
      %dma_wait3A_551 = tpu.memref_slice %arg8[%dma_wait3A_545, %dma_wait3A_550] : memref<14x128xi32, #tpu.memory_space<vmem>> -> memref<1x128xi32, #tpu.memory_space<vmem>>
      %dma_wait3A_552 = tpu.memref_squeeze %dma_wait3A_551 : memref<1x128xi32, #tpu.memory_space<vmem>> -> memref<128xi32, #tpu.memory_space<vmem>>
      %dma_wait3A_553 = arith.constant 0 : i32
      %dma_wait3A_554 = arith.constant 0 : i32
      %dma_wait3A_555 = tpu.memref_slice %arg10[%dma_wait3A_553, %dma_wait3A_554] : memref<26640x64xf32, #tpu.memory_space<vmem_shared>> -> memref<26640x64xf32, #tpu.memory_space<vmem_shared>>
      tpu.wait_indirect_dma semaphore(%arg14 : memref<!tpu.dma_semaphore, #tpu.memory_space<semaphore_mem>>) src(%dma_wait3A_549 : memref<128x64xf32, #tpu.memory_space<vmem>>) dst(%dma_wait3A_555 : memref<26640x64xf32, #tpu.memory_space<vmem_shared>>)
      %dma_start3A_556 = arith.constant 11 : i32
      %dma_start3A_557 = arith.constant 1 : i32
      %dma_start3A_558 = arith.constant 0 : i32
      %dma_start3A_559 = arith.constant 0 : i32
      %dma_start3A_560 = tpu.memref_slice %arg9[%dma_start3A_557, %dma_start3A_558, %dma_start3A_559] : memref<2x128x64xf32, #tpu.memory_space<vmem>> -> memref<1x128x64xf32, #tpu.memory_space<vmem>>
      %dma_start3A_561 = tpu.memref_squeeze %dma_start3A_560 : memref<1x128x64xf32, #tpu.memory_space<vmem>> -> memref<128x64xf32, #tpu.memory_space<vmem>>
      %dma_start3A_562 = arith.constant 0 : i32
      %dma_start3A_563 = tpu.memref_slice %arg6[%dma_start3A_556, %dma_start3A_562] : memref<14x128xi32, #tpu.memory_space<vmem>> -> memref<1x128xi32, #tpu.memory_space<vmem>>
      %dma_start3A_564 = tpu.memref_squeeze %dma_start3A_563 : memref<1x128xi32, #tpu.memory_space<vmem>> -> memref<128xi32, #tpu.memory_space<vmem>>
      %dma_start3A_565 = arith.constant 0 : i32
      %dma_start3A_566 = arith.constant 0 : i32
      %dma_start3A_567 = tpu.memref_slice %arg2[%dma_start3A_565, %dma_start3A_566] : memref<53248x64xf32, #tpu.memory_space<hbm>> -> memref<53248x64xf32, #tpu.memory_space<hbm>>
      tpu.enqueue_indirect_dma source(%dma_start3A_567 : memref<53248x64xf32, #tpu.memory_space<hbm>>) target(%dma_start3A_561 : memref<128x64xf32, #tpu.memory_space<vmem>>) offsets(%dma_start3A_564 : memref<128xi32, #tpu.memory_space<vmem>>) semaphore(%arg12 : memref<!tpu.dma_semaphore, #tpu.memory_space<semaphore_mem>>)
      %dma_start3A_568 = arith.constant 0 : i32
      %dma_start3A_569 = arith.constant 10 : i32
      %dma_start3A_570 = arith.constant 0 : i32
      %dma_start3A_571 = arith.constant 0 : i32
      %dma_start3A_572 = tpu.memref_slice %arg9[%dma_start3A_568, %dma_start3A_570, %dma_start3A_571] : memref<2x128x64xf32, #tpu.memory_space<vmem>> -> memref<1x128x64xf32, #tpu.memory_space<vmem>>
      %dma_start3A_573 = tpu.memref_squeeze %dma_start3A_572 : memref<1x128x64xf32, #tpu.memory_space<vmem>> -> memref<128x64xf32, #tpu.memory_space<vmem>>
      %dma_start3A_574 = arith.constant 0 : i32
      %dma_start3A_575 = tpu.memref_slice %arg8[%dma_start3A_569, %dma_start3A_574] : memref<14x128xi32, #tpu.memory_space<vmem>> -> memref<1x128xi32, #tpu.memory_space<vmem>>
      %dma_start3A_576 = tpu.memref_squeeze %dma_start3A_575 : memref<1x128xi32, #tpu.memory_space<vmem>> -> memref<128xi32, #tpu.memory_space<vmem>>
      %dma_start3A_577 = arith.constant 0 : i32
      %dma_start3A_578 = arith.constant 0 : i32
      %dma_start3A_579 = tpu.memref_slice %arg10[%dma_start3A_577, %dma_start3A_578] : memref<26640x64xf32, #tpu.memory_space<vmem_shared>> -> memref<26640x64xf32, #tpu.memory_space<vmem_shared>>
      tpu.enqueue_indirect_dma source(%dma_start3A_573 : memref<128x64xf32, #tpu.memory_space<vmem>>) target(%dma_start3A_579 : memref<26640x64xf32, #tpu.memory_space<vmem_shared>>) offsets(%dma_start3A_576 : memref<128xi32, #tpu.memory_space<vmem>>) semaphore(%arg13 : memref<!tpu.dma_semaphore, #tpu.memory_space<semaphore_mem>>) {add = true}
      %dma_wait3A_580 = arith.constant 11 : i32
      %dma_wait3A_581 = arith.constant 1 : i32
      %dma_wait3A_582 = arith.constant 0 : i32
      %dma_wait3A_583 = arith.constant 0 : i32
      %dma_wait3A_584 = tpu.memref_slice %arg9[%dma_wait3A_581, %dma_wait3A_582, %dma_wait3A_583] : memref<2x128x64xf32, #tpu.memory_space<vmem>> -> memref<1x128x64xf32, #tpu.memory_space<vmem>>
      %dma_wait3A_585 = tpu.memref_squeeze %dma_wait3A_584 : memref<1x128x64xf32, #tpu.memory_space<vmem>> -> memref<128x64xf32, #tpu.memory_space<vmem>>
      %dma_wait3A_586 = arith.constant 0 : i32
      %dma_wait3A_587 = tpu.memref_slice %arg6[%dma_wait3A_580, %dma_wait3A_586] : memref<14x128xi32, #tpu.memory_space<vmem>> -> memref<1x128xi32, #tpu.memory_space<vmem>>
      %dma_wait3A_588 = tpu.memref_squeeze %dma_wait3A_587 : memref<1x128xi32, #tpu.memory_space<vmem>> -> memref<128xi32, #tpu.memory_space<vmem>>
      %dma_wait3A_589 = arith.constant 0 : i32
      %dma_wait3A_590 = arith.constant 0 : i32
      %dma_wait3A_591 = tpu.memref_slice %arg2[%dma_wait3A_589, %dma_wait3A_590] : memref<53248x64xf32, #tpu.memory_space<hbm>> -> memref<53248x64xf32, #tpu.memory_space<hbm>>
      tpu.wait_indirect_dma semaphore(%arg12 : memref<!tpu.dma_semaphore, #tpu.memory_space<semaphore_mem>>) src(%dma_wait3A_591 : memref<53248x64xf32, #tpu.memory_space<hbm>>) dst(%dma_wait3A_585 : memref<128x64xf32, #tpu.memory_space<vmem>>)
      %dma_wait3A_592 = arith.constant 0 : i32
      %dma_wait3A_593 = arith.constant 10 : i32
      %dma_wait3A_594 = arith.constant 0 : i32
      %dma_wait3A_595 = arith.constant 0 : i32
      %dma_wait3A_596 = tpu.memref_slice %arg9[%dma_wait3A_592, %dma_wait3A_594, %dma_wait3A_595] : memref<2x128x64xf32, #tpu.memory_space<vmem>> -> memref<1x128x64xf32, #tpu.memory_space<vmem>>
      %dma_wait3A_597 = tpu.memref_squeeze %dma_wait3A_596 : memref<1x128x64xf32, #tpu.memory_space<vmem>> -> memref<128x64xf32, #tpu.memory_space<vmem>>
      %dma_wait3A_598 = arith.constant 0 : i32
      %dma_wait3A_599 = tpu.memref_slice %arg8[%dma_wait3A_593, %dma_wait3A_598] : memref<14x128xi32, #tpu.memory_space<vmem>> -> memref<1x128xi32, #tpu.memory_space<vmem>>
      %dma_wait3A_600 = tpu.memref_squeeze %dma_wait3A_599 : memref<1x128xi32, #tpu.memory_space<vmem>> -> memref<128xi32, #tpu.memory_space<vmem>>
      %dma_wait3A_601 = arith.constant 0 : i32
      %dma_wait3A_602 = arith.constant 0 : i32
      %dma_wait3A_603 = tpu.memref_slice %arg10[%dma_wait3A_601, %dma_wait3A_602] : memref<26640x64xf32, #tpu.memory_space<vmem_shared>> -> memref<26640x64xf32, #tpu.memory_space<vmem_shared>>
      tpu.wait_indirect_dma semaphore(%arg13 : memref<!tpu.dma_semaphore, #tpu.memory_space<semaphore_mem>>) src(%dma_wait3A_597 : memref<128x64xf32, #tpu.memory_space<vmem>>) dst(%dma_wait3A_603 : memref<26640x64xf32, #tpu.memory_space<vmem_shared>>)
      %dma_start3A_604 = arith.constant 12 : i32
      %dma_start3A_605 = arith.constant 0 : i32
      %dma_start3A_606 = arith.constant 0 : i32
      %dma_start3A_607 = arith.constant 0 : i32
      %dma_start3A_608 = tpu.memref_slice %arg9[%dma_start3A_605, %dma_start3A_606, %dma_start3A_607] : memref<2x128x64xf32, #tpu.memory_space<vmem>> -> memref<1x128x64xf32, #tpu.memory_space<vmem>>
      %dma_start3A_609 = tpu.memref_squeeze %dma_start3A_608 : memref<1x128x64xf32, #tpu.memory_space<vmem>> -> memref<128x64xf32, #tpu.memory_space<vmem>>
      %dma_start3A_610 = arith.constant 0 : i32
      %dma_start3A_611 = tpu.memref_slice %arg6[%dma_start3A_604, %dma_start3A_610] : memref<14x128xi32, #tpu.memory_space<vmem>> -> memref<1x128xi32, #tpu.memory_space<vmem>>
      %dma_start3A_612 = tpu.memref_squeeze %dma_start3A_611 : memref<1x128xi32, #tpu.memory_space<vmem>> -> memref<128xi32, #tpu.memory_space<vmem>>
      %dma_start3A_613 = arith.constant 0 : i32
      %dma_start3A_614 = arith.constant 0 : i32
      %dma_start3A_615 = tpu.memref_slice %arg2[%dma_start3A_613, %dma_start3A_614] : memref<53248x64xf32, #tpu.memory_space<hbm>> -> memref<53248x64xf32, #tpu.memory_space<hbm>>
      tpu.enqueue_indirect_dma source(%dma_start3A_615 : memref<53248x64xf32, #tpu.memory_space<hbm>>) target(%dma_start3A_609 : memref<128x64xf32, #tpu.memory_space<vmem>>) offsets(%dma_start3A_612 : memref<128xi32, #tpu.memory_space<vmem>>) semaphore(%arg11 : memref<!tpu.dma_semaphore, #tpu.memory_space<semaphore_mem>>)
      %dma_start3A_616 = arith.constant 1 : i32
      %dma_start3A_617 = arith.constant 11 : i32
      %dma_start3A_618 = arith.constant 0 : i32
      %dma_start3A_619 = arith.constant 0 : i32
      %dma_start3A_620 = tpu.memref_slice %arg9[%dma_start3A_616, %dma_start3A_618, %dma_start3A_619] : memref<2x128x64xf32, #tpu.memory_space<vmem>> -> memref<1x128x64xf32, #tpu.memory_space<vmem>>
      %dma_start3A_621 = tpu.memref_squeeze %dma_start3A_620 : memref<1x128x64xf32, #tpu.memory_space<vmem>> -> memref<128x64xf32, #tpu.memory_space<vmem>>
      %dma_start3A_622 = arith.constant 0 : i32
      %dma_start3A_623 = tpu.memref_slice %arg8[%dma_start3A_617, %dma_start3A_622] : memref<14x128xi32, #tpu.memory_space<vmem>> -> memref<1x128xi32, #tpu.memory_space<vmem>>
      %dma_start3A_624 = tpu.memref_squeeze %dma_start3A_623 : memref<1x128xi32, #tpu.memory_space<vmem>> -> memref<128xi32, #tpu.memory_space<vmem>>
      %dma_start3A_625 = arith.constant 0 : i32
      %dma_start3A_626 = arith.constant 0 : i32
      %dma_start3A_627 = tpu.memref_slice %arg10[%dma_start3A_625, %dma_start3A_626] : memref<26640x64xf32, #tpu.memory_space<vmem_shared>> -> memref<26640x64xf32, #tpu.memory_space<vmem_shared>>
      tpu.enqueue_indirect_dma source(%dma_start3A_621 : memref<128x64xf32, #tpu.memory_space<vmem>>) target(%dma_start3A_627 : memref<26640x64xf32, #tpu.memory_space<vmem_shared>>) offsets(%dma_start3A_624 : memref<128xi32, #tpu.memory_space<vmem>>) semaphore(%arg14 : memref<!tpu.dma_semaphore, #tpu.memory_space<semaphore_mem>>) {add = true}
      %dma_wait3A_628 = arith.constant 12 : i32
      %dma_wait3A_629 = arith.constant 0 : i32
      %dma_wait3A_630 = arith.constant 0 : i32
      %dma_wait3A_631 = arith.constant 0 : i32
      %dma_wait3A_632 = tpu.memref_slice %arg9[%dma_wait3A_629, %dma_wait3A_630, %dma_wait3A_631] : memref<2x128x64xf32, #tpu.memory_space<vmem>> -> memref<1x128x64xf32, #tpu.memory_space<vmem>>
      %dma_wait3A_633 = tpu.memref_squeeze %dma_wait3A_632 : memref<1x128x64xf32, #tpu.memory_space<vmem>> -> memref<128x64xf32, #tpu.memory_space<vmem>>
      %dma_wait3A_634 = arith.constant 0 : i32
      %dma_wait3A_635 = tpu.memref_slice %arg6[%dma_wait3A_628, %dma_wait3A_634] : memref<14x128xi32, #tpu.memory_space<vmem>> -> memref<1x128xi32, #tpu.memory_space<vmem>>
      %dma_wait3A_636 = tpu.memref_squeeze %dma_wait3A_635 : memref<1x128xi32, #tpu.memory_space<vmem>> -> memref<128xi32, #tpu.memory_space<vmem>>
      %dma_wait3A_637 = arith.constant 0 : i32
      %dma_wait3A_638 = arith.constant 0 : i32
      %dma_wait3A_639 = tpu.memref_slice %arg2[%dma_wait3A_637, %dma_wait3A_638] : memref<53248x64xf32, #tpu.memory_space<hbm>> -> memref<53248x64xf32, #tpu.memory_space<hbm>>
      tpu.wait_indirect_dma semaphore(%arg11 : memref<!tpu.dma_semaphore, #tpu.memory_space<semaphore_mem>>) src(%dma_wait3A_639 : memref<53248x64xf32, #tpu.memory_space<hbm>>) dst(%dma_wait3A_633 : memref<128x64xf32, #tpu.memory_space<vmem>>)
      %dma_wait3A_640 = arith.constant 1 : i32
      %dma_wait3A_641 = arith.constant 11 : i32
      %dma_wait3A_642 = arith.constant 0 : i32
      %dma_wait3A_643 = arith.constant 0 : i32
      %dma_wait3A_644 = tpu.memref_slice %arg9[%dma_wait3A_640, %dma_wait3A_642, %dma_wait3A_643] : memref<2x128x64xf32, #tpu.memory_space<vmem>> -> memref<1x128x64xf32, #tpu.memory_space<vmem>>
      %dma_wait3A_645 = tpu.memref_squeeze %dma_wait3A_644 : memref<1x128x64xf32, #tpu.memory_space<vmem>> -> memref<128x64xf32, #tpu.memory_space<vmem>>
      %dma_wait3A_646 = arith.constant 0 : i32
      %dma_wait3A_647 = tpu.memref_slice %arg8[%dma_wait3A_641, %dma_wait3A_646] : memref<14x128xi32, #tpu.memory_space<vmem>> -> memref<1x128xi32, #tpu.memory_space<vmem>>
      %dma_wait3A_648 = tpu.memref_squeeze %dma_wait3A_647 : memref<1x128xi32, #tpu.memory_space<vmem>> -> memref<128xi32, #tpu.memory_space<vmem>>
      %dma_wait3A_649 = arith.constant 0 : i32
      %dma_wait3A_650 = arith.constant 0 : i32
      %dma_wait3A_651 = tpu.memref_slice %arg10[%dma_wait3A_649, %dma_wait3A_650] : memref<26640x64xf32, #tpu.memory_space<vmem_shared>> -> memref<26640x64xf32, #tpu.memory_space<vmem_shared>>
      tpu.wait_indirect_dma semaphore(%arg14 : memref<!tpu.dma_semaphore, #tpu.memory_space<semaphore_mem>>) src(%dma_wait3A_645 : memref<128x64xf32, #tpu.memory_space<vmem>>) dst(%dma_wait3A_651 : memref<26640x64xf32, #tpu.memory_space<vmem_shared>>)
      %dma_start3A_652 = arith.constant 13 : i32
      %dma_start3A_653 = arith.constant 1 : i32
      %dma_start3A_654 = arith.constant 0 : i32
      %dma_start3A_655 = arith.constant 0 : i32
      %dma_start3A_656 = tpu.memref_slice %arg9[%dma_start3A_653, %dma_start3A_654, %dma_start3A_655] : memref<2x128x64xf32, #tpu.memory_space<vmem>> -> memref<1x128x64xf32, #tpu.memory_space<vmem>>
      %dma_start3A_657 = tpu.memref_squeeze %dma_start3A_656 : memref<1x128x64xf32, #tpu.memory_space<vmem>> -> memref<128x64xf32, #tpu.memory_space<vmem>>
      %dma_start3A_658 = arith.constant 0 : i32
      %dma_start3A_659 = tpu.memref_slice %arg6[%dma_start3A_652, %dma_start3A_658] : memref<14x128xi32, #tpu.memory_space<vmem>> -> memref<1x128xi32, #tpu.memory_space<vmem>>
      %dma_start3A_660 = tpu.memref_squeeze %dma_start3A_659 : memref<1x128xi32, #tpu.memory_space<vmem>> -> memref<128xi32, #tpu.memory_space<vmem>>
      %dma_start3A_661 = arith.constant 0 : i32
      %dma_start3A_662 = arith.constant 0 : i32
      %dma_start3A_663 = tpu.memref_slice %arg2[%dma_start3A_661, %dma_start3A_662] : memref<53248x64xf32, #tpu.memory_space<hbm>> -> memref<53248x64xf32, #tpu.memory_space<hbm>>
      tpu.enqueue_indirect_dma source(%dma_start3A_663 : memref<53248x64xf32, #tpu.memory_space<hbm>>) target(%dma_start3A_657 : memref<128x64xf32, #tpu.memory_space<vmem>>) offsets(%dma_start3A_660 : memref<128xi32, #tpu.memory_space<vmem>>) semaphore(%arg12 : memref<!tpu.dma_semaphore, #tpu.memory_space<semaphore_mem>>)
      %dma_start3A_664 = arith.constant 0 : i32
      %dma_start3A_665 = arith.constant 12 : i32
      %dma_start3A_666 = arith.constant 0 : i32
      %dma_start3A_667 = arith.constant 0 : i32
      %dma_start3A_668 = tpu.memref_slice %arg9[%dma_start3A_664, %dma_start3A_666, %dma_start3A_667] : memref<2x128x64xf32, #tpu.memory_space<vmem>> -> memref<1x128x64xf32, #tpu.memory_space<vmem>>
      %dma_start3A_669 = tpu.memref_squeeze %dma_start3A_668 : memref<1x128x64xf32, #tpu.memory_space<vmem>> -> memref<128x64xf32, #tpu.memory_space<vmem>>
      %dma_start3A_670 = arith.constant 0 : i32
      %dma_start3A_671 = tpu.memref_slice %arg8[%dma_start3A_665, %dma_start3A_670] : memref<14x128xi32, #tpu.memory_space<vmem>> -> memref<1x128xi32, #tpu.memory_space<vmem>>
      %dma_start3A_672 = tpu.memref_squeeze %dma_start3A_671 : memref<1x128xi32, #tpu.memory_space<vmem>> -> memref<128xi32, #tpu.memory_space<vmem>>
      %dma_start3A_673 = arith.constant 0 : i32
      %dma_start3A_674 = arith.constant 0 : i32
      %dma_start3A_675 = tpu.memref_slice %arg10[%dma_start3A_673, %dma_start3A_674] : memref<26640x64xf32, #tpu.memory_space<vmem_shared>> -> memref<26640x64xf32, #tpu.memory_space<vmem_shared>>
      tpu.enqueue_indirect_dma source(%dma_start3A_669 : memref<128x64xf32, #tpu.memory_space<vmem>>) target(%dma_start3A_675 : memref<26640x64xf32, #tpu.memory_space<vmem_shared>>) offsets(%dma_start3A_672 : memref<128xi32, #tpu.memory_space<vmem>>) semaphore(%arg13 : memref<!tpu.dma_semaphore, #tpu.memory_space<semaphore_mem>>) {add = true}
      %dma_wait3A_676 = arith.constant 13 : i32
      %dma_wait3A_677 = arith.constant 1 : i32
      %dma_wait3A_678 = arith.constant 0 : i32
      %dma_wait3A_679 = arith.constant 0 : i32
      %dma_wait3A_680 = tpu.memref_slice %arg9[%dma_wait3A_677, %dma_wait3A_678, %dma_wait3A_679] : memref<2x128x64xf32, #tpu.memory_space<vmem>> -> memref<1x128x64xf32, #tpu.memory_space<vmem>>
      %dma_wait3A_681 = tpu.memref_squeeze %dma_wait3A_680 : memref<1x128x64xf32, #tpu.memory_space<vmem>> -> memref<128x64xf32, #tpu.memory_space<vmem>>
      %dma_wait3A_682 = arith.constant 0 : i32
      %dma_wait3A_683 = tpu.memref_slice %arg6[%dma_wait3A_676, %dma_wait3A_682] : memref<14x128xi32, #tpu.memory_space<vmem>> -> memref<1x128xi32, #tpu.memory_space<vmem>>
      %dma_wait3A_684 = tpu.memref_squeeze %dma_wait3A_683 : memref<1x128xi32, #tpu.memory_space<vmem>> -> memref<128xi32, #tpu.memory_space<vmem>>
      %dma_wait3A_685 = arith.constant 0 : i32
      %dma_wait3A_686 = arith.constant 0 : i32
      %dma_wait3A_687 = tpu.memref_slice %arg2[%dma_wait3A_685, %dma_wait3A_686] : memref<53248x64xf32, #tpu.memory_space<hbm>> -> memref<53248x64xf32, #tpu.memory_space<hbm>>
      tpu.wait_indirect_dma semaphore(%arg12 : memref<!tpu.dma_semaphore, #tpu.memory_space<semaphore_mem>>) src(%dma_wait3A_687 : memref<53248x64xf32, #tpu.memory_space<hbm>>) dst(%dma_wait3A_681 : memref<128x64xf32, #tpu.memory_space<vmem>>)
      %dma_wait3A_688 = arith.constant 0 : i32
      %dma_wait3A_689 = arith.constant 12 : i32
      %dma_wait3A_690 = arith.constant 0 : i32
      %dma_wait3A_691 = arith.constant 0 : i32
      %dma_wait3A_692 = tpu.memref_slice %arg9[%dma_wait3A_688, %dma_wait3A_690, %dma_wait3A_691] : memref<2x128x64xf32, #tpu.memory_space<vmem>> -> memref<1x128x64xf32, #tpu.memory_space<vmem>>
      %dma_wait3A_693 = tpu.memref_squeeze %dma_wait3A_692 : memref<1x128x64xf32, #tpu.memory_space<vmem>> -> memref<128x64xf32, #tpu.memory_space<vmem>>
      %dma_wait3A_694 = arith.constant 0 : i32
      %dma_wait3A_695 = tpu.memref_slice %arg8[%dma_wait3A_689, %dma_wait3A_694] : memref<14x128xi32, #tpu.memory_space<vmem>> -> memref<1x128xi32, #tpu.memory_space<vmem>>
      %dma_wait3A_696 = tpu.memref_squeeze %dma_wait3A_695 : memref<1x128xi32, #tpu.memory_space<vmem>> -> memref<128xi32, #tpu.memory_space<vmem>>
      %dma_wait3A_697 = arith.constant 0 : i32
      %dma_wait3A_698 = arith.constant 0 : i32
      %dma_wait3A_699 = tpu.memref_slice %arg10[%dma_wait3A_697, %dma_wait3A_698] : memref<26640x64xf32, #tpu.memory_space<vmem_shared>> -> memref<26640x64xf32, #tpu.memory_space<vmem_shared>>
      tpu.wait_indirect_dma semaphore(%arg13 : memref<!tpu.dma_semaphore, #tpu.memory_space<semaphore_mem>>) src(%dma_wait3A_693 : memref<128x64xf32, #tpu.memory_space<vmem>>) dst(%dma_wait3A_699 : memref<26640x64xf32, #tpu.memory_space<vmem_shared>>)
      %dma_start3A_700 = arith.constant 1 : i32
      %dma_start3A_701 = arith.constant 13 : i32
      %dma_start3A_702 = arith.constant 0 : i32
      %dma_start3A_703 = arith.constant 0 : i32
      %dma_start3A_704 = tpu.memref_slice %arg9[%dma_start3A_700, %dma_start3A_702, %dma_start3A_703] : memref<2x128x64xf32, #tpu.memory_space<vmem>> -> memref<1x128x64xf32, #tpu.memory_space<vmem>>
      %dma_start3A_705 = tpu.memref_squeeze %dma_start3A_704 : memref<1x128x64xf32, #tpu.memory_space<vmem>> -> memref<128x64xf32, #tpu.memory_space<vmem>>
      %dma_start3A_706 = arith.constant 0 : i32
      %dma_start3A_707 = tpu.memref_slice %arg8[%dma_start3A_701, %dma_start3A_706] : memref<14x128xi32, #tpu.memory_space<vmem>> -> memref<1x128xi32, #tpu.memory_space<vmem>>
      %dma_start3A_708 = tpu.memref_squeeze %dma_start3A_707 : memref<1x128xi32, #tpu.memory_space<vmem>> -> memref<128xi32, #tpu.memory_space<vmem>>
      %dma_start3A_709 = arith.constant 0 : i32
      %dma_start3A_710 = arith.constant 0 : i32
      %dma_start3A_711 = tpu.memref_slice %arg10[%dma_start3A_709, %dma_start3A_710] : memref<26640x64xf32, #tpu.memory_space<vmem_shared>> -> memref<26640x64xf32, #tpu.memory_space<vmem_shared>>
      tpu.enqueue_indirect_dma source(%dma_start3A_705 : memref<128x64xf32, #tpu.memory_space<vmem>>) target(%dma_start3A_711 : memref<26640x64xf32, #tpu.memory_space<vmem_shared>>) offsets(%dma_start3A_708 : memref<128xi32, #tpu.memory_space<vmem>>) semaphore(%arg14 : memref<!tpu.dma_semaphore, #tpu.memory_space<semaphore_mem>>) {add = true}
      %dma_wait3A_712 = arith.constant 1 : i32
      %dma_wait3A_713 = arith.constant 13 : i32
      %dma_wait3A_714 = arith.constant 0 : i32
      %dma_wait3A_715 = arith.constant 0 : i32
      %dma_wait3A_716 = tpu.memref_slice %arg9[%dma_wait3A_712, %dma_wait3A_714, %dma_wait3A_715] : memref<2x128x64xf32, #tpu.memory_space<vmem>> -> memref<1x128x64xf32, #tpu.memory_space<vmem>>
      %dma_wait3A_717 = tpu.memref_squeeze %dma_wait3A_716 : memref<1x128x64xf32, #tpu.memory_space<vmem>> -> memref<128x64xf32, #tpu.memory_space<vmem>>
      %dma_wait3A_718 = arith.constant 0 : i32
      %dma_wait3A_719 = tpu.memref_slice %arg8[%dma_wait3A_713, %dma_wait3A_718] : memref<14x128xi32, #tpu.memory_space<vmem>> -> memref<1x128xi32, #tpu.memory_space<vmem>>
      %dma_wait3A_720 = tpu.memref_squeeze %dma_wait3A_719 : memref<1x128xi32, #tpu.memory_space<vmem>> -> memref<128xi32, #tpu.memory_space<vmem>>
      %dma_wait3A_721 = arith.constant 0 : i32
      %dma_wait3A_722 = arith.constant 0 : i32
      %dma_wait3A_723 = tpu.memref_slice %arg10[%dma_wait3A_721, %dma_wait3A_722] : memref<26640x64xf32, #tpu.memory_space<vmem_shared>> -> memref<26640x64xf32, #tpu.memory_space<vmem_shared>>
      tpu.wait_indirect_dma semaphore(%arg14 : memref<!tpu.dma_semaphore, #tpu.memory_space<semaphore_mem>>) src(%dma_wait3A_717 : memref<128x64xf32, #tpu.memory_space<vmem>>) dst(%dma_wait3A_723 : memref<26640x64xf32, #tpu.memory_space<vmem_shared>>)
      %scan3A_724 = arith.constant 0 : i32
      scf.yield %scan3A_724 : i32
    }
    %scan3A_26 = arith.constant 28 : i32
    %barrier3A_27 = arith.constant 0 : index
    tpu.barrier barrier_id(%barrier3A_27)
    %mul3A_28 = arith.constant 26624 : i32
    %mul3A_29 = arith.muli %arg0, %mul3A_28 : i32
    %mul3A_30 = arith.constant 1664 : i32
    %mul3A_31 = arith.muli %arg1, %mul3A_30 : i32
    %add3A_32 = arith.addi %mul3A_29, %mul3A_31 : i32
    %mul3A_33 = arith.constant 1664 : i32
    %mul3A_34 = arith.muli %arg1, %mul3A_33 : i32
    %scan3A_35 = arith.constant 0 : i32
    %scan3A_36 = arith.constant 0 : i32
    %scan3A_37 = arith.constant 13 : i32
    %scan3A_38 = arith.addi %scan3A_36, %scan3A_37 : i32
    %scan3A_39 = arith.constant 1 : i32
    %scan3A_40 = scf.for %scan3A_42 = %scan3A_36 to %scan3A_38 step %scan3A_39 iter_args(%scan3A_43 = %scan3A_35) -> (i32)  : i32 {
      %mul3A_44 = arith.constant 128 : i32
      %mul3A_45 = arith.muli %scan3A_42, %mul3A_44 : i32
      %add3A_46 = arith.addi %mul3A_34, %mul3A_45 : i32
      %run_scoped3A_47 = arith.constant 0 : i32
      "tpu.region"() ({
        %run_scoped3A_53 = tpu.sem_alloc : memref<!tpu.dma_semaphore, #tpu.memory_space<semaphore_mem>>
        %dma_start3A = arith.constant 0 : i32
        %dma_start3A_54 = arith.constant 0 : i32
        %dma_start3A_55 = tpu.memref_slice %arg9[%run_scoped3A_47, %dma_start3A, %dma_start3A_54] : memref<2x128x64xf32, #tpu.memory_space<vmem>> -> memref<1x128x64xf32, #tpu.memory_space<vmem>>
        %dma_start3A_56 = tpu.memref_squeeze %dma_start3A_55 : memref<1x128x64xf32, #tpu.memory_space<vmem>> -> memref<128x64xf32, #tpu.memory_space<vmem>>
        %dma_start3A_57 = arith.constant 0 : i32
        %dma_start3A_58 = tpu.memref_slice %arg10[%add3A_46, %dma_start3A_57] : memref<26640x64xf32, #tpu.memory_space<vmem_shared>> -> memref<128x64xf32, #tpu.memory_space<vmem_shared>>
        %dma_start3A_59 = arith.constant 0 : i32
        %dma_start3A_60 = arith.constant 0 : i32
        %dma_start3A_61 = tpu.memref_slice %arg9[%run_scoped3A_47, %dma_start3A_59, %dma_start3A_60] : memref<2x128x64xf32, #tpu.memory_space<vmem>> -> memref<1x128x64xf32, #tpu.memory_space<vmem>>
        %dma_start3A_62 = tpu.memref_squeeze %dma_start3A_61 : memref<1x128x64xf32, #tpu.memory_space<vmem>> -> memref<128x64xf32, #tpu.memory_space<vmem>>
        %dma_start3A_63 = arith.constant 0 : i32
        %dma_start3A_64 = tpu.memref_slice %arg10[%add3A_46, %dma_start3A_63] : memref<26640x64xf32, #tpu.memory_space<vmem_shared>> -> memref<128x64xf32, #tpu.memory_space<vmem_shared>>
        tpu.enqueue_dma source(%dma_start3A_64 : memref<128x64xf32, #tpu.memory_space<vmem_shared>>) target(%dma_start3A_62 : memref<128x64xf32, #tpu.memory_space<vmem>>) target_semaphore(%run_scoped3A_53 : memref<!tpu.dma_semaphore, #tpu.memory_space<semaphore_mem>>)
        %dma_wait3A = arith.constant 0 : i32
        %dma_wait3A_65 = arith.constant 0 : i32
        %dma_wait3A_66 = tpu.memref_slice %arg9[%run_scoped3A_47, %dma_wait3A, %dma_wait3A_65] : memref<2x128x64xf32, #tpu.memory_space<vmem>> -> memref<1x128x64xf32, #tpu.memory_space<vmem>>
        %dma_wait3A_67 = tpu.memref_squeeze %dma_wait3A_66 : memref<1x128x64xf32, #tpu.memory_space<vmem>> -> memref<128x64xf32, #tpu.memory_space<vmem>>
        %dma_wait3A_68 = arith.constant 0 : i32
        %dma_wait3A_69 = tpu.memref_slice %arg10[%add3A_46, %dma_wait3A_68] : memref<26640x64xf32, #tpu.memory_space<vmem_shared>> -> memref<128x64xf32, #tpu.memory_space<vmem_shared>>
        %dma_wait3A_70 = arith.constant 0 : i32
        %dma_wait3A_71 = arith.constant 0 : i32
        %dma_wait3A_72 = tpu.memref_slice %arg9[%run_scoped3A_47, %dma_wait3A_70, %dma_wait3A_71] : memref<2x128x64xf32, #tpu.memory_space<vmem>> -> memref<1x128x64xf32, #tpu.memory_space<vmem>>
        %dma_wait3A_73 = tpu.memref_squeeze %dma_wait3A_72 : memref<1x128x64xf32, #tpu.memory_space<vmem>> -> memref<128x64xf32, #tpu.memory_space<vmem>>
        %dma_wait3A_74 = arith.constant 0 : i32
        %dma_wait3A_75 = tpu.memref_slice %arg10[%add3A_46, %dma_wait3A_74] : memref<26640x64xf32, #tpu.memory_space<vmem_shared>> -> memref<128x64xf32, #tpu.memory_space<vmem_shared>>
        tpu.wait_dma2 semaphore(%run_scoped3A_53 : memref<!tpu.dma_semaphore, #tpu.memory_space<semaphore_mem>>) src(%dma_wait3A_75 : memref<128x64xf32, #tpu.memory_space<vmem_shared>>) dst(%dma_wait3A_73 : memref<128x64xf32, #tpu.memory_space<vmem>>)
        tpu.yield
      }) : () -> ()
      %mul3A_48 = arith.constant 128 : i32
      %mul3A_49 = arith.muli %scan3A_42, %mul3A_48 : i32
      %add3A_50 = arith.addi %add3A_32, %mul3A_49 : i32
      %run_scoped3A_51 = arith.constant 0 : i32
      "tpu.region"() ({
        %run_scoped3A_53 = tpu.sem_alloc : memref<!tpu.dma_semaphore, #tpu.memory_space<semaphore_mem>>
        %dma_start3A = arith.constant 0 : i32
        %dma_start3A_54 = arith.constant 0 : i32
        %dma_start3A_55 = tpu.memref_slice %arg9[%run_scoped3A_51, %dma_start3A, %dma_start3A_54] : memref<2x128x64xf32, #tpu.memory_space<vmem>> -> memref<1x128x64xf32, #tpu.memory_space<vmem>>
        %dma_start3A_56 = tpu.memref_squeeze %dma_start3A_55 : memref<1x128x64xf32, #tpu.memory_space<vmem>> -> memref<128x64xf32, #tpu.memory_space<vmem>>
        %dma_start3A_57 = arith.constant 0 : i32
        %dma_start3A_58 = tpu.memref_slice %arg5[%add3A_50, %dma_start3A_57] : memref<53248x64xf32, #tpu.memory_space<hbm>> -> memref<128x64xf32, #tpu.memory_space<hbm>>
        %dma_start3A_59 = arith.constant 0 : i32
        %dma_start3A_60 = tpu.memref_slice %arg5[%add3A_50, %dma_start3A_59] : memref<53248x64xf32, #tpu.memory_space<hbm>> -> memref<128x64xf32, #tpu.memory_space<hbm>>
        %dma_start3A_61 = arith.constant 0 : i32
        %dma_start3A_62 = arith.constant 0 : i32
        %dma_start3A_63 = tpu.memref_slice %arg9[%run_scoped3A_51, %dma_start3A_61, %dma_start3A_62] : memref<2x128x64xf32, #tpu.memory_space<vmem>> -> memref<1x128x64xf32, #tpu.memory_space<vmem>>
        %dma_start3A_64 = tpu.memref_squeeze %dma_start3A_63 : memref<1x128x64xf32, #tpu.memory_space<vmem>> -> memref<128x64xf32, #tpu.memory_space<vmem>>
        tpu.enqueue_dma source(%dma_start3A_64 : memref<128x64xf32, #tpu.memory_space<vmem>>) target(%dma_start3A_60 : memref<128x64xf32, #tpu.memory_space<hbm>>) target_semaphore(%run_scoped3A_53 : memref<!tpu.dma_semaphore, #tpu.memory_space<semaphore_mem>>)
        %dma_wait3A = arith.constant 0 : i32
        %dma_wait3A_65 = arith.constant 0 : i32
        %dma_wait3A_66 = tpu.memref_slice %arg9[%run_scoped3A_51, %dma_wait3A, %dma_wait3A_65] : memref<2x128x64xf32, #tpu.memory_space<vmem>> -> memref<1x128x64xf32, #tpu.memory_space<vmem>>
        %dma_wait3A_67 = tpu.memref_squeeze %dma_wait3A_66 : memref<1x128x64xf32, #tpu.memory_space<vmem>> -> memref<128x64xf32, #tpu.memory_space<vmem>>
        %dma_wait3A_68 = arith.constant 0 : i32
        %dma_wait3A_69 = tpu.memref_slice %arg5[%add3A_50, %dma_wait3A_68] : memref<53248x64xf32, #tpu.memory_space<hbm>> -> memref<128x64xf32, #tpu.memory_space<hbm>>
        %dma_wait3A_70 = arith.constant 0 : i32
        %dma_wait3A_71 = tpu.memref_slice %arg5[%add3A_50, %dma_wait3A_70] : memref<53248x64xf32, #tpu.memory_space<hbm>> -> memref<128x64xf32, #tpu.memory_space<hbm>>
        %dma_wait3A_72 = arith.constant 0 : i32
        %dma_wait3A_73 = arith.constant 0 : i32
        %dma_wait3A_74 = tpu.memref_slice %arg9[%run_scoped3A_51, %dma_wait3A_72, %dma_wait3A_73] : memref<2x128x64xf32, #tpu.memory_space<vmem>> -> memref<1x128x64xf32, #tpu.memory_space<vmem>>
        %dma_wait3A_75 = tpu.memref_squeeze %dma_wait3A_74 : memref<1x128x64xf32, #tpu.memory_space<vmem>> -> memref<128x64xf32, #tpu.memory_space<vmem>>
        tpu.wait_dma2 semaphore(%run_scoped3A_53 : memref<!tpu.dma_semaphore, #tpu.memory_space<semaphore_mem>>) src(%dma_wait3A_75 : memref<128x64xf32, #tpu.memory_space<vmem>>) dst(%dma_wait3A_71 : memref<128x64xf32, #tpu.memory_space<hbm>>)
        tpu.yield
      }) : () -> ()
      %scan3A_52 = arith.constant 0 : i32
      scf.yield %scan3A_52 : i32
    }
    %scan3A_41 = arith.constant 13 : i32
    return
  }
}

#map = affine_map<(d0, d1) -> (0, 0)>
module attributes {stable_mosaic.version = 14 : i64} {
  func.func @_sc_gather_deg(%arg0: i32, %arg1: i32, %arg2: memref<416x128xi32, #tpu.memory_space<hbm>>, %arg3: memref<100000x64xf32, #tpu.memory_space<hbm>>, %arg4: memref<6272x128xi32, #tpu.memory_space<hbm>>, %arg5: memref<53248x64xf32, #tpu.memory_space<hbm>>, %arg6: memref<2x53248xf32, #tpu.memory_space<hbm>>, %arg7: memref<13x128xi32, #tpu.memory_space<vmem>>, %arg8: memref<2x128x64xf32, #tpu.memory_space<vmem>>, %arg9: memref<196x128xi32, #tpu.memory_space<vmem>>, %arg10: memref<196x128xi32, #tpu.memory_space<vmem>>, %arg11: memref<128xf32, #tpu.memory_space<vmem>>, %arg12: memref<1024xf32, #tpu.memory_space<vmem>>, %arg13: memref<53376xf32, #tpu.memory_space<vmem_shared>>, %arg14: memref<!tpu.dma_semaphore, #tpu.memory_space<semaphore_mem>>, %arg15: memref<!tpu.dma_semaphore, #tpu.memory_space<semaphore_mem>>, %arg16: memref<!tpu.dma_semaphore, #tpu.memory_space<semaphore_mem>>, %arg17: memref<!tpu.dma_semaphore, #tpu.memory_space<semaphore_mem>>, %arg18: memref<!tpu.dma_semaphore, #tpu.memory_space<semaphore_mem>>) attributes {dimension_semantics = [#tpu.dimension_semantics<core_parallel>, #tpu.dimension_semantics<subcore_parallel>], iteration_bounds = array<i64: 2, 16>, scalar_prefetch = 0 : i64, scratch_operands = 12 : i64, tpu.core_type = #tpu.core_type<sc_vector_subcore>, window_params = [{transform_indices = #map}, {transform_indices = #map}, {transform_indices = #map}, {transform_indices = #map}, {transform_indices = #map}]} {
    %mul3A = arith.constant 2 : i32
    %mul3A_0 = arith.muli %arg1, %mul3A : i32
    %add3A = arith.addi %mul3A_0, %arg0 : i32
    %broadcast_in_dim3A = arith.constant 0.000000e+00 : f32
    %broadcast_in_dim3A_1 = vector.broadcast %broadcast_in_dim3A : f32 to vector<16xf32>
    %broadcast_in_dim3A_2 = arith.constant 1.000000e+00 : f32
    %broadcast_in_dim3A_3 = vector.broadcast %broadcast_in_dim3A_2 : f32 to vector<16xf32>
    %scan3A = arith.constant 0 : i32
    %scan3A_4 = arith.constant 0 : i32
    %scan3A_5 = arith.constant 64 : i32
    %scan3A_6 = arith.addi %scan3A_4, %scan3A_5 : i32
    %scan3A_7 = arith.constant 1 : i32
    %scan3A_8 = scf.for %scan3A_766 = %scan3A_4 to %scan3A_6 step %scan3A_7 iter_args(%scan3A_767 = %scan3A) -> (i32)  : i32 {
      %mul3A_768 = arith.constant 16 : i32
      %mul3A_769 = arith.muli %scan3A_766, %mul3A_768 : i32
      %swap3A_770 = arith.index_cast %mul3A_769 : i32 to index
      %swap3A_771 = tpu.vector_load %arg12[%swap3A_770] {strides = array<i32>} : memref<1024xf32, #tpu.memory_space<vmem>>, vector<16xf32>,
      %swap3A_772 = vector.shape_cast %swap3A_771 : vector<16xf32> to vector<16xf32>
      %swap3A_773 = vector.shape_cast %broadcast_in_dim3A_1 : vector<16xf32> to vector<16xf32>
      tpu.vector_store %arg12[%swap3A_770], %swap3A_773 {strides = array<i32>} : memref<1024xf32, #tpu.memory_space<vmem>>, vector<16xf32>,
      %scan3A_774 = arith.constant 0 : i32
      scf.yield %scan3A_774 : i32
    }
    %scan3A_9 = arith.constant 64 : i32
    %swap3A = arith.constant 0 : index
    %swap3A_10 = tpu.vector_load %arg11[%swap3A] {strides = array<i32>} : memref<128xf32, #tpu.memory_space<vmem>>, vector<16xf32>,
    %swap3A_11 = vector.shape_cast %swap3A_10 : vector<16xf32> to vector<16xf32>
    %swap3A_12 = vector.shape_cast %broadcast_in_dim3A_3 : vector<16xf32> to vector<16xf32>
    tpu.vector_store %arg11[%swap3A], %swap3A_12 {strides = array<i32>} : memref<128xf32, #tpu.memory_space<vmem>>, vector<16xf32>,
    %swap3A_13 = arith.constant 16 : index
    %swap3A_14 = tpu.vector_load %arg11[%swap3A_13] {strides = array<i32>} : memref<128xf32, #tpu.memory_space<vmem>>, vector<16xf32>,
    %swap3A_15 = vector.shape_cast %swap3A_14 : vector<16xf32> to vector<16xf32>
    %swap3A_16 = vector.shape_cast %broadcast_in_dim3A_3 : vector<16xf32> to vector<16xf32>
    tpu.vector_store %arg11[%swap3A_13], %swap3A_16 {strides = array<i32>} : memref<128xf32, #tpu.memory_space<vmem>>, vector<16xf32>,
    %swap3A_17 = arith.constant 32 : index
    %swap3A_18 = tpu.vector_load %arg11[%swap3A_17] {strides = array<i32>} : memref<128xf32, #tpu.memory_space<vmem>>, vector<16xf32>,
    %swap3A_19 = vector.shape_cast %swap3A_18 : vector<16xf32> to vector<16xf32>
    %swap3A_20 = vector.shape_cast %broadcast_in_dim3A_3 : vector<16xf32> to vector<16xf32>
    tpu.vector_store %arg11[%swap3A_17], %swap3A_20 {strides = array<i32>} : memref<128xf32, #tpu.memory_space<vmem>>, vector<16xf32>,
    %swap3A_21 = arith.constant 48 : index
    %swap3A_22 = tpu.vector_load %arg11[%swap3A_21] {strides = array<i32>} : memref<128xf32, #tpu.memory_space<vmem>>, vector<16xf32>,
    %swap3A_23 = vector.shape_cast %swap3A_22 : vector<16xf32> to vector<16xf32>
    %swap3A_24 = vector.shape_cast %broadcast_in_dim3A_3 : vector<16xf32> to vector<16xf32>
    tpu.vector_store %arg11[%swap3A_21], %swap3A_24 {strides = array<i32>} : memref<128xf32, #tpu.memory_space<vmem>>, vector<16xf32>,
    %swap3A_25 = arith.constant 64 : index
    %swap3A_26 = tpu.vector_load %arg11[%swap3A_25] {strides = array<i32>} : memref<128xf32, #tpu.memory_space<vmem>>, vector<16xf32>,
    %swap3A_27 = vector.shape_cast %swap3A_26 : vector<16xf32> to vector<16xf32>
    %swap3A_28 = vector.shape_cast %broadcast_in_dim3A_3 : vector<16xf32> to vector<16xf32>
    tpu.vector_store %arg11[%swap3A_25], %swap3A_28 {strides = array<i32>} : memref<128xf32, #tpu.memory_space<vmem>>, vector<16xf32>,
    %swap3A_29 = arith.constant 80 : index
    %swap3A_30 = tpu.vector_load %arg11[%swap3A_29] {strides = array<i32>} : memref<128xf32, #tpu.memory_space<vmem>>, vector<16xf32>,
    %swap3A_31 = vector.shape_cast %swap3A_30 : vector<16xf32> to vector<16xf32>
    %swap3A_32 = vector.shape_cast %broadcast_in_dim3A_3 : vector<16xf32> to vector<16xf32>
    tpu.vector_store %arg11[%swap3A_29], %swap3A_32 {strides = array<i32>} : memref<128xf32, #tpu.memory_space<vmem>>, vector<16xf32>,
    %swap3A_33 = arith.constant 96 : index
    %swap3A_34 = tpu.vector_load %arg11[%swap3A_33] {strides = array<i32>} : memref<128xf32, #tpu.memory_space<vmem>>, vector<16xf32>,
    %swap3A_35 = vector.shape_cast %swap3A_34 : vector<16xf32> to vector<16xf32>
    %swap3A_36 = vector.shape_cast %broadcast_in_dim3A_3 : vector<16xf32> to vector<16xf32>
    tpu.vector_store %arg11[%swap3A_33], %swap3A_36 {strides = array<i32>} : memref<128xf32, #tpu.memory_space<vmem>>, vector<16xf32>,
    %swap3A_37 = arith.constant 112 : index
    %swap3A_38 = tpu.vector_load %arg11[%swap3A_37] {strides = array<i32>} : memref<128xf32, #tpu.memory_space<vmem>>, vector<16xf32>,
    %swap3A_39 = vector.shape_cast %swap3A_38 : vector<16xf32> to vector<16xf32>
    %swap3A_40 = vector.shape_cast %broadcast_in_dim3A_3 : vector<16xf32> to vector<16xf32>
    tpu.vector_store %arg11[%swap3A_37], %swap3A_40 {strides = array<i32>} : memref<128xf32, #tpu.memory_space<vmem>>, vector<16xf32>,
    %mul3A_41 = arith.constant 3336 : i32
    %mul3A_42 = arith.muli %arg1, %mul3A_41 : i32
    %add3A_43 = arith.constant 0 : i32
    %add3A_44 = arith.addi %mul3A_42, %add3A_43 : i32
    "tpu.region"() ({
      %run_scoped3A = tpu.sem_alloc : memref<!tpu.dma_semaphore, #tpu.memory_space<semaphore_mem>>
      %dma_start3A_766 = arith.constant 0 : i32
      %dma_start3A_767 = tpu.memref_slice %arg12[%dma_start3A_766] : memref<1024xf32, #tpu.memory_space<vmem>> -> memref<1024xf32, #tpu.memory_space<vmem>>
      %dma_start3A_768 = tpu.memref_slice %arg13[%add3A_44] : memref<53376xf32, #tpu.memory_space<vmem_shared>> -> memref<1024xf32, #tpu.memory_space<vmem_shared>>
      %dma_start3A_769 = tpu.memref_slice %arg13[%add3A_44] : memref<53376xf32, #tpu.memory_space<vmem_shared>> -> memref<1024xf32, #tpu.memory_space<vmem_shared>>
      %dma_start3A_770 = arith.constant 0 : i32
      %dma_start3A_771 = tpu.memref_slice %arg12[%dma_start3A_770] : memref<1024xf32, #tpu.memory_space<vmem>> -> memref<1024xf32, #tpu.memory_space<vmem>>
      tpu.enqueue_dma source(%dma_start3A_771 : memref<1024xf32, #tpu.memory_space<vmem>>) target(%dma_start3A_769 : memref<1024xf32, #tpu.memory_space<vmem_shared>>) target_semaphore(%run_scoped3A : memref<!tpu.dma_semaphore, #tpu.memory_space<semaphore_mem>>)
      %dma_wait3A_772 = arith.constant 0 : i32
      %dma_wait3A_773 = tpu.memref_slice %arg12[%dma_wait3A_772] : memref<1024xf32, #tpu.memory_space<vmem>> -> memref<1024xf32, #tpu.memory_space<vmem>>
      %dma_wait3A_774 = tpu.memref_slice %arg13[%add3A_44] : memref<53376xf32, #tpu.memory_space<vmem_shared>> -> memref<1024xf32, #tpu.memory_space<vmem_shared>>
      %dma_wait3A_775 = tpu.memref_slice %arg13[%add3A_44] : memref<53376xf32, #tpu.memory_space<vmem_shared>> -> memref<1024xf32, #tpu.memory_space<vmem_shared>>
      %dma_wait3A_776 = arith.constant 0 : i32
      %dma_wait3A_777 = tpu.memref_slice %arg12[%dma_wait3A_776] : memref<1024xf32, #tpu.memory_space<vmem>> -> memref<1024xf32, #tpu.memory_space<vmem>>
      tpu.wait_dma2 semaphore(%run_scoped3A : memref<!tpu.dma_semaphore, #tpu.memory_space<semaphore_mem>>) src(%dma_wait3A_777 : memref<1024xf32, #tpu.memory_space<vmem>>) dst(%dma_wait3A_775 : memref<1024xf32, #tpu.memory_space<vmem_shared>>)
      tpu.yield
    }) : () -> ()
    %mul3A_45 = arith.constant 3336 : i32
    %mul3A_46 = arith.muli %arg1, %mul3A_45 : i32
    %add3A_47 = arith.constant 1024 : i32
    %add3A_48 = arith.addi %mul3A_46, %add3A_47 : i32
    "tpu.region"() ({
      %run_scoped3A = tpu.sem_alloc : memref<!tpu.dma_semaphore, #tpu.memory_space<semaphore_mem>>
      %dma_start3A_766 = arith.constant 0 : i32
      %dma_start3A_767 = tpu.memref_slice %arg12[%dma_start3A_766] : memref<1024xf32, #tpu.memory_space<vmem>> -> memref<1024xf32, #tpu.memory_space<vmem>>
      %dma_start3A_768 = tpu.memref_slice %arg13[%add3A_48] : memref<53376xf32, #tpu.memory_space<vmem_shared>> -> memref<1024xf32, #tpu.memory_space<vmem_shared>>
      %dma_start3A_769 = tpu.memref_slice %arg13[%add3A_48] : memref<53376xf32, #tpu.memory_space<vmem_shared>> -> memref<1024xf32, #tpu.memory_space<vmem_shared>>
      %dma_start3A_770 = arith.constant 0 : i32
      %dma_start3A_771 = tpu.memref_slice %arg12[%dma_start3A_770] : memref<1024xf32, #tpu.memory_space<vmem>> -> memref<1024xf32, #tpu.memory_space<vmem>>
      tpu.enqueue_dma source(%dma_start3A_771 : memref<1024xf32, #tpu.memory_space<vmem>>) target(%dma_start3A_769 : memref<1024xf32, #tpu.memory_space<vmem_shared>>) target_semaphore(%run_scoped3A : memref<!tpu.dma_semaphore, #tpu.memory_space<semaphore_mem>>)
      %dma_wait3A_772 = arith.constant 0 : i32
      %dma_wait3A_773 = tpu.memref_slice %arg12[%dma_wait3A_772] : memref<1024xf32, #tpu.memory_space<vmem>> -> memref<1024xf32, #tpu.memory_space<vmem>>
      %dma_wait3A_774 = tpu.memref_slice %arg13[%add3A_48] : memref<53376xf32, #tpu.memory_space<vmem_shared>> -> memref<1024xf32, #tpu.memory_space<vmem_shared>>
      %dma_wait3A_775 = tpu.memref_slice %arg13[%add3A_48] : memref<53376xf32, #tpu.memory_space<vmem_shared>> -> memref<1024xf32, #tpu.memory_space<vmem_shared>>
      %dma_wait3A_776 = arith.constant 0 : i32
      %dma_wait3A_777 = tpu.memref_slice %arg12[%dma_wait3A_776] : memref<1024xf32, #tpu.memory_space<vmem>> -> memref<1024xf32, #tpu.memory_space<vmem>>
      tpu.wait_dma2 semaphore(%run_scoped3A : memref<!tpu.dma_semaphore, #tpu.memory_space<semaphore_mem>>) src(%dma_wait3A_777 : memref<1024xf32, #tpu.memory_space<vmem>>) dst(%dma_wait3A_775 : memref<1024xf32, #tpu.memory_space<vmem_shared>>)
      tpu.yield
    }) : () -> ()
    %mul3A_49 = arith.constant 3336 : i32
    %mul3A_50 = arith.muli %arg1, %mul3A_49 : i32
    %add3A_51 = arith.constant 2048 : i32
    %add3A_52 = arith.addi %mul3A_50, %add3A_51 : i32
    "tpu.region"() ({
      %run_scoped3A = tpu.sem_alloc : memref<!tpu.dma_semaphore, #tpu.memory_space<semaphore_mem>>
      %dma_start3A_766 = arith.constant 0 : i32
      %dma_start3A_767 = tpu.memref_slice %arg12[%dma_start3A_766] : memref<1024xf32, #tpu.memory_space<vmem>> -> memref<1024xf32, #tpu.memory_space<vmem>>
      %dma_start3A_768 = tpu.memref_slice %arg13[%add3A_52] : memref<53376xf32, #tpu.memory_space<vmem_shared>> -> memref<1024xf32, #tpu.memory_space<vmem_shared>>
      %dma_start3A_769 = tpu.memref_slice %arg13[%add3A_52] : memref<53376xf32, #tpu.memory_space<vmem_shared>> -> memref<1024xf32, #tpu.memory_space<vmem_shared>>
      %dma_start3A_770 = arith.constant 0 : i32
      %dma_start3A_771 = tpu.memref_slice %arg12[%dma_start3A_770] : memref<1024xf32, #tpu.memory_space<vmem>> -> memref<1024xf32, #tpu.memory_space<vmem>>
      tpu.enqueue_dma source(%dma_start3A_771 : memref<1024xf32, #tpu.memory_space<vmem>>) target(%dma_start3A_769 : memref<1024xf32, #tpu.memory_space<vmem_shared>>) target_semaphore(%run_scoped3A : memref<!tpu.dma_semaphore, #tpu.memory_space<semaphore_mem>>)
      %dma_wait3A_772 = arith.constant 0 : i32
      %dma_wait3A_773 = tpu.memref_slice %arg12[%dma_wait3A_772] : memref<1024xf32, #tpu.memory_space<vmem>> -> memref<1024xf32, #tpu.memory_space<vmem>>
      %dma_wait3A_774 = tpu.memref_slice %arg13[%add3A_52] : memref<53376xf32, #tpu.memory_space<vmem_shared>> -> memref<1024xf32, #tpu.memory_space<vmem_shared>>
      %dma_wait3A_775 = tpu.memref_slice %arg13[%add3A_52] : memref<53376xf32, #tpu.memory_space<vmem_shared>> -> memref<1024xf32, #tpu.memory_space<vmem_shared>>
      %dma_wait3A_776 = arith.constant 0 : i32
      %dma_wait3A_777 = tpu.memref_slice %arg12[%dma_wait3A_776] : memref<1024xf32, #tpu.memory_space<vmem>> -> memref<1024xf32, #tpu.memory_space<vmem>>
      tpu.wait_dma2 semaphore(%run_scoped3A : memref<!tpu.dma_semaphore, #tpu.memory_space<semaphore_mem>>) src(%dma_wait3A_777 : memref<1024xf32, #tpu.memory_space<vmem>>) dst(%dma_wait3A_775 : memref<1024xf32, #tpu.memory_space<vmem_shared>>)
      tpu.yield
    }) : () -> ()
    %mul3A_53 = arith.constant 3336 : i32
    %mul3A_54 = arith.muli %arg1, %mul3A_53 : i32
    %add3A_55 = arith.constant 3072 : i32
    %add3A_56 = arith.addi %mul3A_54, %add3A_55 : i32
    "tpu.region"() ({
      %run_scoped3A = tpu.sem_alloc : memref<!tpu.dma_semaphore, #tpu.memory_space<semaphore_mem>>
      %dma_start3A_766 = arith.constant 0 : i32
      %dma_start3A_767 = tpu.memref_slice %arg12[%dma_start3A_766] : memref<1024xf32, #tpu.memory_space<vmem>> -> memref<264xf32, #tpu.memory_space<vmem>>
      %dma_start3A_768 = tpu.memref_slice %arg13[%add3A_56] : memref<53376xf32, #tpu.memory_space<vmem_shared>> -> memref<264xf32, #tpu.memory_space<vmem_shared>>
      %dma_start3A_769 = tpu.memref_slice %arg13[%add3A_56] : memref<53376xf32, #tpu.memory_space<vmem_shared>> -> memref<264xf32, #tpu.memory_space<vmem_shared>>
      %dma_start3A_770 = arith.constant 0 : i32
      %dma_start3A_771 = tpu.memref_slice %arg12[%dma_start3A_770] : memref<1024xf32, #tpu.memory_space<vmem>> -> memref<264xf32, #tpu.memory_space<vmem>>
      tpu.enqueue_dma source(%dma_start3A_771 : memref<264xf32, #tpu.memory_space<vmem>>) target(%dma_start3A_769 : memref<264xf32, #tpu.memory_space<vmem_shared>>) target_semaphore(%run_scoped3A : memref<!tpu.dma_semaphore, #tpu.memory_space<semaphore_mem>>)
      %dma_wait3A_772 = arith.constant 0 : i32
      %dma_wait3A_773 = tpu.memref_slice %arg12[%dma_wait3A_772] : memref<1024xf32, #tpu.memory_space<vmem>> -> memref<264xf32, #tpu.memory_space<vmem>>
      %dma_wait3A_774 = tpu.memref_slice %arg13[%add3A_56] : memref<53376xf32, #tpu.memory_space<vmem_shared>> -> memref<264xf32, #tpu.memory_space<vmem_shared>>
      %dma_wait3A_775 = tpu.memref_slice %arg13[%add3A_56] : memref<53376xf32, #tpu.memory_space<vmem_shared>> -> memref<264xf32, #tpu.memory_space<vmem_shared>>
      %dma_wait3A_776 = arith.constant 0 : i32
      %dma_wait3A_777 = tpu.memref_slice %arg12[%dma_wait3A_776] : memref<1024xf32, #tpu.memory_space<vmem>> -> memref<264xf32, #tpu.memory_space<vmem>>
      tpu.wait_dma2 semaphore(%run_scoped3A : memref<!tpu.dma_semaphore, #tpu.memory_space<semaphore_mem>>) src(%dma_wait3A_777 : memref<264xf32, #tpu.memory_space<vmem>>) dst(%dma_wait3A_775 : memref<264xf32, #tpu.memory_space<vmem_shared>>)
      tpu.yield
    }) : () -> ()
    %barrier3A = arith.constant 0 : index
    tpu.barrier barrier_id(%barrier3A)
    %mul3A_57 = arith.constant 1664 : i32
    %mul3A_58 = arith.muli %add3A, %mul3A_57 : i32
    %mul3A_59 = arith.constant 13 : i32
    %mul3A_60 = arith.muli %add3A, %mul3A_59 : i32
    "tpu.region"() ({
      %run_scoped3A = tpu.sem_alloc : memref<!tpu.dma_semaphore, #tpu.memory_space<semaphore_mem>>
      %dma_start3A_766 = arith.constant 0 : i32
      %dma_start3A_767 = tpu.memref_slice %arg2[%mul3A_60, %dma_start3A_766] : memref<416x128xi32, #tpu.memory_space<hbm>> -> memref<13x128xi32, #tpu.memory_space<hbm>>
      %dma_start3A_768 = arith.constant 0 : i32
      %dma_start3A_769 = tpu.memref_slice %arg2[%mul3A_60, %dma_start3A_768] : memref<416x128xi32, #tpu.memory_space<hbm>> -> memref<13x128xi32, #tpu.memory_space<hbm>>
      tpu.enqueue_dma source(%dma_start3A_769 : memref<13x128xi32, #tpu.memory_space<hbm>>) target(%arg7 : memref<13x128xi32, #tpu.memory_space<vmem>>) target_semaphore(%run_scoped3A : memref<!tpu.dma_semaphore, #tpu.memory_space<semaphore_mem>>)
      %dma_wait3A_770 = arith.constant 0 : i32
      %dma_wait3A_771 = tpu.memref_slice %arg2[%mul3A_60, %dma_wait3A_770] : memref<416x128xi32, #tpu.memory_space<hbm>> -> memref<13x128xi32, #tpu.memory_space<hbm>>
      %dma_wait3A_772 = arith.constant 0 : i32
      %dma_wait3A_773 = tpu.memref_slice %arg2[%mul3A_60, %dma_wait3A_772] : memref<416x128xi32, #tpu.memory_space<hbm>> -> memref<13x128xi32, #tpu.memory_space<hbm>>
      tpu.wait_dma2 semaphore(%run_scoped3A : memref<!tpu.dma_semaphore, #tpu.memory_space<semaphore_mem>>) src(%dma_wait3A_773 : memref<13x128xi32, #tpu.memory_space<hbm>>) dst(%arg7 : memref<13x128xi32, #tpu.memory_space<vmem>>)
      tpu.yield
    }) : () -> ()
    %dma_start3A = arith.constant 0 : i32
    %dma_start3A_61 = arith.constant 0 : i32
    %dma_start3A_62 = arith.constant 0 : i32
    %dma_start3A_63 = arith.constant 0 : i32
    %dma_start3A_64 = tpu.memref_slice %arg8[%dma_start3A_61, %dma_start3A_62, %dma_start3A_63] : memref<2x128x64xf32, #tpu.memory_space<vmem>> -> memref<1x128x64xf32, #tpu.memory_space<vmem>>
    %dma_start3A_65 = tpu.memref_squeeze %dma_start3A_64 : memref<1x128x64xf32, #tpu.memory_space<vmem>> -> memref<128x64xf32, #tpu.memory_space<vmem>>
    %dma_start3A_66 = arith.constant 0 : i32
    %dma_start3A_67 = tpu.memref_slice %arg7[%dma_start3A, %dma_start3A_66] : memref<13x128xi32, #tpu.memory_space<vmem>> -> memref<1x128xi32, #tpu.memory_space<vmem>>
    %dma_start3A_68 = tpu.memref_squeeze %dma_start3A_67 : memref<1x128xi32, #tpu.memory_space<vmem>> -> memref<128xi32, #tpu.memory_space<vmem>>
    %dma_start3A_69 = arith.constant 0 : i32
    %dma_start3A_70 = arith.constant 0 : i32
    %dma_start3A_71 = tpu.memref_slice %arg3[%dma_start3A_69, %dma_start3A_70] : memref<100000x64xf32, #tpu.memory_space<hbm>> -> memref<100000x64xf32, #tpu.memory_space<hbm>>
    tpu.enqueue_indirect_dma source(%dma_start3A_71 : memref<100000x64xf32, #tpu.memory_space<hbm>>) target(%dma_start3A_65 : memref<128x64xf32, #tpu.memory_space<vmem>>) offsets(%dma_start3A_68 : memref<128xi32, #tpu.memory_space<vmem>>) semaphore(%arg14 : memref<!tpu.dma_semaphore, #tpu.memory_space<semaphore_mem>>)
    %dma_wait3A = arith.constant 0 : i32
    %dma_wait3A_72 = arith.constant 0 : i32
    %dma_wait3A_73 = arith.constant 0 : i32
    %dma_wait3A_74 = arith.constant 0 : i32
    %dma_wait3A_75 = tpu.memref_slice %arg8[%dma_wait3A_72, %dma_wait3A_73, %dma_wait3A_74] : memref<2x128x64xf32, #tpu.memory_space<vmem>> -> memref<1x128x64xf32, #tpu.memory_space<vmem>>
    %dma_wait3A_76 = tpu.memref_squeeze %dma_wait3A_75 : memref<1x128x64xf32, #tpu.memory_space<vmem>> -> memref<128x64xf32, #tpu.memory_space<vmem>>
    %dma_wait3A_77 = arith.constant 0 : i32
    %dma_wait3A_78 = tpu.memref_slice %arg7[%dma_wait3A, %dma_wait3A_77] : memref<13x128xi32, #tpu.memory_space<vmem>> -> memref<1x128xi32, #tpu.memory_space<vmem>>
    %dma_wait3A_79 = tpu.memref_squeeze %dma_wait3A_78 : memref<1x128xi32, #tpu.memory_space<vmem>> -> memref<128xi32, #tpu.memory_space<vmem>>
    %dma_wait3A_80 = arith.constant 0 : i32
    %dma_wait3A_81 = arith.constant 0 : i32
    %dma_wait3A_82 = tpu.memref_slice %arg3[%dma_wait3A_80, %dma_wait3A_81] : memref<100000x64xf32, #tpu.memory_space<hbm>> -> memref<100000x64xf32, #tpu.memory_space<hbm>>
    tpu.wait_indirect_dma semaphore(%arg14 : memref<!tpu.dma_semaphore, #tpu.memory_space<semaphore_mem>>) src(%dma_wait3A_82 : memref<100000x64xf32, #tpu.memory_space<hbm>>) dst(%dma_wait3A_76 : memref<128x64xf32, #tpu.memory_space<vmem>>)
    %dma_start3A_83 = arith.constant 1 : i32
    %dma_start3A_84 = arith.constant 1 : i32
    %dma_start3A_85 = arith.constant 0 : i32
    %dma_start3A_86 = arith.constant 0 : i32
    %dma_start3A_87 = tpu.memref_slice %arg8[%dma_start3A_84, %dma_start3A_85, %dma_start3A_86] : memref<2x128x64xf32, #tpu.memory_space<vmem>> -> memref<1x128x64xf32, #tpu.memory_space<vmem>>
    %dma_start3A_88 = tpu.memref_squeeze %dma_start3A_87 : memref<1x128x64xf32, #tpu.memory_space<vmem>> -> memref<128x64xf32, #tpu.memory_space<vmem>>
    %dma_start3A_89 = arith.constant 0 : i32
    %dma_start3A_90 = tpu.memref_slice %arg7[%dma_start3A_83, %dma_start3A_89] : memref<13x128xi32, #tpu.memory_space<vmem>> -> memref<1x128xi32, #tpu.memory_space<vmem>>
    %dma_start3A_91 = tpu.memref_squeeze %dma_start3A_90 : memref<1x128xi32, #tpu.memory_space<vmem>> -> memref<128xi32, #tpu.memory_space<vmem>>
    %dma_start3A_92 = arith.constant 0 : i32
    %dma_start3A_93 = arith.constant 0 : i32
    %dma_start3A_94 = tpu.memref_slice %arg3[%dma_start3A_92, %dma_start3A_93] : memref<100000x64xf32, #tpu.memory_space<hbm>> -> memref<100000x64xf32, #tpu.memory_space<hbm>>
    tpu.enqueue_indirect_dma source(%dma_start3A_94 : memref<100000x64xf32, #tpu.memory_space<hbm>>) target(%dma_start3A_88 : memref<128x64xf32, #tpu.memory_space<vmem>>) offsets(%dma_start3A_91 : memref<128xi32, #tpu.memory_space<vmem>>) semaphore(%arg15 : memref<!tpu.dma_semaphore, #tpu.memory_space<semaphore_mem>>)
    %add3A_95 = arith.constant 0 : i32
    %add3A_96 = arith.addi %mul3A_58, %add3A_95 : i32
    %dma_start3A_97 = arith.constant 0 : i32
    %dma_start3A_98 = arith.constant 0 : i32
    %dma_start3A_99 = arith.constant 0 : i32
    %dma_start3A_100 = tpu.memref_slice %arg8[%dma_start3A_97, %dma_start3A_98, %dma_start3A_99] : memref<2x128x64xf32, #tpu.memory_space<vmem>> -> memref<1x128x64xf32, #tpu.memory_space<vmem>>
    %dma_start3A_101 = tpu.memref_squeeze %dma_start3A_100 : memref<1x128x64xf32, #tpu.memory_space<vmem>> -> memref<128x64xf32, #tpu.memory_space<vmem>>
    %dma_start3A_102 = arith.constant 0 : i32
    %dma_start3A_103 = tpu.memref_slice %arg5[%add3A_96, %dma_start3A_102] : memref<53248x64xf32, #tpu.memory_space<hbm>> -> memref<128x64xf32, #tpu.memory_space<hbm>>
    %dma_start3A_104 = arith.constant 0 : i32
    %dma_start3A_105 = tpu.memref_slice %arg5[%add3A_96, %dma_start3A_104] : memref<53248x64xf32, #tpu.memory_space<hbm>> -> memref<128x64xf32, #tpu.memory_space<hbm>>
    %dma_start3A_106 = arith.constant 0 : i32
    %dma_start3A_107 = arith.constant 0 : i32
    %dma_start3A_108 = tpu.memref_slice %arg8[%dma_start3A_97, %dma_start3A_106, %dma_start3A_107] : memref<2x128x64xf32, #tpu.memory_space<vmem>> -> memref<1x128x64xf32, #tpu.memory_space<vmem>>
    %dma_start3A_109 = tpu.memref_squeeze %dma_start3A_108 : memref<1x128x64xf32, #tpu.memory_space<vmem>> -> memref<128x64xf32, #tpu.memory_space<vmem>>
    tpu.enqueue_dma source(%dma_start3A_109 : memref<128x64xf32, #tpu.memory_space<vmem>>) target(%dma_start3A_105 : memref<128x64xf32, #tpu.memory_space<hbm>>) target_semaphore(%arg16 : memref<!tpu.dma_semaphore, #tpu.memory_space<semaphore_mem>>)
    %dma_wait3A_110 = arith.constant 1 : i32
    %dma_wait3A_111 = arith.constant 1 : i32
    %dma_wait3A_112 = arith.constant 0 : i32
    %dma_wait3A_113 = arith.constant 0 : i32
    %dma_wait3A_114 = tpu.memref_slice %arg8[%dma_wait3A_111, %dma_wait3A_112, %dma_wait3A_113] : memref<2x128x64xf32, #tpu.memory_space<vmem>> -> memref<1x128x64xf32, #tpu.memory_space<vmem>>
    %dma_wait3A_115 = tpu.memref_squeeze %dma_wait3A_114 : memref<1x128x64xf32, #tpu.memory_space<vmem>> -> memref<128x64xf32, #tpu.memory_space<vmem>>
    %dma_wait3A_116 = arith.constant 0 : i32
    %dma_wait3A_117 = tpu.memref_slice %arg7[%dma_wait3A_110, %dma_wait3A_116] : memref<13x128xi32, #tpu.memory_space<vmem>> -> memref<1x128xi32, #tpu.memory_space<vmem>>
    %dma_wait3A_118 = tpu.memref_squeeze %dma_wait3A_117 : memref<1x128xi32, #tpu.memory_space<vmem>> -> memref<128xi32, #tpu.memory_space<vmem>>
    %dma_wait3A_119 = arith.constant 0 : i32
    %dma_wait3A_120 = arith.constant 0 : i32
    %dma_wait3A_121 = tpu.memref_slice %arg3[%dma_wait3A_119, %dma_wait3A_120] : memref<100000x64xf32, #tpu.memory_space<hbm>> -> memref<100000x64xf32, #tpu.memory_space<hbm>>
    tpu.wait_indirect_dma semaphore(%arg15 : memref<!tpu.dma_semaphore, #tpu.memory_space<semaphore_mem>>) src(%dma_wait3A_121 : memref<100000x64xf32, #tpu.memory_space<hbm>>) dst(%dma_wait3A_115 : memref<128x64xf32, #tpu.memory_space<vmem>>)
    %dma_wait3A_122 = arith.constant 0 : i32
    %dma_wait3A_123 = arith.constant 0 : i32
    %dma_wait3A_124 = arith.constant 0 : i32
    %dma_wait3A_125 = tpu.memref_slice %arg8[%dma_wait3A_122, %dma_wait3A_123, %dma_wait3A_124] : memref<2x128x64xf32, #tpu.memory_space<vmem>> -> memref<1x128x64xf32, #tpu.memory_space<vmem>>
    %dma_wait3A_126 = tpu.memref_squeeze %dma_wait3A_125 : memref<1x128x64xf32, #tpu.memory_space<vmem>> -> memref<128x64xf32, #tpu.memory_space<vmem>>
    %dma_wait3A_127 = arith.constant 0 : i32
    %dma_wait3A_128 = tpu.memref_slice %arg5[%add3A_96, %dma_wait3A_127] : memref<53248x64xf32, #tpu.memory_space<hbm>> -> memref<128x64xf32, #tpu.memory_space<hbm>>
    %dma_wait3A_129 = arith.constant 0 : i32
    %dma_wait3A_130 = tpu.memref_slice %arg5[%add3A_96, %dma_wait3A_129] : memref<53248x64xf32, #tpu.memory_space<hbm>> -> memref<128x64xf32, #tpu.memory_space<hbm>>
    %dma_wait3A_131 = arith.constant 0 : i32
    %dma_wait3A_132 = arith.constant 0 : i32
    %dma_wait3A_133 = tpu.memref_slice %arg8[%dma_wait3A_122, %dma_wait3A_131, %dma_wait3A_132] : memref<2x128x64xf32, #tpu.memory_space<vmem>> -> memref<1x128x64xf32, #tpu.memory_space<vmem>>
    %dma_wait3A_134 = tpu.memref_squeeze %dma_wait3A_133 : memref<1x128x64xf32, #tpu.memory_space<vmem>> -> memref<128x64xf32, #tpu.memory_space<vmem>>
    tpu.wait_dma2 semaphore(%arg16 : memref<!tpu.dma_semaphore, #tpu.memory_space<semaphore_mem>>) src(%dma_wait3A_134 : memref<128x64xf32, #tpu.memory_space<vmem>>) dst(%dma_wait3A_130 : memref<128x64xf32, #tpu.memory_space<hbm>>)
    %dma_start3A_135 = arith.constant 2 : i32
    %dma_start3A_136 = arith.constant 0 : i32
    %dma_start3A_137 = arith.constant 0 : i32
    %dma_start3A_138 = arith.constant 0 : i32
    %dma_start3A_139 = tpu.memref_slice %arg8[%dma_start3A_136, %dma_start3A_137, %dma_start3A_138] : memref<2x128x64xf32, #tpu.memory_space<vmem>> -> memref<1x128x64xf32, #tpu.memory_space<vmem>>
    %dma_start3A_140 = tpu.memref_squeeze %dma_start3A_139 : memref<1x128x64xf32, #tpu.memory_space<vmem>> -> memref<128x64xf32, #tpu.memory_space<vmem>>
    %dma_start3A_141 = arith.constant 0 : i32
    %dma_start3A_142 = tpu.memref_slice %arg7[%dma_start3A_135, %dma_start3A_141] : memref<13x128xi32, #tpu.memory_space<vmem>> -> memref<1x128xi32, #tpu.memory_space<vmem>>
    %dma_start3A_143 = tpu.memref_squeeze %dma_start3A_142 : memref<1x128xi32, #tpu.memory_space<vmem>> -> memref<128xi32, #tpu.memory_space<vmem>>
    %dma_start3A_144 = arith.constant 0 : i32
    %dma_start3A_145 = arith.constant 0 : i32
    %dma_start3A_146 = tpu.memref_slice %arg3[%dma_start3A_144, %dma_start3A_145] : memref<100000x64xf32, #tpu.memory_space<hbm>> -> memref<100000x64xf32, #tpu.memory_space<hbm>>
    tpu.enqueue_indirect_dma source(%dma_start3A_146 : memref<100000x64xf32, #tpu.memory_space<hbm>>) target(%dma_start3A_140 : memref<128x64xf32, #tpu.memory_space<vmem>>) offsets(%dma_start3A_143 : memref<128xi32, #tpu.memory_space<vmem>>) semaphore(%arg14 : memref<!tpu.dma_semaphore, #tpu.memory_space<semaphore_mem>>)
    %add3A_147 = arith.constant 128 : i32
    %add3A_148 = arith.addi %mul3A_58, %add3A_147 : i32
    %dma_start3A_149 = arith.constant 1 : i32
    %dma_start3A_150 = arith.constant 0 : i32
    %dma_start3A_151 = arith.constant 0 : i32
    %dma_start3A_152 = tpu.memref_slice %arg8[%dma_start3A_149, %dma_start3A_150, %dma_start3A_151] : memref<2x128x64xf32, #tpu.memory_space<vmem>> -> memref<1x128x64xf32, #tpu.memory_space<vmem>>
    %dma_start3A_153 = tpu.memref_squeeze %dma_start3A_152 : memref<1x128x64xf32, #tpu.memory_space<vmem>> -> memref<128x64xf32, #tpu.memory_space<vmem>>
    %dma_start3A_154 = arith.constant 0 : i32
    %dma_start3A_155 = tpu.memref_slice %arg5[%add3A_148, %dma_start3A_154] : memref<53248x64xf32, #tpu.memory_space<hbm>> -> memref<128x64xf32, #tpu.memory_space<hbm>>
    %dma_start3A_156 = arith.constant 0 : i32
    %dma_start3A_157 = tpu.memref_slice %arg5[%add3A_148, %dma_start3A_156] : memref<53248x64xf32, #tpu.memory_space<hbm>> -> memref<128x64xf32, #tpu.memory_space<hbm>>
    %dma_start3A_158 = arith.constant 0 : i32
    %dma_start3A_159 = arith.constant 0 : i32
    %dma_start3A_160 = tpu.memref_slice %arg8[%dma_start3A_149, %dma_start3A_158, %dma_start3A_159] : memref<2x128x64xf32, #tpu.memory_space<vmem>> -> memref<1x128x64xf32, #tpu.memory_space<vmem>>
    %dma_start3A_161 = tpu.memref_squeeze %dma_start3A_160 : memref<1x128x64xf32, #tpu.memory_space<vmem>> -> memref<128x64xf32, #tpu.memory_space<vmem>>
    tpu.enqueue_dma source(%dma_start3A_161 : memref<128x64xf32, #tpu.memory_space<vmem>>) target(%dma_start3A_157 : memref<128x64xf32, #tpu.memory_space<hbm>>) target_semaphore(%arg17 : memref<!tpu.dma_semaphore, #tpu.memory_space<semaphore_mem>>)
    %dma_wait3A_162 = arith.constant 2 : i32
    %dma_wait3A_163 = arith.constant 0 : i32
    %dma_wait3A_164 = arith.constant 0 : i32
    %dma_wait3A_165 = arith.constant 0 : i32
    %dma_wait3A_166 = tpu.memref_slice %arg8[%dma_wait3A_163, %dma_wait3A_164, %dma_wait3A_165] : memref<2x128x64xf32, #tpu.memory_space<vmem>> -> memref<1x128x64xf32, #tpu.memory_space<vmem>>
    %dma_wait3A_167 = tpu.memref_squeeze %dma_wait3A_166 : memref<1x128x64xf32, #tpu.memory_space<vmem>> -> memref<128x64xf32, #tpu.memory_space<vmem>>
    %dma_wait3A_168 = arith.constant 0 : i32
    %dma_wait3A_169 = tpu.memref_slice %arg7[%dma_wait3A_162, %dma_wait3A_168] : memref<13x128xi32, #tpu.memory_space<vmem>> -> memref<1x128xi32, #tpu.memory_space<vmem>>
    %dma_wait3A_170 = tpu.memref_squeeze %dma_wait3A_169 : memref<1x128xi32, #tpu.memory_space<vmem>> -> memref<128xi32, #tpu.memory_space<vmem>>
    %dma_wait3A_171 = arith.constant 0 : i32
    %dma_wait3A_172 = arith.constant 0 : i32
    %dma_wait3A_173 = tpu.memref_slice %arg3[%dma_wait3A_171, %dma_wait3A_172] : memref<100000x64xf32, #tpu.memory_space<hbm>> -> memref<100000x64xf32, #tpu.memory_space<hbm>>
    tpu.wait_indirect_dma semaphore(%arg14 : memref<!tpu.dma_semaphore, #tpu.memory_space<semaphore_mem>>) src(%dma_wait3A_173 : memref<100000x64xf32, #tpu.memory_space<hbm>>) dst(%dma_wait3A_167 : memref<128x64xf32, #tpu.memory_space<vmem>>)
    %dma_wait3A_174 = arith.constant 1 : i32
    %dma_wait3A_175 = arith.constant 0 : i32
    %dma_wait3A_176 = arith.constant 0 : i32
    %dma_wait3A_177 = tpu.memref_slice %arg8[%dma_wait3A_174, %dma_wait3A_175, %dma_wait3A_176] : memref<2x128x64xf32, #tpu.memory_space<vmem>> -> memref<1x128x64xf32, #tpu.memory_space<vmem>>
    %dma_wait3A_178 = tpu.memref_squeeze %dma_wait3A_177 : memref<1x128x64xf32, #tpu.memory_space<vmem>> -> memref<128x64xf32, #tpu.memory_space<vmem>>
    %dma_wait3A_179 = arith.constant 0 : i32
    %dma_wait3A_180 = tpu.memref_slice %arg5[%add3A_148, %dma_wait3A_179] : memref<53248x64xf32, #tpu.memory_space<hbm>> -> memref<128x64xf32, #tpu.memory_space<hbm>>
    %dma_wait3A_181 = arith.constant 0 : i32
    %dma_wait3A_182 = tpu.memref_slice %arg5[%add3A_148, %dma_wait3A_181] : memref<53248x64xf32, #tpu.memory_space<hbm>> -> memref<128x64xf32, #tpu.memory_space<hbm>>
    %dma_wait3A_183 = arith.constant 0 : i32
    %dma_wait3A_184 = arith.constant 0 : i32
    %dma_wait3A_185 = tpu.memref_slice %arg8[%dma_wait3A_174, %dma_wait3A_183, %dma_wait3A_184] : memref<2x128x64xf32, #tpu.memory_space<vmem>> -> memref<1x128x64xf32, #tpu.memory_space<vmem>>
    %dma_wait3A_186 = tpu.memref_squeeze %dma_wait3A_185 : memref<1x128x64xf32, #tpu.memory_space<vmem>> -> memref<128x64xf32, #tpu.memory_space<vmem>>
    tpu.wait_dma2 semaphore(%arg17 : memref<!tpu.dma_semaphore, #tpu.memory_space<semaphore_mem>>) src(%dma_wait3A_186 : memref<128x64xf32, #tpu.memory_space<vmem>>) dst(%dma_wait3A_182 : memref<128x64xf32, #tpu.memory_space<hbm>>)
    %dma_start3A_187 = arith.constant 3 : i32
    %dma_start3A_188 = arith.constant 1 : i32
    %dma_start3A_189 = arith.constant 0 : i32
    %dma_start3A_190 = arith.constant 0 : i32
    %dma_start3A_191 = tpu.memref_slice %arg8[%dma_start3A_188, %dma_start3A_189, %dma_start3A_190] : memref<2x128x64xf32, #tpu.memory_space<vmem>> -> memref<1x128x64xf32, #tpu.memory_space<vmem>>
    %dma_start3A_192 = tpu.memref_squeeze %dma_start3A_191 : memref<1x128x64xf32, #tpu.memory_space<vmem>> -> memref<128x64xf32, #tpu.memory_space<vmem>>
    %dma_start3A_193 = arith.constant 0 : i32
    %dma_start3A_194 = tpu.memref_slice %arg7[%dma_start3A_187, %dma_start3A_193] : memref<13x128xi32, #tpu.memory_space<vmem>> -> memref<1x128xi32, #tpu.memory_space<vmem>>
    %dma_start3A_195 = tpu.memref_squeeze %dma_start3A_194 : memref<1x128xi32, #tpu.memory_space<vmem>> -> memref<128xi32, #tpu.memory_space<vmem>>
    %dma_start3A_196 = arith.constant 0 : i32
    %dma_start3A_197 = arith.constant 0 : i32
    %dma_start3A_198 = tpu.memref_slice %arg3[%dma_start3A_196, %dma_start3A_197] : memref<100000x64xf32, #tpu.memory_space<hbm>> -> memref<100000x64xf32, #tpu.memory_space<hbm>>
    tpu.enqueue_indirect_dma source(%dma_start3A_198 : memref<100000x64xf32, #tpu.memory_space<hbm>>) target(%dma_start3A_192 : memref<128x64xf32, #tpu.memory_space<vmem>>) offsets(%dma_start3A_195 : memref<128xi32, #tpu.memory_space<vmem>>) semaphore(%arg15 : memref<!tpu.dma_semaphore, #tpu.memory_space<semaphore_mem>>)
    %add3A_199 = arith.constant 256 : i32
    %add3A_200 = arith.addi %mul3A_58, %add3A_199 : i32
    %dma_start3A_201 = arith.constant 0 : i32
    %dma_start3A_202 = arith.constant 0 : i32
    %dma_start3A_203 = arith.constant 0 : i32
    %dma_start3A_204 = tpu.memref_slice %arg8[%dma_start3A_201, %dma_start3A_202, %dma_start3A_203] : memref<2x128x64xf32, #tpu.memory_space<vmem>> -> memref<1x128x64xf32, #tpu.memory_space<vmem>>
    %dma_start3A_205 = tpu.memref_squeeze %dma_start3A_204 : memref<1x128x64xf32, #tpu.memory_space<vmem>> -> memref<128x64xf32, #tpu.memory_space<vmem>>
    %dma_start3A_206 = arith.constant 0 : i32
    %dma_start3A_207 = tpu.memref_slice %arg5[%add3A_200, %dma_start3A_206] : memref<53248x64xf32, #tpu.memory_space<hbm>> -> memref<128x64xf32, #tpu.memory_space<hbm>>
    %dma_start3A_208 = arith.constant 0 : i32
    %dma_start3A_209 = tpu.memref_slice %arg5[%add3A_200, %dma_start3A_208] : memref<53248x64xf32, #tpu.memory_space<hbm>> -> memref<128x64xf32, #tpu.memory_space<hbm>>
    %dma_start3A_210 = arith.constant 0 : i32
    %dma_start3A_211 = arith.constant 0 : i32
    %dma_start3A_212 = tpu.memref_slice %arg8[%dma_start3A_201, %dma_start3A_210, %dma_start3A_211] : memref<2x128x64xf32, #tpu.memory_space<vmem>> -> memref<1x128x64xf32, #tpu.memory_space<vmem>>
    %dma_start3A_213 = tpu.memref_squeeze %dma_start3A_212 : memref<1x128x64xf32, #tpu.memory_space<vmem>> -> memref<128x64xf32, #tpu.memory_space<vmem>>
    tpu.enqueue_dma source(%dma_start3A_213 : memref<128x64xf32, #tpu.memory_space<vmem>>) target(%dma_start3A_209 : memref<128x64xf32, #tpu.memory_space<hbm>>) target_semaphore(%arg16 : memref<!tpu.dma_semaphore, #tpu.memory_space<semaphore_mem>>)
    %dma_wait3A_214 = arith.constant 3 : i32
    %dma_wait3A_215 = arith.constant 1 : i32
    %dma_wait3A_216 = arith.constant 0 : i32
    %dma_wait3A_217 = arith.constant 0 : i32
    %dma_wait3A_218 = tpu.memref_slice %arg8[%dma_wait3A_215, %dma_wait3A_216, %dma_wait3A_217] : memref<2x128x64xf32, #tpu.memory_space<vmem>> -> memref<1x128x64xf32, #tpu.memory_space<vmem>>
    %dma_wait3A_219 = tpu.memref_squeeze %dma_wait3A_218 : memref<1x128x64xf32, #tpu.memory_space<vmem>> -> memref<128x64xf32, #tpu.memory_space<vmem>>
    %dma_wait3A_220 = arith.constant 0 : i32
    %dma_wait3A_221 = tpu.memref_slice %arg7[%dma_wait3A_214, %dma_wait3A_220] : memref<13x128xi32, #tpu.memory_space<vmem>> -> memref<1x128xi32, #tpu.memory_space<vmem>>
    %dma_wait3A_222 = tpu.memref_squeeze %dma_wait3A_221 : memref<1x128xi32, #tpu.memory_space<vmem>> -> memref<128xi32, #tpu.memory_space<vmem>>
    %dma_wait3A_223 = arith.constant 0 : i32
    %dma_wait3A_224 = arith.constant 0 : i32
    %dma_wait3A_225 = tpu.memref_slice %arg3[%dma_wait3A_223, %dma_wait3A_224] : memref<100000x64xf32, #tpu.memory_space<hbm>> -> memref<100000x64xf32, #tpu.memory_space<hbm>>
    tpu.wait_indirect_dma semaphore(%arg15 : memref<!tpu.dma_semaphore, #tpu.memory_space<semaphore_mem>>) src(%dma_wait3A_225 : memref<100000x64xf32, #tpu.memory_space<hbm>>) dst(%dma_wait3A_219 : memref<128x64xf32, #tpu.memory_space<vmem>>)
    %dma_wait3A_226 = arith.constant 0 : i32
    %dma_wait3A_227 = arith.constant 0 : i32
    %dma_wait3A_228 = arith.constant 0 : i32
    %dma_wait3A_229 = tpu.memref_slice %arg8[%dma_wait3A_226, %dma_wait3A_227, %dma_wait3A_228] : memref<2x128x64xf32, #tpu.memory_space<vmem>> -> memref<1x128x64xf32, #tpu.memory_space<vmem>>
    %dma_wait3A_230 = tpu.memref_squeeze %dma_wait3A_229 : memref<1x128x64xf32, #tpu.memory_space<vmem>> -> memref<128x64xf32, #tpu.memory_space<vmem>>
    %dma_wait3A_231 = arith.constant 0 : i32
    %dma_wait3A_232 = tpu.memref_slice %arg5[%add3A_200, %dma_wait3A_231] : memref<53248x64xf32, #tpu.memory_space<hbm>> -> memref<128x64xf32, #tpu.memory_space<hbm>>
    %dma_wait3A_233 = arith.constant 0 : i32
    %dma_wait3A_234 = tpu.memref_slice %arg5[%add3A_200, %dma_wait3A_233] : memref<53248x64xf32, #tpu.memory_space<hbm>> -> memref<128x64xf32, #tpu.memory_space<hbm>>
    %dma_wait3A_235 = arith.constant 0 : i32
    %dma_wait3A_236 = arith.constant 0 : i32
    %dma_wait3A_237 = tpu.memref_slice %arg8[%dma_wait3A_226, %dma_wait3A_235, %dma_wait3A_236] : memref<2x128x64xf32, #tpu.memory_space<vmem>> -> memref<1x128x64xf32, #tpu.memory_space<vmem>>
    %dma_wait3A_238 = tpu.memref_squeeze %dma_wait3A_237 : memref<1x128x64xf32, #tpu.memory_space<vmem>> -> memref<128x64xf32, #tpu.memory_space<vmem>>
    tpu.wait_dma2 semaphore(%arg16 : memref<!tpu.dma_semaphore, #tpu.memory_space<semaphore_mem>>) src(%dma_wait3A_238 : memref<128x64xf32, #tpu.memory_space<vmem>>) dst(%dma_wait3A_234 : memref<128x64xf32, #tpu.memory_space<hbm>>)
    %dma_start3A_239 = arith.constant 4 : i32
    %dma_start3A_240 = arith.constant 0 : i32
    %dma_start3A_241 = arith.constant 0 : i32
    %dma_start3A_242 = arith.constant 0 : i32
    %dma_start3A_243 = tpu.memref_slice %arg8[%dma_start3A_240, %dma_start3A_241, %dma_start3A_242] : memref<2x128x64xf32, #tpu.memory_space<vmem>> -> memref<1x128x64xf32, #tpu.memory_space<vmem>>
    %dma_start3A_244 = tpu.memref_squeeze %dma_start3A_243 : memref<1x128x64xf32, #tpu.memory_space<vmem>> -> memref<128x64xf32, #tpu.memory_space<vmem>>
    %dma_start3A_245 = arith.constant 0 : i32
    %dma_start3A_246 = tpu.memref_slice %arg7[%dma_start3A_239, %dma_start3A_245] : memref<13x128xi32, #tpu.memory_space<vmem>> -> memref<1x128xi32, #tpu.memory_space<vmem>>
    %dma_start3A_247 = tpu.memref_squeeze %dma_start3A_246 : memref<1x128xi32, #tpu.memory_space<vmem>> -> memref<128xi32, #tpu.memory_space<vmem>>
    %dma_start3A_248 = arith.constant 0 : i32
    %dma_start3A_249 = arith.constant 0 : i32
    %dma_start3A_250 = tpu.memref_slice %arg3[%dma_start3A_248, %dma_start3A_249] : memref<100000x64xf32, #tpu.memory_space<hbm>> -> memref<100000x64xf32, #tpu.memory_space<hbm>>
    tpu.enqueue_indirect_dma source(%dma_start3A_250 : memref<100000x64xf32, #tpu.memory_space<hbm>>) target(%dma_start3A_244 : memref<128x64xf32, #tpu.memory_space<vmem>>) offsets(%dma_start3A_247 : memref<128xi32, #tpu.memory_space<vmem>>) semaphore(%arg14 : memref<!tpu.dma_semaphore, #tpu.memory_space<semaphore_mem>>)
    %add3A_251 = arith.constant 384 : i32
    %add3A_252 = arith.addi %mul3A_58, %add3A_251 : i32
    %dma_start3A_253 = arith.constant 1 : i32
    %dma_start3A_254 = arith.constant 0 : i32
    %dma_start3A_255 = arith.constant 0 : i32
    %dma_start3A_256 = tpu.memref_slice %arg8[%dma_start3A_253, %dma_start3A_254, %dma_start3A_255] : memref<2x128x64xf32, #tpu.memory_space<vmem>> -> memref<1x128x64xf32, #tpu.memory_space<vmem>>
    %dma_start3A_257 = tpu.memref_squeeze %dma_start3A_256 : memref<1x128x64xf32, #tpu.memory_space<vmem>> -> memref<128x64xf32, #tpu.memory_space<vmem>>
    %dma_start3A_258 = arith.constant 0 : i32
    %dma_start3A_259 = tpu.memref_slice %arg5[%add3A_252, %dma_start3A_258] : memref<53248x64xf32, #tpu.memory_space<hbm>> -> memref<128x64xf32, #tpu.memory_space<hbm>>
    %dma_start3A_260 = arith.constant 0 : i32
    %dma_start3A_261 = tpu.memref_slice %arg5[%add3A_252, %dma_start3A_260] : memref<53248x64xf32, #tpu.memory_space<hbm>> -> memref<128x64xf32, #tpu.memory_space<hbm>>
    %dma_start3A_262 = arith.constant 0 : i32
    %dma_start3A_263 = arith.constant 0 : i32
    %dma_start3A_264 = tpu.memref_slice %arg8[%dma_start3A_253, %dma_start3A_262, %dma_start3A_263] : memref<2x128x64xf32, #tpu.memory_space<vmem>> -> memref<1x128x64xf32, #tpu.memory_space<vmem>>
    %dma_start3A_265 = tpu.memref_squeeze %dma_start3A_264 : memref<1x128x64xf32, #tpu.memory_space<vmem>> -> memref<128x64xf32, #tpu.memory_space<vmem>>
    tpu.enqueue_dma source(%dma_start3A_265 : memref<128x64xf32, #tpu.memory_space<vmem>>) target(%dma_start3A_261 : memref<128x64xf32, #tpu.memory_space<hbm>>) target_semaphore(%arg17 : memref<!tpu.dma_semaphore, #tpu.memory_space<semaphore_mem>>)
    %dma_wait3A_266 = arith.constant 4 : i32
    %dma_wait3A_267 = arith.constant 0 : i32
    %dma_wait3A_268 = arith.constant 0 : i32
    %dma_wait3A_269 = arith.constant 0 : i32
    %dma_wait3A_270 = tpu.memref_slice %arg8[%dma_wait3A_267, %dma_wait3A_268, %dma_wait3A_269] : memref<2x128x64xf32, #tpu.memory_space<vmem>> -> memref<1x128x64xf32, #tpu.memory_space<vmem>>
    %dma_wait3A_271 = tpu.memref_squeeze %dma_wait3A_270 : memref<1x128x64xf32, #tpu.memory_space<vmem>> -> memref<128x64xf32, #tpu.memory_space<vmem>>
    %dma_wait3A_272 = arith.constant 0 : i32
    %dma_wait3A_273 = tpu.memref_slice %arg7[%dma_wait3A_266, %dma_wait3A_272] : memref<13x128xi32, #tpu.memory_space<vmem>> -> memref<1x128xi32, #tpu.memory_space<vmem>>
    %dma_wait3A_274 = tpu.memref_squeeze %dma_wait3A_273 : memref<1x128xi32, #tpu.memory_space<vmem>> -> memref<128xi32, #tpu.memory_space<vmem>>
    %dma_wait3A_275 = arith.constant 0 : i32
    %dma_wait3A_276 = arith.constant 0 : i32
    %dma_wait3A_277 = tpu.memref_slice %arg3[%dma_wait3A_275, %dma_wait3A_276] : memref<100000x64xf32, #tpu.memory_space<hbm>> -> memref<100000x64xf32, #tpu.memory_space<hbm>>
    tpu.wait_indirect_dma semaphore(%arg14 : memref<!tpu.dma_semaphore, #tpu.memory_space<semaphore_mem>>) src(%dma_wait3A_277 : memref<100000x64xf32, #tpu.memory_space<hbm>>) dst(%dma_wait3A_271 : memref<128x64xf32, #tpu.memory_space<vmem>>)
    %dma_wait3A_278 = arith.constant 1 : i32
    %dma_wait3A_279 = arith.constant 0 : i32
    %dma_wait3A_280 = arith.constant 0 : i32
    %dma_wait3A_281 = tpu.memref_slice %arg8[%dma_wait3A_278, %dma_wait3A_279, %dma_wait3A_280] : memref<2x128x64xf32, #tpu.memory_space<vmem>> -> memref<1x128x64xf32, #tpu.memory_space<vmem>>
    %dma_wait3A_282 = tpu.memref_squeeze %dma_wait3A_281 : memref<1x128x64xf32, #tpu.memory_space<vmem>> -> memref<128x64xf32, #tpu.memory_space<vmem>>
    %dma_wait3A_283 = arith.constant 0 : i32
    %dma_wait3A_284 = tpu.memref_slice %arg5[%add3A_252, %dma_wait3A_283] : memref<53248x64xf32, #tpu.memory_space<hbm>> -> memref<128x64xf32, #tpu.memory_space<hbm>>
    %dma_wait3A_285 = arith.constant 0 : i32
    %dma_wait3A_286 = tpu.memref_slice %arg5[%add3A_252, %dma_wait3A_285] : memref<53248x64xf32, #tpu.memory_space<hbm>> -> memref<128x64xf32, #tpu.memory_space<hbm>>
    %dma_wait3A_287 = arith.constant 0 : i32
    %dma_wait3A_288 = arith.constant 0 : i32
    %dma_wait3A_289 = tpu.memref_slice %arg8[%dma_wait3A_278, %dma_wait3A_287, %dma_wait3A_288] : memref<2x128x64xf32, #tpu.memory_space<vmem>> -> memref<1x128x64xf32, #tpu.memory_space<vmem>>
    %dma_wait3A_290 = tpu.memref_squeeze %dma_wait3A_289 : memref<1x128x64xf32, #tpu.memory_space<vmem>> -> memref<128x64xf32, #tpu.memory_space<vmem>>
    tpu.wait_dma2 semaphore(%arg17 : memref<!tpu.dma_semaphore, #tpu.memory_space<semaphore_mem>>) src(%dma_wait3A_290 : memref<128x64xf32, #tpu.memory_space<vmem>>) dst(%dma_wait3A_286 : memref<128x64xf32, #tpu.memory_space<hbm>>)
    %dma_start3A_291 = arith.constant 5 : i32
    %dma_start3A_292 = arith.constant 1 : i32
    %dma_start3A_293 = arith.constant 0 : i32
    %dma_start3A_294 = arith.constant 0 : i32
    %dma_start3A_295 = tpu.memref_slice %arg8[%dma_start3A_292, %dma_start3A_293, %dma_start3A_294] : memref<2x128x64xf32, #tpu.memory_space<vmem>> -> memref<1x128x64xf32, #tpu.memory_space<vmem>>
    %dma_start3A_296 = tpu.memref_squeeze %dma_start3A_295 : memref<1x128x64xf32, #tpu.memory_space<vmem>> -> memref<128x64xf32, #tpu.memory_space<vmem>>
    %dma_start3A_297 = arith.constant 0 : i32
    %dma_start3A_298 = tpu.memref_slice %arg7[%dma_start3A_291, %dma_start3A_297] : memref<13x128xi32, #tpu.memory_space<vmem>> -> memref<1x128xi32, #tpu.memory_space<vmem>>
    %dma_start3A_299 = tpu.memref_squeeze %dma_start3A_298 : memref<1x128xi32, #tpu.memory_space<vmem>> -> memref<128xi32, #tpu.memory_space<vmem>>
    %dma_start3A_300 = arith.constant 0 : i32
    %dma_start3A_301 = arith.constant 0 : i32
    %dma_start3A_302 = tpu.memref_slice %arg3[%dma_start3A_300, %dma_start3A_301] : memref<100000x64xf32, #tpu.memory_space<hbm>> -> memref<100000x64xf32, #tpu.memory_space<hbm>>
    tpu.enqueue_indirect_dma source(%dma_start3A_302 : memref<100000x64xf32, #tpu.memory_space<hbm>>) target(%dma_start3A_296 : memref<128x64xf32, #tpu.memory_space<vmem>>) offsets(%dma_start3A_299 : memref<128xi32, #tpu.memory_space<vmem>>) semaphore(%arg15 : memref<!tpu.dma_semaphore, #tpu.memory_space<semaphore_mem>>)
    %add3A_303 = arith.constant 512 : i32
    %add3A_304 = arith.addi %mul3A_58, %add3A_303 : i32
    %dma_start3A_305 = arith.constant 0 : i32
    %dma_start3A_306 = arith.constant 0 : i32
    %dma_start3A_307 = arith.constant 0 : i32
    %dma_start3A_308 = tpu.memref_slice %arg8[%dma_start3A_305, %dma_start3A_306, %dma_start3A_307] : memref<2x128x64xf32, #tpu.memory_space<vmem>> -> memref<1x128x64xf32, #tpu.memory_space<vmem>>
    %dma_start3A_309 = tpu.memref_squeeze %dma_start3A_308 : memref<1x128x64xf32, #tpu.memory_space<vmem>> -> memref<128x64xf32, #tpu.memory_space<vmem>>
    %dma_start3A_310 = arith.constant 0 : i32
    %dma_start3A_311 = tpu.memref_slice %arg5[%add3A_304, %dma_start3A_310] : memref<53248x64xf32, #tpu.memory_space<hbm>> -> memref<128x64xf32, #tpu.memory_space<hbm>>
    %dma_start3A_312 = arith.constant 0 : i32
    %dma_start3A_313 = tpu.memref_slice %arg5[%add3A_304, %dma_start3A_312] : memref<53248x64xf32, #tpu.memory_space<hbm>> -> memref<128x64xf32, #tpu.memory_space<hbm>>
    %dma_start3A_314 = arith.constant 0 : i32
    %dma_start3A_315 = arith.constant 0 : i32
    %dma_start3A_316 = tpu.memref_slice %arg8[%dma_start3A_305, %dma_start3A_314, %dma_start3A_315] : memref<2x128x64xf32, #tpu.memory_space<vmem>> -> memref<1x128x64xf32, #tpu.memory_space<vmem>>
    %dma_start3A_317 = tpu.memref_squeeze %dma_start3A_316 : memref<1x128x64xf32, #tpu.memory_space<vmem>> -> memref<128x64xf32, #tpu.memory_space<vmem>>
    tpu.enqueue_dma source(%dma_start3A_317 : memref<128x64xf32, #tpu.memory_space<vmem>>) target(%dma_start3A_313 : memref<128x64xf32, #tpu.memory_space<hbm>>) target_semaphore(%arg16 : memref<!tpu.dma_semaphore, #tpu.memory_space<semaphore_mem>>)
    %dma_wait3A_318 = arith.constant 5 : i32
    %dma_wait3A_319 = arith.constant 1 : i32
    %dma_wait3A_320 = arith.constant 0 : i32
    %dma_wait3A_321 = arith.constant 0 : i32
    %dma_wait3A_322 = tpu.memref_slice %arg8[%dma_wait3A_319, %dma_wait3A_320, %dma_wait3A_321] : memref<2x128x64xf32, #tpu.memory_space<vmem>> -> memref<1x128x64xf32, #tpu.memory_space<vmem>>
    %dma_wait3A_323 = tpu.memref_squeeze %dma_wait3A_322 : memref<1x128x64xf32, #tpu.memory_space<vmem>> -> memref<128x64xf32, #tpu.memory_space<vmem>>
    %dma_wait3A_324 = arith.constant 0 : i32
    %dma_wait3A_325 = tpu.memref_slice %arg7[%dma_wait3A_318, %dma_wait3A_324] : memref<13x128xi32, #tpu.memory_space<vmem>> -> memref<1x128xi32, #tpu.memory_space<vmem>>
    %dma_wait3A_326 = tpu.memref_squeeze %dma_wait3A_325 : memref<1x128xi32, #tpu.memory_space<vmem>> -> memref<128xi32, #tpu.memory_space<vmem>>
    %dma_wait3A_327 = arith.constant 0 : i32
    %dma_wait3A_328 = arith.constant 0 : i32
    %dma_wait3A_329 = tpu.memref_slice %arg3[%dma_wait3A_327, %dma_wait3A_328] : memref<100000x64xf32, #tpu.memory_space<hbm>> -> memref<100000x64xf32, #tpu.memory_space<hbm>>
    tpu.wait_indirect_dma semaphore(%arg15 : memref<!tpu.dma_semaphore, #tpu.memory_space<semaphore_mem>>) src(%dma_wait3A_329 : memref<100000x64xf32, #tpu.memory_space<hbm>>) dst(%dma_wait3A_323 : memref<128x64xf32, #tpu.memory_space<vmem>>)
    %dma_wait3A_330 = arith.constant 0 : i32
    %dma_wait3A_331 = arith.constant 0 : i32
    %dma_wait3A_332 = arith.constant 0 : i32
    %dma_wait3A_333 = tpu.memref_slice %arg8[%dma_wait3A_330, %dma_wait3A_331, %dma_wait3A_332] : memref<2x128x64xf32, #tpu.memory_space<vmem>> -> memref<1x128x64xf32, #tpu.memory_space<vmem>>
    %dma_wait3A_334 = tpu.memref_squeeze %dma_wait3A_333 : memref<1x128x64xf32, #tpu.memory_space<vmem>> -> memref<128x64xf32, #tpu.memory_space<vmem>>
    %dma_wait3A_335 = arith.constant 0 : i32
    %dma_wait3A_336 = tpu.memref_slice %arg5[%add3A_304, %dma_wait3A_335] : memref<53248x64xf32, #tpu.memory_space<hbm>> -> memref<128x64xf32, #tpu.memory_space<hbm>>
    %dma_wait3A_337 = arith.constant 0 : i32
    %dma_wait3A_338 = tpu.memref_slice %arg5[%add3A_304, %dma_wait3A_337] : memref<53248x64xf32, #tpu.memory_space<hbm>> -> memref<128x64xf32, #tpu.memory_space<hbm>>
    %dma_wait3A_339 = arith.constant 0 : i32
    %dma_wait3A_340 = arith.constant 0 : i32
    %dma_wait3A_341 = tpu.memref_slice %arg8[%dma_wait3A_330, %dma_wait3A_339, %dma_wait3A_340] : memref<2x128x64xf32, #tpu.memory_space<vmem>> -> memref<1x128x64xf32, #tpu.memory_space<vmem>>
    %dma_wait3A_342 = tpu.memref_squeeze %dma_wait3A_341 : memref<1x128x64xf32, #tpu.memory_space<vmem>> -> memref<128x64xf32, #tpu.memory_space<vmem>>
    tpu.wait_dma2 semaphore(%arg16 : memref<!tpu.dma_semaphore, #tpu.memory_space<semaphore_mem>>) src(%dma_wait3A_342 : memref<128x64xf32, #tpu.memory_space<vmem>>) dst(%dma_wait3A_338 : memref<128x64xf32, #tpu.memory_space<hbm>>)
    %dma_start3A_343 = arith.constant 6 : i32
    %dma_start3A_344 = arith.constant 0 : i32
    %dma_start3A_345 = arith.constant 0 : i32
    %dma_start3A_346 = arith.constant 0 : i32
    %dma_start3A_347 = tpu.memref_slice %arg8[%dma_start3A_344, %dma_start3A_345, %dma_start3A_346] : memref<2x128x64xf32, #tpu.memory_space<vmem>> -> memref<1x128x64xf32, #tpu.memory_space<vmem>>
    %dma_start3A_348 = tpu.memref_squeeze %dma_start3A_347 : memref<1x128x64xf32, #tpu.memory_space<vmem>> -> memref<128x64xf32, #tpu.memory_space<vmem>>
    %dma_start3A_349 = arith.constant 0 : i32
    %dma_start3A_350 = tpu.memref_slice %arg7[%dma_start3A_343, %dma_start3A_349] : memref<13x128xi32, #tpu.memory_space<vmem>> -> memref<1x128xi32, #tpu.memory_space<vmem>>
    %dma_start3A_351 = tpu.memref_squeeze %dma_start3A_350 : memref<1x128xi32, #tpu.memory_space<vmem>> -> memref<128xi32, #tpu.memory_space<vmem>>
    %dma_start3A_352 = arith.constant 0 : i32
    %dma_start3A_353 = arith.constant 0 : i32
    %dma_start3A_354 = tpu.memref_slice %arg3[%dma_start3A_352, %dma_start3A_353] : memref<100000x64xf32, #tpu.memory_space<hbm>> -> memref<100000x64xf32, #tpu.memory_space<hbm>>
    tpu.enqueue_indirect_dma source(%dma_start3A_354 : memref<100000x64xf32, #tpu.memory_space<hbm>>) target(%dma_start3A_348 : memref<128x64xf32, #tpu.memory_space<vmem>>) offsets(%dma_start3A_351 : memref<128xi32, #tpu.memory_space<vmem>>) semaphore(%arg14 : memref<!tpu.dma_semaphore, #tpu.memory_space<semaphore_mem>>)
    %add3A_355 = arith.constant 640 : i32
    %add3A_356 = arith.addi %mul3A_58, %add3A_355 : i32
    %dma_start3A_357 = arith.constant 1 : i32
    %dma_start3A_358 = arith.constant 0 : i32
    %dma_start3A_359 = arith.constant 0 : i32
    %dma_start3A_360 = tpu.memref_slice %arg8[%dma_start3A_357, %dma_start3A_358, %dma_start3A_359] : memref<2x128x64xf32, #tpu.memory_space<vmem>> -> memref<1x128x64xf32, #tpu.memory_space<vmem>>
    %dma_start3A_361 = tpu.memref_squeeze %dma_start3A_360 : memref<1x128x64xf32, #tpu.memory_space<vmem>> -> memref<128x64xf32, #tpu.memory_space<vmem>>
    %dma_start3A_362 = arith.constant 0 : i32
    %dma_start3A_363 = tpu.memref_slice %arg5[%add3A_356, %dma_start3A_362] : memref<53248x64xf32, #tpu.memory_space<hbm>> -> memref<128x64xf32, #tpu.memory_space<hbm>>
    %dma_start3A_364 = arith.constant 0 : i32
    %dma_start3A_365 = tpu.memref_slice %arg5[%add3A_356, %dma_start3A_364] : memref<53248x64xf32, #tpu.memory_space<hbm>> -> memref<128x64xf32, #tpu.memory_space<hbm>>
    %dma_start3A_366 = arith.constant 0 : i32
    %dma_start3A_367 = arith.constant 0 : i32
    %dma_start3A_368 = tpu.memref_slice %arg8[%dma_start3A_357, %dma_start3A_366, %dma_start3A_367] : memref<2x128x64xf32, #tpu.memory_space<vmem>> -> memref<1x128x64xf32, #tpu.memory_space<vmem>>
    %dma_start3A_369 = tpu.memref_squeeze %dma_start3A_368 : memref<1x128x64xf32, #tpu.memory_space<vmem>> -> memref<128x64xf32, #tpu.memory_space<vmem>>
    tpu.enqueue_dma source(%dma_start3A_369 : memref<128x64xf32, #tpu.memory_space<vmem>>) target(%dma_start3A_365 : memref<128x64xf32, #tpu.memory_space<hbm>>) target_semaphore(%arg17 : memref<!tpu.dma_semaphore, #tpu.memory_space<semaphore_mem>>)
    %dma_wait3A_370 = arith.constant 6 : i32
    %dma_wait3A_371 = arith.constant 0 : i32
    %dma_wait3A_372 = arith.constant 0 : i32
    %dma_wait3A_373 = arith.constant 0 : i32
    %dma_wait3A_374 = tpu.memref_slice %arg8[%dma_wait3A_371, %dma_wait3A_372, %dma_wait3A_373] : memref<2x128x64xf32, #tpu.memory_space<vmem>> -> memref<1x128x64xf32, #tpu.memory_space<vmem>>
    %dma_wait3A_375 = tpu.memref_squeeze %dma_wait3A_374 : memref<1x128x64xf32, #tpu.memory_space<vmem>> -> memref<128x64xf32, #tpu.memory_space<vmem>>
    %dma_wait3A_376 = arith.constant 0 : i32
    %dma_wait3A_377 = tpu.memref_slice %arg7[%dma_wait3A_370, %dma_wait3A_376] : memref<13x128xi32, #tpu.memory_space<vmem>> -> memref<1x128xi32, #tpu.memory_space<vmem>>
    %dma_wait3A_378 = tpu.memref_squeeze %dma_wait3A_377 : memref<1x128xi32, #tpu.memory_space<vmem>> -> memref<128xi32, #tpu.memory_space<vmem>>
    %dma_wait3A_379 = arith.constant 0 : i32
    %dma_wait3A_380 = arith.constant 0 : i32
    %dma_wait3A_381 = tpu.memref_slice %arg3[%dma_wait3A_379, %dma_wait3A_380] : memref<100000x64xf32, #tpu.memory_space<hbm>> -> memref<100000x64xf32, #tpu.memory_space<hbm>>
    tpu.wait_indirect_dma semaphore(%arg14 : memref<!tpu.dma_semaphore, #tpu.memory_space<semaphore_mem>>) src(%dma_wait3A_381 : memref<100000x64xf32, #tpu.memory_space<hbm>>) dst(%dma_wait3A_375 : memref<128x64xf32, #tpu.memory_space<vmem>>)
    %dma_wait3A_382 = arith.constant 1 : i32
    %dma_wait3A_383 = arith.constant 0 : i32
    %dma_wait3A_384 = arith.constant 0 : i32
    %dma_wait3A_385 = tpu.memref_slice %arg8[%dma_wait3A_382, %dma_wait3A_383, %dma_wait3A_384] : memref<2x128x64xf32, #tpu.memory_space<vmem>> -> memref<1x128x64xf32, #tpu.memory_space<vmem>>
    %dma_wait3A_386 = tpu.memref_squeeze %dma_wait3A_385 : memref<1x128x64xf32, #tpu.memory_space<vmem>> -> memref<128x64xf32, #tpu.memory_space<vmem>>
    %dma_wait3A_387 = arith.constant 0 : i32
    %dma_wait3A_388 = tpu.memref_slice %arg5[%add3A_356, %dma_wait3A_387] : memref<53248x64xf32, #tpu.memory_space<hbm>> -> memref<128x64xf32, #tpu.memory_space<hbm>>
    %dma_wait3A_389 = arith.constant 0 : i32
    %dma_wait3A_390 = tpu.memref_slice %arg5[%add3A_356, %dma_wait3A_389] : memref<53248x64xf32, #tpu.memory_space<hbm>> -> memref<128x64xf32, #tpu.memory_space<hbm>>
    %dma_wait3A_391 = arith.constant 0 : i32
    %dma_wait3A_392 = arith.constant 0 : i32
    %dma_wait3A_393 = tpu.memref_slice %arg8[%dma_wait3A_382, %dma_wait3A_391, %dma_wait3A_392] : memref<2x128x64xf32, #tpu.memory_space<vmem>> -> memref<1x128x64xf32, #tpu.memory_space<vmem>>
    %dma_wait3A_394 = tpu.memref_squeeze %dma_wait3A_393 : memref<1x128x64xf32, #tpu.memory_space<vmem>> -> memref<128x64xf32, #tpu.memory_space<vmem>>
    tpu.wait_dma2 semaphore(%arg17 : memref<!tpu.dma_semaphore, #tpu.memory_space<semaphore_mem>>) src(%dma_wait3A_394 : memref<128x64xf32, #tpu.memory_space<vmem>>) dst(%dma_wait3A_390 : memref<128x64xf32, #tpu.memory_space<hbm>>)
    %dma_start3A_395 = arith.constant 7 : i32
    %dma_start3A_396 = arith.constant 1 : i32
    %dma_start3A_397 = arith.constant 0 : i32
    %dma_start3A_398 = arith.constant 0 : i32
    %dma_start3A_399 = tpu.memref_slice %arg8[%dma_start3A_396, %dma_start3A_397, %dma_start3A_398] : memref<2x128x64xf32, #tpu.memory_space<vmem>> -> memref<1x128x64xf32, #tpu.memory_space<vmem>>
    %dma_start3A_400 = tpu.memref_squeeze %dma_start3A_399 : memref<1x128x64xf32, #tpu.memory_space<vmem>> -> memref<128x64xf32, #tpu.memory_space<vmem>>
    %dma_start3A_401 = arith.constant 0 : i32
    %dma_start3A_402 = tpu.memref_slice %arg7[%dma_start3A_395, %dma_start3A_401] : memref<13x128xi32, #tpu.memory_space<vmem>> -> memref<1x128xi32, #tpu.memory_space<vmem>>
    %dma_start3A_403 = tpu.memref_squeeze %dma_start3A_402 : memref<1x128xi32, #tpu.memory_space<vmem>> -> memref<128xi32, #tpu.memory_space<vmem>>
    %dma_start3A_404 = arith.constant 0 : i32
    %dma_start3A_405 = arith.constant 0 : i32
    %dma_start3A_406 = tpu.memref_slice %arg3[%dma_start3A_404, %dma_start3A_405] : memref<100000x64xf32, #tpu.memory_space<hbm>> -> memref<100000x64xf32, #tpu.memory_space<hbm>>
    tpu.enqueue_indirect_dma source(%dma_start3A_406 : memref<100000x64xf32, #tpu.memory_space<hbm>>) target(%dma_start3A_400 : memref<128x64xf32, #tpu.memory_space<vmem>>) offsets(%dma_start3A_403 : memref<128xi32, #tpu.memory_space<vmem>>) semaphore(%arg15 : memref<!tpu.dma_semaphore, #tpu.memory_space<semaphore_mem>>)
    %add3A_407 = arith.constant 768 : i32
    %add3A_408 = arith.addi %mul3A_58, %add3A_407 : i32
    %dma_start3A_409 = arith.constant 0 : i32
    %dma_start3A_410 = arith.constant 0 : i32
    %dma_start3A_411 = arith.constant 0 : i32
    %dma_start3A_412 = tpu.memref_slice %arg8[%dma_start3A_409, %dma_start3A_410, %dma_start3A_411] : memref<2x128x64xf32, #tpu.memory_space<vmem>> -> memref<1x128x64xf32, #tpu.memory_space<vmem>>
    %dma_start3A_413 = tpu.memref_squeeze %dma_start3A_412 : memref<1x128x64xf32, #tpu.memory_space<vmem>> -> memref<128x64xf32, #tpu.memory_space<vmem>>
    %dma_start3A_414 = arith.constant 0 : i32
    %dma_start3A_415 = tpu.memref_slice %arg5[%add3A_408, %dma_start3A_414] : memref<53248x64xf32, #tpu.memory_space<hbm>> -> memref<128x64xf32, #tpu.memory_space<hbm>>
    %dma_start3A_416 = arith.constant 0 : i32
    %dma_start3A_417 = tpu.memref_slice %arg5[%add3A_408, %dma_start3A_416] : memref<53248x64xf32, #tpu.memory_space<hbm>> -> memref<128x64xf32, #tpu.memory_space<hbm>>
    %dma_start3A_418 = arith.constant 0 : i32
    %dma_start3A_419 = arith.constant 0 : i32
    %dma_start3A_420 = tpu.memref_slice %arg8[%dma_start3A_409, %dma_start3A_418, %dma_start3A_419] : memref<2x128x64xf32, #tpu.memory_space<vmem>> -> memref<1x128x64xf32, #tpu.memory_space<vmem>>
    %dma_start3A_421 = tpu.memref_squeeze %dma_start3A_420 : memref<1x128x64xf32, #tpu.memory_space<vmem>> -> memref<128x64xf32, #tpu.memory_space<vmem>>
    tpu.enqueue_dma source(%dma_start3A_421 : memref<128x64xf32, #tpu.memory_space<vmem>>) target(%dma_start3A_417 : memref<128x64xf32, #tpu.memory_space<hbm>>) target_semaphore(%arg16 : memref<!tpu.dma_semaphore, #tpu.memory_space<semaphore_mem>>)
    %dma_wait3A_422 = arith.constant 7 : i32
    %dma_wait3A_423 = arith.constant 1 : i32
    %dma_wait3A_424 = arith.constant 0 : i32
    %dma_wait3A_425 = arith.constant 0 : i32
    %dma_wait3A_426 = tpu.memref_slice %arg8[%dma_wait3A_423, %dma_wait3A_424, %dma_wait3A_425] : memref<2x128x64xf32, #tpu.memory_space<vmem>> -> memref<1x128x64xf32, #tpu.memory_space<vmem>>
    %dma_wait3A_427 = tpu.memref_squeeze %dma_wait3A_426 : memref<1x128x64xf32, #tpu.memory_space<vmem>> -> memref<128x64xf32, #tpu.memory_space<vmem>>
    %dma_wait3A_428 = arith.constant 0 : i32
    %dma_wait3A_429 = tpu.memref_slice %arg7[%dma_wait3A_422, %dma_wait3A_428] : memref<13x128xi32, #tpu.memory_space<vmem>> -> memref<1x128xi32, #tpu.memory_space<vmem>>
    %dma_wait3A_430 = tpu.memref_squeeze %dma_wait3A_429 : memref<1x128xi32, #tpu.memory_space<vmem>> -> memref<128xi32, #tpu.memory_space<vmem>>
    %dma_wait3A_431 = arith.constant 0 : i32
    %dma_wait3A_432 = arith.constant 0 : i32
    %dma_wait3A_433 = tpu.memref_slice %arg3[%dma_wait3A_431, %dma_wait3A_432] : memref<100000x64xf32, #tpu.memory_space<hbm>> -> memref<100000x64xf32, #tpu.memory_space<hbm>>
    tpu.wait_indirect_dma semaphore(%arg15 : memref<!tpu.dma_semaphore, #tpu.memory_space<semaphore_mem>>) src(%dma_wait3A_433 : memref<100000x64xf32, #tpu.memory_space<hbm>>) dst(%dma_wait3A_427 : memref<128x64xf32, #tpu.memory_space<vmem>>)
    %dma_wait3A_434 = arith.constant 0 : i32
    %dma_wait3A_435 = arith.constant 0 : i32
    %dma_wait3A_436 = arith.constant 0 : i32
    %dma_wait3A_437 = tpu.memref_slice %arg8[%dma_wait3A_434, %dma_wait3A_435, %dma_wait3A_436] : memref<2x128x64xf32, #tpu.memory_space<vmem>> -> memref<1x128x64xf32, #tpu.memory_space<vmem>>
    %dma_wait3A_438 = tpu.memref_squeeze %dma_wait3A_437 : memref<1x128x64xf32, #tpu.memory_space<vmem>> -> memref<128x64xf32, #tpu.memory_space<vmem>>
    %dma_wait3A_439 = arith.constant 0 : i32
    %dma_wait3A_440 = tpu.memref_slice %arg5[%add3A_408, %dma_wait3A_439] : memref<53248x64xf32, #tpu.memory_space<hbm>> -> memref<128x64xf32, #tpu.memory_space<hbm>>
    %dma_wait3A_441 = arith.constant 0 : i32
    %dma_wait3A_442 = tpu.memref_slice %arg5[%add3A_408, %dma_wait3A_441] : memref<53248x64xf32, #tpu.memory_space<hbm>> -> memref<128x64xf32, #tpu.memory_space<hbm>>
    %dma_wait3A_443 = arith.constant 0 : i32
    %dma_wait3A_444 = arith.constant 0 : i32
    %dma_wait3A_445 = tpu.memref_slice %arg8[%dma_wait3A_434, %dma_wait3A_443, %dma_wait3A_444] : memref<2x128x64xf32, #tpu.memory_space<vmem>> -> memref<1x128x64xf32, #tpu.memory_space<vmem>>
    %dma_wait3A_446 = tpu.memref_squeeze %dma_wait3A_445 : memref<1x128x64xf32, #tpu.memory_space<vmem>> -> memref<128x64xf32, #tpu.memory_space<vmem>>
    tpu.wait_dma2 semaphore(%arg16 : memref<!tpu.dma_semaphore, #tpu.memory_space<semaphore_mem>>) src(%dma_wait3A_446 : memref<128x64xf32, #tpu.memory_space<vmem>>) dst(%dma_wait3A_442 : memref<128x64xf32, #tpu.memory_space<hbm>>)
    %dma_start3A_447 = arith.constant 8 : i32
    %dma_start3A_448 = arith.constant 0 : i32
    %dma_start3A_449 = arith.constant 0 : i32
    %dma_start3A_450 = arith.constant 0 : i32
    %dma_start3A_451 = tpu.memref_slice %arg8[%dma_start3A_448, %dma_start3A_449, %dma_start3A_450] : memref<2x128x64xf32, #tpu.memory_space<vmem>> -> memref<1x128x64xf32, #tpu.memory_space<vmem>>
    %dma_start3A_452 = tpu.memref_squeeze %dma_start3A_451 : memref<1x128x64xf32, #tpu.memory_space<vmem>> -> memref<128x64xf32, #tpu.memory_space<vmem>>
    %dma_start3A_453 = arith.constant 0 : i32
    %dma_start3A_454 = tpu.memref_slice %arg7[%dma_start3A_447, %dma_start3A_453] : memref<13x128xi32, #tpu.memory_space<vmem>> -> memref<1x128xi32, #tpu.memory_space<vmem>>
    %dma_start3A_455 = tpu.memref_squeeze %dma_start3A_454 : memref<1x128xi32, #tpu.memory_space<vmem>> -> memref<128xi32, #tpu.memory_space<vmem>>
    %dma_start3A_456 = arith.constant 0 : i32
    %dma_start3A_457 = arith.constant 0 : i32
    %dma_start3A_458 = tpu.memref_slice %arg3[%dma_start3A_456, %dma_start3A_457] : memref<100000x64xf32, #tpu.memory_space<hbm>> -> memref<100000x64xf32, #tpu.memory_space<hbm>>
    tpu.enqueue_indirect_dma source(%dma_start3A_458 : memref<100000x64xf32, #tpu.memory_space<hbm>>) target(%dma_start3A_452 : memref<128x64xf32, #tpu.memory_space<vmem>>) offsets(%dma_start3A_455 : memref<128xi32, #tpu.memory_space<vmem>>) semaphore(%arg14 : memref<!tpu.dma_semaphore, #tpu.memory_space<semaphore_mem>>)
    %add3A_459 = arith.constant 896 : i32
    %add3A_460 = arith.addi %mul3A_58, %add3A_459 : i32
    %dma_start3A_461 = arith.constant 1 : i32
    %dma_start3A_462 = arith.constant 0 : i32
    %dma_start3A_463 = arith.constant 0 : i32
    %dma_start3A_464 = tpu.memref_slice %arg8[%dma_start3A_461, %dma_start3A_462, %dma_start3A_463] : memref<2x128x64xf32, #tpu.memory_space<vmem>> -> memref<1x128x64xf32, #tpu.memory_space<vmem>>
    %dma_start3A_465 = tpu.memref_squeeze %dma_start3A_464 : memref<1x128x64xf32, #tpu.memory_space<vmem>> -> memref<128x64xf32, #tpu.memory_space<vmem>>
    %dma_start3A_466 = arith.constant 0 : i32
    %dma_start3A_467 = tpu.memref_slice %arg5[%add3A_460, %dma_start3A_466] : memref<53248x64xf32, #tpu.memory_space<hbm>> -> memref<128x64xf32, #tpu.memory_space<hbm>>
    %dma_start3A_468 = arith.constant 0 : i32
    %dma_start3A_469 = tpu.memref_slice %arg5[%add3A_460, %dma_start3A_468] : memref<53248x64xf32, #tpu.memory_space<hbm>> -> memref<128x64xf32, #tpu.memory_space<hbm>>
    %dma_start3A_470 = arith.constant 0 : i32
    %dma_start3A_471 = arith.constant 0 : i32
    %dma_start3A_472 = tpu.memref_slice %arg8[%dma_start3A_461, %dma_start3A_470, %dma_start3A_471] : memref<2x128x64xf32, #tpu.memory_space<vmem>> -> memref<1x128x64xf32, #tpu.memory_space<vmem>>
    %dma_start3A_473 = tpu.memref_squeeze %dma_start3A_472 : memref<1x128x64xf32, #tpu.memory_space<vmem>> -> memref<128x64xf32, #tpu.memory_space<vmem>>
    tpu.enqueue_dma source(%dma_start3A_473 : memref<128x64xf32, #tpu.memory_space<vmem>>) target(%dma_start3A_469 : memref<128x64xf32, #tpu.memory_space<hbm>>) target_semaphore(%arg17 : memref<!tpu.dma_semaphore, #tpu.memory_space<semaphore_mem>>)
    %dma_wait3A_474 = arith.constant 8 : i32
    %dma_wait3A_475 = arith.constant 0 : i32
    %dma_wait3A_476 = arith.constant 0 : i32
    %dma_wait3A_477 = arith.constant 0 : i32
    %dma_wait3A_478 = tpu.memref_slice %arg8[%dma_wait3A_475, %dma_wait3A_476, %dma_wait3A_477] : memref<2x128x64xf32, #tpu.memory_space<vmem>> -> memref<1x128x64xf32, #tpu.memory_space<vmem>>
    %dma_wait3A_479 = tpu.memref_squeeze %dma_wait3A_478 : memref<1x128x64xf32, #tpu.memory_space<vmem>> -> memref<128x64xf32, #tpu.memory_space<vmem>>
    %dma_wait3A_480 = arith.constant 0 : i32
    %dma_wait3A_481 = tpu.memref_slice %arg7[%dma_wait3A_474, %dma_wait3A_480] : memref<13x128xi32, #tpu.memory_space<vmem>> -> memref<1x128xi32, #tpu.memory_space<vmem>>
    %dma_wait3A_482 = tpu.memref_squeeze %dma_wait3A_481 : memref<1x128xi32, #tpu.memory_space<vmem>> -> memref<128xi32, #tpu.memory_space<vmem>>
    %dma_wait3A_483 = arith.constant 0 : i32
    %dma_wait3A_484 = arith.constant 0 : i32
    %dma_wait3A_485 = tpu.memref_slice %arg3[%dma_wait3A_483, %dma_wait3A_484] : memref<100000x64xf32, #tpu.memory_space<hbm>> -> memref<100000x64xf32, #tpu.memory_space<hbm>>
    tpu.wait_indirect_dma semaphore(%arg14 : memref<!tpu.dma_semaphore, #tpu.memory_space<semaphore_mem>>) src(%dma_wait3A_485 : memref<100000x64xf32, #tpu.memory_space<hbm>>) dst(%dma_wait3A_479 : memref<128x64xf32, #tpu.memory_space<vmem>>)
    %dma_wait3A_486 = arith.constant 1 : i32
    %dma_wait3A_487 = arith.constant 0 : i32
    %dma_wait3A_488 = arith.constant 0 : i32
    %dma_wait3A_489 = tpu.memref_slice %arg8[%dma_wait3A_486, %dma_wait3A_487, %dma_wait3A_488] : memref<2x128x64xf32, #tpu.memory_space<vmem>> -> memref<1x128x64xf32, #tpu.memory_space<vmem>>
    %dma_wait3A_490 = tpu.memref_squeeze %dma_wait3A_489 : memref<1x128x64xf32, #tpu.memory_space<vmem>> -> memref<128x64xf32, #tpu.memory_space<vmem>>
    %dma_wait3A_491 = arith.constant 0 : i32
    %dma_wait3A_492 = tpu.memref_slice %arg5[%add3A_460, %dma_wait3A_491] : memref<53248x64xf32, #tpu.memory_space<hbm>> -> memref<128x64xf32, #tpu.memory_space<hbm>>
    %dma_wait3A_493 = arith.constant 0 : i32
    %dma_wait3A_494 = tpu.memref_slice %arg5[%add3A_460, %dma_wait3A_493] : memref<53248x64xf32, #tpu.memory_space<hbm>> -> memref<128x64xf32, #tpu.memory_space<hbm>>
    %dma_wait3A_495 = arith.constant 0 : i32
    %dma_wait3A_496 = arith.constant 0 : i32
    %dma_wait3A_497 = tpu.memref_slice %arg8[%dma_wait3A_486, %dma_wait3A_495, %dma_wait3A_496] : memref<2x128x64xf32, #tpu.memory_space<vmem>> -> memref<1x128x64xf32, #tpu.memory_space<vmem>>
    %dma_wait3A_498 = tpu.memref_squeeze %dma_wait3A_497 : memref<1x128x64xf32, #tpu.memory_space<vmem>> -> memref<128x64xf32, #tpu.memory_space<vmem>>
    tpu.wait_dma2 semaphore(%arg17 : memref<!tpu.dma_semaphore, #tpu.memory_space<semaphore_mem>>) src(%dma_wait3A_498 : memref<128x64xf32, #tpu.memory_space<vmem>>) dst(%dma_wait3A_494 : memref<128x64xf32, #tpu.memory_space<hbm>>)
    %dma_start3A_499 = arith.constant 9 : i32
    %dma_start3A_500 = arith.constant 1 : i32
    %dma_start3A_501 = arith.constant 0 : i32
    %dma_start3A_502 = arith.constant 0 : i32
    %dma_start3A_503 = tpu.memref_slice %arg8[%dma_start3A_500, %dma_start3A_501, %dma_start3A_502] : memref<2x128x64xf32, #tpu.memory_space<vmem>> -> memref<1x128x64xf32, #tpu.memory_space<vmem>>
    %dma_start3A_504 = tpu.memref_squeeze %dma_start3A_503 : memref<1x128x64xf32, #tpu.memory_space<vmem>> -> memref<128x64xf32, #tpu.memory_space<vmem>>
    %dma_start3A_505 = arith.constant 0 : i32
    %dma_start3A_506 = tpu.memref_slice %arg7[%dma_start3A_499, %dma_start3A_505] : memref<13x128xi32, #tpu.memory_space<vmem>> -> memref<1x128xi32, #tpu.memory_space<vmem>>
    %dma_start3A_507 = tpu.memref_squeeze %dma_start3A_506 : memref<1x128xi32, #tpu.memory_space<vmem>> -> memref<128xi32, #tpu.memory_space<vmem>>
    %dma_start3A_508 = arith.constant 0 : i32
    %dma_start3A_509 = arith.constant 0 : i32
    %dma_start3A_510 = tpu.memref_slice %arg3[%dma_start3A_508, %dma_start3A_509] : memref<100000x64xf32, #tpu.memory_space<hbm>> -> memref<100000x64xf32, #tpu.memory_space<hbm>>
    tpu.enqueue_indirect_dma source(%dma_start3A_510 : memref<100000x64xf32, #tpu.memory_space<hbm>>) target(%dma_start3A_504 : memref<128x64xf32, #tpu.memory_space<vmem>>) offsets(%dma_start3A_507 : memref<128xi32, #tpu.memory_space<vmem>>) semaphore(%arg15 : memref<!tpu.dma_semaphore, #tpu.memory_space<semaphore_mem>>)
    %add3A_511 = arith.constant 1024 : i32
    %add3A_512 = arith.addi %mul3A_58, %add3A_511 : i32
    %dma_start3A_513 = arith.constant 0 : i32
    %dma_start3A_514 = arith.constant 0 : i32
    %dma_start3A_515 = arith.constant 0 : i32
    %dma_start3A_516 = tpu.memref_slice %arg8[%dma_start3A_513, %dma_start3A_514, %dma_start3A_515] : memref<2x128x64xf32, #tpu.memory_space<vmem>> -> memref<1x128x64xf32, #tpu.memory_space<vmem>>
    %dma_start3A_517 = tpu.memref_squeeze %dma_start3A_516 : memref<1x128x64xf32, #tpu.memory_space<vmem>> -> memref<128x64xf32, #tpu.memory_space<vmem>>
    %dma_start3A_518 = arith.constant 0 : i32
    %dma_start3A_519 = tpu.memref_slice %arg5[%add3A_512, %dma_start3A_518] : memref<53248x64xf32, #tpu.memory_space<hbm>> -> memref<128x64xf32, #tpu.memory_space<hbm>>
    %dma_start3A_520 = arith.constant 0 : i32
    %dma_start3A_521 = tpu.memref_slice %arg5[%add3A_512, %dma_start3A_520] : memref<53248x64xf32, #tpu.memory_space<hbm>> -> memref<128x64xf32, #tpu.memory_space<hbm>>
    %dma_start3A_522 = arith.constant 0 : i32
    %dma_start3A_523 = arith.constant 0 : i32
    %dma_start3A_524 = tpu.memref_slice %arg8[%dma_start3A_513, %dma_start3A_522, %dma_start3A_523] : memref<2x128x64xf32, #tpu.memory_space<vmem>> -> memref<1x128x64xf32, #tpu.memory_space<vmem>>
    %dma_start3A_525 = tpu.memref_squeeze %dma_start3A_524 : memref<1x128x64xf32, #tpu.memory_space<vmem>> -> memref<128x64xf32, #tpu.memory_space<vmem>>
    tpu.enqueue_dma source(%dma_start3A_525 : memref<128x64xf32, #tpu.memory_space<vmem>>) target(%dma_start3A_521 : memref<128x64xf32, #tpu.memory_space<hbm>>) target_semaphore(%arg16 : memref<!tpu.dma_semaphore, #tpu.memory_space<semaphore_mem>>)
    %dma_wait3A_526 = arith.constant 9 : i32
    %dma_wait3A_527 = arith.constant 1 : i32
    %dma_wait3A_528 = arith.constant 0 : i32
    %dma_wait3A_529 = arith.constant 0 : i32
    %dma_wait3A_530 = tpu.memref_slice %arg8[%dma_wait3A_527, %dma_wait3A_528, %dma_wait3A_529] : memref<2x128x64xf32, #tpu.memory_space<vmem>> -> memref<1x128x64xf32, #tpu.memory_space<vmem>>
    %dma_wait3A_531 = tpu.memref_squeeze %dma_wait3A_530 : memref<1x128x64xf32, #tpu.memory_space<vmem>> -> memref<128x64xf32, #tpu.memory_space<vmem>>
    %dma_wait3A_532 = arith.constant 0 : i32
    %dma_wait3A_533 = tpu.memref_slice %arg7[%dma_wait3A_526, %dma_wait3A_532] : memref<13x128xi32, #tpu.memory_space<vmem>> -> memref<1x128xi32, #tpu.memory_space<vmem>>
    %dma_wait3A_534 = tpu.memref_squeeze %dma_wait3A_533 : memref<1x128xi32, #tpu.memory_space<vmem>> -> memref<128xi32, #tpu.memory_space<vmem>>
    %dma_wait3A_535 = arith.constant 0 : i32
    %dma_wait3A_536 = arith.constant 0 : i32
    %dma_wait3A_537 = tpu.memref_slice %arg3[%dma_wait3A_535, %dma_wait3A_536] : memref<100000x64xf32, #tpu.memory_space<hbm>> -> memref<100000x64xf32, #tpu.memory_space<hbm>>
    tpu.wait_indirect_dma semaphore(%arg15 : memref<!tpu.dma_semaphore, #tpu.memory_space<semaphore_mem>>) src(%dma_wait3A_537 : memref<100000x64xf32, #tpu.memory_space<hbm>>) dst(%dma_wait3A_531 : memref<128x64xf32, #tpu.memory_space<vmem>>)
    %dma_wait3A_538 = arith.constant 0 : i32
    %dma_wait3A_539 = arith.constant 0 : i32
    %dma_wait3A_540 = arith.constant 0 : i32
    %dma_wait3A_541 = tpu.memref_slice %arg8[%dma_wait3A_538, %dma_wait3A_539, %dma_wait3A_540] : memref<2x128x64xf32, #tpu.memory_space<vmem>> -> memref<1x128x64xf32, #tpu.memory_space<vmem>>
    %dma_wait3A_542 = tpu.memref_squeeze %dma_wait3A_541 : memref<1x128x64xf32, #tpu.memory_space<vmem>> -> memref<128x64xf32, #tpu.memory_space<vmem>>
    %dma_wait3A_543 = arith.constant 0 : i32
    %dma_wait3A_544 = tpu.memref_slice %arg5[%add3A_512, %dma_wait3A_543] : memref<53248x64xf32, #tpu.memory_space<hbm>> -> memref<128x64xf32, #tpu.memory_space<hbm>>
    %dma_wait3A_545 = arith.constant 0 : i32
    %dma_wait3A_546 = tpu.memref_slice %arg5[%add3A_512, %dma_wait3A_545] : memref<53248x64xf32, #tpu.memory_space<hbm>> -> memref<128x64xf32, #tpu.memory_space<hbm>>
    %dma_wait3A_547 = arith.constant 0 : i32
    %dma_wait3A_548 = arith.constant 0 : i32
    %dma_wait3A_549 = tpu.memref_slice %arg8[%dma_wait3A_538, %dma_wait3A_547, %dma_wait3A_548] : memref<2x128x64xf32, #tpu.memory_space<vmem>> -> memref<1x128x64xf32, #tpu.memory_space<vmem>>
    %dma_wait3A_550 = tpu.memref_squeeze %dma_wait3A_549 : memref<1x128x64xf32, #tpu.memory_space<vmem>> -> memref<128x64xf32, #tpu.memory_space<vmem>>
    tpu.wait_dma2 semaphore(%arg16 : memref<!tpu.dma_semaphore, #tpu.memory_space<semaphore_mem>>) src(%dma_wait3A_550 : memref<128x64xf32, #tpu.memory_space<vmem>>) dst(%dma_wait3A_546 : memref<128x64xf32, #tpu.memory_space<hbm>>)
    %dma_start3A_551 = arith.constant 10 : i32
    %dma_start3A_552 = arith.constant 0 : i32
    %dma_start3A_553 = arith.constant 0 : i32
    %dma_start3A_554 = arith.constant 0 : i32
    %dma_start3A_555 = tpu.memref_slice %arg8[%dma_start3A_552, %dma_start3A_553, %dma_start3A_554] : memref<2x128x64xf32, #tpu.memory_space<vmem>> -> memref<1x128x64xf32, #tpu.memory_space<vmem>>
    %dma_start3A_556 = tpu.memref_squeeze %dma_start3A_555 : memref<1x128x64xf32, #tpu.memory_space<vmem>> -> memref<128x64xf32, #tpu.memory_space<vmem>>
    %dma_start3A_557 = arith.constant 0 : i32
    %dma_start3A_558 = tpu.memref_slice %arg7[%dma_start3A_551, %dma_start3A_557] : memref<13x128xi32, #tpu.memory_space<vmem>> -> memref<1x128xi32, #tpu.memory_space<vmem>>
    %dma_start3A_559 = tpu.memref_squeeze %dma_start3A_558 : memref<1x128xi32, #tpu.memory_space<vmem>> -> memref<128xi32, #tpu.memory_space<vmem>>
    %dma_start3A_560 = arith.constant 0 : i32
    %dma_start3A_561 = arith.constant 0 : i32
    %dma_start3A_562 = tpu.memref_slice %arg3[%dma_start3A_560, %dma_start3A_561] : memref<100000x64xf32, #tpu.memory_space<hbm>> -> memref<100000x64xf32, #tpu.memory_space<hbm>>
    tpu.enqueue_indirect_dma source(%dma_start3A_562 : memref<100000x64xf32, #tpu.memory_space<hbm>>) target(%dma_start3A_556 : memref<128x64xf32, #tpu.memory_space<vmem>>) offsets(%dma_start3A_559 : memref<128xi32, #tpu.memory_space<vmem>>) semaphore(%arg14 : memref<!tpu.dma_semaphore, #tpu.memory_space<semaphore_mem>>)
    %add3A_563 = arith.constant 1152 : i32
    %add3A_564 = arith.addi %mul3A_58, %add3A_563 : i32
    %dma_start3A_565 = arith.constant 1 : i32
    %dma_start3A_566 = arith.constant 0 : i32
    %dma_start3A_567 = arith.constant 0 : i32
    %dma_start3A_568 = tpu.memref_slice %arg8[%dma_start3A_565, %dma_start3A_566, %dma_start3A_567] : memref<2x128x64xf32, #tpu.memory_space<vmem>> -> memref<1x128x64xf32, #tpu.memory_space<vmem>>
    %dma_start3A_569 = tpu.memref_squeeze %dma_start3A_568 : memref<1x128x64xf32, #tpu.memory_space<vmem>> -> memref<128x64xf32, #tpu.memory_space<vmem>>
    %dma_start3A_570 = arith.constant 0 : i32
    %dma_start3A_571 = tpu.memref_slice %arg5[%add3A_564, %dma_start3A_570] : memref<53248x64xf32, #tpu.memory_space<hbm>> -> memref<128x64xf32, #tpu.memory_space<hbm>>
    %dma_start3A_572 = arith.constant 0 : i32
    %dma_start3A_573 = tpu.memref_slice %arg5[%add3A_564, %dma_start3A_572] : memref<53248x64xf32, #tpu.memory_space<hbm>> -> memref<128x64xf32, #tpu.memory_space<hbm>>
    %dma_start3A_574 = arith.constant 0 : i32
    %dma_start3A_575 = arith.constant 0 : i32
    %dma_start3A_576 = tpu.memref_slice %arg8[%dma_start3A_565, %dma_start3A_574, %dma_start3A_575] : memref<2x128x64xf32, #tpu.memory_space<vmem>> -> memref<1x128x64xf32, #tpu.memory_space<vmem>>
    %dma_start3A_577 = tpu.memref_squeeze %dma_start3A_576 : memref<1x128x64xf32, #tpu.memory_space<vmem>> -> memref<128x64xf32, #tpu.memory_space<vmem>>
    tpu.enqueue_dma source(%dma_start3A_577 : memref<128x64xf32, #tpu.memory_space<vmem>>) target(%dma_start3A_573 : memref<128x64xf32, #tpu.memory_space<hbm>>) target_semaphore(%arg17 : memref<!tpu.dma_semaphore, #tpu.memory_space<semaphore_mem>>)
    %dma_wait3A_578 = arith.constant 10 : i32
    %dma_wait3A_579 = arith.constant 0 : i32
    %dma_wait3A_580 = arith.constant 0 : i32
    %dma_wait3A_581 = arith.constant 0 : i32
    %dma_wait3A_582 = tpu.memref_slice %arg8[%dma_wait3A_579, %dma_wait3A_580, %dma_wait3A_581] : memref<2x128x64xf32, #tpu.memory_space<vmem>> -> memref<1x128x64xf32, #tpu.memory_space<vmem>>
    %dma_wait3A_583 = tpu.memref_squeeze %dma_wait3A_582 : memref<1x128x64xf32, #tpu.memory_space<vmem>> -> memref<128x64xf32, #tpu.memory_space<vmem>>
    %dma_wait3A_584 = arith.constant 0 : i32
    %dma_wait3A_585 = tpu.memref_slice %arg7[%dma_wait3A_578, %dma_wait3A_584] : memref<13x128xi32, #tpu.memory_space<vmem>> -> memref<1x128xi32, #tpu.memory_space<vmem>>
    %dma_wait3A_586 = tpu.memref_squeeze %dma_wait3A_585 : memref<1x128xi32, #tpu.memory_space<vmem>> -> memref<128xi32, #tpu.memory_space<vmem>>
    %dma_wait3A_587 = arith.constant 0 : i32
    %dma_wait3A_588 = arith.constant 0 : i32
    %dma_wait3A_589 = tpu.memref_slice %arg3[%dma_wait3A_587, %dma_wait3A_588] : memref<100000x64xf32, #tpu.memory_space<hbm>> -> memref<100000x64xf32, #tpu.memory_space<hbm>>
    tpu.wait_indirect_dma semaphore(%arg14 : memref<!tpu.dma_semaphore, #tpu.memory_space<semaphore_mem>>) src(%dma_wait3A_589 : memref<100000x64xf32, #tpu.memory_space<hbm>>) dst(%dma_wait3A_583 : memref<128x64xf32, #tpu.memory_space<vmem>>)
    %dma_wait3A_590 = arith.constant 1 : i32
    %dma_wait3A_591 = arith.constant 0 : i32
    %dma_wait3A_592 = arith.constant 0 : i32
    %dma_wait3A_593 = tpu.memref_slice %arg8[%dma_wait3A_590, %dma_wait3A_591, %dma_wait3A_592] : memref<2x128x64xf32, #tpu.memory_space<vmem>> -> memref<1x128x64xf32, #tpu.memory_space<vmem>>
    %dma_wait3A_594 = tpu.memref_squeeze %dma_wait3A_593 : memref<1x128x64xf32, #tpu.memory_space<vmem>> -> memref<128x64xf32, #tpu.memory_space<vmem>>
    %dma_wait3A_595 = arith.constant 0 : i32
    %dma_wait3A_596 = tpu.memref_slice %arg5[%add3A_564, %dma_wait3A_595] : memref<53248x64xf32, #tpu.memory_space<hbm>> -> memref<128x64xf32, #tpu.memory_space<hbm>>
    %dma_wait3A_597 = arith.constant 0 : i32
    %dma_wait3A_598 = tpu.memref_slice %arg5[%add3A_564, %dma_wait3A_597] : memref<53248x64xf32, #tpu.memory_space<hbm>> -> memref<128x64xf32, #tpu.memory_space<hbm>>
    %dma_wait3A_599 = arith.constant 0 : i32
    %dma_wait3A_600 = arith.constant 0 : i32
    %dma_wait3A_601 = tpu.memref_slice %arg8[%dma_wait3A_590, %dma_wait3A_599, %dma_wait3A_600] : memref<2x128x64xf32, #tpu.memory_space<vmem>> -> memref<1x128x64xf32, #tpu.memory_space<vmem>>
    %dma_wait3A_602 = tpu.memref_squeeze %dma_wait3A_601 : memref<1x128x64xf32, #tpu.memory_space<vmem>> -> memref<128x64xf32, #tpu.memory_space<vmem>>
    tpu.wait_dma2 semaphore(%arg17 : memref<!tpu.dma_semaphore, #tpu.memory_space<semaphore_mem>>) src(%dma_wait3A_602 : memref<128x64xf32, #tpu.memory_space<vmem>>) dst(%dma_wait3A_598 : memref<128x64xf32, #tpu.memory_space<hbm>>)
    %dma_start3A_603 = arith.constant 11 : i32
    %dma_start3A_604 = arith.constant 1 : i32
    %dma_start3A_605 = arith.constant 0 : i32
    %dma_start3A_606 = arith.constant 0 : i32
    %dma_start3A_607 = tpu.memref_slice %arg8[%dma_start3A_604, %dma_start3A_605, %dma_start3A_606] : memref<2x128x64xf32, #tpu.memory_space<vmem>> -> memref<1x128x64xf32, #tpu.memory_space<vmem>>
    %dma_start3A_608 = tpu.memref_squeeze %dma_start3A_607 : memref<1x128x64xf32, #tpu.memory_space<vmem>> -> memref<128x64xf32, #tpu.memory_space<vmem>>
    %dma_start3A_609 = arith.constant 0 : i32
    %dma_start3A_610 = tpu.memref_slice %arg7[%dma_start3A_603, %dma_start3A_609] : memref<13x128xi32, #tpu.memory_space<vmem>> -> memref<1x128xi32, #tpu.memory_space<vmem>>
    %dma_start3A_611 = tpu.memref_squeeze %dma_start3A_610 : memref<1x128xi32, #tpu.memory_space<vmem>> -> memref<128xi32, #tpu.memory_space<vmem>>
    %dma_start3A_612 = arith.constant 0 : i32
    %dma_start3A_613 = arith.constant 0 : i32
    %dma_start3A_614 = tpu.memref_slice %arg3[%dma_start3A_612, %dma_start3A_613] : memref<100000x64xf32, #tpu.memory_space<hbm>> -> memref<100000x64xf32, #tpu.memory_space<hbm>>
    tpu.enqueue_indirect_dma source(%dma_start3A_614 : memref<100000x64xf32, #tpu.memory_space<hbm>>) target(%dma_start3A_608 : memref<128x64xf32, #tpu.memory_space<vmem>>) offsets(%dma_start3A_611 : memref<128xi32, #tpu.memory_space<vmem>>) semaphore(%arg15 : memref<!tpu.dma_semaphore, #tpu.memory_space<semaphore_mem>>)
    %add3A_615 = arith.constant 1280 : i32
    %add3A_616 = arith.addi %mul3A_58, %add3A_615 : i32
    %dma_start3A_617 = arith.constant 0 : i32
    %dma_start3A_618 = arith.constant 0 : i32
    %dma_start3A_619 = arith.constant 0 : i32
    %dma_start3A_620 = tpu.memref_slice %arg8[%dma_start3A_617, %dma_start3A_618, %dma_start3A_619] : memref<2x128x64xf32, #tpu.memory_space<vmem>> -> memref<1x128x64xf32, #tpu.memory_space<vmem>>
    %dma_start3A_621 = tpu.memref_squeeze %dma_start3A_620 : memref<1x128x64xf32, #tpu.memory_space<vmem>> -> memref<128x64xf32, #tpu.memory_space<vmem>>
    %dma_start3A_622 = arith.constant 0 : i32
    %dma_start3A_623 = tpu.memref_slice %arg5[%add3A_616, %dma_start3A_622] : memref<53248x64xf32, #tpu.memory_space<hbm>> -> memref<128x64xf32, #tpu.memory_space<hbm>>
    %dma_start3A_624 = arith.constant 0 : i32
    %dma_start3A_625 = tpu.memref_slice %arg5[%add3A_616, %dma_start3A_624] : memref<53248x64xf32, #tpu.memory_space<hbm>> -> memref<128x64xf32, #tpu.memory_space<hbm>>
    %dma_start3A_626 = arith.constant 0 : i32
    %dma_start3A_627 = arith.constant 0 : i32
    %dma_start3A_628 = tpu.memref_slice %arg8[%dma_start3A_617, %dma_start3A_626, %dma_start3A_627] : memref<2x128x64xf32, #tpu.memory_space<vmem>> -> memref<1x128x64xf32, #tpu.memory_space<vmem>>
    %dma_start3A_629 = tpu.memref_squeeze %dma_start3A_628 : memref<1x128x64xf32, #tpu.memory_space<vmem>> -> memref<128x64xf32, #tpu.memory_space<vmem>>
    tpu.enqueue_dma source(%dma_start3A_629 : memref<128x64xf32, #tpu.memory_space<vmem>>) target(%dma_start3A_625 : memref<128x64xf32, #tpu.memory_space<hbm>>) target_semaphore(%arg16 : memref<!tpu.dma_semaphore, #tpu.memory_space<semaphore_mem>>)
    %dma_wait3A_630 = arith.constant 11 : i32
    %dma_wait3A_631 = arith.constant 1 : i32
    %dma_wait3A_632 = arith.constant 0 : i32
    %dma_wait3A_633 = arith.constant 0 : i32
    %dma_wait3A_634 = tpu.memref_slice %arg8[%dma_wait3A_631, %dma_wait3A_632, %dma_wait3A_633] : memref<2x128x64xf32, #tpu.memory_space<vmem>> -> memref<1x128x64xf32, #tpu.memory_space<vmem>>
    %dma_wait3A_635 = tpu.memref_squeeze %dma_wait3A_634 : memref<1x128x64xf32, #tpu.memory_space<vmem>> -> memref<128x64xf32, #tpu.memory_space<vmem>>
    %dma_wait3A_636 = arith.constant 0 : i32
    %dma_wait3A_637 = tpu.memref_slice %arg7[%dma_wait3A_630, %dma_wait3A_636] : memref<13x128xi32, #tpu.memory_space<vmem>> -> memref<1x128xi32, #tpu.memory_space<vmem>>
    %dma_wait3A_638 = tpu.memref_squeeze %dma_wait3A_637 : memref<1x128xi32, #tpu.memory_space<vmem>> -> memref<128xi32, #tpu.memory_space<vmem>>
    %dma_wait3A_639 = arith.constant 0 : i32
    %dma_wait3A_640 = arith.constant 0 : i32
    %dma_wait3A_641 = tpu.memref_slice %arg3[%dma_wait3A_639, %dma_wait3A_640] : memref<100000x64xf32, #tpu.memory_space<hbm>> -> memref<100000x64xf32, #tpu.memory_space<hbm>>
    tpu.wait_indirect_dma semaphore(%arg15 : memref<!tpu.dma_semaphore, #tpu.memory_space<semaphore_mem>>) src(%dma_wait3A_641 : memref<100000x64xf32, #tpu.memory_space<hbm>>) dst(%dma_wait3A_635 : memref<128x64xf32, #tpu.memory_space<vmem>>)
    %dma_wait3A_642 = arith.constant 0 : i32
    %dma_wait3A_643 = arith.constant 0 : i32
    %dma_wait3A_644 = arith.constant 0 : i32
    %dma_wait3A_645 = tpu.memref_slice %arg8[%dma_wait3A_642, %dma_wait3A_643, %dma_wait3A_644] : memref<2x128x64xf32, #tpu.memory_space<vmem>> -> memref<1x128x64xf32, #tpu.memory_space<vmem>>
    %dma_wait3A_646 = tpu.memref_squeeze %dma_wait3A_645 : memref<1x128x64xf32, #tpu.memory_space<vmem>> -> memref<128x64xf32, #tpu.memory_space<vmem>>
    %dma_wait3A_647 = arith.constant 0 : i32
    %dma_wait3A_648 = tpu.memref_slice %arg5[%add3A_616, %dma_wait3A_647] : memref<53248x64xf32, #tpu.memory_space<hbm>> -> memref<128x64xf32, #tpu.memory_space<hbm>>
    %dma_wait3A_649 = arith.constant 0 : i32
    %dma_wait3A_650 = tpu.memref_slice %arg5[%add3A_616, %dma_wait3A_649] : memref<53248x64xf32, #tpu.memory_space<hbm>> -> memref<128x64xf32, #tpu.memory_space<hbm>>
    %dma_wait3A_651 = arith.constant 0 : i32
    %dma_wait3A_652 = arith.constant 0 : i32
    %dma_wait3A_653 = tpu.memref_slice %arg8[%dma_wait3A_642, %dma_wait3A_651, %dma_wait3A_652] : memref<2x128x64xf32, #tpu.memory_space<vmem>> -> memref<1x128x64xf32, #tpu.memory_space<vmem>>
    %dma_wait3A_654 = tpu.memref_squeeze %dma_wait3A_653 : memref<1x128x64xf32, #tpu.memory_space<vmem>> -> memref<128x64xf32, #tpu.memory_space<vmem>>
    tpu.wait_dma2 semaphore(%arg16 : memref<!tpu.dma_semaphore, #tpu.memory_space<semaphore_mem>>) src(%dma_wait3A_654 : memref<128x64xf32, #tpu.memory_space<vmem>>) dst(%dma_wait3A_650 : memref<128x64xf32, #tpu.memory_space<hbm>>)
    %dma_start3A_655 = arith.constant 12 : i32
    %dma_start3A_656 = arith.constant 0 : i32
    %dma_start3A_657 = arith.constant 0 : i32
    %dma_start3A_658 = arith.constant 0 : i32
    %dma_start3A_659 = tpu.memref_slice %arg8[%dma_start3A_656, %dma_start3A_657, %dma_start3A_658] : memref<2x128x64xf32, #tpu.memory_space<vmem>> -> memref<1x128x64xf32, #tpu.memory_space<vmem>>
    %dma_start3A_660 = tpu.memref_squeeze %dma_start3A_659 : memref<1x128x64xf32, #tpu.memory_space<vmem>> -> memref<128x64xf32, #tpu.memory_space<vmem>>
    %dma_start3A_661 = arith.constant 0 : i32
    %dma_start3A_662 = tpu.memref_slice %arg7[%dma_start3A_655, %dma_start3A_661] : memref<13x128xi32, #tpu.memory_space<vmem>> -> memref<1x128xi32, #tpu.memory_space<vmem>>
    %dma_start3A_663 = tpu.memref_squeeze %dma_start3A_662 : memref<1x128xi32, #tpu.memory_space<vmem>> -> memref<128xi32, #tpu.memory_space<vmem>>
    %dma_start3A_664 = arith.constant 0 : i32
    %dma_start3A_665 = arith.constant 0 : i32
    %dma_start3A_666 = tpu.memref_slice %arg3[%dma_start3A_664, %dma_start3A_665] : memref<100000x64xf32, #tpu.memory_space<hbm>> -> memref<100000x64xf32, #tpu.memory_space<hbm>>
    tpu.enqueue_indirect_dma source(%dma_start3A_666 : memref<100000x64xf32, #tpu.memory_space<hbm>>) target(%dma_start3A_660 : memref<128x64xf32, #tpu.memory_space<vmem>>) offsets(%dma_start3A_663 : memref<128xi32, #tpu.memory_space<vmem>>) semaphore(%arg14 : memref<!tpu.dma_semaphore, #tpu.memory_space<semaphore_mem>>)
    %add3A_667 = arith.constant 1408 : i32
    %add3A_668 = arith.addi %mul3A_58, %add3A_667 : i32
    %dma_start3A_669 = arith.constant 1 : i32
    %dma_start3A_670 = arith.constant 0 : i32
    %dma_start3A_671 = arith.constant 0 : i32
    %dma_start3A_672 = tpu.memref_slice %arg8[%dma_start3A_669, %dma_start3A_670, %dma_start3A_671] : memref<2x128x64xf32, #tpu.memory_space<vmem>> -> memref<1x128x64xf32, #tpu.memory_space<vmem>>
    %dma_start3A_673 = tpu.memref_squeeze %dma_start3A_672 : memref<1x128x64xf32, #tpu.memory_space<vmem>> -> memref<128x64xf32, #tpu.memory_space<vmem>>
    %dma_start3A_674 = arith.constant 0 : i32
    %dma_start3A_675 = tpu.memref_slice %arg5[%add3A_668, %dma_start3A_674] : memref<53248x64xf32, #tpu.memory_space<hbm>> -> memref<128x64xf32, #tpu.memory_space<hbm>>
    %dma_start3A_676 = arith.constant 0 : i32
    %dma_start3A_677 = tpu.memref_slice %arg5[%add3A_668, %dma_start3A_676] : memref<53248x64xf32, #tpu.memory_space<hbm>> -> memref<128x64xf32, #tpu.memory_space<hbm>>
    %dma_start3A_678 = arith.constant 0 : i32
    %dma_start3A_679 = arith.constant 0 : i32
    %dma_start3A_680 = tpu.memref_slice %arg8[%dma_start3A_669, %dma_start3A_678, %dma_start3A_679] : memref<2x128x64xf32, #tpu.memory_space<vmem>> -> memref<1x128x64xf32, #tpu.memory_space<vmem>>
    %dma_start3A_681 = tpu.memref_squeeze %dma_start3A_680 : memref<1x128x64xf32, #tpu.memory_space<vmem>> -> memref<128x64xf32, #tpu.memory_space<vmem>>
    tpu.enqueue_dma source(%dma_start3A_681 : memref<128x64xf32, #tpu.memory_space<vmem>>) target(%dma_start3A_677 : memref<128x64xf32, #tpu.memory_space<hbm>>) target_semaphore(%arg17 : memref<!tpu.dma_semaphore, #tpu.memory_space<semaphore_mem>>)
    %dma_wait3A_682 = arith.constant 12 : i32
    %dma_wait3A_683 = arith.constant 0 : i32
    %dma_wait3A_684 = arith.constant 0 : i32
    %dma_wait3A_685 = arith.constant 0 : i32
    %dma_wait3A_686 = tpu.memref_slice %arg8[%dma_wait3A_683, %dma_wait3A_684, %dma_wait3A_685] : memref<2x128x64xf32, #tpu.memory_space<vmem>> -> memref<1x128x64xf32, #tpu.memory_space<vmem>>
    %dma_wait3A_687 = tpu.memref_squeeze %dma_wait3A_686 : memref<1x128x64xf32, #tpu.memory_space<vmem>> -> memref<128x64xf32, #tpu.memory_space<vmem>>
    %dma_wait3A_688 = arith.constant 0 : i32
    %dma_wait3A_689 = tpu.memref_slice %arg7[%dma_wait3A_682, %dma_wait3A_688] : memref<13x128xi32, #tpu.memory_space<vmem>> -> memref<1x128xi32, #tpu.memory_space<vmem>>
    %dma_wait3A_690 = tpu.memref_squeeze %dma_wait3A_689 : memref<1x128xi32, #tpu.memory_space<vmem>> -> memref<128xi32, #tpu.memory_space<vmem>>
    %dma_wait3A_691 = arith.constant 0 : i32
    %dma_wait3A_692 = arith.constant 0 : i32
    %dma_wait3A_693 = tpu.memref_slice %arg3[%dma_wait3A_691, %dma_wait3A_692] : memref<100000x64xf32, #tpu.memory_space<hbm>> -> memref<100000x64xf32, #tpu.memory_space<hbm>>
    tpu.wait_indirect_dma semaphore(%arg14 : memref<!tpu.dma_semaphore, #tpu.memory_space<semaphore_mem>>) src(%dma_wait3A_693 : memref<100000x64xf32, #tpu.memory_space<hbm>>) dst(%dma_wait3A_687 : memref<128x64xf32, #tpu.memory_space<vmem>>)
    %dma_wait3A_694 = arith.constant 1 : i32
    %dma_wait3A_695 = arith.constant 0 : i32
    %dma_wait3A_696 = arith.constant 0 : i32
    %dma_wait3A_697 = tpu.memref_slice %arg8[%dma_wait3A_694, %dma_wait3A_695, %dma_wait3A_696] : memref<2x128x64xf32, #tpu.memory_space<vmem>> -> memref<1x128x64xf32, #tpu.memory_space<vmem>>
    %dma_wait3A_698 = tpu.memref_squeeze %dma_wait3A_697 : memref<1x128x64xf32, #tpu.memory_space<vmem>> -> memref<128x64xf32, #tpu.memory_space<vmem>>
    %dma_wait3A_699 = arith.constant 0 : i32
    %dma_wait3A_700 = tpu.memref_slice %arg5[%add3A_668, %dma_wait3A_699] : memref<53248x64xf32, #tpu.memory_space<hbm>> -> memref<128x64xf32, #tpu.memory_space<hbm>>
    %dma_wait3A_701 = arith.constant 0 : i32
    %dma_wait3A_702 = tpu.memref_slice %arg5[%add3A_668, %dma_wait3A_701] : memref<53248x64xf32, #tpu.memory_space<hbm>> -> memref<128x64xf32, #tpu.memory_space<hbm>>
    %dma_wait3A_703 = arith.constant 0 : i32
    %dma_wait3A_704 = arith.constant 0 : i32
    %dma_wait3A_705 = tpu.memref_slice %arg8[%dma_wait3A_694, %dma_wait3A_703, %dma_wait3A_704] : memref<2x128x64xf32, #tpu.memory_space<vmem>> -> memref<1x128x64xf32, #tpu.memory_space<vmem>>
    %dma_wait3A_706 = tpu.memref_squeeze %dma_wait3A_705 : memref<1x128x64xf32, #tpu.memory_space<vmem>> -> memref<128x64xf32, #tpu.memory_space<vmem>>
    tpu.wait_dma2 semaphore(%arg17 : memref<!tpu.dma_semaphore, #tpu.memory_space<semaphore_mem>>) src(%dma_wait3A_706 : memref<128x64xf32, #tpu.memory_space<vmem>>) dst(%dma_wait3A_702 : memref<128x64xf32, #tpu.memory_space<hbm>>)
    %add3A_707 = arith.constant 1536 : i32
    %add3A_708 = arith.addi %mul3A_58, %add3A_707 : i32
    %dma_start3A_709 = arith.constant 0 : i32
    %dma_start3A_710 = arith.constant 0 : i32
    %dma_start3A_711 = arith.constant 0 : i32
    %dma_start3A_712 = tpu.memref_slice %arg8[%dma_start3A_709, %dma_start3A_710, %dma_start3A_711] : memref<2x128x64xf32, #tpu.memory_space<vmem>> -> memref<1x128x64xf32, #tpu.memory_space<vmem>>
    %dma_start3A_713 = tpu.memref_squeeze %dma_start3A_712 : memref<1x128x64xf32, #tpu.memory_space<vmem>> -> memref<128x64xf32, #tpu.memory_space<vmem>>
    %dma_start3A_714 = arith.constant 0 : i32
    %dma_start3A_715 = tpu.memref_slice %arg5[%add3A_708, %dma_start3A_714] : memref<53248x64xf32, #tpu.memory_space<hbm>> -> memref<128x64xf32, #tpu.memory_space<hbm>>
    %dma_start3A_716 = arith.constant 0 : i32
    %dma_start3A_717 = tpu.memref_slice %arg5[%add3A_708, %dma_start3A_716] : memref<53248x64xf32, #tpu.memory_space<hbm>> -> memref<128x64xf32, #tpu.memory_space<hbm>>
    %dma_start3A_718 = arith.constant 0 : i32
    %dma_start3A_719 = arith.constant 0 : i32
    %dma_start3A_720 = tpu.memref_slice %arg8[%dma_start3A_709, %dma_start3A_718, %dma_start3A_719] : memref<2x128x64xf32, #tpu.memory_space<vmem>> -> memref<1x128x64xf32, #tpu.memory_space<vmem>>
    %dma_start3A_721 = tpu.memref_squeeze %dma_start3A_720 : memref<1x128x64xf32, #tpu.memory_space<vmem>> -> memref<128x64xf32, #tpu.memory_space<vmem>>
    tpu.enqueue_dma source(%dma_start3A_721 : memref<128x64xf32, #tpu.memory_space<vmem>>) target(%dma_start3A_717 : memref<128x64xf32, #tpu.memory_space<hbm>>) target_semaphore(%arg16 : memref<!tpu.dma_semaphore, #tpu.memory_space<semaphore_mem>>)
    %dma_wait3A_722 = arith.constant 0 : i32
    %dma_wait3A_723 = arith.constant 0 : i32
    %dma_wait3A_724 = arith.constant 0 : i32
    %dma_wait3A_725 = tpu.memref_slice %arg8[%dma_wait3A_722, %dma_wait3A_723, %dma_wait3A_724] : memref<2x128x64xf32, #tpu.memory_space<vmem>> -> memref<1x128x64xf32, #tpu.memory_space<vmem>>
    %dma_wait3A_726 = tpu.memref_squeeze %dma_wait3A_725 : memref<1x128x64xf32, #tpu.memory_space<vmem>> -> memref<128x64xf32, #tpu.memory_space<vmem>>
    %dma_wait3A_727 = arith.constant 0 : i32
    %dma_wait3A_728 = tpu.memref_slice %arg5[%add3A_708, %dma_wait3A_727] : memref<53248x64xf32, #tpu.memory_space<hbm>> -> memref<128x64xf32, #tpu.memory_space<hbm>>
    %dma_wait3A_729 = arith.constant 0 : i32
    %dma_wait3A_730 = tpu.memref_slice %arg5[%add3A_708, %dma_wait3A_729] : memref<53248x64xf32, #tpu.memory_space<hbm>> -> memref<128x64xf32, #tpu.memory_space<hbm>>
    %dma_wait3A_731 = arith.constant 0 : i32
    %dma_wait3A_732 = arith.constant 0 : i32
    %dma_wait3A_733 = tpu.memref_slice %arg8[%dma_wait3A_722, %dma_wait3A_731, %dma_wait3A_732] : memref<2x128x64xf32, #tpu.memory_space<vmem>> -> memref<1x128x64xf32, #tpu.memory_space<vmem>>
    %dma_wait3A_734 = tpu.memref_squeeze %dma_wait3A_733 : memref<1x128x64xf32, #tpu.memory_space<vmem>> -> memref<128x64xf32, #tpu.memory_space<vmem>>
    tpu.wait_dma2 semaphore(%arg16 : memref<!tpu.dma_semaphore, #tpu.memory_space<semaphore_mem>>) src(%dma_wait3A_734 : memref<128x64xf32, #tpu.memory_space<vmem>>) dst(%dma_wait3A_730 : memref<128x64xf32, #tpu.memory_space<hbm>>)
    %mul3A_735 = arith.constant 196 : i32
    %mul3A_736 = arith.muli %add3A, %mul3A_735 : i32
    "tpu.region"() ({
      %run_scoped3A = tpu.sem_alloc : memref<!tpu.dma_semaphore, #tpu.memory_space<semaphore_mem>>
      %dma_start3A_766 = arith.constant 0 : i32
      %dma_start3A_767 = tpu.memref_slice %arg4[%mul3A_736, %dma_start3A_766] : memref<6272x128xi32, #tpu.memory_space<hbm>> -> memref<196x128xi32, #tpu.memory_space<hbm>>
      %dma_start3A_768 = arith.constant 0 : i32
      %dma_start3A_769 = tpu.memref_slice %arg4[%mul3A_736, %dma_start3A_768] : memref<6272x128xi32, #tpu.memory_space<hbm>> -> memref<196x128xi32, #tpu.memory_space<hbm>>
      tpu.enqueue_dma source(%dma_start3A_769 : memref<196x128xi32, #tpu.memory_space<hbm>>) target(%arg9 : memref<196x128xi32, #tpu.memory_space<vmem>>) target_semaphore(%run_scoped3A : memref<!tpu.dma_semaphore, #tpu.memory_space<semaphore_mem>>)
      %dma_wait3A_770 = arith.constant 0 : i32
      %dma_wait3A_771 = tpu.memref_slice %arg4[%mul3A_736, %dma_wait3A_770] : memref<6272x128xi32, #tpu.memory_space<hbm>> -> memref<196x128xi32, #tpu.memory_space<hbm>>
      %dma_wait3A_772 = arith.constant 0 : i32
      %dma_wait3A_773 = tpu.memref_slice %arg4[%mul3A_736, %dma_wait3A_772] : memref<6272x128xi32, #tpu.memory_space<hbm>> -> memref<196x128xi32, #tpu.memory_space<hbm>>
      tpu.wait_dma2 semaphore(%run_scoped3A : memref<!tpu.dma_semaphore, #tpu.memory_space<semaphore_mem>>) src(%dma_wait3A_773 : memref<196x128xi32, #tpu.memory_space<hbm>>) dst(%arg9 : memref<196x128xi32, #tpu.memory_space<vmem>>)
      tpu.yield
    }) : () -> ()
    %scan3A_737 = arith.constant 0 : i32
    %scan3A_738 = arith.constant 0 : i32
    %scan3A_739 = arith.constant 1568 : i32
    %scan3A_740 = arith.addi %scan3A_738, %scan3A_739 : i32
    %scan3A_741 = arith.constant 1 : i32
    %scan3A_742 = scf.for %scan3A_766 = %scan3A_738 to %scan3A_740 step %scan3A_741 iter_args(%scan3A_767 = %scan3A_737) -> (i32)  : i32 {
      %jit3A = arith.constant 8 : i32
      %div3A = arith.divsi %scan3A_766, %jit3A : i32
      %sign3A = arith.constant 0 : i32
      %sign3A_768 = arith.cmpi sgt, %scan3A_766, %sign3A : i32
      %sign3A_769 = arith.extui %sign3A_768 : i1 to i32
      %sign3A_770 = arith.constant 0 : i32
      %sign3A_771 = arith.cmpi slt, %scan3A_766, %sign3A_770 : i32
      %sign3A_772 = arith.extui %sign3A_771 : i1 to i32
      %sign3A_773 = arith.subi %sign3A_769, %sign3A_772 : i32
      %sign3A_774 = arith.constant 0 : i32
      %sign3A_775 = arith.cmpi sgt, %jit3A, %sign3A_774 : i32
      %sign3A_776 = arith.extui %sign3A_775 : i1 to i32
      %sign3A_777 = arith.constant 0 : i32
      %sign3A_778 = arith.cmpi slt, %jit3A, %sign3A_777 : i32
      %sign3A_779 = arith.extui %sign3A_778 : i1 to i32
      %sign3A_780 = arith.subi %sign3A_776, %sign3A_779 : i32
      %ne3A = arith.cmpi ne, %sign3A_773, %sign3A_780 : i32
      %rem3A = arith.remsi %scan3A_766, %jit3A : i32
      %ne3A_781 = arith.constant 0 : i32
      %ne3A_782 = arith.cmpi ne, %rem3A, %ne3A_781 : i32
      %and3A = arith.andi %ne3A, %ne3A_782 : i1
      %sub3A = arith.constant 1 : i32
      %sub3A_783 = arith.subi %div3A, %sub3A : i32
      %select_n3A = arith.select %and3A, %sub3A_783, %div3A : i32
      %jit3A_784 = arith.constant 8 : i32
      %eq3A = arith.constant 0 : i32
      %eq3A_785 = arith.cmpi eq, %jit3A_784, %eq3A : i32
      %jit3A_786 = arith.constant 1 : i32
      %select_n3A_787 = arith.select %eq3A_785, %jit3A_786, %jit3A_784 : i32
      %rem3A_788 = arith.remsi %scan3A_766, %select_n3A_787 : i32
      %ne3A_789 = arith.constant 0 : i32
      %ne3A_790 = arith.cmpi ne, %rem3A_788, %ne3A_789 : i32
      %lt3A = arith.constant 0 : i32
      %lt3A_791 = arith.cmpi slt, %rem3A_788, %lt3A : i32
      %lt3A_792 = arith.constant 0 : i32
      %lt3A_793 = arith.cmpi slt, %select_n3A_787, %lt3A_792 : i32
      %ne3A_794 = arith.xori %lt3A_791, %lt3A_793 : i1
      %and3A_795 = arith.andi %ne3A_794, %ne3A_790 : i1
      %add3A_796 = arith.addi %rem3A_788, %select_n3A_787 : i32
      %select_n3A_797 = arith.select %and3A_795, %add3A_796, %rem3A_788 : i32
      %mul3A_798 = arith.constant 16 : i32
      %mul3A_799 = arith.muli %select_n3A_797, %mul3A_798 : i32
      %get3A = arith.index_cast %select_n3A : i32 to index
      %get3A_800 = arith.index_cast %mul3A_799 : i32 to index
      %get3A_801 = tpu.vector_load %arg9[%get3A, %get3A_800] {strides = array<i32>} : memref<196x128xi32, #tpu.memory_space<vmem>>, vector<1x16xi32>,
      %get3A_802 = vector.shape_cast %get3A_801 : vector<1x16xi32> to vector<16xi32>
      %ge3A = arith.constant 0 : i32
      %ge3A_803 = vector.broadcast %ge3A : i32 to vector<16xi32>
      %ge3A_804 = arith.cmpi sge, %get3A_802, %ge3A_803 : vector<16xi32>
      %jit3A_805 = arith.constant 53248 : i32
      %broadcast_in_dim3A_806 = vector.broadcast %jit3A_805 : i32 to vector<16xi32>
      %select_n3A_807 = arith.select %ge3A_804, %get3A_802, %broadcast_in_dim3A_806 : vector<16xi1>, vector<16xi32>
      %mul3A_808 = arith.constant 16 : i32
      %mul3A_809 = arith.muli %select_n3A_797, %mul3A_808 : i32
      %swap3A_810 = arith.index_cast %select_n3A : i32 to index
      %swap3A_811 = arith.index_cast %mul3A_809 : i32 to index
      %swap3A_812 = tpu.vector_load %arg10[%swap3A_810, %swap3A_811] {strides = array<i32>} : memref<196x128xi32, #tpu.memory_space<vmem>>, vector<1x16xi32>,
      %swap3A_813 = vector.shape_cast %swap3A_812 : vector<1x16xi32> to vector<16xi32>
      %swap3A_814 = vector.shape_cast %select_n3A_807 : vector<16xi32> to vector<1x16xi32>
      tpu.vector_store %arg10[%swap3A_810, %swap3A_811], %swap3A_814 {strides = array<i32>} : memref<196x128xi32, #tpu.memory_space<vmem>>, vector<1x16xi32>,
      %scan3A_815 = arith.constant 0 : i32
      scf.yield %scan3A_815 : i32
    }
    %scan3A_743 = arith.constant 1568 : i32
    %scan3A_744 = arith.constant 0 : i32
    %scan3A_745 = arith.constant 0 : i32
    %scan3A_746 = arith.constant 14 : i32
    %scan3A_747 = arith.addi %scan3A_745, %scan3A_746 : i32
    %scan3A_748 = arith.constant 1 : i32
    %scan3A_749 = scf.for %scan3A_766 = %scan3A_745 to %scan3A_747 step %scan3A_748 iter_args(%scan3A_767 = %scan3A_744) -> (i32)  : i32 {
      %mul3A_768 = arith.constant 14 : i32
      %mul3A_769 = arith.muli %scan3A_766, %mul3A_768 : i32
      %add3A_770 = arith.constant 0 : i32
      %add3A_771 = arith.addi %mul3A_769, %add3A_770 : i32
      %dma_start3A_772 = arith.constant 0 : i32
      %dma_start3A_773 = tpu.memref_slice %arg10[%add3A_771, %dma_start3A_772] : memref<196x128xi32, #tpu.memory_space<vmem>> -> memref<1x128xi32, #tpu.memory_space<vmem>>
      %dma_start3A_774 = tpu.memref_squeeze %dma_start3A_773 : memref<1x128xi32, #tpu.memory_space<vmem>> -> memref<128xi32, #tpu.memory_space<vmem>>
      %dma_start3A_775 = arith.constant 0 : i32
      %dma_start3A_776 = tpu.memref_slice %arg13[%dma_start3A_775] : memref<53376xf32, #tpu.memory_space<vmem_shared>> -> memref<53376xf32, #tpu.memory_space<vmem_shared>>
      tpu.enqueue_indirect_dma source(%arg11 : memref<128xf32, #tpu.memory_space<vmem>>) target(%dma_start3A_776 : memref<53376xf32, #tpu.memory_space<vmem_shared>>) offsets(%dma_start3A_774 : memref<128xi32, #tpu.memory_space<vmem>>) semaphore(%arg18 : memref<!tpu.dma_semaphore, #tpu.memory_space<semaphore_mem>>) {add = true}
      %mul3A_777 = arith.constant 14 : i32
      %mul3A_778 = arith.muli %scan3A_766, %mul3A_777 : i32
      %add3A_779 = arith.constant 1 : i32
      %add3A_780 = arith.addi %mul3A_778, %add3A_779 : i32
      %dma_start3A_781 = arith.constant 0 : i32
      %dma_start3A_782 = tpu.memref_slice %arg10[%add3A_780, %dma_start3A_781] : memref<196x128xi32, #tpu.memory_space<vmem>> -> memref<1x128xi32, #tpu.memory_space<vmem>>
      %dma_start3A_783 = tpu.memref_squeeze %dma_start3A_782 : memref<1x128xi32, #tpu.memory_space<vmem>> -> memref<128xi32, #tpu.memory_space<vmem>>
      %dma_start3A_784 = arith.constant 0 : i32
      %dma_start3A_785 = tpu.memref_slice %arg13[%dma_start3A_784] : memref<53376xf32, #tpu.memory_space<vmem_shared>> -> memref<53376xf32, #tpu.memory_space<vmem_shared>>
      tpu.enqueue_indirect_dma source(%arg11 : memref<128xf32, #tpu.memory_space<vmem>>) target(%dma_start3A_785 : memref<53376xf32, #tpu.memory_space<vmem_shared>>) offsets(%dma_start3A_783 : memref<128xi32, #tpu.memory_space<vmem>>) semaphore(%arg18 : memref<!tpu.dma_semaphore, #tpu.memory_space<semaphore_mem>>) {add = true}
      %mul3A_786 = arith.constant 14 : i32
      %mul3A_787 = arith.muli %scan3A_766, %mul3A_786 : i32
      %add3A_788 = arith.constant 2 : i32
      %add3A_789 = arith.addi %mul3A_787, %add3A_788 : i32
      %dma_start3A_790 = arith.constant 0 : i32
      %dma_start3A_791 = tpu.memref_slice %arg10[%add3A_789, %dma_start3A_790] : memref<196x128xi32, #tpu.memory_space<vmem>> -> memref<1x128xi32, #tpu.memory_space<vmem>>
      %dma_start3A_792 = tpu.memref_squeeze %dma_start3A_791 : memref<1x128xi32, #tpu.memory_space<vmem>> -> memref<128xi32, #tpu.memory_space<vmem>>
      %dma_start3A_793 = arith.constant 0 : i32
      %dma_start3A_794 = tpu.memref_slice %arg13[%dma_start3A_793] : memref<53376xf32, #tpu.memory_space<vmem_shared>> -> memref<53376xf32, #tpu.memory_space<vmem_shared>>
      tpu.enqueue_indirect_dma source(%arg11 : memref<128xf32, #tpu.memory_space<vmem>>) target(%dma_start3A_794 : memref<53376xf32, #tpu.memory_space<vmem_shared>>) offsets(%dma_start3A_792 : memref<128xi32, #tpu.memory_space<vmem>>) semaphore(%arg18 : memref<!tpu.dma_semaphore, #tpu.memory_space<semaphore_mem>>) {add = true}
      %mul3A_795 = arith.constant 14 : i32
      %mul3A_796 = arith.muli %scan3A_766, %mul3A_795 : i32
      %add3A_797 = arith.constant 3 : i32
      %add3A_798 = arith.addi %mul3A_796, %add3A_797 : i32
      %dma_start3A_799 = arith.constant 0 : i32
      %dma_start3A_800 = tpu.memref_slice %arg10[%add3A_798, %dma_start3A_799] : memref<196x128xi32, #tpu.memory_space<vmem>> -> memref<1x128xi32, #tpu.memory_space<vmem>>
      %dma_start3A_801 = tpu.memref_squeeze %dma_start3A_800 : memref<1x128xi32, #tpu.memory_space<vmem>> -> memref<128xi32, #tpu.memory_space<vmem>>
      %dma_start3A_802 = arith.constant 0 : i32
      %dma_start3A_803 = tpu.memref_slice %arg13[%dma_start3A_802] : memref<53376xf32, #tpu.memory_space<vmem_shared>> -> memref<53376xf32, #tpu.memory_space<vmem_shared>>
      tpu.enqueue_indirect_dma source(%arg11 : memref<128xf32, #tpu.memory_space<vmem>>) target(%dma_start3A_803 : memref<53376xf32, #tpu.memory_space<vmem_shared>>) offsets(%dma_start3A_801 : memref<128xi32, #tpu.memory_space<vmem>>) semaphore(%arg18 : memref<!tpu.dma_semaphore, #tpu.memory_space<semaphore_mem>>) {add = true}
      %mul3A_804 = arith.constant 14 : i32
      %mul3A_805 = arith.muli %scan3A_766, %mul3A_804 : i32
      %add3A_806 = arith.constant 4 : i32
      %add3A_807 = arith.addi %mul3A_805, %add3A_806 : i32
      %dma_start3A_808 = arith.constant 0 : i32
      %dma_start3A_809 = tpu.memref_slice %arg10[%add3A_807, %dma_start3A_808] : memref<196x128xi32, #tpu.memory_space<vmem>> -> memref<1x128xi32, #tpu.memory_space<vmem>>
      %dma_start3A_810 = tpu.memref_squeeze %dma_start3A_809 : memref<1x128xi32, #tpu.memory_space<vmem>> -> memref<128xi32, #tpu.memory_space<vmem>>
      %dma_start3A_811 = arith.constant 0 : i32
      %dma_start3A_812 = tpu.memref_slice %arg13[%dma_start3A_811] : memref<53376xf32, #tpu.memory_space<vmem_shared>> -> memref<53376xf32, #tpu.memory_space<vmem_shared>>
      tpu.enqueue_indirect_dma source(%arg11 : memref<128xf32, #tpu.memory_space<vmem>>) target(%dma_start3A_812 : memref<53376xf32, #tpu.memory_space<vmem_shared>>) offsets(%dma_start3A_810 : memref<128xi32, #tpu.memory_space<vmem>>) semaphore(%arg18 : memref<!tpu.dma_semaphore, #tpu.memory_space<semaphore_mem>>) {add = true}
      %mul3A_813 = arith.constant 14 : i32
      %mul3A_814 = arith.muli %scan3A_766, %mul3A_813 : i32
      %add3A_815 = arith.constant 5 : i32
      %add3A_816 = arith.addi %mul3A_814, %add3A_815 : i32
      %dma_start3A_817 = arith.constant 0 : i32
      %dma_start3A_818 = tpu.memref_slice %arg10[%add3A_816, %dma_start3A_817] : memref<196x128xi32, #tpu.memory_space<vmem>> -> memref<1x128xi32, #tpu.memory_space<vmem>>
      %dma_start3A_819 = tpu.memref_squeeze %dma_start3A_818 : memref<1x128xi32, #tpu.memory_space<vmem>> -> memref<128xi32, #tpu.memory_space<vmem>>
      %dma_start3A_820 = arith.constant 0 : i32
      %dma_start3A_821 = tpu.memref_slice %arg13[%dma_start3A_820] : memref<53376xf32, #tpu.memory_space<vmem_shared>> -> memref<53376xf32, #tpu.memory_space<vmem_shared>>
      tpu.enqueue_indirect_dma source(%arg11 : memref<128xf32, #tpu.memory_space<vmem>>) target(%dma_start3A_821 : memref<53376xf32, #tpu.memory_space<vmem_shared>>) offsets(%dma_start3A_819 : memref<128xi32, #tpu.memory_space<vmem>>) semaphore(%arg18 : memref<!tpu.dma_semaphore, #tpu.memory_space<semaphore_mem>>) {add = true}
      %mul3A_822 = arith.constant 14 : i32
      %mul3A_823 = arith.muli %scan3A_766, %mul3A_822 : i32
      %add3A_824 = arith.constant 6 : i32
      %add3A_825 = arith.addi %mul3A_823, %add3A_824 : i32
      %dma_start3A_826 = arith.constant 0 : i32
      %dma_start3A_827 = tpu.memref_slice %arg10[%add3A_825, %dma_start3A_826] : memref<196x128xi32, #tpu.memory_space<vmem>> -> memref<1x128xi32, #tpu.memory_space<vmem>>
      %dma_start3A_828 = tpu.memref_squeeze %dma_start3A_827 : memref<1x128xi32, #tpu.memory_space<vmem>> -> memref<128xi32, #tpu.memory_space<vmem>>
      %dma_start3A_829 = arith.constant 0 : i32
      %dma_start3A_830 = tpu.memref_slice %arg13[%dma_start3A_829] : memref<53376xf32, #tpu.memory_space<vmem_shared>> -> memref<53376xf32, #tpu.memory_space<vmem_shared>>
      tpu.enqueue_indirect_dma source(%arg11 : memref<128xf32, #tpu.memory_space<vmem>>) target(%dma_start3A_830 : memref<53376xf32, #tpu.memory_space<vmem_shared>>) offsets(%dma_start3A_828 : memref<128xi32, #tpu.memory_space<vmem>>) semaphore(%arg18 : memref<!tpu.dma_semaphore, #tpu.memory_space<semaphore_mem>>) {add = true}
      %mul3A_831 = arith.constant 14 : i32
      %mul3A_832 = arith.muli %scan3A_766, %mul3A_831 : i32
      %add3A_833 = arith.constant 7 : i32
      %add3A_834 = arith.addi %mul3A_832, %add3A_833 : i32
      %dma_start3A_835 = arith.constant 0 : i32
      %dma_start3A_836 = tpu.memref_slice %arg10[%add3A_834, %dma_start3A_835] : memref<196x128xi32, #tpu.memory_space<vmem>> -> memref<1x128xi32, #tpu.memory_space<vmem>>
      %dma_start3A_837 = tpu.memref_squeeze %dma_start3A_836 : memref<1x128xi32, #tpu.memory_space<vmem>> -> memref<128xi32, #tpu.memory_space<vmem>>
      %dma_start3A_838 = arith.constant 0 : i32
      %dma_start3A_839 = tpu.memref_slice %arg13[%dma_start3A_838] : memref<53376xf32, #tpu.memory_space<vmem_shared>> -> memref<53376xf32, #tpu.memory_space<vmem_shared>>
      tpu.enqueue_indirect_dma source(%arg11 : memref<128xf32, #tpu.memory_space<vmem>>) target(%dma_start3A_839 : memref<53376xf32, #tpu.memory_space<vmem_shared>>) offsets(%dma_start3A_837 : memref<128xi32, #tpu.memory_space<vmem>>) semaphore(%arg18 : memref<!tpu.dma_semaphore, #tpu.memory_space<semaphore_mem>>) {add = true}
      %mul3A_840 = arith.constant 14 : i32
      %mul3A_841 = arith.muli %scan3A_766, %mul3A_840 : i32
      %add3A_842 = arith.constant 8 : i32
      %add3A_843 = arith.addi %mul3A_841, %add3A_842 : i32
      %dma_start3A_844 = arith.constant 0 : i32
      %dma_start3A_845 = tpu.memref_slice %arg10[%add3A_843, %dma_start3A_844] : memref<196x128xi32, #tpu.memory_space<vmem>> -> memref<1x128xi32, #tpu.memory_space<vmem>>
      %dma_start3A_846 = tpu.memref_squeeze %dma_start3A_845 : memref<1x128xi32, #tpu.memory_space<vmem>> -> memref<128xi32, #tpu.memory_space<vmem>>
      %dma_start3A_847 = arith.constant 0 : i32
      %dma_start3A_848 = tpu.memref_slice %arg13[%dma_start3A_847] : memref<53376xf32, #tpu.memory_space<vmem_shared>> -> memref<53376xf32, #tpu.memory_space<vmem_shared>>
      tpu.enqueue_indirect_dma source(%arg11 : memref<128xf32, #tpu.memory_space<vmem>>) target(%dma_start3A_848 : memref<53376xf32, #tpu.memory_space<vmem_shared>>) offsets(%dma_start3A_846 : memref<128xi32, #tpu.memory_space<vmem>>) semaphore(%arg18 : memref<!tpu.dma_semaphore, #tpu.memory_space<semaphore_mem>>) {add = true}
      %mul3A_849 = arith.constant 14 : i32
      %mul3A_850 = arith.muli %scan3A_766, %mul3A_849 : i32
      %add3A_851 = arith.constant 9 : i32
      %add3A_852 = arith.addi %mul3A_850, %add3A_851 : i32
      %dma_start3A_853 = arith.constant 0 : i32
      %dma_start3A_854 = tpu.memref_slice %arg10[%add3A_852, %dma_start3A_853] : memref<196x128xi32, #tpu.memory_space<vmem>> -> memref<1x128xi32, #tpu.memory_space<vmem>>
      %dma_start3A_855 = tpu.memref_squeeze %dma_start3A_854 : memref<1x128xi32, #tpu.memory_space<vmem>> -> memref<128xi32, #tpu.memory_space<vmem>>
      %dma_start3A_856 = arith.constant 0 : i32
      %dma_start3A_857 = tpu.memref_slice %arg13[%dma_start3A_856] : memref<53376xf32, #tpu.memory_space<vmem_shared>> -> memref<53376xf32, #tpu.memory_space<vmem_shared>>
      tpu.enqueue_indirect_dma source(%arg11 : memref<128xf32, #tpu.memory_space<vmem>>) target(%dma_start3A_857 : memref<53376xf32, #tpu.memory_space<vmem_shared>>) offsets(%dma_start3A_855 : memref<128xi32, #tpu.memory_space<vmem>>) semaphore(%arg18 : memref<!tpu.dma_semaphore, #tpu.memory_space<semaphore_mem>>) {add = true}
      %mul3A_858 = arith.constant 14 : i32
      %mul3A_859 = arith.muli %scan3A_766, %mul3A_858 : i32
      %add3A_860 = arith.constant 10 : i32
      %add3A_861 = arith.addi %mul3A_859, %add3A_860 : i32
      %dma_start3A_862 = arith.constant 0 : i32
      %dma_start3A_863 = tpu.memref_slice %arg10[%add3A_861, %dma_start3A_862] : memref<196x128xi32, #tpu.memory_space<vmem>> -> memref<1x128xi32, #tpu.memory_space<vmem>>
      %dma_start3A_864 = tpu.memref_squeeze %dma_start3A_863 : memref<1x128xi32, #tpu.memory_space<vmem>> -> memref<128xi32, #tpu.memory_space<vmem>>
      %dma_start3A_865 = arith.constant 0 : i32
      %dma_start3A_866 = tpu.memref_slice %arg13[%dma_start3A_865] : memref<53376xf32, #tpu.memory_space<vmem_shared>> -> memref<53376xf32, #tpu.memory_space<vmem_shared>>
      tpu.enqueue_indirect_dma source(%arg11 : memref<128xf32, #tpu.memory_space<vmem>>) target(%dma_start3A_866 : memref<53376xf32, #tpu.memory_space<vmem_shared>>) offsets(%dma_start3A_864 : memref<128xi32, #tpu.memory_space<vmem>>) semaphore(%arg18 : memref<!tpu.dma_semaphore, #tpu.memory_space<semaphore_mem>>) {add = true}
      %mul3A_867 = arith.constant 14 : i32
      %mul3A_868 = arith.muli %scan3A_766, %mul3A_867 : i32
      %add3A_869 = arith.constant 11 : i32
      %add3A_870 = arith.addi %mul3A_868, %add3A_869 : i32
      %dma_start3A_871 = arith.constant 0 : i32
      %dma_start3A_872 = tpu.memref_slice %arg10[%add3A_870, %dma_start3A_871] : memref<196x128xi32, #tpu.memory_space<vmem>> -> memref<1x128xi32, #tpu.memory_space<vmem>>
      %dma_start3A_873 = tpu.memref_squeeze %dma_start3A_872 : memref<1x128xi32, #tpu.memory_space<vmem>> -> memref<128xi32, #tpu.memory_space<vmem>>
      %dma_start3A_874 = arith.constant 0 : i32
      %dma_start3A_875 = tpu.memref_slice %arg13[%dma_start3A_874] : memref<53376xf32, #tpu.memory_space<vmem_shared>> -> memref<53376xf32, #tpu.memory_space<vmem_shared>>
      tpu.enqueue_indirect_dma source(%arg11 : memref<128xf32, #tpu.memory_space<vmem>>) target(%dma_start3A_875 : memref<53376xf32, #tpu.memory_space<vmem_shared>>) offsets(%dma_start3A_873 : memref<128xi32, #tpu.memory_space<vmem>>) semaphore(%arg18 : memref<!tpu.dma_semaphore, #tpu.memory_space<semaphore_mem>>) {add = true}
      %mul3A_876 = arith.constant 14 : i32
      %mul3A_877 = arith.muli %scan3A_766, %mul3A_876 : i32
      %add3A_878 = arith.constant 12 : i32
      %add3A_879 = arith.addi %mul3A_877, %add3A_878 : i32
      %dma_start3A_880 = arith.constant 0 : i32
      %dma_start3A_881 = tpu.memref_slice %arg10[%add3A_879, %dma_start3A_880] : memref<196x128xi32, #tpu.memory_space<vmem>> -> memref<1x128xi32, #tpu.memory_space<vmem>>
      %dma_start3A_882 = tpu.memref_squeeze %dma_start3A_881 : memref<1x128xi32, #tpu.memory_space<vmem>> -> memref<128xi32, #tpu.memory_space<vmem>>
      %dma_start3A_883 = arith.constant 0 : i32
      %dma_start3A_884 = tpu.memref_slice %arg13[%dma_start3A_883] : memref<53376xf32, #tpu.memory_space<vmem_shared>> -> memref<53376xf32, #tpu.memory_space<vmem_shared>>
      tpu.enqueue_indirect_dma source(%arg11 : memref<128xf32, #tpu.memory_space<vmem>>) target(%dma_start3A_884 : memref<53376xf32, #tpu.memory_space<vmem_shared>>) offsets(%dma_start3A_882 : memref<128xi32, #tpu.memory_space<vmem>>) semaphore(%arg18 : memref<!tpu.dma_semaphore, #tpu.memory_space<semaphore_mem>>) {add = true}
      %mul3A_885 = arith.constant 14 : i32
      %mul3A_886 = arith.muli %scan3A_766, %mul3A_885 : i32
      %add3A_887 = arith.constant 13 : i32
      %add3A_888 = arith.addi %mul3A_886, %add3A_887 : i32
      %dma_start3A_889 = arith.constant 0 : i32
      %dma_start3A_890 = tpu.memref_slice %arg10[%add3A_888, %dma_start3A_889] : memref<196x128xi32, #tpu.memory_space<vmem>> -> memref<1x128xi32, #tpu.memory_space<vmem>>
      %dma_start3A_891 = tpu.memref_squeeze %dma_start3A_890 : memref<1x128xi32, #tpu.memory_space<vmem>> -> memref<128xi32, #tpu.memory_space<vmem>>
      %dma_start3A_892 = arith.constant 0 : i32
      %dma_start3A_893 = tpu.memref_slice %arg13[%dma_start3A_892] : memref<53376xf32, #tpu.memory_space<vmem_shared>> -> memref<53376xf32, #tpu.memory_space<vmem_shared>>
      tpu.enqueue_indirect_dma source(%arg11 : memref<128xf32, #tpu.memory_space<vmem>>) target(%dma_start3A_893 : memref<53376xf32, #tpu.memory_space<vmem_shared>>) offsets(%dma_start3A_891 : memref<128xi32, #tpu.memory_space<vmem>>) semaphore(%arg18 : memref<!tpu.dma_semaphore, #tpu.memory_space<semaphore_mem>>) {add = true}
      %dma_wait3A_894 = arith.constant 0 : i32
      %dma_wait3A_895 = tpu.memref_slice %arg10[%add3A_771, %dma_wait3A_894] : memref<196x128xi32, #tpu.memory_space<vmem>> -> memref<1x128xi32, #tpu.memory_space<vmem>>
      %dma_wait3A_896 = tpu.memref_squeeze %dma_wait3A_895 : memref<1x128xi32, #tpu.memory_space<vmem>> -> memref<128xi32, #tpu.memory_space<vmem>>
      %dma_wait3A_897 = arith.constant 0 : i32
      %dma_wait3A_898 = tpu.memref_slice %arg13[%dma_wait3A_897] : memref<53376xf32, #tpu.memory_space<vmem_shared>> -> memref<53376xf32, #tpu.memory_space<vmem_shared>>
      tpu.wait_indirect_dma semaphore(%arg18 : memref<!tpu.dma_semaphore, #tpu.memory_space<semaphore_mem>>) src(%arg11 : memref<128xf32, #tpu.memory_space<vmem>>) dst(%dma_wait3A_898 : memref<53376xf32, #tpu.memory_space<vmem_shared>>)
      %dma_wait3A_899 = arith.constant 0 : i32
      %dma_wait3A_900 = tpu.memref_slice %arg10[%add3A_780, %dma_wait3A_899] : memref<196x128xi32, #tpu.memory_space<vmem>> -> memref<1x128xi32, #tpu.memory_space<vmem>>
      %dma_wait3A_901 = tpu.memref_squeeze %dma_wait3A_900 : memref<1x128xi32, #tpu.memory_space<vmem>> -> memref<128xi32, #tpu.memory_space<vmem>>
      %dma_wait3A_902 = arith.constant 0 : i32
      %dma_wait3A_903 = tpu.memref_slice %arg13[%dma_wait3A_902] : memref<53376xf32, #tpu.memory_space<vmem_shared>> -> memref<53376xf32, #tpu.memory_space<vmem_shared>>
      tpu.wait_indirect_dma semaphore(%arg18 : memref<!tpu.dma_semaphore, #tpu.memory_space<semaphore_mem>>) src(%arg11 : memref<128xf32, #tpu.memory_space<vmem>>) dst(%dma_wait3A_903 : memref<53376xf32, #tpu.memory_space<vmem_shared>>)
      %dma_wait3A_904 = arith.constant 0 : i32
      %dma_wait3A_905 = tpu.memref_slice %arg10[%add3A_789, %dma_wait3A_904] : memref<196x128xi32, #tpu.memory_space<vmem>> -> memref<1x128xi32, #tpu.memory_space<vmem>>
      %dma_wait3A_906 = tpu.memref_squeeze %dma_wait3A_905 : memref<1x128xi32, #tpu.memory_space<vmem>> -> memref<128xi32, #tpu.memory_space<vmem>>
      %dma_wait3A_907 = arith.constant 0 : i32
      %dma_wait3A_908 = tpu.memref_slice %arg13[%dma_wait3A_907] : memref<53376xf32, #tpu.memory_space<vmem_shared>> -> memref<53376xf32, #tpu.memory_space<vmem_shared>>
      tpu.wait_indirect_dma semaphore(%arg18 : memref<!tpu.dma_semaphore, #tpu.memory_space<semaphore_mem>>) src(%arg11 : memref<128xf32, #tpu.memory_space<vmem>>) dst(%dma_wait3A_908 : memref<53376xf32, #tpu.memory_space<vmem_shared>>)
      %dma_wait3A_909 = arith.constant 0 : i32
      %dma_wait3A_910 = tpu.memref_slice %arg10[%add3A_798, %dma_wait3A_909] : memref<196x128xi32, #tpu.memory_space<vmem>> -> memref<1x128xi32, #tpu.memory_space<vmem>>
      %dma_wait3A_911 = tpu.memref_squeeze %dma_wait3A_910 : memref<1x128xi32, #tpu.memory_space<vmem>> -> memref<128xi32, #tpu.memory_space<vmem>>
      %dma_wait3A_912 = arith.constant 0 : i32
      %dma_wait3A_913 = tpu.memref_slice %arg13[%dma_wait3A_912] : memref<53376xf32, #tpu.memory_space<vmem_shared>> -> memref<53376xf32, #tpu.memory_space<vmem_shared>>
      tpu.wait_indirect_dma semaphore(%arg18 : memref<!tpu.dma_semaphore, #tpu.memory_space<semaphore_mem>>) src(%arg11 : memref<128xf32, #tpu.memory_space<vmem>>) dst(%dma_wait3A_913 : memref<53376xf32, #tpu.memory_space<vmem_shared>>)
      %dma_wait3A_914 = arith.constant 0 : i32
      %dma_wait3A_915 = tpu.memref_slice %arg10[%add3A_807, %dma_wait3A_914] : memref<196x128xi32, #tpu.memory_space<vmem>> -> memref<1x128xi32, #tpu.memory_space<vmem>>
      %dma_wait3A_916 = tpu.memref_squeeze %dma_wait3A_915 : memref<1x128xi32, #tpu.memory_space<vmem>> -> memref<128xi32, #tpu.memory_space<vmem>>
      %dma_wait3A_917 = arith.constant 0 : i32
      %dma_wait3A_918 = tpu.memref_slice %arg13[%dma_wait3A_917] : memref<53376xf32, #tpu.memory_space<vmem_shared>> -> memref<53376xf32, #tpu.memory_space<vmem_shared>>
      tpu.wait_indirect_dma semaphore(%arg18 : memref<!tpu.dma_semaphore, #tpu.memory_space<semaphore_mem>>) src(%arg11 : memref<128xf32, #tpu.memory_space<vmem>>) dst(%dma_wait3A_918 : memref<53376xf32, #tpu.memory_space<vmem_shared>>)
      %dma_wait3A_919 = arith.constant 0 : i32
      %dma_wait3A_920 = tpu.memref_slice %arg10[%add3A_816, %dma_wait3A_919] : memref<196x128xi32, #tpu.memory_space<vmem>> -> memref<1x128xi32, #tpu.memory_space<vmem>>
      %dma_wait3A_921 = tpu.memref_squeeze %dma_wait3A_920 : memref<1x128xi32, #tpu.memory_space<vmem>> -> memref<128xi32, #tpu.memory_space<vmem>>
      %dma_wait3A_922 = arith.constant 0 : i32
      %dma_wait3A_923 = tpu.memref_slice %arg13[%dma_wait3A_922] : memref<53376xf32, #tpu.memory_space<vmem_shared>> -> memref<53376xf32, #tpu.memory_space<vmem_shared>>
      tpu.wait_indirect_dma semaphore(%arg18 : memref<!tpu.dma_semaphore, #tpu.memory_space<semaphore_mem>>) src(%arg11 : memref<128xf32, #tpu.memory_space<vmem>>) dst(%dma_wait3A_923 : memref<53376xf32, #tpu.memory_space<vmem_shared>>)
      %dma_wait3A_924 = arith.constant 0 : i32
      %dma_wait3A_925 = tpu.memref_slice %arg10[%add3A_825, %dma_wait3A_924] : memref<196x128xi32, #tpu.memory_space<vmem>> -> memref<1x128xi32, #tpu.memory_space<vmem>>
      %dma_wait3A_926 = tpu.memref_squeeze %dma_wait3A_925 : memref<1x128xi32, #tpu.memory_space<vmem>> -> memref<128xi32, #tpu.memory_space<vmem>>
      %dma_wait3A_927 = arith.constant 0 : i32
      %dma_wait3A_928 = tpu.memref_slice %arg13[%dma_wait3A_927] : memref<53376xf32, #tpu.memory_space<vmem_shared>> -> memref<53376xf32, #tpu.memory_space<vmem_shared>>
      tpu.wait_indirect_dma semaphore(%arg18 : memref<!tpu.dma_semaphore, #tpu.memory_space<semaphore_mem>>) src(%arg11 : memref<128xf32, #tpu.memory_space<vmem>>) dst(%dma_wait3A_928 : memref<53376xf32, #tpu.memory_space<vmem_shared>>)
      %dma_wait3A_929 = arith.constant 0 : i32
      %dma_wait3A_930 = tpu.memref_slice %arg10[%add3A_834, %dma_wait3A_929] : memref<196x128xi32, #tpu.memory_space<vmem>> -> memref<1x128xi32, #tpu.memory_space<vmem>>
      %dma_wait3A_931 = tpu.memref_squeeze %dma_wait3A_930 : memref<1x128xi32, #tpu.memory_space<vmem>> -> memref<128xi32, #tpu.memory_space<vmem>>
      %dma_wait3A_932 = arith.constant 0 : i32
      %dma_wait3A_933 = tpu.memref_slice %arg13[%dma_wait3A_932] : memref<53376xf32, #tpu.memory_space<vmem_shared>> -> memref<53376xf32, #tpu.memory_space<vmem_shared>>
      tpu.wait_indirect_dma semaphore(%arg18 : memref<!tpu.dma_semaphore, #tpu.memory_space<semaphore_mem>>) src(%arg11 : memref<128xf32, #tpu.memory_space<vmem>>) dst(%dma_wait3A_933 : memref<53376xf32, #tpu.memory_space<vmem_shared>>)
      %dma_wait3A_934 = arith.constant 0 : i32
      %dma_wait3A_935 = tpu.memref_slice %arg10[%add3A_843, %dma_wait3A_934] : memref<196x128xi32, #tpu.memory_space<vmem>> -> memref<1x128xi32, #tpu.memory_space<vmem>>
      %dma_wait3A_936 = tpu.memref_squeeze %dma_wait3A_935 : memref<1x128xi32, #tpu.memory_space<vmem>> -> memref<128xi32, #tpu.memory_space<vmem>>
      %dma_wait3A_937 = arith.constant 0 : i32
      %dma_wait3A_938 = tpu.memref_slice %arg13[%dma_wait3A_937] : memref<53376xf32, #tpu.memory_space<vmem_shared>> -> memref<53376xf32, #tpu.memory_space<vmem_shared>>
      tpu.wait_indirect_dma semaphore(%arg18 : memref<!tpu.dma_semaphore, #tpu.memory_space<semaphore_mem>>) src(%arg11 : memref<128xf32, #tpu.memory_space<vmem>>) dst(%dma_wait3A_938 : memref<53376xf32, #tpu.memory_space<vmem_shared>>)
      %dma_wait3A_939 = arith.constant 0 : i32
      %dma_wait3A_940 = tpu.memref_slice %arg10[%add3A_852, %dma_wait3A_939] : memref<196x128xi32, #tpu.memory_space<vmem>> -> memref<1x128xi32, #tpu.memory_space<vmem>>
      %dma_wait3A_941 = tpu.memref_squeeze %dma_wait3A_940 : memref<1x128xi32, #tpu.memory_space<vmem>> -> memref<128xi32, #tpu.memory_space<vmem>>
      %dma_wait3A_942 = arith.constant 0 : i32
      %dma_wait3A_943 = tpu.memref_slice %arg13[%dma_wait3A_942] : memref<53376xf32, #tpu.memory_space<vmem_shared>> -> memref<53376xf32, #tpu.memory_space<vmem_shared>>
      tpu.wait_indirect_dma semaphore(%arg18 : memref<!tpu.dma_semaphore, #tpu.memory_space<semaphore_mem>>) src(%arg11 : memref<128xf32, #tpu.memory_space<vmem>>) dst(%dma_wait3A_943 : memref<53376xf32, #tpu.memory_space<vmem_shared>>)
      %dma_wait3A_944 = arith.constant 0 : i32
      %dma_wait3A_945 = tpu.memref_slice %arg10[%add3A_861, %dma_wait3A_944] : memref<196x128xi32, #tpu.memory_space<vmem>> -> memref<1x128xi32, #tpu.memory_space<vmem>>
      %dma_wait3A_946 = tpu.memref_squeeze %dma_wait3A_945 : memref<1x128xi32, #tpu.memory_space<vmem>> -> memref<128xi32, #tpu.memory_space<vmem>>
      %dma_wait3A_947 = arith.constant 0 : i32
      %dma_wait3A_948 = tpu.memref_slice %arg13[%dma_wait3A_947] : memref<53376xf32, #tpu.memory_space<vmem_shared>> -> memref<53376xf32, #tpu.memory_space<vmem_shared>>
      tpu.wait_indirect_dma semaphore(%arg18 : memref<!tpu.dma_semaphore, #tpu.memory_space<semaphore_mem>>) src(%arg11 : memref<128xf32, #tpu.memory_space<vmem>>) dst(%dma_wait3A_948 : memref<53376xf32, #tpu.memory_space<vmem_shared>>)
      %dma_wait3A_949 = arith.constant 0 : i32
      %dma_wait3A_950 = tpu.memref_slice %arg10[%add3A_870, %dma_wait3A_949] : memref<196x128xi32, #tpu.memory_space<vmem>> -> memref<1x128xi32, #tpu.memory_space<vmem>>
      %dma_wait3A_951 = tpu.memref_squeeze %dma_wait3A_950 : memref<1x128xi32, #tpu.memory_space<vmem>> -> memref<128xi32, #tpu.memory_space<vmem>>
      %dma_wait3A_952 = arith.constant 0 : i32
      %dma_wait3A_953 = tpu.memref_slice %arg13[%dma_wait3A_952] : memref<53376xf32, #tpu.memory_space<vmem_shared>> -> memref<53376xf32, #tpu.memory_space<vmem_shared>>
      tpu.wait_indirect_dma semaphore(%arg18 : memref<!tpu.dma_semaphore, #tpu.memory_space<semaphore_mem>>) src(%arg11 : memref<128xf32, #tpu.memory_space<vmem>>) dst(%dma_wait3A_953 : memref<53376xf32, #tpu.memory_space<vmem_shared>>)
      %dma_wait3A_954 = arith.constant 0 : i32
      %dma_wait3A_955 = tpu.memref_slice %arg10[%add3A_879, %dma_wait3A_954] : memref<196x128xi32, #tpu.memory_space<vmem>> -> memref<1x128xi32, #tpu.memory_space<vmem>>
      %dma_wait3A_956 = tpu.memref_squeeze %dma_wait3A_955 : memref<1x128xi32, #tpu.memory_space<vmem>> -> memref<128xi32, #tpu.memory_space<vmem>>
      %dma_wait3A_957 = arith.constant 0 : i32
      %dma_wait3A_958 = tpu.memref_slice %arg13[%dma_wait3A_957] : memref<53376xf32, #tpu.memory_space<vmem_shared>> -> memref<53376xf32, #tpu.memory_space<vmem_shared>>
      tpu.wait_indirect_dma semaphore(%arg18 : memref<!tpu.dma_semaphore, #tpu.memory_space<semaphore_mem>>) src(%arg11 : memref<128xf32, #tpu.memory_space<vmem>>) dst(%dma_wait3A_958 : memref<53376xf32, #tpu.memory_space<vmem_shared>>)
      %dma_wait3A_959 = arith.constant 0 : i32
      %dma_wait3A_960 = tpu.memref_slice %arg10[%add3A_888, %dma_wait3A_959] : memref<196x128xi32, #tpu.memory_space<vmem>> -> memref<1x128xi32, #tpu.memory_space<vmem>>
      %dma_wait3A_961 = tpu.memref_squeeze %dma_wait3A_960 : memref<1x128xi32, #tpu.memory_space<vmem>> -> memref<128xi32, #tpu.memory_space<vmem>>
      %dma_wait3A_962 = arith.constant 0 : i32
      %dma_wait3A_963 = tpu.memref_slice %arg13[%dma_wait3A_962] : memref<53376xf32, #tpu.memory_space<vmem_shared>> -> memref<53376xf32, #tpu.memory_space<vmem_shared>>
      tpu.wait_indirect_dma semaphore(%arg18 : memref<!tpu.dma_semaphore, #tpu.memory_space<semaphore_mem>>) src(%arg11 : memref<128xf32, #tpu.memory_space<vmem>>) dst(%dma_wait3A_963 : memref<53376xf32, #tpu.memory_space<vmem_shared>>)
      %scan3A_964 = arith.constant 0 : i32
      scf.yield %scan3A_964 : i32
    }
    %scan3A_750 = arith.constant 14 : i32
    %barrier3A_751 = arith.constant 0 : index
    tpu.barrier barrier_id(%barrier3A_751)
    %mul3A_752 = arith.constant 3328 : i32
    %mul3A_753 = arith.muli %arg1, %mul3A_752 : i32
    %add3A_754 = arith.constant 0 : i32
    %add3A_755 = arith.addi %mul3A_753, %add3A_754 : i32
    "tpu.region"() ({
      %run_scoped3A = tpu.sem_alloc : memref<!tpu.dma_semaphore, #tpu.memory_space<semaphore_mem>>
      %dma_start3A_766 = arith.constant 0 : i32
      %dma_start3A_767 = tpu.memref_slice %arg12[%dma_start3A_766] : memref<1024xf32, #tpu.memory_space<vmem>> -> memref<1024xf32, #tpu.memory_space<vmem>>
      %dma_start3A_768 = tpu.memref_slice %arg13[%add3A_755] : memref<53376xf32, #tpu.memory_space<vmem_shared>> -> memref<1024xf32, #tpu.memory_space<vmem_shared>>
      %dma_start3A_769 = arith.constant 0 : i32
      %dma_start3A_770 = tpu.memref_slice %arg12[%dma_start3A_769] : memref<1024xf32, #tpu.memory_space<vmem>> -> memref<1024xf32, #tpu.memory_space<vmem>>
      %dma_start3A_771 = tpu.memref_slice %arg13[%add3A_755] : memref<53376xf32, #tpu.memory_space<vmem_shared>> -> memref<1024xf32, #tpu.memory_space<vmem_shared>>
      tpu.enqueue_dma source(%dma_start3A_771 : memref<1024xf32, #tpu.memory_space<vmem_shared>>) target(%dma_start3A_770 : memref<1024xf32, #tpu.memory_space<vmem>>) target_semaphore(%run_scoped3A : memref<!tpu.dma_semaphore, #tpu.memory_space<semaphore_mem>>)
      %dma_wait3A_772 = arith.constant 0 : i32
      %dma_wait3A_773 = tpu.memref_slice %arg12[%dma_wait3A_772] : memref<1024xf32, #tpu.memory_space<vmem>> -> memref<1024xf32, #tpu.memory_space<vmem>>
      %dma_wait3A_774 = tpu.memref_slice %arg13[%add3A_755] : memref<53376xf32, #tpu.memory_space<vmem_shared>> -> memref<1024xf32, #tpu.memory_space<vmem_shared>>
      %dma_wait3A_775 = arith.constant 0 : i32
      %dma_wait3A_776 = tpu.memref_slice %arg12[%dma_wait3A_775] : memref<1024xf32, #tpu.memory_space<vmem>> -> memref<1024xf32, #tpu.memory_space<vmem>>
      %dma_wait3A_777 = tpu.memref_slice %arg13[%add3A_755] : memref<53376xf32, #tpu.memory_space<vmem_shared>> -> memref<1024xf32, #tpu.memory_space<vmem_shared>>
      tpu.wait_dma2 semaphore(%run_scoped3A : memref<!tpu.dma_semaphore, #tpu.memory_space<semaphore_mem>>) src(%dma_wait3A_777 : memref<1024xf32, #tpu.memory_space<vmem_shared>>) dst(%dma_wait3A_776 : memref<1024xf32, #tpu.memory_space<vmem>>)
      tpu.yield
    }) : () -> ()
    %add3A_756 = arith.constant 0 : i32
    %add3A_757 = arith.addi %mul3A_753, %add3A_756 : i32
    "tpu.region"() ({
      %run_scoped3A = tpu.sem_alloc : memref<!tpu.dma_semaphore, #tpu.memory_space<semaphore_mem>>
      %dma_start3A_766 = arith.constant 0 : i32
      %dma_start3A_767 = tpu.memref_slice %arg12[%dma_start3A_766] : memref<1024xf32, #tpu.memory_space<vmem>> -> memref<1024xf32, #tpu.memory_space<vmem>>
      %dma_start3A_768 = arith.constant 0 : i32
      %dma_start3A_769 = tpu.memref_slice %arg6[%arg0, %dma_start3A_768] : memref<2x53248xf32, #tpu.memory_space<hbm>> -> memref<1x53248xf32, #tpu.memory_space<hbm>>
      %dma_start3A_770 = tpu.memref_squeeze %dma_start3A_769 : memref<1x53248xf32, #tpu.memory_space<hbm>> -> memref<53248xf32, #tpu.memory_space<hbm>>
      %dma_start3A_771 = tpu.memref_slice %dma_start3A_770[%add3A_757] : memref<53248xf32, #tpu.memory_space<hbm>> -> memref<1024xf32, #tpu.memory_space<hbm>>
      %dma_start3A_772 = arith.constant 0 : i32
      %dma_start3A_773 = tpu.memref_slice %arg6[%arg0, %dma_start3A_772] : memref<2x53248xf32, #tpu.memory_space<hbm>> -> memref<1x53248xf32, #tpu.memory_space<hbm>>
      %dma_start3A_774 = tpu.memref_squeeze %dma_start3A_773 : memref<1x53248xf32, #tpu.memory_space<hbm>> -> memref<53248xf32, #tpu.memory_space<hbm>>
      %dma_start3A_775 = tpu.memref_slice %dma_start3A_774[%add3A_757] : memref<53248xf32, #tpu.memory_space<hbm>> -> memref<1024xf32, #tpu.memory_space<hbm>>
      %dma_start3A_776 = arith.constant 0 : i32
      %dma_start3A_777 = tpu.memref_slice %arg12[%dma_start3A_776] : memref<1024xf32, #tpu.memory_space<vmem>> -> memref<1024xf32, #tpu.memory_space<vmem>>
      tpu.enqueue_dma source(%dma_start3A_777 : memref<1024xf32, #tpu.memory_space<vmem>>) target(%dma_start3A_775 : memref<1024xf32, #tpu.memory_space<hbm>>) target_semaphore(%run_scoped3A : memref<!tpu.dma_semaphore, #tpu.memory_space<semaphore_mem>>)
      %dma_wait3A_778 = arith.constant 0 : i32
      %dma_wait3A_779 = tpu.memref_slice %arg12[%dma_wait3A_778] : memref<1024xf32, #tpu.memory_space<vmem>> -> memref<1024xf32, #tpu.memory_space<vmem>>
      %dma_wait3A_780 = arith.constant 0 : i32
      %dma_wait3A_781 = tpu.memref_slice %arg6[%arg0, %dma_wait3A_780] : memref<2x53248xf32, #tpu.memory_space<hbm>> -> memref<1x53248xf32, #tpu.memory_space<hbm>>
      %dma_wait3A_782 = tpu.memref_squeeze %dma_wait3A_781 : memref<1x53248xf32, #tpu.memory_space<hbm>> -> memref<53248xf32, #tpu.memory_space<hbm>>
      %dma_wait3A_783 = tpu.memref_slice %dma_wait3A_782[%add3A_757] : memref<53248xf32, #tpu.memory_space<hbm>> -> memref<1024xf32, #tpu.memory_space<hbm>>
      %dma_wait3A_784 = arith.constant 0 : i32
      %dma_wait3A_785 = tpu.memref_slice %arg6[%arg0, %dma_wait3A_784] : memref<2x53248xf32, #tpu.memory_space<hbm>> -> memref<1x53248xf32, #tpu.memory_space<hbm>>
      %dma_wait3A_786 = tpu.memref_squeeze %dma_wait3A_785 : memref<1x53248xf32, #tpu.memory_space<hbm>> -> memref<53248xf32, #tpu.memory_space<hbm>>
      %dma_wait3A_787 = tpu.memref_slice %dma_wait3A_786[%add3A_757] : memref<53248xf32, #tpu.memory_space<hbm>> -> memref<1024xf32, #tpu.memory_space<hbm>>
      %dma_wait3A_788 = arith.constant 0 : i32
      %dma_wait3A_789 = tpu.memref_slice %arg12[%dma_wait3A_788] : memref<1024xf32, #tpu.memory_space<vmem>> -> memref<1024xf32, #tpu.memory_space<vmem>>
      tpu.wait_dma2 semaphore(%run_scoped3A : memref<!tpu.dma_semaphore, #tpu.memory_space<semaphore_mem>>) src(%dma_wait3A_789 : memref<1024xf32, #tpu.memory_space<vmem>>) dst(%dma_wait3A_787 : memref<1024xf32, #tpu.memory_space<hbm>>)
      tpu.yield
    }) : () -> ()
    %add3A_758 = arith.constant 1024 : i32
    %add3A_759 = arith.addi %mul3A_753, %add3A_758 : i32
    "tpu.region"() ({
      %run_scoped3A = tpu.sem_alloc : memref<!tpu.dma_semaphore, #tpu.memory_space<semaphore_mem>>
      %dma_start3A_766 = arith.constant 0 : i32
      %dma_start3A_767 = tpu.memref_slice %arg12[%dma_start3A_766] : memref<1024xf32, #tpu.memory_space<vmem>> -> memref<1024xf32, #tpu.memory_space<vmem>>
      %dma_start3A_768 = tpu.memref_slice %arg13[%add3A_759] : memref<53376xf32, #tpu.memory_space<vmem_shared>> -> memref<1024xf32, #tpu.memory_space<vmem_shared>>
      %dma_start3A_769 = arith.constant 0 : i32
      %dma_start3A_770 = tpu.memref_slice %arg12[%dma_start3A_769] : memref<1024xf32, #tpu.memory_space<vmem>> -> memref<1024xf32, #tpu.memory_space<vmem>>
      %dma_start3A_771 = tpu.memref_slice %arg13[%add3A_759] : memref<53376xf32, #tpu.memory_space<vmem_shared>> -> memref<1024xf32, #tpu.memory_space<vmem_shared>>
      tpu.enqueue_dma source(%dma_start3A_771 : memref<1024xf32, #tpu.memory_space<vmem_shared>>) target(%dma_start3A_770 : memref<1024xf32, #tpu.memory_space<vmem>>) target_semaphore(%run_scoped3A : memref<!tpu.dma_semaphore, #tpu.memory_space<semaphore_mem>>)
      %dma_wait3A_772 = arith.constant 0 : i32
      %dma_wait3A_773 = tpu.memref_slice %arg12[%dma_wait3A_772] : memref<1024xf32, #tpu.memory_space<vmem>> -> memref<1024xf32, #tpu.memory_space<vmem>>
      %dma_wait3A_774 = tpu.memref_slice %arg13[%add3A_759] : memref<53376xf32, #tpu.memory_space<vmem_shared>> -> memref<1024xf32, #tpu.memory_space<vmem_shared>>
      %dma_wait3A_775 = arith.constant 0 : i32
      %dma_wait3A_776 = tpu.memref_slice %arg12[%dma_wait3A_775] : memref<1024xf32, #tpu.memory_space<vmem>> -> memref<1024xf32, #tpu.memory_space<vmem>>
      %dma_wait3A_777 = tpu.memref_slice %arg13[%add3A_759] : memref<53376xf32, #tpu.memory_space<vmem_shared>> -> memref<1024xf32, #tpu.memory_space<vmem_shared>>
      tpu.wait_dma2 semaphore(%run_scoped3A : memref<!tpu.dma_semaphore, #tpu.memory_space<semaphore_mem>>) src(%dma_wait3A_777 : memref<1024xf32, #tpu.memory_space<vmem_shared>>) dst(%dma_wait3A_776 : memref<1024xf32, #tpu.memory_space<vmem>>)
      tpu.yield
    }) : () -> ()
    %add3A_760 = arith.constant 1024 : i32
    %add3A_761 = arith.addi %mul3A_753, %add3A_760 : i32
    "tpu.region"() ({
      %run_scoped3A = tpu.sem_alloc : memref<!tpu.dma_semaphore, #tpu.memory_space<semaphore_mem>>
      %dma_start3A_766 = arith.constant 0 : i32
      %dma_start3A_767 = tpu.memref_slice %arg12[%dma_start3A_766] : memref<1024xf32, #tpu.memory_space<vmem>> -> memref<1024xf32, #tpu.memory_space<vmem>>
      %dma_start3A_768 = arith.constant 0 : i32
      %dma_start3A_769 = tpu.memref_slice %arg6[%arg0, %dma_start3A_768] : memref<2x53248xf32, #tpu.memory_space<hbm>> -> memref<1x53248xf32, #tpu.memory_space<hbm>>
      %dma_start3A_770 = tpu.memref_squeeze %dma_start3A_769 : memref<1x53248xf32, #tpu.memory_space<hbm>> -> memref<53248xf32, #tpu.memory_space<hbm>>
      %dma_start3A_771 = tpu.memref_slice %dma_start3A_770[%add3A_761] : memref<53248xf32, #tpu.memory_space<hbm>> -> memref<1024xf32, #tpu.memory_space<hbm>>
      %dma_start3A_772 = arith.constant 0 : i32
      %dma_start3A_773 = tpu.memref_slice %arg6[%arg0, %dma_start3A_772] : memref<2x53248xf32, #tpu.memory_space<hbm>> -> memref<1x53248xf32, #tpu.memory_space<hbm>>
      %dma_start3A_774 = tpu.memref_squeeze %dma_start3A_773 : memref<1x53248xf32, #tpu.memory_space<hbm>> -> memref<53248xf32, #tpu.memory_space<hbm>>
      %dma_start3A_775 = tpu.memref_slice %dma_start3A_774[%add3A_761] : memref<53248xf32, #tpu.memory_space<hbm>> -> memref<1024xf32, #tpu.memory_space<hbm>>
      %dma_start3A_776 = arith.constant 0 : i32
      %dma_start3A_777 = tpu.memref_slice %arg12[%dma_start3A_776] : memref<1024xf32, #tpu.memory_space<vmem>> -> memref<1024xf32, #tpu.memory_space<vmem>>
      tpu.enqueue_dma source(%dma_start3A_777 : memref<1024xf32, #tpu.memory_space<vmem>>) target(%dma_start3A_775 : memref<1024xf32, #tpu.memory_space<hbm>>) target_semaphore(%run_scoped3A : memref<!tpu.dma_semaphore, #tpu.memory_space<semaphore_mem>>)
      %dma_wait3A_778 = arith.constant 0 : i32
      %dma_wait3A_779 = tpu.memref_slice %arg12[%dma_wait3A_778] : memref<1024xf32, #tpu.memory_space<vmem>> -> memref<1024xf32, #tpu.memory_space<vmem>>
      %dma_wait3A_780 = arith.constant 0 : i32
      %dma_wait3A_781 = tpu.memref_slice %arg6[%arg0, %dma_wait3A_780] : memref<2x53248xf32, #tpu.memory_space<hbm>> -> memref<1x53248xf32, #tpu.memory_space<hbm>>
      %dma_wait3A_782 = tpu.memref_squeeze %dma_wait3A_781 : memref<1x53248xf32, #tpu.memory_space<hbm>> -> memref<53248xf32, #tpu.memory_space<hbm>>
      %dma_wait3A_783 = tpu.memref_slice %dma_wait3A_782[%add3A_761] : memref<53248xf32, #tpu.memory_space<hbm>> -> memref<1024xf32, #tpu.memory_space<hbm>>
      %dma_wait3A_784 = arith.constant 0 : i32
      %dma_wait3A_785 = tpu.memref_slice %arg6[%arg0, %dma_wait3A_784] : memref<2x53248xf32, #tpu.memory_space<hbm>> -> memref<1x53248xf32, #tpu.memory_space<hbm>>
      %dma_wait3A_786 = tpu.memref_squeeze %dma_wait3A_785 : memref<1x53248xf32, #tpu.memory_space<hbm>> -> memref<53248xf32, #tpu.memory_space<hbm>>
      %dma_wait3A_787 = tpu.memref_slice %dma_wait3A_786[%add3A_761] : memref<53248xf32, #tpu.memory_space<hbm>> -> memref<1024xf32, #tpu.memory_space<hbm>>
      %dma_wait3A_788 = arith.constant 0 : i32
      %dma_wait3A_789 = tpu.memref_slice %arg12[%dma_wait3A_788] : memref<1024xf32, #tpu.memory_space<vmem>> -> memref<1024xf32, #tpu.memory_space<vmem>>
      tpu.wait_dma2 semaphore(%run_scoped3A : memref<!tpu.dma_semaphore, #tpu.memory_space<semaphore_mem>>) src(%dma_wait3A_789 : memref<1024xf32, #tpu.memory_space<vmem>>) dst(%dma_wait3A_787 : memref<1024xf32, #tpu.memory_space<hbm>>)
      tpu.yield
    }) : () -> ()
    %add3A_762 = arith.constant 2048 : i32
    %add3A_763 = arith.addi %mul3A_753, %add3A_762 : i32
    "tpu.region"() ({
      %run_scoped3A = tpu.sem_alloc : memref<!tpu.dma_semaphore, #tpu.memory_space<semaphore_mem>>
      %dma_start3A_766 = arith.constant 0 : i32
      %dma_start3A_767 = tpu.memref_slice %arg12[%dma_start3A_766] : memref<1024xf32, #tpu.memory_space<vmem>> -> memref<1280xf32, #tpu.memory_space<vmem>>
      %dma_start3A_768 = tpu.memref_slice %arg13[%add3A_763] : memref<53376xf32, #tpu.memory_space<vmem_shared>> -> memref<1280xf32, #tpu.memory_space<vmem_shared>>
      %dma_start3A_769 = arith.constant 0 : i32
      %dma_start3A_770 = tpu.memref_slice %arg12[%dma_start3A_769] : memref<1024xf32, #tpu.memory_space<vmem>> -> memref<1280xf32, #tpu.memory_space<vmem>>
      %dma_start3A_771 = tpu.memref_slice %arg13[%add3A_763] : memref<53376xf32, #tpu.memory_space<vmem_shared>> -> memref<1280xf32, #tpu.memory_space<vmem_shared>>
      tpu.enqueue_dma source(%dma_start3A_771 : memref<1280xf32, #tpu.memory_space<vmem_shared>>) target(%dma_start3A_770 : memref<1280xf32, #tpu.memory_space<vmem>>) target_semaphore(%run_scoped3A : memref<!tpu.dma_semaphore, #tpu.memory_space<semaphore_mem>>)
      %dma_wait3A_772 = arith.constant 0 : i32
      %dma_wait3A_773 = tpu.memref_slice %arg12[%dma_wait3A_772] : memref<1024xf32, #tpu.memory_space<vmem>> -> memref<1280xf32, #tpu.memory_space<vmem>>
      %dma_wait3A_774 = tpu.memref_slice %arg13[%add3A_763] : memref<53376xf32, #tpu.memory_space<vmem_shared>> -> memref<1280xf32, #tpu.memory_space<vmem_shared>>
      %dma_wait3A_775 = arith.constant 0 : i32
      %dma_wait3A_776 = tpu.memref_slice %arg12[%dma_wait3A_775] : memref<1024xf32, #tpu.memory_space<vmem>> -> memref<1280xf32, #tpu.memory_space<vmem>>
      %dma_wait3A_777 = tpu.memref_slice %arg13[%add3A_763] : memref<53376xf32, #tpu.memory_space<vmem_shared>> -> memref<1280xf32, #tpu.memory_space<vmem_shared>>
      tpu.wait_dma2 semaphore(%run_scoped3A : memref<!tpu.dma_semaphore, #tpu.memory_space<semaphore_mem>>) src(%dma_wait3A_777 : memref<1280xf32, #tpu.memory_space<vmem_shared>>) dst(%dma_wait3A_776 : memref<1280xf32, #tpu.memory_space<vmem>>)
      tpu.yield
    }) : () -> ()
    %add3A_764 = arith.constant 2048 : i32
    %add3A_765 = arith.addi %mul3A_753, %add3A_764 : i32
    "tpu.region"() ({
      %run_scoped3A = tpu.sem_alloc : memref<!tpu.dma_semaphore, #tpu.memory_space<semaphore_mem>>
      %dma_start3A_766 = arith.constant 0 : i32
      %dma_start3A_767 = tpu.memref_slice %arg12[%dma_start3A_766] : memref<1024xf32, #tpu.memory_space<vmem>> -> memref<1280xf32, #tpu.memory_space<vmem>>
      %dma_start3A_768 = arith.constant 0 : i32
      %dma_start3A_769 = tpu.memref_slice %arg6[%arg0, %dma_start3A_768] : memref<2x53248xf32, #tpu.memory_space<hbm>> -> memref<1x53248xf32, #tpu.memory_space<hbm>>
      %dma_start3A_770 = tpu.memref_squeeze %dma_start3A_769 : memref<1x53248xf32, #tpu.memory_space<hbm>> -> memref<53248xf32, #tpu.memory_space<hbm>>
      %dma_start3A_771 = tpu.memref_slice %dma_start3A_770[%add3A_765] : memref<53248xf32, #tpu.memory_space<hbm>> -> memref<1280xf32, #tpu.memory_space<hbm>>
      %dma_start3A_772 = arith.constant 0 : i32
      %dma_start3A_773 = tpu.memref_slice %arg6[%arg0, %dma_start3A_772] : memref<2x53248xf32, #tpu.memory_space<hbm>> -> memref<1x53248xf32, #tpu.memory_space<hbm>>
      %dma_start3A_774 = tpu.memref_squeeze %dma_start3A_773 : memref<1x53248xf32, #tpu.memory_space<hbm>> -> memref<53248xf32, #tpu.memory_space<hbm>>
      %dma_start3A_775 = tpu.memref_slice %dma_start3A_774[%add3A_765] : memref<53248xf32, #tpu.memory_space<hbm>> -> memref<1280xf32, #tpu.memory_space<hbm>>
      %dma_start3A_776 = arith.constant 0 : i32
      %dma_start3A_777 = tpu.memref_slice %arg12[%dma_start3A_776] : memref<1024xf32, #tpu.memory_space<vmem>> -> memref<1280xf32, #tpu.memory_space<vmem>>
      tpu.enqueue_dma source(%dma_start3A_777 : memref<1280xf32, #tpu.memory_space<vmem>>) target(%dma_start3A_775 : memref<1280xf32, #tpu.memory_space<hbm>>) target_semaphore(%run_scoped3A : memref<!tpu.dma_semaphore, #tpu.memory_space<semaphore_mem>>)
      %dma_wait3A_778 = arith.constant 0 : i32
      %dma_wait3A_779 = tpu.memref_slice %arg12[%dma_wait3A_778] : memref<1024xf32, #tpu.memory_space<vmem>> -> memref<1280xf32, #tpu.memory_space<vmem>>
      %dma_wait3A_780 = arith.constant 0 : i32
      %dma_wait3A_781 = tpu.memref_slice %arg6[%arg0, %dma_wait3A_780] : memref<2x53248xf32, #tpu.memory_space<hbm>> -> memref<1x53248xf32, #tpu.memory_space<hbm>>
      %dma_wait3A_782 = tpu.memref_squeeze %dma_wait3A_781 : memref<1x53248xf32, #tpu.memory_space<hbm>> -> memref<53248xf32, #tpu.memory_space<hbm>>
      %dma_wait3A_783 = tpu.memref_slice %dma_wait3A_782[%add3A_765] : memref<53248xf32, #tpu.memory_space<hbm>> -> memref<1280xf32, #tpu.memory_space<hbm>>
      %dma_wait3A_784 = arith.constant 0 : i32
      %dma_wait3A_785 = tpu.memref_slice %arg6[%arg0, %dma_wait3A_784] : memref<2x53248xf32, #tpu.memory_space<hbm>> -> memref<1x53248xf32, #tpu.memory_space<hbm>>
      %dma_wait3A_786 = tpu.memref_squeeze %dma_wait3A_785 : memref<1x53248xf32, #tpu.memory_space<hbm>> -> memref<53248xf32, #tpu.memory_space<hbm>>
      %dma_wait3A_787 = tpu.memref_slice %dma_wait3A_786[%add3A_765] : memref<53248xf32, #tpu.memory_space<hbm>> -> memref<1280xf32, #tpu.memory_space<hbm>>
      %dma_wait3A_788 = arith.constant 0 : i32
      %dma_wait3A_789 = tpu.memref_slice %arg12[%dma_wait3A_788] : memref<1024xf32, #tpu.memory_space<vmem>> -> memref<1280xf32, #tpu.memory_space<vmem>>
      tpu.wait_dma2 semaphore(%run_scoped3A : memref<!tpu.dma_semaphore, #tpu.memory_space<semaphore_mem>>) src(%dma_wait3A_789 : memref<1280xf32, #tpu.memory_space<vmem>>) dst(%dma_wait3A_787 : memref<1280xf32, #tpu.memory_space<hbm>>)
      tpu.yield
    }) : () -> ()
    return
  }
}

module attributes {stable_mosaic.version = 14 : i64} {
  func.func @_tc_prep(%arg0: i32, %arg1: memref<4096x2xf32, #tpu.memory_space<vmem>>, %arg2: memref<4096x64xf32, #tpu.memory_space<vmem>>, %arg3: memref<4096x1xf32, #tpu.memory_space<vmem>>, %arg4: memref<4096x64xf32, #tpu.memory_space<vmem>>) attributes {dimension_semantics = [#tpu.dimension_semantics<arbitrary>], iteration_bounds = array<i64: 13>, scalar_prefetch = 0 : i64, scratch_operands = 0 : i64, tpu.core_type = #tpu.core_type<tc>, window_params = [{transform_indices = @transform_0, window_bounds = array<i64: 4096, 2>}, {transform_indices = @transform_1, window_bounds = array<i64: 4096, 64>}, {transform_indices = @transform_2, window_bounds = array<i64: 4096, 1>}, {transform_indices = @transform_3, window_bounds = array<i64: 4096, 64>}]} {
    %get3A = arith.constant 0 : index
    %get3A_0 = arith.constant 0 : index
    %get3A_1 = vector.load %arg1[%get3A, %get3A_0] : memref<4096x2xf32, #tpu.memory_space<vmem>>, vector<4096x2xf32>
    %reduce_sum3A = arith.constant dense<0.000000e+00> : vector<4096xf32>
    %reduce_sum3A_2 = vector.multi_reduction <add>, %get3A_1, %reduce_sum3A [1] : vector<4096x2xf32> to vector<4096xf32>
    %broadcast_in_dim3A = vector.shape_cast %reduce_sum3A_2 : vector<4096xf32> to vector<4096x1xf32>
    %add3A = arith.constant 1.000000e+00 : f32
    %add3A_3 = vector.broadcast %add3A : f32 to vector<4096x1xf32>
    %add3A_4 = arith.addf %broadcast_in_dim3A, %add3A_3 : vector<4096x1xf32>
    %rsqrt3A = math.rsqrt %add3A_4 : vector<4096x1xf32>
    %swap3A = arith.constant 0 : index
    %swap3A_5 = arith.constant 0 : index
    %swap3A_6 = vector.load %arg3[%swap3A, %swap3A_5] : memref<4096x1xf32, #tpu.memory_space<vmem>>, vector<4096x1xf32>
    tpu.vector_store %arg3[%swap3A, %swap3A_5], %rsqrt3A {strides = array<i32>} : memref<4096x1xf32, #tpu.memory_space<vmem>>, vector<4096x1xf32>,
    %get3A_7 = arith.constant 0 : index
    %get3A_8 = arith.constant 0 : index
    %get3A_9 = vector.load %arg2[%get3A_7, %get3A_8] : memref<4096x64xf32, #tpu.memory_space<vmem>>, vector<4096x64xf32>
    %mul3A = vector.broadcast %rsqrt3A : vector<4096x1xf32> to vector<4096x64xf32>
    %mul3A_10 = arith.mulf %get3A_9, %mul3A : vector<4096x64xf32>
    %swap3A_11 = arith.constant 0 : index
    %swap3A_12 = arith.constant 0 : index
    %swap3A_13 = vector.load %arg4[%swap3A_11, %swap3A_12] : memref<4096x64xf32, #tpu.memory_space<vmem>>, vector<4096x64xf32>
    tpu.vector_store %arg4[%swap3A_11, %swap3A_12], %mul3A_10 {strides = array<i32>} : memref<4096x64xf32, #tpu.memory_space<vmem>>, vector<4096x64xf32>,
    return
  }
  func.func @transform_0(%arg0: i32) -> (i32, i32) {
    %c0_i32 = arith.constant 0 : i32
    %c0_i32_0 = arith.constant 0 : i32
    return %arg0, %c0_i32 : i32, i32
  }
  func.func @transform_1(%arg0: i32) -> (i32, i32) {
    %c0_i32 = arith.constant 0 : i32
    %c0_i32_0 = arith.constant 0 : i32
    return %arg0, %c0_i32 : i32, i32
  }
  func.func @transform_2(%arg0: i32) -> (i32, i32) {
    %c0_i32 = arith.constant 0 : i32
    %c0_i32_0 = arith.constant 0 : i32
    return %arg0, %c0_i32 : i32, i32
  }
  func.func @transform_3(%arg0: i32) -> (i32, i32) {
    %c0_i32 = arith.constant 0 : i32
    %c0_i32_0 = arith.constant 0 : i32
    return %arg0, %c0_i32 : i32, i32
  }
}

module attributes {stable_mosaic.version = 14 : i64} {
  func.func @_tc_final(%arg0: i32, %arg1: memref<4096x64xf32, #tpu.memory_space<vmem>>, %arg2: memref<4096x64xf32, #tpu.memory_space<vmem>>, %arg3: memref<4096x1xf32, #tpu.memory_space<vmem>>, %arg4: memref<64x128xf32, #tpu.memory_space<vmem>>, %arg5: memref<1x128xf32, #tpu.memory_space<vmem>>, %arg6: memref<128x64xf32, #tpu.memory_space<vmem>>, %arg7: memref<1x64xf32, #tpu.memory_space<vmem>>, %arg8: memref<1x64xf32, #tpu.memory_space<vmem>>, %arg9: memref<1x128xf32, #tpu.memory_space<vmem>>) attributes {dimension_semantics = [#tpu.dimension_semantics<arbitrary>], iteration_bounds = array<i64: 13>, scalar_prefetch = 0 : i64, scratch_operands = 1 : i64, tpu.core_type = #tpu.core_type<tc>, window_params = [{transform_indices = @transform_0, window_bounds = array<i64: 4096, 64>}, {transform_indices = @transform_1, window_bounds = array<i64: 4096, 64>}, {transform_indices = @transform_2, window_bounds = array<i64: 4096, 1>}, {pipeline_mode = #tpu.pipeline_mode<synchronous>, transform_indices = @transform_3, window_bounds = array<i64: 64, 128>}, {pipeline_mode = #tpu.pipeline_mode<synchronous>, transform_indices = @transform_4, window_bounds = array<i64: 1, 128>}, {pipeline_mode = #tpu.pipeline_mode<synchronous>, transform_indices = @transform_5, window_bounds = array<i64: 128, 64>}, {pipeline_mode = #tpu.pipeline_mode<synchronous>, transform_indices = @transform_6, window_bounds = array<i64: 1, 64>}, {pipeline_mode = #tpu.pipeline_mode<synchronous>, transform_indices = @transform_7, window_bounds = array<i64: 1, 64>}]} {
    %eq3A = arith.constant 0 : i32
    %eq3A_0 = arith.cmpi eq, %arg0, %eq3A : i32
    %convert_element_type3A = arith.extui %eq3A_0 : i1 to i32
    %cond3A = arith.constant 0 : i32
    %cond3A_1 = arith.cmpi ne, %convert_element_type3A, %cond3A : i32
    scf.if %cond3A_1 {
      %broadcast_in_dim3A_43 = arith.constant 0.000000e+00 : f32
      %broadcast_in_dim3A_44 = vector.broadcast %broadcast_in_dim3A_43 : f32 to vector<1x128xf32>
      %swap3A_45 = arith.constant 0 : index
      %swap3A_46 = arith.constant 0 : index
      %swap3A_47 = vector.load %arg9[%swap3A_45, %swap3A_46] : memref<1x128xf32, #tpu.memory_space<vmem>>, vector<1x128xf32>
      tpu.vector_store %arg9[%swap3A_45, %swap3A_46], %broadcast_in_dim3A_44 {strides = array<i32>} : memref<1x128xf32, #tpu.memory_space<vmem>>, vector<1x128xf32>,
    } else {
    }
    %get3A = arith.constant 0 : index
    %get3A_2 = arith.constant 0 : index
    %get3A_3 = vector.load %arg1[%get3A, %get3A_2] : memref<4096x64xf32, #tpu.memory_space<vmem>>, vector<4096x64xf32>
    %get3A_4 = arith.constant 0 : index
    %get3A_5 = arith.constant 0 : index
    %get3A_6 = vector.load %arg2[%get3A_4, %get3A_5] : memref<4096x64xf32, #tpu.memory_space<vmem>>, vector<4096x64xf32>
    %add3A = arith.addf %get3A_3, %get3A_6 : vector<4096x64xf32>
    %get3A_7 = arith.constant 0 : index
    %get3A_8 = arith.constant 0 : index
    %get3A_9 = vector.load %arg3[%get3A_7, %get3A_8] : memref<4096x1xf32, #tpu.memory_space<vmem>>, vector<4096x1xf32>
    %mul3A = vector.broadcast %get3A_9 : vector<4096x1xf32> to vector<4096x64xf32>
    %mul3A_10 = arith.mulf %add3A, %mul3A : vector<4096x64xf32>
    %get3A_11 = arith.constant 0 : index
    %get3A_12 = arith.constant 0 : index
    %get3A_13 = vector.load %arg4[%get3A_11, %get3A_12] : memref<64x128xf32, #tpu.memory_space<vmem>>, vector<64x128xf32>
    %dot_general3A = arith.constant dense<0.000000e+00> : vector<4096x128xf32>
    %dot_general3A_14 = tpu.matmul %mul3A_10, %get3A_13, %dot_general3A {dimension_numbers = #tpu.dot_dimension_numbers<[1], [0], [0], [1], [0, 0, 1, 1], [], []>, transpose_lhs_hint = false} : vector<4096x64xf32>, vector<64x128xf32>, vector<4096x128xf32> -> vector<4096x128xf32>
    %get3A_15 = arith.constant 0 : index
    %get3A_16 = arith.constant 0 : index
    %get3A_17 = vector.load %arg5[%get3A_15, %get3A_16] : memref<1x128xf32, #tpu.memory_space<vmem>>, vector<1x128xf32>
    %add3A_18 = vector.broadcast %get3A_17 : vector<1x128xf32> to vector<4096x128xf32>
    %add3A_19 = arith.addf %dot_general3A_14, %add3A_18 : vector<4096x128xf32>
    %max3A = arith.constant 0.000000e+00 : f32
    %max3A_20 = vector.broadcast %max3A : f32 to vector<4096x128xf32>
    %max3A_21 = arith.maximumf %add3A_19, %max3A_20 : vector<4096x128xf32>
    %iota3A = tpu.iota {dimensions = array<i32: 0>} : vector<4096x1xi32>
    %mul3A_22 = arith.constant 4096 : i32
    %mul3A_23 = arith.muli %arg0, %mul3A_22 : i32
    %add3A_24 = vector.broadcast %mul3A_23 : i32 to vector<4096x1xi32>
    %add3A_25 = arith.addi %iota3A, %add3A_24 : vector<4096x1xi32>
    %lt3A = arith.constant 50000 : i32
    %lt3A_26 = vector.broadcast %lt3A : i32 to vector<4096x1xi32>
    %lt3A_27 = arith.cmpi slt, %add3A_25, %lt3A_26 : vector<4096x1xi32>
    %jit3A = arith.constant 0.000000e+00 : f32
    %broadcast_in_dim3A = vector.shape_cast %lt3A_27 : vector<4096x1xi1> to vector<4096x1xi1>
    %broadcast_in_dim3A_28 = vector.broadcast %broadcast_in_dim3A : vector<4096x1xi1> to vector<4096x128xi1>
    %broadcast_in_dim3A_29 = vector.broadcast %jit3A : f32 to vector<4096x128xf32>
    %select_n3A = arith.select %broadcast_in_dim3A_28, %max3A_21, %broadcast_in_dim3A_29 : vector<4096x128xi1>, vector<4096x128xf32>
    %get3A_30 = arith.constant 0 : index
    %get3A_31 = arith.constant 0 : index
    %get3A_32 = vector.load %arg9[%get3A_30, %get3A_31] : memref<1x128xf32, #tpu.memory_space<vmem>>, vector<1x128xf32>
    %reduce_sum3A = arith.constant dense<0.000000e+00> : vector<128xf32>
    %reduce_sum3A_33 = vector.multi_reduction <add>, %select_n3A, %reduce_sum3A [0] : vector<4096x128xf32> to vector<128xf32>
    %broadcast_in_dim3A_34 = vector.shape_cast %reduce_sum3A_33 : vector<128xf32> to vector<1x128xf32>
    %add3A_35 = arith.addf %get3A_32, %broadcast_in_dim3A_34 : vector<1x128xf32>
    %swap3A = arith.constant 0 : index
    %swap3A_36 = arith.constant 0 : index
    %swap3A_37 = vector.load %arg9[%swap3A, %swap3A_36] : memref<1x128xf32, #tpu.memory_space<vmem>>, vector<1x128xf32>
    tpu.vector_store %arg9[%swap3A, %swap3A_36], %add3A_35 {strides = array<i32>} : memref<1x128xf32, #tpu.memory_space<vmem>>, vector<1x128xf32>,
    %eq3A_38 = arith.constant 12 : i32
    %eq3A_39 = arith.cmpi eq, %arg0, %eq3A_38 : i32
    %convert_element_type3A_40 = arith.extui %eq3A_39 : i1 to i32
    %cond3A_41 = arith.constant 0 : i32
    %cond3A_42 = arith.cmpi ne, %convert_element_type3A_40, %cond3A_41 : i32
    scf.if %cond3A_42 {
      %get3A_43 = arith.constant 0 : index
      %get3A_44 = arith.constant 0 : index
      %get3A_45 = vector.load %arg9[%get3A_43, %get3A_44] : memref<1x128xf32, #tpu.memory_space<vmem>>, vector<1x128xf32>
      %get3A_46 = arith.constant 0 : index
      %get3A_47 = arith.constant 0 : index
      %get3A_48 = vector.load %arg6[%get3A_46, %get3A_47] : memref<128x64xf32, #tpu.memory_space<vmem>>, vector<128x64xf32>
      %dot_general3A_49 = arith.constant dense<0.000000e+00> : vector<1x64xf32>
      %dot_general3A_50 = tpu.matmul %get3A_45, %get3A_48, %dot_general3A_49 {dimension_numbers = #tpu.dot_dimension_numbers<[1], [0], [0], [1], [0, 0, 1, 1], [], []>, transpose_lhs_hint = false} : vector<1x128xf32>, vector<128x64xf32>, vector<1x64xf32> -> vector<1x64xf32>
      %get3A_51 = arith.constant 0 : index
      %get3A_52 = arith.constant 0 : index
      %get3A_53 = vector.load %arg7[%get3A_51, %get3A_52] : memref<1x64xf32, #tpu.memory_space<vmem>>, vector<1x64xf32>
      %mul3A_54 = arith.constant 5.000000e+04 : f32
      %mul3A_55 = vector.broadcast %mul3A_54 : f32 to vector<1x64xf32>
      %mul3A_56 = arith.mulf %mul3A_55, %get3A_53 : vector<1x64xf32>
      %add3A_57 = arith.addf %dot_general3A_50, %mul3A_56 : vector<1x64xf32>
      %swap3A_58 = arith.constant 0 : index
      %swap3A_59 = arith.constant 0 : index
      %swap3A_60 = vector.load %arg8[%swap3A_58, %swap3A_59] : memref<1x64xf32, #tpu.memory_space<vmem>>, vector<1x64xf32>
      tpu.vector_store %arg8[%swap3A_58, %swap3A_59], %add3A_57 {strides = array<i32>} : memref<1x64xf32, #tpu.memory_space<vmem>>, vector<1x64xf32>,
    } else {
    }
    return
  }
  func.func @transform_0(%arg0: i32) -> (i32, i32) {
    %c0_i32 = arith.constant 0 : i32
    %c0_i32_0 = arith.constant 0 : i32
    return %arg0, %c0_i32 : i32, i32
  }
  func.func @transform_1(%arg0: i32) -> (i32, i32) {
    %c0_i32 = arith.constant 0 : i32
    %c0_i32_0 = arith.constant 0 : i32
    return %arg0, %c0_i32 : i32, i32
  }
  func.func @transform_2(%arg0: i32) -> (i32, i32) {
    %c0_i32 = arith.constant 0 : i32
    %c0_i32_0 = arith.constant 0 : i32
    return %arg0, %c0_i32 : i32, i32
  }
  func.func @transform_3(%arg0: i32) -> (i32, i32) {
    %c0_i32 = arith.constant 0 : i32
    %c0_i32_0 = arith.constant 0 : i32
    %c0_i32_1 = arith.constant 0 : i32
    return %c0_i32, %c0_i32_0 : i32, i32
  }
  func.func @transform_4(%arg0: i32) -> (i32, i32) {
    %c0_i32 = arith.constant 0 : i32
    %c0_i32_0 = arith.constant 0 : i32
    %c0_i32_1 = arith.constant 0 : i32
    return %c0_i32, %c0_i32_0 : i32, i32
  }
  func.func @transform_5(%arg0: i32) -> (i32, i32) {
    %c0_i32 = arith.constant 0 : i32
    %c0_i32_0 = arith.constant 0 : i32
    %c0_i32_1 = arith.constant 0 : i32
    return %c0_i32, %c0_i32_0 : i32, i32
  }
  func.func @transform_6(%arg0: i32) -> (i32, i32) {
    %c0_i32 = arith.constant 0 : i32
    %c0_i32_0 = arith.constant 0 : i32
    %c0_i32_1 = arith.constant 0 : i32
    return %c0_i32, %c0_i32_0 : i32, i32
  }
  func.func @transform_7(%arg0: i32) -> (i32, i32) {
    %c0_i32 = arith.constant 0 : i32
    %c0_i32_0 = arith.constant 0 : i32
    %c0_i32_1 = arith.constant 0 : i32
    return %c0_i32, %c0_i32_0 : i32, i32
  }
}

</mosaic_0001>

<sc_bundles>
// kernel: kernel.6.cloned.1.call-start
scs
__scs_entry_jumppad:
0x0: {  	(pc) =	sbr.rel $0x88, $3  }
0x1: {  	(tag) =	ssettag $0x0;
	lr =	simm.s32 $0x1  }
0x2: {  	[smem:$0x3F9A] =	sst lr;
	_ =	strace $0xD0000000  }
0x3: {  	_ = 	snop  }
0x4: {  	_ = 	snop  }
0x5: {  	_ = 	snop  }
0x6: {  	_ = 	snop  }
0x7: {  	_ = 	snop  }
__scs_overlays_trampoline_lowered:
0x8: {  	[smem:$0x3FA9] =	sst s0  }
0x9: {  	[smem:$0x3FAA] =	sst s1  }
0xa: {  	[smem:$0x3FAB] =	sst s2  }
0xb: {  	[smem:$0x3FAC] =	sst s3  }
0xc: {  	[smem:$0x3FAD] =	sst s4  }
0xd: {  	[smem:$0x3FAE] =	sst s5  }
0xe: {  	[smem:$0x3FAF] =	sst s6  }
0xf: {  	[smem:$0x3FB0] =	sst s7  }
0x10: {  	[smem:$0x3FB1] =	sst s8  }
0x11: {  	[smem:$0x3FB2] =	sst s9;
	s0 =	simm.s32 @!p0 $0x0  }
0x12: {  	s1 =	sld [smem:$0x3F98];
	s0 =	simm.s32 @p0 $0x1  }
0x13: {  	[smem:$0x3FB3] =	sst s0;
	s0 =	simm.s32 @!p1 $0x0  }
0x14: {  	s2 =	sld [smem:$0x3F97];
	s0 =	simm.s32 @p1 $0x1  }
0x15: {  	[smem:$0x3FB4] =	sst s0;
	s0 =	simm.s32 @!p2 $0x0  }
0x16: {  	s3 =	sld [smem:$0x3FDB];
	s0 =	simm.s32 @p2 $0x1  }
0x17: {  	s4 =	simm.s32 $0x1BF5;
	[smem:$0x3FB6] =	sst s0  }
0x18: {  	s0 =	sld [smem:$0x3F99];
	_ =	swait.ge [sflag:s4], $0x0  }
0x19: {  	s7 =	sld [smem:$0x3F9A]  }
0x1a: {  	s8 =	sadd.s32 $0xFFFFE003, lr  }
0x1b: {  	s9 =	sadd.s32 $0xFFFFFEF7, lr;
	s5 =	simm.s32 $0xFFFFFFFF;
	p2 =	slt.u32 s8, $0xFFFFF086  }
0x1c: {  	p1 =	slt.u32 s9, $0xF7A;
	s5 =	simm.s32 @!p2 $0x0  }
0x1d: {  	s5 =	simm.s32 @p1 $0x1;
	p0 =	seq.s32 s7, s2  }
0x1e: {  	s7 =	smul.u32 @!p0 $0xF7A, s2;
	p2 =	seq.s32 @!p0 s5, $0x0  }
0x1f: {  	s9 =	smul.u32 $0xF7A, s1;
	s8 =	simm.s32 @!p0 $0x1BF5;
	p2 =	por !p2, p0  }
0x20: {  	[sflag:s8] =	ssyncset.s32 @!p0 $0xFFFFF086;
	s6 =	sadd.s32 @!p0 s3, s7;
	s7 =	simm.s32 @!p0 $0x108  }
0x21: {  	s3 =	sadd.s32 s3, s9;
	s6 =	sadd.s32 @!p0 $0x88, s6;
	s7 =	simm.s32 @p2 $0x1082  }
0x22: {  	[simem:s7], [sflag:s8] =	dma.local @!p0 [hbm:s6], $0xF7A  }
0x23: {  	s9 =	sor.u32 $0xD0000000, s2;
	s6 =	simm.s32 $0x108;
	_ =	swait.ge @!p0 [sflag:s8], $0x0  }
0x24: {  	s3 =	sadd.s32 $0x88, s3;
	s6 =	simm.s32 @!p1 $0x1082;
	[sflag:s4] =	ssyncset.s32 $0xFFFFF086  }
0x25: {  	[simem:s6], [sflag:s4] =	dma.local [hbm:s3], $0xF7A  }
0x26: {  	[smem:$0x3F9A] =	sst s1;
	(tag) =	ssettag s2;
	_ =	strace s9  }
0x27: {  	s1 =	sld [smem:$0x3FAA]  }
0x28: {  	s2 =	sld [smem:$0x3FAB]  }
0x29: {  	s4 =	sld [smem:$0x3FAD]  }
0x2a: {  	p0 =	seq.s32 s5, $0x0;
	s5 =	sld [smem:$0x3FAE]  }
0x2b: {  	s6 =	sld [smem:$0x3FAF]  }
0x2c: {  	s7 =	sld [smem:$0x3FB0]  }
0x2d: {  	s3 =	simm.s32 $0x108;
	s8 =	sld [smem:$0x3FB1]  }
0x2e: {  	s3 =	simm.s32 @!p0 $0x1082;
	s9 =	sld [smem:$0x3FB2]  }
0x2f: {  	lr =	sadd.s32 s0, s3;
	s0 =	sld [smem:$0x3FA9]  }
0x30: {  	s3 =	sld [smem:$0x3FAC]  }
0x31: {  	[smem:$0x3FB5] =	sst s10  }
0x32: {  	s10 =	sld [smem:$0x3FB3];
	_ =	sdelay $0x3  }
0x33: {  	p0 =	seq.s32 s10, $0x1;
	s10 =	sld [smem:$0x3FB5];
	_ =	sdelay $0x3  }
0x34: {  	[smem:$0x3FB5] =	sst s10  }
0x35: {  	s10 =	sld [smem:$0x3FB4];
	_ =	sdelay $0x3  }
0x36: {  	p1 =	seq.s32 s10, $0x1;
	s10 =	sld [smem:$0x3FB5];
	_ =	sdelay $0x3  }
0x37: {  	[smem:$0x3FB5] =	sst s10  }
0x38: {  	s10 =	sld [smem:$0x3FB6]  }
0x39: {  	_ = 	snop;
	(pc) =	sbr.ind lr, $3  }
0x3a: {  	_ = 	snop  }
0x3b: {  	_ = 	snop  }
0x3c: {  	p2 =	seq.s32 s10, $0x1;
	s10 =	sld [smem:$0x3FB5]  }
0x3d: {  	_ =	shalt  }
0x3e: {  	_ =	shalt  }
0x3f: {  	_ =	shalt  }
0x40: {  	_ =	shalt  }
0x41: {  	_ =	shalt  }
0x42: {  	_ =	shalt  }
0x43: {  	_ =	shalt  }
0x44: {  	_ =	shalt  }
0x45: {  	_ =	shalt  }
0x46: {  	_ =	shalt  }
0x47: {  	_ =	shalt  }
0x48: {  	_ =	shalt  }
0x49: {  	_ =	shalt  }
0x4a: {  	_ =	shalt  }
0x4b: {  	_ =	shalt  }
0x4c: {  	_ =	shalt  }
0x4d: {  	_ =	shalt  }
0x4e: {  	_ =	shalt  }
0x4f: {  	_ =	shalt  }
0x50: {  	_ =	shalt  }
0x51: {  	_ =	shalt  }
0x52: {  	_ =	shalt  }
0x53: {  	_ =	shalt  }
0x54: {  	_ =	shalt  }
0x55: {  	_ =	shalt  }
0x56: {  	_ =	shalt  }
0x57: {  	_ =	shalt  }
0x58: {  	_ =	shalt  }
0x59: {  	_ =	shalt  }
0x5a: {  	_ =	shalt  }
0x5b: {  	_ =	shalt  }
0x5c: {  	_ =	shalt  }
0x5d: {  	_ =	shalt  }
0x5e: {  	_ =	shalt  }
0x5f: {  	_ =	shalt  }
0x60: {  	_ =	shalt  }
0x61: {  	_ =	shalt  }
0x62: {  	_ =	shalt  }
0x63: {  	_ =	shalt  }
0x64: {  	_ =	shalt  }
0x65: {  	_ =	shalt  }
0x66: {  	_ =	shalt  }
0x67: {  	_ =	shalt  }
0x68: {  	_ =	shalt  }
0x69: {  	_ =	shalt  }
0x6a: {  	_ =	shalt  }
0x6b: {  	_ =	shalt  }
0x6c: {  	_ =	shalt  }
0x6d: {  	_ =	shalt  }
0x6e: {  	_ =	shalt  }
0x6f: {  	_ =	shalt  }
0x70: {  	_ =	shalt  }
0x71: {  	_ =	shalt  }
0x72: {  	_ =	shalt  }
0x73: {  	_ =	shalt  }
0x74: {  	_ =	shalt  }
0x75: {  	_ =	shalt  }
0x76: {  	_ =	shalt  }
0x77: {  	_ =	shalt  }
0x78: {  	_ =	shalt  }
0x79: {  	_ =	shalt  }
0x7a: {  	_ =	shalt  }
0x7b: {  	_ =	shalt  }
0x7c: {  	_ =	shalt  }
0x7d: {  	_ =	shalt  }
0x7e: {  	_ =	shalt  }
0x7f: {  	_ =	shalt  }
0x80: {  	_ =	shalt  }
0x81: {  	_ =	shalt  }
0x82: {  	_ =	shalt  }
0x83: {  	_ =	shalt  }
0x84: {  	_ =	shalt  }
0x85: {  	_ =	shalt  }
0x86: {  	_ =	shalt  }
0x87: {  	_ =	shalt  }
.Lfunc_end0:
.L_simem_size_0:
called_computation_lowered:
.L_overlay_start_0:
0x88: {  	s2 =	sld [smem:$0x3FD9]  }
0x89: {  	s3 =	sld [smem:$0x3FFE];
	_ =	sdelay $0x1  }
0x8a: {  	s1 =	srdreg.scid  }
0x8b: {  	s0 =	sand.u32 $0x1, s1  }
0x8c: {  	s16 =	sshll.u32 s0, $0xA;
	s2 =	sadd.s32 s3, s2  }
0x8d: {  	s2 =	sadd.s32 s2, s16  }
0x8e: {  	[smem:$0x3FC1] =	sst s2  }
0x8f: {  	_ = 	snop  }
0x90: {  	(tm) =	ssettm $0x1  }
0x91: {  	s17 =	sld [smem:$0x3FFB];
	_ =	sdelay $0x3  }
0x92: {  	_ =	strace s17  }
0x93: {  	s2 =	sld [smem:$0x3FFC];
	_ =	sdelay $0x3  }
0x94: {  	_ =	strace s2  }
0x95: {  	s2 =	sld [smem:$0x3FFD];
	_ =	sdelay $0x3  }
0x96: {  	_ =	strace s2  }
0x97: {  	_ =	strace $0x8FFFFFFF  }
0x98: {  	s18 =	sld [smem:$0x3FDB];
	_ =	sdelay $0x1  }
0x99: {  	s19 =	simm.s32 $_scs_section_size  }
0x9a: {  	s4 =	simm.s32 $_size__tile_overlayer_lowered;
	s5 =	simm.s32 $_tile_overlayer_lowered  }
0x9b: {  	s22 =	simm.s32 $0x1BFF;
	s21 =	sshll.u32 s5, $0x1;
	s2 =	sadd.s32 s19, s18  }
0x9c: {  	s6 =	simm.s32 $0x0;
	s20 =	sshll.u32 s4, $0x1;
	s4 =	sadd.s32 s21, s2  }
0x9d: {  	[timem:s6], [sflag:s22] =	dma.local [hbm:s4], s20  }
0x9e: {  	_ =	swait.ge [sflag:s22], s20  }
0x9f: {  	s3 =	ssub.s32 $0x0, s20;
	[sflag:s22] =	ssyncset.done $0x0  }
0xa0: {  	[sflag:s22] =	ssyncadd.s32 s3;
	_ =	sdelay $0x1  }
0xa1: {  	s23 =	simm.s32 $0x1B8B  }
0xa2: {  	_ =	swait.ge [sflag:s23], $0x1  }
0xa3: {  	[sflag:s23] =	ssyncset.done $0x0  }
0xa4: {  	s25 =	simm.s32 $0x1B8E;
	s24 =	sld [smem:$0x3FFE];
	[sflag:s23] =	ssyncadd.s32 $0xFFFFFFFF  }
0xa5: {  	s26 =	simm.s32 $execute0_lowered;
	[smem:$0x3FD2] =	sst s25  }
0xa6: {  	s4 =	sshll.u32 s26, $0x1;
	_ =	strace $0x80000046;
	[dreg:$0x1] =	wrdreg $0xFFFFFFFF  }
0xa7: {  	s28 =	simm.s32 $_size_execute0_lowered;
	s2 =	sadd.s32 s2, s4;
	[dreg:$0x0] =	wrdreg $0x0  }
0xa8: {  	s4 =	sshll.u32 s28, $0x1;
	[dreg:$0x2] =	wrdreg s2  }
0xa9: {  	[dreg:$0x3] =	wrdreg s4  }
0xaa: {  	[dreg:$0x4] =	wrdreg $0xC0  }
0xab: {  	_ =	task [dreg:s6], $0x5FFFF  }
0xac: {  	[dreg:$0x1] =	wrdreg $0xFFFFFFFF  }
0xad: {  	[dreg:$0x0] =	wrdreg $0x60  }
0xae: {  	[dreg:$0x2] =	wrdreg s24  }
0xaf: {  	[dreg:$0x3] =	wrdreg $0x10F000  }
0xb0: {  	[dreg:$0x4] =	wrdreg $0x9  }
0xb1: {  	_ =	task.clear_ibuf [dreg:s6], $0x5FFFF;
	_ =	strace $0x90000046  }
0xb2: {  	s29 =	simm.s32 $0x9;
	_ =	strace $0x80000048  }
0xb3: {  	_ =	swait.ge [sflag:s29], $0x1  }
0xb4: {  	[sflag:s29] =	ssyncadd.s32 $0xFFFFFFFF  }
0xb5: {  	_ =	strace $0x90000048  }
0xb6: {  	_ =	sfence  }
0xb7: {  	s30 =	sld [smem:$0x0];
	_ =	sdelay $0x2  }
0xb8: {  	s31 =	sshll.u32 s1, $0xD;
	s1 =	sshrl.u32 s1, $0x2  }
0xb9: {  	s3 =	sand.u32 $0x4000, s31;
	s1 =	sadd.s32 s1, s30  }
0xba: {  	s0 =	sor.u32 s3, s0;
	s1 =	sshll.u32 s1, $0x11  }
0xbb: {  	s0 =	sor.u32 s1, s0  }
0xbc: {  	s0 =	sadd.s32 $0x8F2B, s0  }
0xbd: {  	[sflag:s0] =	ssyncadd.remote.s32 $0x1  }
0xbe: {  	_ =	sfence.sel $0xFFFF  }
0xbf: {  	[dreg:$0x0] =	wrdreg $0xFFFFFFFF;
	(pc) =	sbr.abs _section_cstart, $3  }
0xc0: {  	[dreg:$0x1] =	wrdreg $0xFFFFFFFF  }
0xc1: {  	_ =	task.clear_ibuf [dreg:s6], $0x2FFFF;
	_ =	strace $0x9FFFFFFF  }
0xc2: {  	(tm) =	ssettm $0x7FFFFFFF  }
0xc3: {  	_ =	shalt  }
tec
execute0_lowered:
.L_overlay_start_1:
0x0: {  	(tag) =	ssettag $0x1  }
0x1: {  	s0 =	rddreg [dreg:$0x0]  }
0x2: {  	s1 =	srdreg.scid;
	s13 =	stileid.u32  }
0x3: {  	s2 =	rddreg [dreg:$0x1];
	s3 =	simm.s32 $0x0;
	s10 =	smul.u32 $0x3420, s13  }
0x4: {  	s1 =	sand.u32 $0x1, s1;
	s4 =	sshll.u32 s13, $0x1;
	s16 =	smul.u32 $0xD00, s13  }
0x5: {  	[smem:$0x7FF] =	sst s3;
	s5 =	sor.u32 s1, s4;
	s8 =	smul.u32 $0x1A00, s1  }
0x6: {  	s9 =	sadd.s32 $0x1E200, s0;
	s13 =	simm.s32 $0x10A80;
	s4 =	smul.u32 $0xD0, s5  }
0x7: {  	_ =	strace $0x80000047;
	s1 =	ssub.s32 $0x2, s1;
	s6 =	smul.u32 $0xC40, s5  }
0x8: {  	s25 =	smul.u32 $0x1A000, s5;
	s11 =	sshrl.u32 s1, $0x1;
	s10 =	sshrl.u32 s10, $0x2  }
0x9: {  	s12 =	smul.u32 $0x3400, s5;
	s19 =	sadd.s32 $0x400, s16;
	s20 =	sadd.s32 $0x800, s16  }
0xa: {  	s21 =	sshrl.u32 s16, $0x3;
	s1 =	ssub.s32 s1, s11;
	s5 =	sadd.s32 s10, s2  }
0xb: {  	s7 =	sadd.s32 s4, s0;
	s4 =	sadd.s32 $0x187600, s0;
	s6 =	sadd.s32 s6, s0  }
0xc: {  	s0 =	sadd.s32 s8, s0;
	s8 =	sshrl.u32 s25, $0x3;
	s26 =	sadd.s32 s9, s12  }
0xd: {  	s7 =	sadd.s32 $0xC00, s7;
	[dreg:$0x4] =	wrdreg s26;
	s10 =	sadd.s32 s9, s8  }
0xe: {  	s22 =	sshrl.u32 s19, $0x3;
	[dreg:$0x3] =	wrdreg s7;
	s8 =	sadd.s32 $0x400, s10  }
0xf: {  	s23 =	sshrl.u32 s20, $0x3;
	s11 =	sadd.s32 $0x800, s10;
	[dreg:$0x5] =	wrdreg s8  }
0x10: {  	s28 =	smax.u32 s1, $0x1;
	s12 =	sadd.s32 $0xC00, s10;
	[dreg:$0x6] =	wrdreg s11  }
0x11: {  	s29 =	sadd.s32 $0x400, s5;
	s14 =	sadd.s32 $0x1000, s10;
	[dreg:$0x7] =	wrdreg s12  }
0x12: {  	s30 =	sadd.s32 $0x800, s5;
	s15 =	sadd.s32 $0x1400, s10;
	[dreg:$0x8] =	wrdreg s14  }
0x13: {  	s31 =	sadd.s32 $0xC00, s5;
	s9 =	sadd.s32 $0x1800, s10;
	[dreg:$0x9] =	wrdreg s15  }
0x14: {  	s1 =	simm.s32 $0x10B00;
	s17 =	sadd.s32 $0x1C00, s10;
	[dreg:$0xa] =	wrdreg s9  }
0x15: {  	s0 =	sadd.s32 $0x1AE00, s0;
	s18 =	sadd.s32 $0x2000, s10;
	[dreg:$0xb] =	wrdreg s17  }
0x16: {  	s24 =	sadd.s32 s22, s0;
	s25 =	sadd.s32 $0x2400, s10;
	[dreg:$0xc] =	wrdreg s18  }
0x17: {  	s26 =	sadd.s32 $0x2800, s10;
	s22 =	sadd.s32 $0x3000, s10;
	[dreg:$0xe] =	wrdreg s24  }
0x18: {  	s7 =	simm.s32 $0x680;
	s11 =	sadd.s32 s21, s0;
	[dreg:$0x10] =	wrdreg s25  }
0x19: {  	s0 =	sadd.s32 s23, s0;
	[dreg:$0x11] =	wrdreg s26;
	s21 =	sadd.s32 $0x2C00, s10  }
0x1a: {  	s23 =	sadd.s32 $0x2600, s6;
	s24 =	sadd.s32 s16, s2;
	s25 =	sadd.s32 s19, s2  }
0x1b: {  	s26 =	sadd.s32 s20, s2;
	s6 =	simm.s32 $0x80;
	s8 =	simm.s32 $0x1  }
0x1c: {  	s9 =	simm.s32 $0x2680;
	s10 =	simm.s32 $0x2;
	s12 =	simm.s32 $0x4  }
0x1d: {  	s14 =	simm.s32 $0x5;
	s15 =	simm.s32 $0x0;
	[dreg:$0xd] =	wrdreg s11  }
0x1e: {  	v0 =	vimm.f32 $0.0e+00;
	v1 =	vimm.f32 $1.000000000e+00;
	[dreg:$0xf] =	wrdreg s0;
	s0 =	simm.s32 $0x6;
	s11 =	simm.s32 $0x3  }
.LBB2_1:
0x1f: {  	s16 =	simm.s32 $0x40;
	s17 =	simm.s32 $0x0  }
.LBB2_2:
0x20: {  	p0 =	sne.s32 s16, $0xFC0;
	[tilespmem:s17+$0x10B00] =	vst v0;
	s17 =	smov.u32 s16;
	s16 =	sadd.s32 $0x40, s16  }
.Ltmp0:
0x21: {  	(pc) =	sbr.rel @p0 .LBB2_2-.Ltmp0, $2  }
0x22: {  	_ =	sdelay $0x2  }
0x23: {  	s17 =	sshra.s32 s17, $0x2  }
0x24: {  	[tilespmem:s17+$0x10B00] =	vst v0  }
0x25: {  	[tilespmem:$0x10A80] =	vst v1  }
0x26: {  	[tilespmem:$0x10A90] =	vst v1  }
0x27: {  	[tilespmem:$0x10AA0] =	vst v1  }
0x28: {  	[tilespmem:$0x10AB0] =	vst v1  }
0x29: {  	[tilespmem:$0x10AC0] =	vst v1  }
0x2a: {  	[tilespmem:$0x10AD0] =	vst v1  }
0x2b: {  	[tilespmem:$0x10AE0] =	vst v1  }
0x2c: {  	[tilespmem:$0x10AF0] =	vst v1  }
0x2d: {  	[spmem:s5] =	stream.linear.scatter [tilespmem:s1], [sflag:$0x6], $0x400, $0x38;
	[tilespmem:$0x11C08] =	vst v63  }
0x2e: {  	_ =	swait.ge [sflag:s0], $0x400  }
0x2f: {  	[sflag:s0] =	ssyncset.done $0x0  }
0x30: {  	[sflag:s0] =	ssyncadd.s32 $0xFFFFFC00  }
0x31: {  	[spmem:s29] =	stream.linear.scatter [tilespmem:s1], [sflag:$0x6], $0x400, $0x38;
	[tilespmem:$0x11C08] =	vst v63  }
0x32: {  	_ =	swait.ge [sflag:s0], $0x400  }
0x33: {  	[sflag:s0] =	ssyncset.done $0x0  }
0x34: {  	[sflag:s0] =	ssyncadd.s32 $0xFFFFFC00  }
0x35: {  	[spmem:s30] =	stream.linear.scatter [tilespmem:s1], [sflag:$0x6], $0x400, $0x38;
	[tilespmem:$0x11C08] =	vst v63  }
0x36: {  	_ =	swait.ge [sflag:s0], $0x400  }
0x37: {  	[sflag:s0] =	ssyncset.done $0x0  }
0x38: {  	[sflag:s0] =	ssyncadd.s32 $0xFFFFFC00  }
0x39: {  	[spmem:s31] =	stream.linear.scatter [tilespmem:s1], [sflag:$0x6], $0x108, $0x38;
	[tilespmem:$0x11C08] =	vst v63  }
0x3a: {  	_ =	swait.ge [sflag:s0], $0x108  }
0x3b: {  	[sflag:s0] =	ssyncset.done $0x0  }
0x3c: {  	[sflag:s0] =	ssyncadd.s32 $0xFFFFFEF8  }
0x3d: {  	[bflag:$0x0] =	sbarrier.arrive $0xFFFF  }
0x3e: {  	s16 =	simm.s32 $0x0;
	s18 =	rddreg [dreg:$0x3]  }
0x3f: {  	[tilespmem:s16], [sflag:$0x6] =	stream.linear.gather [hbm4b:s18+s16], $0x680, $0x38;
	[tilespmem:$0x11C08] =	vst v63  }
0x40: {  	_ =	swait.ge [sflag:s0], $0x680  }
0x41: {  	[sflag:s0] =	ssyncset.done $0x0  }
0x42: {  	[sflag:s0] =	ssyncadd.s32 $0xFFFFF980  }
0x43: {  	[tilespmem:s7], [sflag:$0x1] =	stream.indirect.gather [hbm4b:s4+s6], $0x40, s16, s6, $0xb8;
	[tilespmem:$0x11C08] =	vst v63  }
0x44: {  	_ =	swait.ge [sflag:s8], $0x2000  }
0x45: {  	[sflag:s8] =	ssyncset.done $0x0  }
0x46: {  	[sflag:s8] =	ssyncadd.s32 $0xFFFFE000  }
0x47: {  	[tilespmem:s9], [sflag:$0x2] =	stream.indirect.gather [hbm4b:s4+s6], $0x40, s6, s6, $0xb8;
	[tilespmem:$0x11C08] =	vst v63  }
0x48: {  	s19 =	rddreg [dreg:$0x4]  }
0x49: {  	[hbm4b:s19+s16] =	stream.linear.scatter [tilespmem:s7], [sflag:$0x3], $0x2000, $0x38;
	[tilespmem:$0x11C08] =	vst v63  }
0x4a: {  	_ =	swait.ge [sflag:s10], $0x2000  }
0x4b: {  	[sflag:s10] =	ssyncset.done $0x0  }
0x4c: {  	[sflag:s10] =	ssyncadd.s32 $0xFFFFE000  }
0x4d: {  	_ =	swait.ge [sflag:s11], $0x2000  }
0x4e: {  	[sflag:s11] =	ssyncset.done $0x0  }
0x4f: {  	s20 =	simm.s32 $0x100;
	[sflag:s11] =	ssyncadd.s32 $0xFFFFE000  }
0x50: {  	[tilespmem:s7], [sflag:$0x1] =	stream.indirect.gather [hbm4b:s4+s6], $0x40, s20, s6, $0xb8;
	[tilespmem:$0x11C08] =	vst v63  }
0x51: {  	s18 =	rddreg [dreg:$0x5]  }
0x52: {  	[hbm4b:s18+s16] =	stream.linear.scatter [tilespmem:s9], [sflag:$0x4], $0x2000, $0x38;
	[tilespmem:$0x11C08] =	vst v63  }
0x53: {  	_ =	swait.ge [sflag:s8], $0x2000  }
0x54: {  	[sflag:s8] =	ssyncset.done $0x0  }
0x55: {  	[sflag:s8] =	ssyncadd.s32 $0xFFFFE000  }
0x56: {  	_ =	swait.ge [sflag:s12], $0x2000  }
0x57: {  	[sflag:s12] =	ssyncset.done $0x0  }
0x58: {  	s19 =	simm.s32 $0x180;
	[sflag:s12] =	ssyncadd.s32 $0xFFFFE000  }
0x59: {  	[tilespmem:s9], [sflag:$0x2] =	stream.indirect.gather [hbm4b:s4+s6], $0x40, s19, s6, $0xb8;
	[tilespmem:$0x11C08] =	vst v63  }
0x5a: {  	s20 =	rddreg [dreg:$0x6]  }
0x5b: {  	[hbm4b:s20+s16] =	stream.linear.scatter [tilespmem:s7], [sflag:$0x3], $0x2000, $0x38;
	[tilespmem:$0x11C08] =	vst v63  }
0x5c: {  	_ =	swait.ge [sflag:s10], $0x2000  }
0x5d: {  	[sflag:s10] =	ssyncset.done $0x0  }
0x5e: {  	[sflag:s10] =	ssyncadd.s32 $0xFFFFE000  }
0x5f: {  	_ =	swait.ge [sflag:s11], $0x2000  }
0x60: {  	[sflag:s11] =	ssyncset.done $0x0  }
0x61: {  	s18 =	simm.s32 $0x200;
	[sflag:s11] =	ssyncadd.s32 $0xFFFFE000  }
0x62: {  	[tilespmem:s7], [sflag:$0x1] =	stream.indirect.gather [hbm4b:s4+s6], $0x40, s18, s6, $0xb8;
	[tilespmem:$0x11C08] =	vst v63  }
0x63: {  	s19 =	rddreg [dreg:$0x7]  }
0x64: {  	[hbm4b:s19+s16] =	stream.linear.scatter [tilespmem:s9], [sflag:$0x4], $0x2000, $0x38;
	[tilespmem:$0x11C08] =	vst v63  }
0x65: {  	_ =	swait.ge [sflag:s8], $0x2000  }
0x66: {  	[sflag:s8] =	ssyncset.done $0x0  }
0x67: {  	[sflag:s8] =	ssyncadd.s32 $0xFFFFE000  }
0x68: {  	_ =	swait.ge [sflag:s12], $0x2000  }
0x69: {  	[sflag:s12] =	ssyncset.done $0x0  }
0x6a: {  	s20 =	simm.s32 $0x280;
	[sflag:s12] =	ssyncadd.s32 $0xFFFFE000  }
0x6b: {  	[tilespmem:s9], [sflag:$0x2] =	stream.indirect.gather [hbm4b:s4+s6], $0x40, s20, s6, $0xb8;
	[tilespmem:$0x11C08] =	vst v63  }
0x6c: {  	s18 =	rddreg [dreg:$0x8]  }
0x6d: {  	[hbm4b:s18+s16] =	stream.linear.scatter [tilespmem:s7], [sflag:$0x3], $0x2000, $0x38;
	[tilespmem:$0x11C08] =	vst v63  }
0x6e: {  	_ =	swait.ge [sflag:s10], $0x2000  }
0x6f: {  	[sflag:s10] =	ssyncset.done $0x0  }
0x70: {  	[sflag:s10] =	ssyncadd.s32 $0xFFFFE000  }
0x71: {  	_ =	swait.ge [sflag:s11], $0x2000  }
0x72: {  	[sflag:s11] =	ssyncset.done $0x0  }
0x73: {  	s19 =	simm.s32 $0x300;
	[sflag:s11] =	ssyncadd.s32 $0xFFFFE000  }
0x74: {  	[tilespmem:s7], [sflag:$0x1] =	stream.indirect.gather [hbm4b:s4+s6], $0x40, s19, s6, $0xb8;
	[tilespmem:$0x11C08] =	vst v63  }
0x75: {  	s20 =	rddreg [dreg:$0x9]  }
0x76: {  	[hbm4b:s20+s16] =	stream.linear.scatter [tilespmem:s9], [sflag:$0x4], $0x2000, $0x38;
	[tilespmem:$0x11C08] =	vst v63  }
0x77: {  	_ =	swait.ge [sflag:s8], $0x2000  }
0x78: {  	[sflag:s8] =	ssyncset.done $0x0  }
0x79: {  	[sflag:s8] =	ssyncadd.s32 $0xFFFFE000  }
0x7a: {  	_ =	swait.ge [sflag:s12], $0x2000  }
0x7b: {  	[sflag:s12] =	ssyncset.done $0x0  }
0x7c: {  	s18 =	simm.s32 $0x380;
	[sflag:s12] =	ssyncadd.s32 $0xFFFFE000  }
0x7d: {  	[tilespmem:s9], [sflag:$0x2] =	stream.indirect.gather [hbm4b:s4+s6], $0x40, s18, s6, $0xb8;
	[tilespmem:$0x11C08] =	vst v63  }
0x7e: {  	s19 =	rddreg [dreg:$0xa]  }
0x7f: {  	[hbm4b:s19+s16] =	stream.linear.scatter [tilespmem:s7], [sflag:$0x3], $0x2000, $0x38;
	[tilespmem:$0x11C08] =	vst v63  }
0x80: {  	_ =	swait.ge [sflag:s10], $0x2000  }
0x81: {  	[sflag:s10] =	ssyncset.done $0x0  }
0x82: {  	[sflag:s10] =	ssyncadd.s32 $0xFFFFE000  }
0x83: {  	_ =	swait.ge [sflag:s11], $0x2000  }
0x84: {  	[sflag:s11] =	ssyncset.done $0x0  }
0x85: {  	s20 =	simm.s32 $0x400;
	[sflag:s11] =	ssyncadd.s32 $0xFFFFE000  }
0x86: {  	[tilespmem:s7], [sflag:$0x1] =	stream.indirect.gather [hbm4b:s4+s6], $0x40, s20, s6, $0xb8;
	[tilespmem:$0x11C08] =	vst v63  }
0x87: {  	s18 =	rddreg [dreg:$0xb]  }
0x88: {  	[hbm4b:s18+s16] =	stream.linear.scatter [tilespmem:s9], [sflag:$0x4], $0x2000, $0x38;
	[tilespmem:$0x11C08] =	vst v63  }
0x89: {  	_ =	swait.ge [sflag:s8], $0x2000  }
0x8a: {  	[sflag:s8] =	ssyncset.done $0x0  }
0x8b: {  	[sflag:s8] =	ssyncadd.s32 $0xFFFFE000  }
0x8c: {  	_ =	swait.ge [sflag:s12], $0x2000  }
0x8d: {  	[sflag:s12] =	ssyncset.done $0x0  }
0x8e: {  	s19 =	simm.s32 $0x480;
	[sflag:s12] =	ssyncadd.s32 $0xFFFFE000  }
0x8f: {  	[tilespmem:s9], [sflag:$0x2] =	stream.indirect.gather [hbm4b:s4+s6], $0x40, s19, s6, $0xb8;
	[tilespmem:$0x11C08] =	vst v63  }
0x90: {  	s20 =	rddreg [dreg:$0xc]  }
0x91: {  	[hbm4b:s20+s16] =	stream.linear.scatter [tilespmem:s7], [sflag:$0x3], $0x2000, $0x38;
	[tilespmem:$0x11C08] =	vst v63  }
0x92: {  	_ =	swait.ge [sflag:s10], $0x2000  }
0x93: {  	[sflag:s10] =	ssyncset.done $0x0  }
0x94: {  	[sflag:s10] =	ssyncadd.s32 $0xFFFFE000  }
0x95: {  	_ =	swait.ge [sflag:s11], $0x2000  }
0x96: {  	[sflag:s11] =	ssyncset.done $0x0  }
0x97: {  	s18 =	simm.s32 $0x500;
	[sflag:s11] =	ssyncadd.s32 $0xFFFFE000  }
0x98: {  	[tilespmem:s7], [sflag:$0x1] =	stream.indirect.gather [hbm4b:s4+s6], $0x40, s18, s6, $0xb8;
	[tilespmem:$0x11C08] =	vst v63  }
0x99: {  	s19 =	rddreg [dreg:$0x10]  }
0x9a: {  	[hbm4b:s19+s16] =	stream.linear.scatter [tilespmem:s9], [sflag:$0x4], $0x2000, $0x38;
	[tilespmem:$0x11C08] =	vst v63  }
0x9b: {  	_ =	swait.ge [sflag:s8], $0x2000  }
0x9c: {  	[sflag:s8] =	ssyncset.done $0x0  }
0x9d: {  	[sflag:s8] =	ssyncadd.s32 $0xFFFFE000  }
0x9e: {  	_ =	swait.ge [sflag:s12], $0x2000  }
0x9f: {  	[sflag:s12] =	ssyncset.done $0x0  }
0xa0: {  	s20 =	simm.s32 $0x580;
	[sflag:s12] =	ssyncadd.s32 $0xFFFFE000  }
0xa1: {  	[tilespmem:s9], [sflag:$0x2] =	stream.indirect.gather [hbm4b:s4+s6], $0x40, s20, s6, $0xb8;
	[tilespmem:$0x11C08] =	vst v63  }
0xa2: {  	s18 =	rddreg [dreg:$0x11]  }
0xa3: {  	[hbm4b:s18+s16] =	stream.linear.scatter [tilespmem:s7], [sflag:$0x3], $0x2000, $0x38;
	[tilespmem:$0x11C08] =	vst v63  }
0xa4: {  	_ =	swait.ge [sflag:s10], $0x2000  }
0xa5: {  	[sflag:s10] =	ssyncset.done $0x0  }
0xa6: {  	[sflag:s10] =	ssyncadd.s32 $0xFFFFE000  }
0xa7: {  	_ =	swait.ge [sflag:s11], $0x2000  }
0xa8: {  	[sflag:s11] =	ssyncset.done $0x0  }
0xa9: {  	s19 =	simm.s32 $0x600;
	[sflag:s11] =	ssyncadd.s32 $0xFFFFE000  }
0xaa: {  	[tilespmem:s7], [sflag:$0x1] =	stream.indirect.gather [hbm4b:s4+s6], $0x40, s19, s6, $0xb8;
	[tilespmem:$0x11C08] =	vst v63  }
0xab: {  	_ = 	snop  }
0xac: {  	[hbm4b:s21+s16] =	stream.linear.scatter [tilespmem:s9], [sflag:$0x4], $0x2000, $0x38;
	[tilespmem:$0x11C08] =	vst v63  }
0xad: {  	_ =	swait.ge [sflag:s8], $0x2000  }
0xae: {  	[sflag:s8] =	ssyncset.done $0x0  }
0xaf: {  	[sflag:s8] =	ssyncadd.s32 $0xFFFFE000  }
0xb0: {  	_ =	swait.ge [sflag:s12], $0x2000  }
0xb1: {  	[sflag:s12] =	ssyncset.done $0x0  }
0xb2: {  	[sflag:s12] =	ssyncadd.s32 $0xFFFFE000  }
0xb3: {  	[hbm4b:s22+s16] =	stream.linear.scatter [tilespmem:s7], [sflag:$0x3], $0x2000, $0x38;
	[tilespmem:$0x11C08] =	vst v63  }
0xb4: {  	_ =	swait.ge [sflag:s11], $0x2000  }
0xb5: {  	[sflag:s11] =	ssyncset.done $0x0  }
0xb6: {  	s20 =	simm.s32 $0x4680;
	[sflag:s11] =	ssyncadd.s32 $0xFFFFE000  }
0xb7: {  	[tilespmem:s20], [sflag:$0x6] =	stream.linear.gather [hbm4b:s23+s16], $0x6200, $0x38;
	[tilespmem:$0x11C08] =	vst v63  }
0xb8: {  	_ =	swait.ge [sflag:s0], $0x6200  }
0xb9: {  	[sflag:s0] =	ssyncset.done $0x0  }
0xba: {  	s16 =	simm.s32 $0x0;
	[sflag:s0] =	ssyncadd.s32 $0xFFFF9E00  }
0xbb: {  	v2 =	vld [tilespmem:s16+$0x4680]  }
0xbc: {  	s17 =	simm.s32 $0x40  }
.LBB2_4:
0xbd: {  	p0 =	sne.s32 s17, $0x187C0  }
.Ltmp1:
0xbe: {  	_ = 	snop;
	(pc) =	sbr.rel @p0 .LBB2_4-.Ltmp1, $4  }
0xbf: {  	_ = 	snop  }
0xc0: {  	s18 =	sshra.s32 s17, $0x2;
	s17 =	sadd.s32 $0x40, s17;
	vm0 =	vgt.s32 v2, $0xFFFFFFFF  }
0xc1: {  	v3 =	vnsel vm0, $0xD000, v2;
	v2 =	vld [tilespmem:s18+$0x4680]  }
0xc2: {  	[tilespmem:s16+$0xA880] =	vst v3;
	s16 =	smov.u32 s18  }
0xc3: {  	_ =	sdelay $0x2  }
0xc4: {  	vm0 =	vgt.s32 v2, $0xFFFFFFFF  }
0xc5: {  	v2 =	vnsel vm0, $0xD000, v2  }
0xc6: {  	s19 =	simm.s32 $0xA880;
	[tilespmem:s16+$0xA880] =	vst v2  }
0xc7: {  	[spmem:s2] =	stream.indirect.scatter.add.f32 [tilespmem:s13], [sflag:$0x5], $0x1, s19, s6, $0xb8;
	[tilespmem:$0x11C08] =	vst v63  }
0xc8: {  	s20 =	simm.s32 $0xA900  }
0xc9: {  	[spmem:s2] =	stream.indirect.scatter.add.f32 [tilespmem:s13], [sflag:$0x5], $0x1, s20, s6, $0xb8;
	[tilespmem:$0x11C08] =	vst v63  }
0xca: {  	s17 =	simm.s32 $0xA980  }
0xcb: {  	[spmem:s2] =	stream.indirect.scatter.add.f32 [tilespmem:s13], [sflag:$0x5], $0x1, s17, s6, $0xb8;
	[tilespmem:$0x11C08] =	vst v63  }
0xcc: {  	s18 =	simm.s32 $0xAA00  }
0xcd: {  	[spmem:s2] =	stream.indirect.scatter.add.f32 [tilespmem:s13], [sflag:$0x5], $0x1, s18, s6, $0xb8;
	[tilespmem:$0x11C08] =	vst v63  }
0xce: {  	s19 =	simm.s32 $0xAA80  }
0xcf: {  	[spmem:s2] =	stream.indirect.scatter.add.f32 [tilespmem:s13], [sflag:$0x5], $0x1, s19, s6, $0xb8;
	[tilespmem:$0x11C08] =	vst v63  }
0xd0: {  	s20 =	simm.s32 $0xAB00  }
0xd1: {  	[spmem:s2] =	stream.indirect.scatter.add.f32 [tilespmem:s13], [sflag:$0x5], $0x1, s20, s6, $0xb8;
	[tilespmem:$0x11C08] =	vst v63  }
0xd2: {  	s17 =	simm.s32 $0xAB80  }
0xd3: {  	[spmem:s2] =	stream.indirect.scatter.add.f32 [tilespmem:s13], [sflag:$0x5], $0x1, s17, s6, $0xb8;
	[tilespmem:$0x11C08] =	vst v63  }
0xd4: {  	s18 =	simm.s32 $0xAC00  }
0xd5: {  	[spmem:s2] =	stream.indirect.scatter.add.f32 [tilespmem:s13], [sflag:$0x5], $0x1, s18, s6, $0xb8;
	[tilespmem:$0x11C08] =	vst v63  }
0xd6: {  	s19 =	simm.s32 $0xAC80  }
0xd7: {  	[spmem:s2] =	stream.indirect.scatter.add.f32 [tilespmem:s13], [sflag:$0x5], $0x1, s19, s6, $0xb8;
	[tilespmem:$0x11C08] =	vst v63  }
0xd8: {  	s20 =	simm.s32 $0xAD00  }
0xd9: {  	[spmem:s2] =	stream.indirect.scatter.add.f32 [tilespmem:s13], [sflag:$0x5], $0x1, s20, s6, $0xb8;
	[tilespmem:$0x11C08] =	vst v63  }
0xda: {  	s17 =	simm.s32 $0xAD80  }
0xdb: {  	[spmem:s2] =	stream.indirect.scatter.add.f32 [tilespmem:s13], [sflag:$0x5], $0x1, s17, s6, $0xb8;
	[tilespmem:$0x11C08] =	vst v63  }
0xdc: {  	s18 =	simm.s32 $0xAE00  }
0xdd: {  	[spmem:s2] =	stream.indirect.scatter.add.f32 [tilespmem:s13], [sflag:$0x5], $0x1, s18, s6, $0xb8;
	[tilespmem:$0x11C08] =	vst v63  }
0xde: {  	s19 =	simm.s32 $0xAE80  }
0xdf: {  	[spmem:s2] =	stream.indirect.scatter.add.f32 [tilespmem:s13], [sflag:$0x5], $0x1, s19, s6, $0xb8;
	[tilespmem:$0x11C08] =	vst v63  }
0xe0: {  	s20 =	simm.s32 $0xAF00  }
0xe1: {  	[spmem:s2] =	stream.indirect.scatter.add.f32 [tilespmem:s13], [sflag:$0x5], $0x1, s20, s6, $0xb8;
	[tilespmem:$0x11C08] =	vst v63  }
0xe2: {  	_ =	swait.ge [sflag:s14], $0x80  }
0xe3: {  	[sflag:s14] =	ssyncset.done $0x0  }
0xe4: {  	[sflag:s14] =	ssyncadd.s32 $0xFFFFFF80  }
0xe5: {  	_ =	swait.ge [sflag:s14], $0x80  }
0xe6: {  	[sflag:s14] =	ssyncset.done $0x0  }
0xe7: {  	[sflag:s14] =	ssyncadd.s32 $0xFFFFFF80  }
0xe8: {  	_ =	swait.ge [sflag:s14], $0x80  }
0xe9: {  	[sflag:s14] =	ssyncset.done $0x0  }
0xea: {  	[sflag:s14] =	ssyncadd.s32 $0xFFFFFF80  }
0xeb: {  	_ =	swait.ge [sflag:s14], $0x80  }
0xec: {  	[sflag:s14] =	ssyncset.done $0x0  }
0xed: {  	[sflag:s14] =	ssyncadd.s32 $0xFFFFFF80  }
0xee: {  	_ =	swait.ge [sflag:s14], $0x80  }
0xef: {  	[sflag:s14] =	ssyncset.done $0x0  }
0xf0: {  	[sflag:s14] =	ssyncadd.s32 $0xFFFFFF80  }
0xf1: {  	_ =	swait.ge [sflag:s14], $0x80  }
0xf2: {  	[sflag:s14] =	ssyncset.done $0x0  }
0xf3: {  	[sflag:s14] =	ssyncadd.s32 $0xFFFFFF80  }
0xf4: {  	_ =	swait.ge [sflag:s14], $0x80  }
0xf5: {  	[sflag:s14] =	ssyncset.done $0x0  }
0xf6: {  	[sflag:s14] =	ssyncadd.s32 $0xFFFFFF80  }
0xf7: {  	_ =	swait.ge [sflag:s14], $0x80  }
0xf8: {  	[sflag:s14] =	ssyncset.done $0x0  }
0xf9: {  	[sflag:s14] =	ssyncadd.s32 $0xFFFFFF80  }
0xfa: {  	_ =	swait.ge [sflag:s14], $0x80  }
0xfb: {  	[sflag:s14] =	ssyncset.done $0x0  }
0xfc: {  	[sflag:s14] =	ssyncadd.s32 $0xFFFFFF80  }
0xfd: {  	_ =	swait.ge [sflag:s14], $0x80  }
0xfe: {  	[sflag:s14] =	ssyncset.done $0x0  }
0xff: {  	[sflag:s14] =	ssyncadd.s32 $0xFFFFFF80  }
0x100: {  	_ =	swait.ge [sflag:s14], $0x80  }
0x101: {  	[sflag:s14] =	ssyncset.done $0x0  }
0x102: {  	[sflag:s14] =	ssyncadd.s32 $0xFFFFFF80  }
0x103: {  	_ =	swait.ge [sflag:s14], $0x80  }
0x104: {  	[sflag:s14] =	ssyncset.done $0x0  }
0x105: {  	[sflag:s14] =	ssyncadd.s32 $0xFFFFFF80  }
0x106: {  	_ =	swait.ge [sflag:s14], $0x80  }
0x107: {  	[sflag:s14] =	ssyncset.done $0x0  }
0x108: {  	[sflag:s14] =	ssyncadd.s32 $0xFFFFFF80  }
0x109: {  	_ =	swait.ge [sflag:s14], $0x80  }
0x10a: {  	s16 =	simm.s32 $0x3800;
	s18 =	simm.s32 $0x700;
	[sflag:s14] =	ssyncset.done $0x0  }
.LBB2_6:
0x10b: {  	s20 =	sadd.s32 $0xA880, s18  }
0x10c: {  	[sflag:s14] =	ssyncadd.s32 $0xFFFFFF80;
	s17 =	smov.u32 s16;
	s19 =	sadd.s32 $0x1C00, s16  }
0x10d: {  	[spmem:s2] =	stream.indirect.scatter.add.f32 [tilespmem:s13], [sflag:$0x5], $0x1, s20, s6, $0xb8;
	[tilespmem:$0x11C08] =	vst v63  }
0x10e: {  	p0 =	sne.s32 s16, $0x16C00;
	s16 =	sadd.s32 $0xA900, s18  }
0x10f: {  	[spmem:s2] =	stream.indirect.scatter.add.f32 [tilespmem:s13], [sflag:$0x5], $0x1, s16, s6, $0xb8;
	[tilespmem:$0x11C08] =	vst v63  }
0x110: {  	s16 =	sadd.s32 $0xA980, s18  }
0x111: {  	[spmem:s2] =	stream.indirect.scatter.add.f32 [tilespmem:s13], [sflag:$0x5], $0x1, s16, s6, $0xb8;
	[tilespmem:$0x11C08] =	vst v63  }
0x112: {  	s16 =	sadd.s32 $0xAA00, s18  }
0x113: {  	[spmem:s2] =	stream.indirect.scatter.add.f32 [tilespmem:s13], [sflag:$0x5], $0x1, s16, s6, $0xb8;
	[tilespmem:$0x11C08] =	vst v63  }
0x114: {  	s16 =	sadd.s32 $0xAA80, s18  }
0x115: {  	[spmem:s2] =	stream.indirect.scatter.add.f32 [tilespmem:s13], [sflag:$0x5], $0x1, s16, s6, $0xb8;
	[tilespmem:$0x11C08] =	vst v63  }
0x116: {  	s16 =	sadd.s32 $0xAB00, s18  }
0x117: {  	[spmem:s2] =	stream.indirect.scatter.add.f32 [tilespmem:s13], [sflag:$0x5], $0x1, s16, s6, $0xb8;
	[tilespmem:$0x11C08] =	vst v63  }
0x118: {  	s16 =	sadd.s32 $0xAB80, s18  }
0x119: {  	[spmem:s2] =	stream.indirect.scatter.add.f32 [tilespmem:s13], [sflag:$0x5], $0x1, s16, s6, $0xb8;
	[tilespmem:$0x11C08] =	vst v63  }
0x11a: {  	s16 =	sadd.s32 $0xAC00, s18  }
0x11b: {  	[spmem:s2] =	stream.indirect.scatter.add.f32 [tilespmem:s13], [sflag:$0x5], $0x1, s16, s6, $0xb8;
	[tilespmem:$0x11C08] =	vst v63  }
0x11c: {  	s16 =	sadd.s32 $0xAC80, s18  }
0x11d: {  	[spmem:s2] =	stream.indirect.scatter.add.f32 [tilespmem:s13], [sflag:$0x5], $0x1, s16, s6, $0xb8;
	[tilespmem:$0x11C08] =	vst v63  }
0x11e: {  	s16 =	sadd.s32 $0xAD00, s18  }
0x11f: {  	[spmem:s2] =	stream.indirect.scatter.add.f32 [tilespmem:s13], [sflag:$0x5], $0x1, s16, s6, $0xb8;
	[tilespmem:$0x11C08] =	vst v63  }
0x120: {  	s16 =	sadd.s32 $0xAD80, s18  }
0x121: {  	[spmem:s2] =	stream.indirect.scatter.add.f32 [tilespmem:s13], [sflag:$0x5], $0x1, s16, s6, $0xb8;
	[tilespmem:$0x11C08] =	vst v63  }
0x122: {  	s16 =	sadd.s32 $0xAE00, s18  }
0x123: {  	[spmem:s2] =	stream.indirect.scatter.add.f32 [tilespmem:s13], [sflag:$0x5], $0x1, s16, s6, $0xb8;
	[tilespmem:$0x11C08] =	vst v63  }
0x124: {  	s16 =	sadd.s32 $0xAE80, s18  }
0x125: {  	[spmem:s2] =	stream.indirect.scatter.add.f32 [tilespmem:s13], [sflag:$0x5], $0x1, s16, s6, $0xb8;
	[tilespmem:$0x11C08] =	vst v63  }
0x126: {  	s16 =	sadd.s32 $0xAF00, s18  }
0x127: {  	[spmem:s2] =	stream.indirect.scatter.add.f32 [tilespmem:s13], [sflag:$0x5], $0x1, s16, s6, $0xb8;
	[tilespmem:$0x11C08] =	vst v63  }
0x128: {  	_ =	swait.ge [sflag:s14], $0x80  }
0x129: {  	[sflag:s14] =	ssyncset.done $0x0  }
0x12a: {  	[sflag:s14] =	ssyncadd.s32 $0xFFFFFF80  }
0x12b: {  	_ =	swait.ge [sflag:s14], $0x80  }
0x12c: {  	[sflag:s14] =	ssyncset.done $0x0  }
0x12d: {  	[sflag:s14] =	ssyncadd.s32 $0xFFFFFF80  }
0x12e: {  	_ =	swait.ge [sflag:s14], $0x80  }
0x12f: {  	[sflag:s14] =	ssyncset.done $0x0  }
0x130: {  	[sflag:s14] =	ssyncadd.s32 $0xFFFFFF80  }
0x131: {  	_ =	swait.ge [sflag:s14], $0x80  }
0x132: {  	[sflag:s14] =	ssyncset.done $0x0  }
0x133: {  	[sflag:s14] =	ssyncadd.s32 $0xFFFFFF80  }
0x134: {  	_ =	swait.ge [sflag:s14], $0x80  }
0x135: {  	[sflag:s14] =	ssyncset.done $0x0  }
0x136: {  	[sflag:s14] =	ssyncadd.s32 $0xFFFFFF80  }
0x137: {  	_ =	swait.ge [sflag:s14], $0x80  }
0x138: {  	[sflag:s14] =	ssyncset.done $0x0  }
0x139: {  	[sflag:s14] =	ssyncadd.s32 $0xFFFFFF80  }
0x13a: {  	_ =	swait.ge [sflag:s14], $0x80  }
0x13b: {  	[sflag:s14] =	ssyncset.done $0x0  }
0x13c: {  	[sflag:s14] =	ssyncadd.s32 $0xFFFFFF80  }
0x13d: {  	_ =	swait.ge [sflag:s14], $0x80  }
0x13e: {  	[sflag:s14] =	ssyncset.done $0x0  }
0x13f: {  	[sflag:s14] =	ssyncadd.s32 $0xFFFFFF80  }
0x140: {  	_ =	swait.ge [sflag:s14], $0x80  }
0x141: {  	[sflag:s14] =	ssyncset.done $0x0  }
0x142: {  	[sflag:s14] =	ssyncadd.s32 $0xFFFFFF80  }
0x143: {  	_ =	swait.ge [sflag:s14], $0x80  }
0x144: {  	[sflag:s14] =	ssyncset.done $0x0  }
0x145: {  	[sflag:s14] =	ssyncadd.s32 $0xFFFFFF80  }
0x146: {  	_ =	swait.ge [sflag:s14], $0x80  }
0x147: {  	[sflag:s14] =	ssyncset.done $0x0  }
0x148: {  	[sflag:s14] =	ssyncadd.s32 $0xFFFFFF80  }
0x149: {  	_ =	swait.ge [sflag:s14], $0x80  }
0x14a: {  	[sflag:s14] =	ssyncset.done $0x0  }
0x14b: {  	[sflag:s14] =	ssyncadd.s32 $0xFFFFFF80  }
.Ltmp2:
0x14c: {  	_ =	swait.ge [sflag:s14], $0x80;
	(pc) =	sbr.rel @p0 .LBB2_6-.Ltmp2, $4  }
0x14d: {  	[sflag:s14] =	ssyncset.done $0x0  }
0x14e: {  	[sflag:s14] =	ssyncadd.s32 $0xFFFFFF80  }
0x14f: {  	_ =	swait.ge [sflag:s14], $0x80  }
0x150: {  	s18 =	sshra.s32 s17, $0x2;
	s16 =	smov.u32 s19;
	[sflag:s14] =	ssyncset.done $0x0  }
0x151: {  	s16 =	sadd.s32 $0xA880, s18;
	[sflag:s14] =	ssyncadd.s32 $0xFFFFFF80  }
0x152: {  	[spmem:s2] =	stream.indirect.scatter.add.f32 [tilespmem:s13], [sflag:$0x5], $0x1, s16, s6, $0xb8;
	[tilespmem:$0x11C08] =	vst v63  }
0x153: {  	s17 =	sadd.s32 $0xA900, s18  }
0x154: {  	[spmem:s2] =	stream.indirect.scatter.add.f32 [tilespmem:s13], [sflag:$0x5], $0x1, s17, s6, $0xb8;
	[tilespmem:$0x11C08] =	vst v63  }
0x155: {  	s19 =	sadd.s32 $0xA980, s18  }
0x156: {  	[spmem:s2] =	stream.indirect.scatter.add.f32 [tilespmem:s13], [sflag:$0x5], $0x1, s19, s6, $0xb8;
	[tilespmem:$0x11C08] =	vst v63  }
0x157: {  	s20 =	sadd.s32 $0xAA00, s18  }
0x158: {  	[spmem:s2] =	stream.indirect.scatter.add.f32 [tilespmem:s13], [sflag:$0x5], $0x1, s20, s6, $0xb8;
	[tilespmem:$0x11C08] =	vst v63  }
0x159: {  	s17 =	sadd.s32 $0xAA80, s18  }
0x15a: {  	[spmem:s2] =	stream.indirect.scatter.add.f32 [tilespmem:s13], [sflag:$0x5], $0x1, s17, s6, $0xb8;
	[tilespmem:$0x11C08] =	vst v63  }
0x15b: {  	s19 =	sadd.s32 $0xAB00, s18  }
0x15c: {  	[spmem:s2] =	stream.indirect.scatter.add.f32 [tilespmem:s13], [sflag:$0x5], $0x1, s19, s6, $0xb8;
	[tilespmem:$0x11C08] =	vst v63  }
0x15d: {  	s20 =	sadd.s32 $0xAB80, s18  }
0x15e: {  	[spmem:s2] =	stream.indirect.scatter.add.f32 [tilespmem:s13], [sflag:$0x5], $0x1, s20, s6, $0xb8;
	[tilespmem:$0x11C08] =	vst v63  }
0x15f: {  	s17 =	sadd.s32 $0xAC00, s18  }
0x160: {  	[spmem:s2] =	stream.indirect.scatter.add.f32 [tilespmem:s13], [sflag:$0x5], $0x1, s17, s6, $0xb8;
	[tilespmem:$0x11C08] =	vst v63  }
0x161: {  	s19 =	sadd.s32 $0xAC80, s18  }
0x162: {  	[spmem:s2] =	stream.indirect.scatter.add.f32 [tilespmem:s13], [sflag:$0x5], $0x1, s19, s6, $0xb8;
	[tilespmem:$0x11C08] =	vst v63  }
0x163: {  	s20 =	sadd.s32 $0xAD00, s18  }
0x164: {  	[spmem:s2] =	stream.indirect.scatter.add.f32 [tilespmem:s13], [sflag:$0x5], $0x1, s20, s6, $0xb8;
	[tilespmem:$0x11C08] =	vst v63  }
0x165: {  	s17 =	sadd.s32 $0xAD80, s18  }
0x166: {  	[spmem:s2] =	stream.indirect.scatter.add.f32 [tilespmem:s13], [sflag:$0x5], $0x1, s17, s6, $0xb8;
	[tilespmem:$0x11C08] =	vst v63  }
0x167: {  	s19 =	sadd.s32 $0xAE00, s18  }
0x168: {  	[spmem:s2] =	stream.indirect.scatter.add.f32 [tilespmem:s13], [sflag:$0x5], $0x1, s19, s6, $0xb8;
	[tilespmem:$0x11C08] =	vst v63  }
0x169: {  	s20 =	sadd.s32 $0xAE80, s18  }
0x16a: {  	[spmem:s2] =	stream.indirect.scatter.add.f32 [tilespmem:s13], [sflag:$0x5], $0x1, s20, s6, $0xb8;
	[tilespmem:$0x11C08] =	vst v63  }
0x16b: {  	s17 =	sadd.s32 $0xAF00, s18  }
0x16c: {  	[spmem:s2] =	stream.indirect.scatter.add.f32 [tilespmem:s13], [sflag:$0x5], $0x1, s17, s6, $0xb8;
	[tilespmem:$0x11C08] =	vst v63  }
0x16d: {  	_ =	swait.ge [sflag:s14], $0x80  }
0x16e: {  	[sflag:s14] =	ssyncset.done $0x0  }
0x16f: {  	[sflag:s14] =	ssyncadd.s32 $0xFFFFFF80  }
0x170: {  	_ =	swait.ge [sflag:s14], $0x80  }
0x171: {  	[sflag:s14] =	ssyncset.done $0x0  }
0x172: {  	[sflag:s14] =	ssyncadd.s32 $0xFFFFFF80  }
0x173: {  	_ =	swait.ge [sflag:s14], $0x80  }
0x174: {  	[sflag:s14] =	ssyncset.done $0x0  }
0x175: {  	[sflag:s14] =	ssyncadd.s32 $0xFFFFFF80  }
0x176: {  	_ =	swait.ge [sflag:s14], $0x80  }
0x177: {  	[sflag:s14] =	ssyncset.done $0x0  }
0x178: {  	[sflag:s14] =	ssyncadd.s32 $0xFFFFFF80  }
0x179: {  	_ =	swait.ge [sflag:s14], $0x80  }
0x17a: {  	[sflag:s14] =	ssyncset.done $0x0  }
0x17b: {  	[sflag:s14] =	ssyncadd.s32 $0xFFFFFF80  }
0x17c: {  	_ =	swait.ge [sflag:s14], $0x80  }
0x17d: {  	[sflag:s14] =	ssyncset.done $0x0  }
0x17e: {  	[sflag:s14] =	ssyncadd.s32 $0xFFFFFF80  }
0x17f: {  	_ =	swait.ge [sflag:s14], $0x80  }
0x180: {  	[sflag:s14] =	ssyncset.done $0x0  }
0x181: {  	[sflag:s14] =	ssyncadd.s32 $0xFFFFFF80  }
0x182: {  	_ =	swait.ge [sflag:s14], $0x80  }
0x183: {  	[sflag:s14] =	ssyncset.done $0x0  }
0x184: {  	[sflag:s14] =	ssyncadd.s32 $0xFFFFFF80  }
0x185: {  	_ =	swait.ge [sflag:s14], $0x80  }
0x186: {  	[sflag:s14] =	ssyncset.done $0x0  }
0x187: {  	[sflag:s14] =	ssyncadd.s32 $0xFFFFFF80  }
0x188: {  	_ =	swait.ge [sflag:s14], $0x80  }
0x189: {  	[sflag:s14] =	ssyncset.done $0x0  }
0x18a: {  	[sflag:s14] =	ssyncadd.s32 $0xFFFFFF80  }
0x18b: {  	_ =	swait.ge [sflag:s14], $0x80  }
0x18c: {  	[sflag:s14] =	ssyncset.done $0x0  }
0x18d: {  	[sflag:s14] =	ssyncadd.s32 $0xFFFFFF80  }
0x18e: {  	_ =	swait.ge [sflag:s14], $0x80  }
0x18f: {  	[sflag:s14] =	ssyncset.done $0x0  }
0x190: {  	[sflag:s14] =	ssyncadd.s32 $0xFFFFFF80  }
0x191: {  	_ =	swait.ge [sflag:s14], $0x80  }
0x192: {  	[sflag:s14] =	ssyncset.done $0x0  }
0x193: {  	[sflag:s14] =	ssyncadd.s32 $0xFFFFFF80  }
0x194: {  	_ =	swait.ge [sflag:s14], $0x80  }
0x195: {  	[sflag:s14] =	ssyncset.done $0x0  }
0x196: {  	[sflag:s14] =	ssyncadd.s32 $0xFFFFFF80  }
0x197: {  	[bflag:$0x0] =	sbarrier.arrive $0xFFFF  }
0x198: {  	[tilespmem:s1], [sflag:$0x6] =	stream.linear.gather [spmem:s24], $0x400, $0x38;
	[tilespmem:$0x11C08] =	vst v63  }
0x199: {  	_ =	swait.ge [sflag:s0], $0x400  }
0x19a: {  	[sflag:s0] =	ssyncset.done $0x0  }
0x19b: {  	s18 =	rddreg [dreg:$0xd];
	[sflag:s0] =	ssyncadd.s32 $0xFFFFFC00  }
0x19c: {  	[hbm4b:s18+s3] =	stream.linear.scatter [tilespmem:s1], [sflag:$0x6], $0x400, $0x38;
	[tilespmem:$0x11C08] =	vst v63  }
0x19d: {  	_ =	swait.ge [sflag:s0], $0x400  }
0x19e: {  	[sflag:s0] =	ssyncset.done $0x0  }
0x19f: {  	[sflag:s0] =	ssyncadd.s32 $0xFFFFFC00  }
0x1a0: {  	[tilespmem:s1], [sflag:$0x6] =	stream.linear.gather [spmem:s25], $0x400, $0x38;
	[tilespmem:$0x11C08] =	vst v63  }
0x1a1: {  	_ =	swait.ge [sflag:s0], $0x400  }
0x1a2: {  	[sflag:s0] =	ssyncset.done $0x0  }
0x1a3: {  	s19 =	rddreg [dreg:$0xe];
	[sflag:s0] =	ssyncadd.s32 $0xFFFFFC00  }
0x1a4: {  	[hbm4b:s19+s3] =	stream.linear.scatter [tilespmem:s1], [sflag:$0x6], $0x400, $0x38;
	[tilespmem:$0x11C08] =	vst v63  }
0x1a5: {  	_ =	swait.ge [sflag:s0], $0x400  }
0x1a6: {  	[sflag:s0] =	ssyncset.done $0x0  }
0x1a7: {  	[sflag:s0] =	ssyncadd.s32 $0xFFFFFC00  }
0x1a8: {  	[tilespmem:s1], [sflag:$0x6] =	stream.linear.gather [spmem:s26], $0x500, $0x38;
	[tilespmem:$0x11C08] =	vst v63  }
0x1a9: {  	s15 =	sadd.s32 $0x1, s15;
	_ =	swait.ge [sflag:s0], $0x500  }
0x1aa: {  	p0 =	sne.s32 s15, s28;
	[sflag:s0] =	ssyncset.done $0x0  }
.Ltmp3:
0x1ab: {  	s20 =	rddreg [dreg:$0xf];
	[sflag:s0] =	ssyncadd.s32 $0xFFFFFB00;
	(pc) =	sbr.rel @p0 .LBB2_1-.Ltmp3, $4  }
0x1ac: {  	[hbm4b:s20+s3] =	stream.linear.scatter [tilespmem:s1], [sflag:$0x6], $0x500, $0x38;
	[tilespmem:$0x11C08] =	vst v63  }
0x1ad: {  	_ =	swait.ge [sflag:s0], $0x500  }
0x1ae: {  	[sflag:s0] =	ssyncset.done $0x0  }
0x1af: {  	[sflag:s0] =	ssyncadd.s32 $0xFFFFFB00  }
0x1b0: {  	_ =	sfence.sel $0x180000  }
0x1b1: {  	[bflag:$0x0] =	sbarrier.arrive $0xFFFF  }
0x1b2: {  	_ =	strace $0x90000047  }
0x1b3: {  	s0 =	stileid.u32;
	[bflag:$0x2] =	sbarrier.arrive $0xFFFF  }
0x1b4: {  	p0 =	sne.s32 s0, $0x0;
	s0 =	rddreg [dreg:$0x2]  }
0x1b5: {  	s0 =	sadd.s32 @!p0 $0x100000, s0  }
0x1b6: {  	[sflag:s0] =	ssyncadd.tile.s32 @!p0 $0x1;
	_ =	shalt  }
.Lfunc_end2:
_tile_overlayer_lowered:
.L_overlay_start_2:
0x1b7: {  	(tag) =	ssettag $0x2  }
0x1b8: {  	s0 =	rddreg [dreg:$0x0];
	s2 =	stileid.u32  }
0x1b9: {  	s1 =	rddreg [dreg:$0x1];
	p0 =	sne.s32 s2, $0x0  }
0x1ba: {  	s3 =	rddreg [dreg:$0x2];
	[bflag:$0x3] =	sbarrier.arrive $0xFFFF;
	s2 =	simm.s32 @!p0 $0x1C06  }
0x1bb: {  	[timem:s3], [sflag:s2] =	dma.local @!p0 [hbm:s0], s1  }
0x1bc: {  	s0 =	simm.s32 @!p0 $0x6  }
0x1bd: {  	_ =	swait.ge @!p0 [sflag:s0], s1  }
0x1be: {  	s1 =	ssub.s32 @!p0 $0x0, s1;
	[sflag:s0] =	ssyncset.done @!p0 $0x0  }
0x1bf: {  	[sflag:s0] =	ssyncadd.s32 @!p0 s1  }
0x1c0: {  	[bflag:$0x3] =	sbarrier.arrive $0xFFFF  }
0x1c1: {  	_ =	shalt  }

// kernel: kernel.9.cloned.1.call-start
scs
__scs_entry_jumppad:
0x0: {  	(pc) =	sbr.rel $0x88, $3  }
0x1: {  	(tag) =	ssettag $0x0;
	lr =	simm.s32 $0x1  }
0x2: {  	[smem:$0x3F9A] =	sst lr;
	_ =	strace $0xD0000000  }
0x3: {  	_ = 	snop  }
0x4: {  	_ = 	snop  }
0x5: {  	_ = 	snop  }
0x6: {  	_ = 	snop  }
0x7: {  	_ = 	snop  }
__scs_overlays_trampoline_lowered:
0x8: {  	[smem:$0x3FA9] =	sst s0  }
0x9: {  	[smem:$0x3FAA] =	sst s1  }
0xa: {  	[smem:$0x3FAB] =	sst s2  }
0xb: {  	[smem:$0x3FAC] =	sst s3  }
0xc: {  	[smem:$0x3FAD] =	sst s4  }
0xd: {  	[smem:$0x3FAE] =	sst s5  }
0xe: {  	[smem:$0x3FAF] =	sst s6  }
0xf: {  	[smem:$0x3FB0] =	sst s7  }
0x10: {  	[smem:$0x3FB1] =	sst s8  }
0x11: {  	[smem:$0x3FB2] =	sst s9;
	s0 =	simm.s32 @!p0 $0x0  }
0x12: {  	s1 =	sld [smem:$0x3F98];
	s0 =	simm.s32 @p0 $0x1  }
0x13: {  	[smem:$0x3FB3] =	sst s0;
	s0 =	simm.s32 @!p1 $0x0  }
0x14: {  	s2 =	sld [smem:$0x3F97];
	s0 =	simm.s32 @p1 $0x1  }
0x15: {  	[smem:$0x3FB4] =	sst s0;
	s0 =	simm.s32 @!p2 $0x0  }
0x16: {  	s3 =	sld [smem:$0x3FDB];
	s0 =	simm.s32 @p2 $0x1  }
0x17: {  	s4 =	simm.s32 $0x1BF5;
	[smem:$0x3FB6] =	sst s0  }
0x18: {  	s0 =	sld [smem:$0x3F99];
	_ =	swait.ge [sflag:s4], $0x0  }
0x19: {  	s7 =	sld [smem:$0x3F9A]  }
0x1a: {  	s8 =	sadd.s32 $0xFFFFE003, lr  }
0x1b: {  	s9 =	sadd.s32 $0xFFFFFEF7, lr;
	s5 =	simm.s32 $0xFFFFFFFF;
	p2 =	slt.u32 s8, $0xFFFFF086  }
0x1c: {  	p1 =	slt.u32 s9, $0xF7A;
	s5 =	simm.s32 @!p2 $0x0  }
0x1d: {  	s5 =	simm.s32 @p1 $0x1;
	p0 =	seq.s32 s7, s2  }
0x1e: {  	s7 =	smul.u32 @!p0 $0xF7A, s2;
	p2 =	seq.s32 @!p0 s5, $0x0  }
0x1f: {  	s9 =	smul.u32 $0xF7A, s1;
	s8 =	simm.s32 @!p0 $0x1BF5;
	p2 =	por !p2, p0  }
0x20: {  	[sflag:s8] =	ssyncset.s32 @!p0 $0xFFFFF086;
	s6 =	sadd.s32 @!p0 s3, s7;
	s7 =	simm.s32 @!p0 $0x108  }
0x21: {  	s3 =	sadd.s32 s3, s9;
	s6 =	sadd.s32 @!p0 $0x88, s6;
	s7 =	simm.s32 @p2 $0x1082  }
0x22: {  	[simem:s7], [sflag:s8] =	dma.local @!p0 [hbm:s6], $0xF7A  }
0x23: {  	s9 =	sor.u32 $0xD0000000, s2;
	s6 =	simm.s32 $0x108;
	_ =	swait.ge @!p0 [sflag:s8], $0x0  }
0x24: {  	s3 =	sadd.s32 $0x88, s3;
	s6 =	simm.s32 @!p1 $0x1082;
	[sflag:s4] =	ssyncset.s32 $0xFFFFF086  }
0x25: {  	[simem:s6], [sflag:s4] =	dma.local [hbm:s3], $0xF7A  }
0x26: {  	[smem:$0x3F9A] =	sst s1;
	(tag) =	ssettag s2;
	_ =	strace s9  }
0x27: {  	s1 =	sld [smem:$0x3FAA]  }
0x28: {  	s2 =	sld [smem:$0x3FAB]  }
0x29: {  	s4 =	sld [smem:$0x3FAD]  }
0x2a: {  	p0 =	seq.s32 s5, $0x0;
	s5 =	sld [smem:$0x3FAE]  }
0x2b: {  	s6 =	sld [smem:$0x3FAF]  }
0x2c: {  	s7 =	sld [smem:$0x3FB0]  }
0x2d: {  	s3 =	simm.s32 $0x108;
	s8 =	sld [smem:$0x3FB1]  }
0x2e: {  	s3 =	simm.s32 @!p0 $0x1082;
	s9 =	sld [smem:$0x3FB2]  }
0x2f: {  	lr =	sadd.s32 s0, s3;
	s0 =	sld [smem:$0x3FA9]  }
0x30: {  	s3 =	sld [smem:$0x3FAC]  }
0x31: {  	[smem:$0x3FB5] =	sst s10  }
0x32: {  	s10 =	sld [smem:$0x3FB3];
	_ =	sdelay $0x3  }
0x33: {  	p0 =	seq.s32 s10, $0x1;
	s10 =	sld [smem:$0x3FB5];
	_ =	sdelay $0x3  }
0x34: {  	[smem:$0x3FB5] =	sst s10  }
0x35: {  	s10 =	sld [smem:$0x3FB4];
	_ =	sdelay $0x3  }
0x36: {  	p1 =	seq.s32 s10, $0x1;
	s10 =	sld [smem:$0x3FB5];
	_ =	sdelay $0x3  }
0x37: {  	[smem:$0x3FB5] =	sst s10  }
0x38: {  	s10 =	sld [smem:$0x3FB6]  }
0x39: {  	_ = 	snop;
	(pc) =	sbr.ind lr, $3  }
0x3a: {  	_ = 	snop  }
0x3b: {  	_ = 	snop  }
0x3c: {  	p2 =	seq.s32 s10, $0x1;
	s10 =	sld [smem:$0x3FB5]  }
0x3d: {  	_ =	shalt  }
0x3e: {  	_ =	shalt  }
0x3f: {  	_ =	shalt  }
0x40: {  	_ =	shalt  }
0x41: {  	_ =	shalt  }
0x42: {  	_ =	shalt  }
0x43: {  	_ =	shalt  }
0x44: {  	_ =	shalt  }
0x45: {  	_ =	shalt  }
0x46: {  	_ =	shalt  }
0x47: {  	_ =	shalt  }
0x48: {  	_ =	shalt  }
0x49: {  	_ =	shalt  }
0x4a: {  	_ =	shalt  }
0x4b: {  	_ =	shalt  }
0x4c: {  	_ =	shalt  }
0x4d: {  	_ =	shalt  }
0x4e: {  	_ =	shalt  }
0x4f: {  	_ =	shalt  }
0x50: {  	_ =	shalt  }
0x51: {  	_ =	shalt  }
0x52: {  	_ =	shalt  }
0x53: {  	_ =	shalt  }
0x54: {  	_ =	shalt  }
0x55: {  	_ =	shalt  }
0x56: {  	_ =	shalt  }
0x57: {  	_ =	shalt  }
0x58: {  	_ =	shalt  }
0x59: {  	_ =	shalt  }
0x5a: {  	_ =	shalt  }
0x5b: {  	_ =	shalt  }
0x5c: {  	_ =	shalt  }
0x5d: {  	_ =	shalt  }
0x5e: {  	_ =	shalt  }
0x5f: {  	_ =	shalt  }
0x60: {  	_ =	shalt  }
0x61: {  	_ =	shalt  }
0x62: {  	_ =	shalt  }
0x63: {  	_ =	shalt  }
0x64: {  	_ =	shalt  }
0x65: {  	_ =	shalt  }
0x66: {  	_ =	shalt  }
0x67: {  	_ =	shalt  }
0x68: {  	_ =	shalt  }
0x69: {  	_ =	shalt  }
0x6a: {  	_ =	shalt  }
0x6b: {  	_ =	shalt  }
0x6c: {  	_ =	shalt  }
0x6d: {  	_ =	shalt  }
0x6e: {  	_ =	shalt  }
0x6f: {  	_ =	shalt  }
0x70: {  	_ =	shalt  }
0x71: {  	_ =	shalt  }
0x72: {  	_ =	shalt  }
0x73: {  	_ =	shalt  }
0x74: {  	_ =	shalt  }
0x75: {  	_ =	shalt  }
0x76: {  	_ =	shalt  }
0x77: {  	_ =	shalt  }
0x78: {  	_ =	shalt  }
0x79: {  	_ =	shalt  }
0x7a: {  	_ =	shalt  }
0x7b: {  	_ =	shalt  }
0x7c: {  	_ =	shalt  }
0x7d: {  	_ =	shalt  }
0x7e: {  	_ =	shalt  }
0x7f: {  	_ =	shalt  }
0x80: {  	_ =	shalt  }
0x81: {  	_ =	shalt  }
0x82: {  	_ =	shalt  }
0x83: {  	_ =	shalt  }
0x84: {  	_ =	shalt  }
0x85: {  	_ =	shalt  }
0x86: {  	_ =	shalt  }
0x87: {  	_ =	shalt  }
.Lfunc_end0:
.L_simem_size_0:
called_computation.1_lowered:
.L_overlay_start_0:
0x88: {  	s2 =	sld [smem:$0x3FD9]  }
0x89: {  	s3 =	sld [smem:$0x3FFE];
	_ =	sdelay $0x1  }
0x8a: {  	s1 =	srdreg.scid  }
0x8b: {  	s0 =	sand.u32 $0x1, s1  }
0x8c: {  	s16 =	sshll.u32 s0, $0xA;
	s2 =	sadd.s32 s3, s2  }
0x8d: {  	s2 =	sadd.s32 s2, s16  }
0x8e: {  	[smem:$0x3FC1] =	sst s2  }
0x8f: {  	_ = 	snop  }
0x90: {  	(tm) =	ssettm $0x1  }
0x91: {  	s17 =	sld [smem:$0x3FFB];
	_ =	sdelay $0x3  }
0x92: {  	_ =	strace s17  }
0x93: {  	s2 =	sld [smem:$0x3FFC];
	_ =	sdelay $0x3  }
0x94: {  	_ =	strace s2  }
0x95: {  	s2 =	sld [smem:$0x3FFD];
	_ =	sdelay $0x3  }
0x96: {  	_ =	strace s2  }
0x97: {  	_ =	strace $0x8FFFFFFF  }
0x98: {  	s18 =	sld [smem:$0x3FDB];
	_ =	sdelay $0x1  }
0x99: {  	s19 =	simm.s32 $_scs_section_size  }
0x9a: {  	s4 =	simm.s32 $_size__tile_overlayer_lowered;
	s5 =	simm.s32 $_tile_overlayer_lowered  }
0x9b: {  	s22 =	simm.s32 $0x1BFF;
	s21 =	sshll.u32 s5, $0x1;
	s2 =	sadd.s32 s19, s18  }
0x9c: {  	s6 =	simm.s32 $0x0;
	s20 =	sshll.u32 s4, $0x1;
	s4 =	sadd.s32 s21, s2  }
0x9d: {  	[timem:s6], [sflag:s22] =	dma.local [hbm:s4], s20  }
0x9e: {  	_ =	swait.ge [sflag:s22], s20  }
0x9f: {  	s3 =	ssub.s32 $0x0, s20;
	[sflag:s22] =	ssyncset.done $0x0  }
0xa0: {  	[sflag:s22] =	ssyncadd.s32 s3;
	_ =	sdelay $0x1  }
0xa1: {  	s23 =	simm.s32 $0x1B8B  }
0xa2: {  	_ =	swait.ge [sflag:s23], $0x1  }
0xa3: {  	[sflag:s23] =	ssyncset.done $0x0  }
0xa4: {  	s25 =	simm.s32 $0x1B8E;
	s24 =	sld [smem:$0x3FFE];
	[sflag:s23] =	ssyncadd.s32 $0xFFFFFFFF  }
0xa5: {  	s26 =	simm.s32 $execute0_lowered;
	[smem:$0x3FD2] =	sst s25  }
0xa6: {  	s4 =	sshll.u32 s26, $0x1;
	_ =	strace $0x80000049;
	[dreg:$0x1] =	wrdreg $0xFFFFFFFF  }
0xa7: {  	s28 =	simm.s32 $_size_execute0_lowered;
	s2 =	sadd.s32 s2, s4;
	[dreg:$0x0] =	wrdreg $0x0  }
0xa8: {  	s4 =	sshll.u32 s28, $0x1;
	[dreg:$0x2] =	wrdreg s2  }
0xa9: {  	[dreg:$0x3] =	wrdreg s4  }
0xaa: {  	[dreg:$0x4] =	wrdreg $0xC0  }
0xab: {  	_ =	task [dreg:s6], $0x5FFFF  }
0xac: {  	[dreg:$0x1] =	wrdreg $0xFFFFFFFF  }
0xad: {  	[dreg:$0x0] =	wrdreg $0x60  }
0xae: {  	[dreg:$0x2] =	wrdreg s24  }
0xaf: {  	[dreg:$0x3] =	wrdreg $0x55000  }
0xb0: {  	[dreg:$0x4] =	wrdreg $0x9  }
0xb1: {  	_ =	task.clear_ibuf [dreg:s6], $0x5FFFF;
	_ =	strace $0x90000049  }
0xb2: {  	s29 =	simm.s32 $0x9;
	_ =	strace $0x8000004B  }
0xb3: {  	_ =	swait.ge [sflag:s29], $0x1  }
0xb4: {  	[sflag:s29] =	ssyncadd.s32 $0xFFFFFFFF  }
0xb5: {  	_ =	strace $0x9000004B  }
0xb6: {  	_ =	sfence  }
0xb7: {  	s30 =	sld [smem:$0x0];
	_ =	sdelay $0x2  }
0xb8: {  	s31 =	sshll.u32 s1, $0xD;
	s1 =	sshrl.u32 s1, $0x2  }
0xb9: {  	s3 =	sand.u32 $0x4000, s31;
	s1 =	sadd.s32 s1, s30  }
0xba: {  	s0 =	sor.u32 s3, s0;
	s1 =	sshll.u32 s1, $0x11  }
0xbb: {  	s0 =	sor.u32 s1, s0  }
0xbc: {  	s0 =	sadd.s32 $0x8F2B, s0  }
0xbd: {  	[sflag:s0] =	ssyncadd.remote.s32 $0x1  }
0xbe: {  	_ =	sfence.sel $0xFFFF  }
0xbf: {  	[dreg:$0x0] =	wrdreg $0xFFFFFFFF;
	(pc) =	sbr.abs _section_cstart, $3  }
0xc0: {  	[dreg:$0x1] =	wrdreg $0xFFFFFFFF  }
0xc1: {  	_ =	task.clear_ibuf [dreg:s6], $0x2FFFF;
	_ =	strace $0x9FFFFFFF  }
0xc2: {  	(tm) =	ssettm $0x7FFFFFFF  }
0xc3: {  	_ =	shalt  }
tec
execute0_lowered:
.L_overlay_start_1:
0x0: {  	(tag) =	ssettag $0x1  }
0x1: {  	s0 =	rddreg [dreg:$0x0]  }
0x2: {  	s1 =	rddreg [dreg:$0x1]  }
0x3: {  	s2 =	simm.s32 $0x0;
	s3 =	srdreg.scid;
	s10 =	stileid.u32  }
0x4: {  	[smem:$0x7FF] =	sst s2;
	s3 =	sand.u32 $0x1, s3;
	s8 =	smul.u32 $0x68100, s10  }
0x5: {  	s4 =	sadd.s32 $0x1AE00, s0;
	s5 =	sadd.s32 $0x86200, s0;
	s17 =	smul.u32 $0x68000, s10  }
0x6: {  	s6 =	sadd.s32 $0x2600, s0;
	s7 =	smul.u32 $0x34000, s3;
	_ =	strace $0x8000004A  }
0x7: {  	s9 =	ssub.s32 $0x2, s3;
	s18 =	smul.u32 $0x6800, s3;
	s8 =	sshrl.u32 s8, $0x2  }
0x8: {  	s26 =	sshrl.u32 s9, $0x1;
	s3 =	sshrl.u32 s17, $0x2;
	s8 =	sadd.s32 s8, s1  }
0x9: {  	s0 =	sadd.s32 s7, s0;
	s3 =	sadd.s32 s3, s1;
	[dreg:$0x3] =	wrdreg s8  }
0xa: {  	s7 =	ssub.s32 s9, s26;
	s9 =	sadd.s32 $0x1A000, s8;
	[dreg:$0x12] =	wrdreg s3  }
0xb: {  	s11 =	smax.u32 s7, $0x1;
	[dreg:$0x4] =	wrdreg s9  }
0xc: {  	s12 =	sadd.s32 $0x2000, s8;
	[dreg:$0x5] =	wrdreg s11  }
0xd: {  	s13 =	sadd.s32 $0x4000, s8;
	[dreg:$0x6] =	wrdreg s12  }
0xe: {  	s28 =	simm.s32 $0x80;
	s14 =	sadd.s32 $0x6000, s8;
	[dreg:$0x7] =	wrdreg s13  }
0xf: {  	s30 =	simm.s32 $0x1;
	s15 =	sadd.s32 $0x8000, s8;
	[dreg:$0x8] =	wrdreg s14  }
0x10: {  	s31 =	simm.s32 $0x3500;
	s16 =	sadd.s32 $0xA000, s8;
	[dreg:$0x9] =	wrdreg s15  }
0x11: {  	s29 =	simm.s32 $0x480;
	s19 =	sadd.s32 $0xC000, s8;
	[dreg:$0xa] =	wrdreg s16  }
0x12: {  	s21 =	smul.u32 $0x3400, s10;
	s20 =	sadd.s32 $0xE000, s8;
	[dreg:$0xb] =	wrdreg s19  }
0x13: {  	s17 =	simm.s32 $0x680;
	s22 =	sadd.s32 $0x10000, s8;
	[dreg:$0xc] =	wrdreg s20  }
0x14: {  	v0 =	vmov s18;
	s18 =	simm.s32 $0x1400;
	s23 =	sadd.s32 $0x12000, s8;
	[dreg:$0xd] =	wrdreg s22  }
0x15: {  	s24 =	sadd.s32 $0x14000, s8;
	s25 =	sadd.s32 $0x16000, s8;
	[dreg:$0xe] =	wrdreg s23  }
0x16: {  	s0 =	sadd.s32 s21, s0;
	s26 =	sadd.s32 $0x18000, s8;
	[dreg:$0xf] =	wrdreg s24  }
0x17: {  	s3 =	simm.s32 $0x2;
	s8 =	simm.s32 $0x3;
	[dreg:$0x10] =	wrdreg s25  }
0x18: {  	s9 =	smul.u32 $0x188, s10;
	[dreg:$0x11] =	wrdreg s26;
	s24 =	sadd.s32 $0x9EA00, s0  }
0x19: {  	s25 =	simm.s32 $0x1500;
	s26 =	simm.s32 $0x5;
	s12 =	simm.s32 $0x4  }
0x1a: {  	s0 =	simm.s32 $0x1200;
	s10 =	simm.s32 $0x500;
	s11 =	simm.s32 $0x1280  }
0x1b: {  	s13 =	simm.s32 $0x580;
	s14 =	simm.s32 $0x1300;
	s15 =	simm.s32 $0x600  }
0x1c: {  	v1 =	vimm.f32 $0.0e+00;
	s16 =	simm.s32 $0x1380;
	s19 =	simm.s32 $0x1480;
	s20 =	simm.s32 $0x0  }
.LBB2_1:
0x1d: {  	s7 =	sand.u32 $0x7F00, s2  }
0x1e: {  	[dreg:$0x13] =	wrdreg s20;
	s21 =	sand.u32 $0x30, s2;
	s7 =	sshrl.u32 s7, $0x2  }
0x1f: {  	s20 =	simm.s32 $0x40;
	s7 =	sor.u32 s21, s7;
	s21 =	simm.s32 $0x0  }
.LBB2_2:
0x20: {  	p0 =	sne.s32 s20, $0x7FC0  }
0x21: {  	[tilespmem:s7+$0x1500] =	vst v1;
	s21 =	sadd.s32 $0x10, s21;
	s7 =	smov.u32 s20;
	s20 =	sadd.s32 $0x40, s20  }
.Ltmp0:
0x22: {  	(pc) =	sbr.rel @p0 .LBB2_2-.Ltmp0, $4  }
0x23: {  	_ = 	snop  }
0x24: {  	s7 =	sand.u32 $0x7F00, s7  }
0x25: {  	s22 =	sand.u32 $0x30, s21;
	s7 =	sshrl.u32 s7, $0x2  }
0x26: {  	s7 =	sor.u32 s22, s7  }
0x27: {  	[tilespmem:s7+$0x1500] =	vst v1;
	s22 =	rddreg [dreg:$0x3]  }
0x28: {  	[spmem:s22] =	stream.linear.scatter [tilespmem:s25], [sflag:$0x5], $0x2000, $0x38;
	[tilespmem:$0x1F540] =	vst v63  }
0x29: {  	_ =	swait.ge [sflag:s26], $0x2000  }
0x2a: {  	[sflag:s26] =	ssyncset.done $0x0  }
0x2b: {  	s23 =	rddreg [dreg:$0x6];
	[sflag:s26] =	ssyncadd.s32 $0xFFFFE000  }
0x2c: {  	[spmem:s23] =	stream.linear.scatter [tilespmem:s25], [sflag:$0x5], $0x2000, $0x38;
	[tilespmem:$0x1F540] =	vst v63  }
0x2d: {  	_ =	swait.ge [sflag:s26], $0x2000  }
0x2e: {  	[sflag:s26] =	ssyncset.done $0x0  }
0x2f: {  	s20 =	rddreg [dreg:$0x7];
	[sflag:s26] =	ssyncadd.s32 $0xFFFFE000  }
0x30: {  	[spmem:s20] =	stream.linear.scatter [tilespmem:s25], [sflag:$0x5], $0x2000, $0x38;
	[tilespmem:$0x1F540] =	vst v63  }
0x31: {  	_ =	swait.ge [sflag:s26], $0x2000  }
0x32: {  	[sflag:s26] =	ssyncset.done $0x0  }
0x33: {  	s21 =	rddreg [dreg:$0x8];
	[sflag:s26] =	ssyncadd.s32 $0xFFFFE000  }
0x34: {  	[spmem:s21] =	stream.linear.scatter [tilespmem:s25], [sflag:$0x5], $0x2000, $0x38;
	[tilespmem:$0x1F540] =	vst v63  }
0x35: {  	_ =	swait.ge [sflag:s26], $0x2000  }
0x36: {  	[sflag:s26] =	ssyncset.done $0x0  }
0x37: {  	s22 =	rddreg [dreg:$0x9];
	[sflag:s26] =	ssyncadd.s32 $0xFFFFE000  }
0x38: {  	[spmem:s22] =	stream.linear.scatter [tilespmem:s25], [sflag:$0x5], $0x2000, $0x38;
	[tilespmem:$0x1F540] =	vst v63  }
0x39: {  	_ =	swait.ge [sflag:s26], $0x2000  }
0x3a: {  	[sflag:s26] =	ssyncset.done $0x0  }
0x3b: {  	s23 =	rddreg [dreg:$0xa];
	[sflag:s26] =	ssyncadd.s32 $0xFFFFE000  }
0x3c: {  	[spmem:s23] =	stream.linear.scatter [tilespmem:s25], [sflag:$0x5], $0x2000, $0x38;
	[tilespmem:$0x1F540] =	vst v63  }
0x3d: {  	_ =	swait.ge [sflag:s26], $0x2000  }
0x3e: {  	[sflag:s26] =	ssyncset.done $0x0  }
0x3f: {  	s20 =	rddreg [dreg:$0xb];
	[sflag:s26] =	ssyncadd.s32 $0xFFFFE000  }
0x40: {  	[spmem:s20] =	stream.linear.scatter [tilespmem:s25], [sflag:$0x5], $0x2000, $0x38;
	[tilespmem:$0x1F540] =	vst v63  }
0x41: {  	_ =	swait.ge [sflag:s26], $0x2000  }
0x42: {  	[sflag:s26] =	ssyncset.done $0x0  }
0x43: {  	s21 =	rddreg [dreg:$0xc];
	[sflag:s26] =	ssyncadd.s32 $0xFFFFE000  }
0x44: {  	[spmem:s21] =	stream.linear.scatter [tilespmem:s25], [sflag:$0x5], $0x2000, $0x38;
	[tilespmem:$0x1F540] =	vst v63  }
0x45: {  	_ =	swait.ge [sflag:s26], $0x2000  }
0x46: {  	[sflag:s26] =	ssyncset.done $0x0  }
0x47: {  	s22 =	rddreg [dreg:$0xd];
	[sflag:s26] =	ssyncadd.s32 $0xFFFFE000  }
0x48: {  	[spmem:s22] =	stream.linear.scatter [tilespmem:s25], [sflag:$0x5], $0x2000, $0x38;
	[tilespmem:$0x1F540] =	vst v63  }
0x49: {  	_ =	swait.ge [sflag:s26], $0x2000  }
0x4a: {  	[sflag:s26] =	ssyncset.done $0x0  }
0x4b: {  	s23 =	rddreg [dreg:$0xe];
	[sflag:s26] =	ssyncadd.s32 $0xFFFFE000  }
0x4c: {  	[spmem:s23] =	stream.linear.scatter [tilespmem:s25], [sflag:$0x5], $0x2000, $0x38;
	[tilespmem:$0x1F540] =	vst v63  }
0x4d: {  	_ =	swait.ge [sflag:s26], $0x2000  }
0x4e: {  	[sflag:s26] =	ssyncset.done $0x0  }
0x4f: {  	s20 =	rddreg [dreg:$0xf];
	[sflag:s26] =	ssyncadd.s32 $0xFFFFE000  }
0x50: {  	[spmem:s20] =	stream.linear.scatter [tilespmem:s25], [sflag:$0x5], $0x2000, $0x38;
	[tilespmem:$0x1F540] =	vst v63  }
0x51: {  	_ =	swait.ge [sflag:s26], $0x2000  }
0x52: {  	[sflag:s26] =	ssyncset.done $0x0  }
0x53: {  	s21 =	rddreg [dreg:$0x10];
	[sflag:s26] =	ssyncadd.s32 $0xFFFFE000  }
0x54: {  	[spmem:s21] =	stream.linear.scatter [tilespmem:s25], [sflag:$0x5], $0x2000, $0x38;
	[tilespmem:$0x1F540] =	vst v63  }
0x55: {  	_ =	swait.ge [sflag:s26], $0x2000  }
0x56: {  	[sflag:s26] =	ssyncset.done $0x0  }
0x57: {  	s22 =	rddreg [dreg:$0x11];
	[sflag:s26] =	ssyncadd.s32 $0xFFFFE000  }
0x58: {  	[spmem:s22] =	stream.linear.scatter [tilespmem:s25], [sflag:$0x5], $0x2000, $0x38;
	[tilespmem:$0x1F540] =	vst v63  }
0x59: {  	_ =	swait.ge [sflag:s26], $0x2000  }
0x5a: {  	[sflag:s26] =	ssyncset.done $0x0  }
0x5b: {  	s23 =	rddreg [dreg:$0x4];
	[sflag:s26] =	ssyncadd.s32 $0xFFFFE000  }
0x5c: {  	[spmem:s23] =	stream.linear.scatter [tilespmem:s25], [sflag:$0x5], $0x40, $0x38;
	[tilespmem:$0x1F540] =	vst v63  }
0x5d: {  	_ =	swait.ge [sflag:s26], $0x40  }
0x5e: {  	[sflag:s26] =	ssyncset.done $0x0  }
0x5f: {  	[sflag:s26] =	ssyncadd.s32 $0xFFFFFFC0  }
0x60: {  	s20 =	simm.s32 $0x0;
	s21 =	simm.s32 $0x0;
	[bflag:$0x0] =	sbarrier.arrive $0xFFFF  }
.LBB2_4:
0x61: {  	s7 =	smul.u32 $0xE, s21;
	_ =	sdelay $0x1  }
0x62: {  	s7 =	sadd.s32 s9, s7  }
0x63: {  	s7 =	sshll.u32 s7, $0x4  }
0x64: {  	s22 =	sadd.s32 s5, s7  }
0x65: {  	[tilespmem:s20], [sflag:$0x5] =	stream.linear.gather [hbm4b:s22+s20], $0x700, $0x38;
	[tilespmem:$0x1F540] =	vst v63  }
0x66: {  	_ =	swait.ge [sflag:s26], $0x700  }
0x67: {  	[sflag:s26] =	ssyncset.done $0x0  }
0x68: {  	[sflag:s26] =	ssyncadd.s32 $0xFFFFF900  }
0x69: {  	[tilespmem:s25], [sflag:$0x1] =	stream.indirect.gather [hbm4b:s4+s28], $0x40, s20, s28, $0xb8;
	[tilespmem:$0x1F540] =	vst v63  }
0x6a: {  	s23 =	simm.s32 $0x700;
	s7 =	sadd.s32 s6, s7  }
0x6b: {  	[tilespmem:s23], [sflag:$0x5] =	stream.linear.gather [hbm4b:s7+s20], $0x700, $0x38;
	[tilespmem:$0x1F540] =	vst v63  }
0x6c: {  	_ =	swait.ge [sflag:s26], $0x700  }
0x6d: {  	[sflag:s26] =	ssyncset.done $0x0  }
0x6e: {  	s22 =	simm.s32 $0x0;
	[sflag:s26] =	ssyncadd.s32 $0xFFFFF900  }
0x6f: {  	v2 =	vld [tilespmem:s22+$0x700]  }
0x70: {  	s7 =	simm.s32 $0x40  }
.LBB2_5:
0x71: {  	p0 =	sne.s32 s7, $0x1BC0  }
.Ltmp1:
0x72: {  	_ = 	snop;
	(pc) =	sbr.rel @p0 .LBB2_5-.Ltmp1, $4  }
0x73: {  	_ = 	snop  }
0x74: {  	s23 =	sshra.s32 s7, $0x2;
	s7 =	sadd.s32 $0x40, s7;
	v3 =	vsub.s32 v2, v0  }
0x75: {  	v2 =	vld [tilespmem:s23+$0x700];
	v3 =	vmin.u32 v3, $0x6800  }
0x76: {  	[tilespmem:s22+$0xE00] =	vst v3;
	s22 =	smov.u32 s23  }
0x77: {  	_ =	sdelay $0x2  }
0x78: {  	v2 =	vsub.s32 v2, v0  }
0x79: {  	v2 =	vmin.u32 v2, $0x6800  }
0x7a: {  	[tilespmem:s22+$0xE00] =	vst v2  }
0x7b: {  	_ =	swait.ge [sflag:s30], $0x2000  }
0x7c: {  	[sflag:s30] =	ssyncset.done $0x0  }
0x7d: {  	[sflag:s30] =	ssyncadd.s32 $0xFFFFE000  }
0x7e: {  	[tilespmem:s31], [sflag:$0x2] =	stream.indirect.gather [hbm4b:s4+s28], $0x40, s28, s28, $0xb8;
	[tilespmem:$0x1F540] =	vst v63  }
0x7f: {  	s7 =	simm.s32 $0xE00  }
0x80: {  	[spmem:s1] =	stream.indirect.scatter.add.f32 [tilespmem:s25], [sflag:$0x3], $0x40, s7, s28, $0xb8;
	[tilespmem:$0x1F540] =	vst v63  }
0x81: {  	_ =	swait.ge [sflag:s3], $0x2000  }
0x82: {  	[sflag:s3] =	ssyncset.done $0x0  }
0x83: {  	[sflag:s3] =	ssyncadd.s32 $0xFFFFE000  }
0x84: {  	_ =	swait.ge [sflag:s8], $0x2000  }
0x85: {  	[sflag:s8] =	ssyncset.done $0x0  }
0x86: {  	s22 =	simm.s32 $0x100;
	[sflag:s8] =	ssyncadd.s32 $0xFFFFE000  }
0x87: {  	[tilespmem:s25], [sflag:$0x1] =	stream.indirect.gather [hbm4b:s4+s28], $0x40, s22, s28, $0xb8;
	[tilespmem:$0x1F540] =	vst v63  }
0x88: {  	s23 =	simm.s32 $0xE80  }
0x89: {  	[spmem:s1] =	stream.indirect.scatter.add.f32 [tilespmem:s31], [sflag:$0x4], $0x40, s23, s28, $0xb8;
	[tilespmem:$0x1F540] =	vst v63  }
0x8a: {  	_ =	swait.ge [sflag:s30], $0x2000  }
0x8b: {  	[sflag:s30] =	ssyncset.done $0x0  }
0x8c: {  	[sflag:s30] =	ssyncadd.s32 $0xFFFFE000  }
0x8d: {  	_ =	swait.ge [sflag:s12], $0x2000  }
0x8e: {  	[sflag:s12] =	ssyncset.done $0x0  }
0x8f: {  	s22 =	simm.s32 $0x180;
	[sflag:s12] =	ssyncadd.s32 $0xFFFFE000  }
0x90: {  	[tilespmem:s31], [sflag:$0x2] =	stream.indirect.gather [hbm4b:s4+s28], $0x40, s22, s28, $0xb8;
	[tilespmem:$0x1F540] =	vst v63  }
0x91: {  	s23 =	simm.s32 $0xF00  }
0x92: {  	[spmem:s1] =	stream.indirect.scatter.add.f32 [tilespmem:s25], [sflag:$0x3], $0x40, s23, s28, $0xb8;
	[tilespmem:$0x1F540] =	vst v63  }
0x93: {  	_ =	swait.ge [sflag:s3], $0x2000  }
0x94: {  	[sflag:s3] =	ssyncset.done $0x0  }
0x95: {  	[sflag:s3] =	ssyncadd.s32 $0xFFFFE000  }
0x96: {  	_ =	swait.ge [sflag:s8], $0x2000  }
0x97: {  	[sflag:s8] =	ssyncset.done $0x0  }
0x98: {  	s22 =	simm.s32 $0x200;
	[sflag:s8] =	ssyncadd.s32 $0xFFFFE000  }
0x99: {  	[tilespmem:s25], [sflag:$0x1] =	stream.indirect.gather [hbm4b:s4+s28], $0x40, s22, s28, $0xb8;
	[tilespmem:$0x1F540] =	vst v63  }
0x9a: {  	s23 =	simm.s32 $0xF80  }
0x9b: {  	[spmem:s1] =	stream.indirect.scatter.add.f32 [tilespmem:s31], [sflag:$0x4], $0x40, s23, s28, $0xb8;
	[tilespmem:$0x1F540] =	vst v63  }
0x9c: {  	_ =	swait.ge [sflag:s30], $0x2000  }
0x9d: {  	[sflag:s30] =	ssyncset.done $0x0  }
0x9e: {  	[sflag:s30] =	ssyncadd.s32 $0xFFFFE000  }
0x9f: {  	_ =	swait.ge [sflag:s12], $0x2000  }
0xa0: {  	[sflag:s12] =	ssyncset.done $0x0  }
0xa1: {  	s22 =	simm.s32 $0x280;
	[sflag:s12] =	ssyncadd.s32 $0xFFFFE000  }
0xa2: {  	[tilespmem:s31], [sflag:$0x2] =	stream.indirect.gather [hbm4b:s4+s28], $0x40, s22, s28, $0xb8;
	[tilespmem:$0x1F540] =	vst v63  }
0xa3: {  	s23 =	simm.s32 $0x1000  }
0xa4: {  	[spmem:s1] =	stream.indirect.scatter.add.f32 [tilespmem:s25], [sflag:$0x3], $0x40, s23, s28, $0xb8;
	[tilespmem:$0x1F540] =	vst v63  }
0xa5: {  	_ =	swait.ge [sflag:s3], $0x2000  }
0xa6: {  	[sflag:s3] =	ssyncset.done $0x0  }
0xa7: {  	[sflag:s3] =	ssyncadd.s32 $0xFFFFE000  }
0xa8: {  	_ =	swait.ge [sflag:s8], $0x2000  }
0xa9: {  	[sflag:s8] =	ssyncset.done $0x0  }
0xaa: {  	s22 =	simm.s32 $0x300;
	[sflag:s8] =	ssyncadd.s32 $0xFFFFE000  }
0xab: {  	[tilespmem:s25], [sflag:$0x1] =	stream.indirect.gather [hbm4b:s4+s28], $0x40, s22, s28, $0xb8;
	[tilespmem:$0x1F540] =	vst v63  }
0xac: {  	s23 =	simm.s32 $0x1080  }
0xad: {  	[spmem:s1] =	stream.indirect.scatter.add.f32 [tilespmem:s31], [sflag:$0x4], $0x40, s23, s28, $0xb8;
	[tilespmem:$0x1F540] =	vst v63  }
0xae: {  	_ =	swait.ge [sflag:s30], $0x2000  }
0xaf: {  	[sflag:s30] =	ssyncset.done $0x0  }
0xb0: {  	[sflag:s30] =	ssyncadd.s32 $0xFFFFE000  }
0xb1: {  	_ =	swait.ge [sflag:s12], $0x2000  }
0xb2: {  	[sflag:s12] =	ssyncset.done $0x0  }
0xb3: {  	s22 =	simm.s32 $0x380;
	[sflag:s12] =	ssyncadd.s32 $0xFFFFE000  }
0xb4: {  	[tilespmem:s31], [sflag:$0x2] =	stream.indirect.gather [hbm4b:s4+s28], $0x40, s22, s28, $0xb8;
	[tilespmem:$0x1F540] =	vst v63  }
0xb5: {  	s23 =	simm.s32 $0x1100  }
0xb6: {  	[spmem:s1] =	stream.indirect.scatter.add.f32 [tilespmem:s25], [sflag:$0x3], $0x40, s23, s28, $0xb8;
	[tilespmem:$0x1F540] =	vst v63  }
0xb7: {  	_ =	swait.ge [sflag:s3], $0x2000  }
0xb8: {  	[sflag:s3] =	ssyncset.done $0x0  }
0xb9: {  	[sflag:s3] =	ssyncadd.s32 $0xFFFFE000  }
0xba: {  	_ =	swait.ge [sflag:s8], $0x2000  }
0xbb: {  	[sflag:s8] =	ssyncset.done $0x0  }
0xbc: {  	s22 =	simm.s32 $0x400;
	[sflag:s8] =	ssyncadd.s32 $0xFFFFE000  }
0xbd: {  	[tilespmem:s25], [sflag:$0x1] =	stream.indirect.gather [hbm4b:s4+s28], $0x40, s22, s28, $0xb8;
	[tilespmem:$0x1F540] =	vst v63  }
0xbe: {  	s23 =	simm.s32 $0x1180  }
0xbf: {  	[spmem:s1] =	stream.indirect.scatter.add.f32 [tilespmem:s31], [sflag:$0x4], $0x40, s23, s28, $0xb8;
	[tilespmem:$0x1F540] =	vst v63  }
0xc0: {  	_ =	swait.ge [sflag:s30], $0x2000  }
0xc1: {  	[sflag:s30] =	ssyncset.done $0x0  }
0xc2: {  	[sflag:s30] =	ssyncadd.s32 $0xFFFFE000  }
0xc3: {  	_ =	swait.ge [sflag:s12], $0x2000  }
0xc4: {  	[sflag:s12] =	ssyncset.done $0x0  }
0xc5: {  	[sflag:s12] =	ssyncadd.s32 $0xFFFFE000  }
0xc6: {  	[tilespmem:s31], [sflag:$0x2] =	stream.indirect.gather [hbm4b:s4+s28], $0x40, s29, s28, $0xb8;
	[tilespmem:$0x1F540] =	vst v63  }
0xc7: {  	_ = 	snop  }
0xc8: {  	[spmem:s1] =	stream.indirect.scatter.add.f32 [tilespmem:s25], [sflag:$0x3], $0x40, s0, s28, $0xb8;
	[tilespmem:$0x1F540] =	vst v63  }
0xc9: {  	_ =	swait.ge [sflag:s3], $0x2000  }
0xca: {  	[sflag:s3] =	ssyncset.done $0x0  }
0xcb: {  	[sflag:s3] =	ssyncadd.s32 $0xFFFFE000  }
0xcc: {  	_ =	swait.ge [sflag:s8], $0x2000  }
0xcd: {  	[sflag:s8] =	ssyncset.done $0x0  }
0xce: {  	[sflag:s8] =	ssyncadd.s32 $0xFFFFE000  }
0xcf: {  	[tilespmem:s25], [sflag:$0x1] =	stream.indirect.gather [hbm4b:s4+s28], $0x40, s10, s28, $0xb8;
	[tilespmem:$0x1F540] =	vst v63  }
0xd0: {  	_ = 	snop  }
0xd1: {  	[spmem:s1] =	stream.indirect.scatter.add.f32 [tilespmem:s31], [sflag:$0x4], $0x40, s11, s28, $0xb8;
	[tilespmem:$0x1F540] =	vst v63  }
0xd2: {  	_ =	swait.ge [sflag:s30], $0x2000  }
0xd3: {  	[sflag:s30] =	ssyncset.done $0x0  }
0xd4: {  	[sflag:s30] =	ssyncadd.s32 $0xFFFFE000  }
0xd5: {  	_ =	swait.ge [sflag:s12], $0x2000  }
0xd6: {  	[sflag:s12] =	ssyncset.done $0x0  }
0xd7: {  	[sflag:s12] =	ssyncadd.s32 $0xFFFFE000  }
0xd8: {  	[tilespmem:s31], [sflag:$0x2] =	stream.indirect.gather [hbm4b:s4+s28], $0x40, s13, s28, $0xb8;
	[tilespmem:$0x1F540] =	vst v63  }
0xd9: {  	_ = 	snop  }
0xda: {  	[spmem:s1] =	stream.indirect.scatter.add.f32 [tilespmem:s25], [sflag:$0x3], $0x40, s14, s28, $0xb8;
	[tilespmem:$0x1F540] =	vst v63  }
0xdb: {  	_ =	swait.ge [sflag:s3], $0x2000  }
0xdc: {  	[sflag:s3] =	ssyncset.done $0x0  }
0xdd: {  	[sflag:s3] =	ssyncadd.s32 $0xFFFFE000  }
0xde: {  	_ =	swait.ge [sflag:s8], $0x2000  }
0xdf: {  	[sflag:s8] =	ssyncset.done $0x0  }
0xe0: {  	[sflag:s8] =	ssyncadd.s32 $0xFFFFE000  }
0xe1: {  	[tilespmem:s25], [sflag:$0x1] =	stream.indirect.gather [hbm4b:s4+s28], $0x40, s15, s28, $0xb8;
	[tilespmem:$0x1F540] =	vst v63  }
0xe2: {  	_ = 	snop  }
0xe3: {  	[spmem:s1] =	stream.indirect.scatter.add.f32 [tilespmem:s31], [sflag:$0x4], $0x40, s16, s28, $0xb8;
	[tilespmem:$0x1F540] =	vst v63  }
0xe4: {  	_ =	swait.ge [sflag:s30], $0x2000  }
0xe5: {  	[sflag:s30] =	ssyncset.done $0x0  }
0xe6: {  	[sflag:s30] =	ssyncadd.s32 $0xFFFFE000  }
0xe7: {  	_ =	swait.ge [sflag:s12], $0x2000  }
0xe8: {  	[sflag:s12] =	ssyncset.done $0x0  }
0xe9: {  	[sflag:s12] =	ssyncadd.s32 $0xFFFFE000  }
0xea: {  	[tilespmem:s31], [sflag:$0x2] =	stream.indirect.gather [hbm4b:s4+s28], $0x40, s17, s28, $0xb8;
	[tilespmem:$0x1F540] =	vst v63  }
0xeb: {  	_ = 	snop  }
0xec: {  	[spmem:s1] =	stream.indirect.scatter.add.f32 [tilespmem:s25], [sflag:$0x3], $0x40, s18, s28, $0xb8;
	[tilespmem:$0x1F540] =	vst v63  }
0xed: {  	_ =	swait.ge [sflag:s3], $0x2000  }
0xee: {  	[sflag:s3] =	ssyncset.done $0x0  }
0xef: {  	[sflag:s3] =	ssyncadd.s32 $0xFFFFE000  }
0xf0: {  	s21 =	sadd.s32 $0x1, s21;
	_ =	swait.ge [sflag:s8], $0x2000  }
0xf1: {  	p0 =	sne.s32 s21, $0x1C;
	[sflag:s8] =	ssyncset.done $0x0  }
.Ltmp2:
0xf2: {  	[sflag:s8] =	ssyncadd.s32 $0xFFFFE000;
	(pc) =	sbr.rel @p0 .LBB2_4-.Ltmp2, $4  }
0xf3: {  	[spmem:s1] =	stream.indirect.scatter.add.f32 [tilespmem:s31], [sflag:$0x4], $0x40, s19, s28, $0xb8;
	[tilespmem:$0x1F540] =	vst v63  }
0xf4: {  	_ =	swait.ge [sflag:s12], $0x2000  }
0xf5: {  	[sflag:s12] =	ssyncset.done $0x0  }
0xf6: {  	[sflag:s12] =	ssyncadd.s32 $0xFFFFE000  }
0xf7: {  	[bflag:$0x0] =	sbarrier.arrive $0xFFFF  }
0xf8: {  	s21 =	rddreg [dreg:$0x12]  }
0xf9: {  	[tilespmem:s25], [sflag:$0x5] =	stream.linear.gather [spmem:s21], $0x2000, $0x38;
	[tilespmem:$0x1F540] =	vst v63  }
0xfa: {  	_ =	swait.ge [sflag:s26], $0x2000  }
0xfb: {  	[sflag:s26] =	ssyncset.done $0x0  }
0xfc: {  	s7 =	sadd.s32 $0x0, s24;
	[sflag:s26] =	ssyncadd.s32 $0xFFFFE000  }
0xfd: {  	[hbm4b:s7+s2] =	stream.linear.scatter [tilespmem:s25], [sflag:$0x5], $0x2000, $0x38;
	[tilespmem:$0x1F540] =	vst v63  }
0xfe: {  	_ =	swait.ge [sflag:s26], $0x2000  }
0xff: {  	s20 =	simm.s32 $0x400;
	[sflag:s26] =	ssyncset.done $0x0  }
.LBB2_8:
0x100: {  	p0 =	sne.s32 s20, $0x3000;
	[sflag:s26] =	ssyncadd.s32 $0xFFFFE000;
	s21 =	sadd.s32 $0x2000, s21  }
0x101: {  	[tilespmem:s25], [sflag:$0x5] =	stream.linear.gather [spmem:s21], $0x2000, $0x38;
	[tilespmem:$0x1F540] =	vst v63  }
0x102: {  	s7 =	smov.u32 s20;
	s20 =	sadd.s32 $0x400, s20;
	_ =	swait.ge [sflag:s26], $0x2000  }
.Ltmp3:
0x103: {  	[sflag:s26] =	ssyncset.done $0x0;
	(pc) =	sbr.rel @p0 .LBB2_8-.Ltmp3, $4  }
0x104: {  	s7 =	sadd.s32 s7, s24;
	[sflag:s26] =	ssyncadd.s32 $0xFFFFE000  }
0x105: {  	[hbm4b:s7+s2] =	stream.linear.scatter [tilespmem:s25], [sflag:$0x5], $0x2000, $0x38;
	[tilespmem:$0x1F540] =	vst v63  }
0x106: {  	_ =	swait.ge [sflag:s26], $0x2000  }
0x107: {  	[sflag:s26] =	ssyncset.done $0x0  }
0x108: {  	s20 =	rddreg [dreg:$0x13]  }
0x109: {  	s7 =	rddreg [dreg:$0x5];
	s20 =	sadd.s32 $0x1, s20  }
0x10a: {  	p0 =	sne.s32 s20, s7  }
.Ltmp4:
0x10b: {  	_ = 	snop;
	(pc) =	sbr.rel @p0 .LBB2_1-.Ltmp4, $2  }
0x10c: {  	_ =	sdelay $0x2  }
0x10d: {  	[sflag:s26] =	ssyncadd.s32 $0xFFFFE000  }
0x10e: {  	_ =	sfence.sel $0x180000  }
0x10f: {  	[bflag:$0x0] =	sbarrier.arrive $0xFFFF  }
0x110: {  	_ =	strace $0x9000004A  }
0x111: {  	s0 =	stileid.u32;
	[bflag:$0x2] =	sbarrier.arrive $0xFFFF  }
0x112: {  	p0 =	sne.s32 s0, $0x0;
	s0 =	rddreg [dreg:$0x2]  }
0x113: {  	s0 =	sadd.s32 @!p0 $0x100000, s0  }
0x114: {  	[sflag:s0] =	ssyncadd.tile.s32 @!p0 $0x1;
	_ =	shalt  }
.Lfunc_end2:
_tile_overlayer_lowered:
.L_overlay_start_2:
0x115: {  	(tag) =	ssettag $0x2  }
0x116: {  	s0 =	rddreg [dreg:$0x0];
	s2 =	stileid.u32  }
0x117: {  	s1 =	rddreg [dreg:$0x1];
	p0 =	sne.s32 s2, $0x0  }
0x118: {  	s3 =	rddreg [dreg:$0x2];
	[bflag:$0x3] =	sbarrier.arrive $0xFFFF;
	s2 =	simm.s32 @!p0 $0x1C05  }
0x119: {  	[timem:s3], [sflag:s2] =	dma.local @!p0 [hbm:s0], s1  }
0x11a: {  	s0 =	simm.s32 @!p0 $0x5  }
0x11b: {  	_ =	swait.ge @!p0 [sflag:s0], s1  }
0x11c: {  	s1 =	ssub.s32 @!p0 $0x0, s1;
	[sflag:s0] =	ssyncset.done @!p0 $0x0  }
0x11d: {  	[sflag:s0] =	ssyncadd.s32 @!p0 s1  }
0x11e: {  	[bflag:$0x3] =	sbarrier.arrive $0xFFFF  }
0x11f: {  	_ =	shalt  }

</sc_bundles>
